<compile_context>
chip_gen: v7x
topology: tpu7x:2x2x1
jax: 0.10.2.dev20260603
libtpu: 0.0.44.dev20260713+nightly
codegen_flags: <defaults>
</compile_context>

<pallas_src>
import functools

import jax
import jax.numpy as jnp
from jax import lax
from jax.experimental import pallas as pl
from jax.experimental.pallas import tpu as pltpu
from jax.experimental.pallas import tpu_sc as plsc

N = 10000
E = 320000
D = 128
H = 128
G = 128

NC = 2
NS = 16
NW = NC * NS
CH = 128
CPW = 80
EPW = CH * CPW
EPAD = EPW * NW
NP = N + 8
CORE0_Q = 144
RPT = 632
RPT_LAST = N - 15 * RPT


def _slab_copy(zero_hbm, acc, s, zero_src):
    @pl.when(s < NS - 1)
    def _():
        pltpu.sync_copy(zero_hbm, acc.at[pl.ds(s * RPT, RPT)])

    @pl.when(s == NS - 1)
    def _():
        pltpu.sync_copy(zero_hbm.at[pl.ds(0, RPT_LAST)],
                        acc.at[pl.ds((NS - 1) * RPT, RPT_LAST)])


def _slab_out(acc, out_hbm, c, s):
    @pl.when(s < NS - 1)
    def _():
        pltpu.sync_copy(acc.at[pl.ds(s * RPT, RPT)],
                        out_hbm.at[c, pl.ds(s * RPT, RPT)])

    @pl.when(s == NS - 1)
    def _():
        pltpu.sync_copy(acc.at[pl.ds((NS - 1) * RPT, RPT_LAST)],
                        out_hbm.at[c, pl.ds((NS - 1) * RPT, RPT_LAST)])

@functools.cache
def _sc_kernels():
    mesh = plsc.VectorSubcoreMesh(
        core_axis_name="c", subcore_axis_name="s", num_cores=NC, num_subcores=NS
    )

    CPP = 48
    Q0 = CORE0_Q
    Q1 = 2 * CPW - Q0

    @functools.partial(
        pl.kernel,
        out_type=jax.ShapeDtypeStruct((NC, N, H), jnp.float32),
        mesh=mesh,
        scratch_types=[
            pltpu.VMEM((CPP, CH), jnp.int32),
            pltpu.VMEM((CPP, CH), jnp.int32),
            pltpu.VMEM((CH, H), jnp.float32),
            pltpu.VMEM((CH, H), jnp.float32),
            pltpu.VMEM_SHARED((NP, H), jnp.float32),
        ]
        + [pltpu.SemaphoreType.DMA] * 4,
    )
    def _sc_agg(h_hbm, src_hbm, dst_hbm, zero_hbm, out_hbm,
                sidx, didx, r0, r1, acc, g0, g1, s0, s1):
        c = lax.axis_index("c")
        s = lax.axis_index("s")
        rows = [r0, r1]
        gsem = [g0, g1]
        ssem = [s0, s1]

        _slab_copy(zero_hbm, acc, s, zero_src=True)
        plsc.subcore_barrier()

        def run_phase(base, L):
            pltpu.sync_copy(src_hbm.at[pl.ds(base, L)], sidx.at[pl.ds(0, L)])
            pltpu.sync_copy(dst_hbm.at[pl.ds(base, L)], didx.at[pl.ds(0, L)])
            pltpu.async_copy(h_hbm.at[sidx.at[0]], rows[0], gsem[0])

            @pl.loop(0, L // 2)
            def _chunks(tj):
                for b in range(2):
                    t = tj * 2 + b
                    pltpu.make_async_copy(h_hbm.at[sidx.at[0]], rows[b],
                                          gsem[b]).wait()
                    pltpu.async_copy(rows[b], acc.at[didx.at[t]], ssem[b],
                                     add=True)

                    @pl.when(t + 1 < L)
                    def _():
                        @pl.when(t >= 1)
                        def _():
                            pltpu.make_async_copy(rows[1 - b],
                                                  acc.at[didx.at[0]],
                                                  ssem[1 - b]).wait()

                        pltpu.async_copy(h_hbm.at[sidx.at[t + 1]],
                                         rows[1 - b], gsem[1 - b])

            bl = (L - 1) % 2
            pltpu.make_async_copy(rows[bl], acc.at[didx.at[0]], ssem[bl]).wait()

        def run_chunks(base0, q):
            done = 0
            while done < q:
                L = min(CPP, q - done)
                run_phase(base0 + done, L)
                done += L

        @pl.when(c == 0)
        def _():
            run_chunks(s * Q0, Q0)

        @pl.when(c == 1)
        def _():
            run_chunks(NS * Q0 + s * Q1, Q1)

        plsc.subcore_barrier()
        _slab_out(acc, out_hbm, c, s)

    return _sc_agg



BR = 2000

NHI = 80
BE = 8000


def _tc_deg_body(dst_ref, o_ref, acc):
    i = pl.program_id(0)

    @pl.when(i == 0)
    def _():
        acc[...] = jnp.zeros_like(acc)

    d = dst_ref[...]
    hi = d // 128
    lo = d - hi * 128
    oh_hi = (hi == lax.broadcasted_iota(jnp.int32, (BE, NHI), 1)).astype(jnp.float32)
    oh_lo = (lo == lax.broadcasted_iota(jnp.int32, (BE, 128), 1)).astype(jnp.float32)
    dn = (((0,), (0,)), ((), ()))
    acc[...] += lax.dot_general(oh_hi, oh_lo, dn, preferred_element_type=jnp.float32)

    @pl.when(i == pl.num_programs(0) - 1)
    def _():
        o_ref[...] = acc[...]


def _tc_deg(dst2d):
    return pl.pallas_call(
        _tc_deg_body,
        grid=(E // BE,),
        in_specs=[pl.BlockSpec((BE, 1), lambda i: (i, 0))],
        out_specs=pl.BlockSpec((NHI, 128), lambda i: (0, 0)),
        out_shape=jax.ShapeDtypeStruct((NHI, 128), jnp.float32),
        scratch_shapes=[pltpu.VMEM((NHI, 128), jnp.float32)],
    )(dst2d)


def _tc_in_body(x_ref, w1, b1, s1, t1, w2, b2, o_ref):
    z = jnp.dot(x_ref[...], w1[...], preferred_element_type=jnp.float32) + b1[...]
    z = jnp.maximum(z * s1[...] + t1[...], 0.0)
    o_ref[...] = jnp.dot(z, w2[...], preferred_element_type=jnp.float32) + b2[...]


def _tc_in(x, w1, b1, s1, t1, w2, b2):
    full = lambda r, c: pl.BlockSpec((r, c), lambda i: (0, 0))
    return pl.pallas_call(
        _tc_in_body,
        grid=(N // BR,),
        in_specs=[
            pl.BlockSpec((BR, D), lambda i: (i, 0)),
            full(D, H), full(1, H), full(1, H), full(1, H), full(H, H), full(1, H),
        ],
        out_specs=pl.BlockSpec((BR, H), lambda i: (i, 0)),
        out_shape=jax.ShapeDtypeStruct((N, H), jnp.float32),
    )(x, w1, b1, s1, t1, w2, b2)


def _tc_gin_body(h_ref, p0, p1, d_ref, w1, b1, w2, b2, sb, tb, o_ref):
    inv = 1.0 / jnp.maximum(d_ref[...], 1.0)
    z = h_ref[...] + (p0[...] + p1[...]) * inv
    z = jnp.maximum(
        jnp.dot(z, w1[...], preferred_element_type=jnp.float32) + b1[...], 0.0)
    z = jnp.dot(z, w2[...], preferred_element_type=jnp.float32) + b2[...]
    o_ref[...] = jnp.maximum(z * sb[...] + tb[...], 0.0)


def _tc_gin(h, p0, p1, deg, w1, b1, w2, b2, sb, tb):
    full = lambda r, c: pl.BlockSpec((r, c), lambda i: (0, 0))
    row = lambda c: pl.BlockSpec((BR, c), lambda i: (i, 0))
    return pl.pallas_call(
        _tc_gin_body,
        grid=(N // BR,),
        in_specs=[
            row(H), row(H), row(H), row(1),
            full(H, H), full(1, H), full(H, H), full(1, H), full(1, H), full(1, H),
        ],
        out_specs=row(H),
        out_shape=jax.ShapeDtypeStruct((N, H), jnp.float32),
    )(h, p0, p1, deg, w1, b1, w2, b2, sb, tb)


def _tc_pool_body(h0, h1, h2, p0, p1, d_ref, w1, b1, w2, b2, sb, tb, b_ref,
                  pw0, pb0, pw1, pb1, pw2, pb2, pw3, pb3,
                  np_ref, gp_ref, a0, a1, a2, a3, cnt):
    i = pl.program_id(0)

    inv = 1.0 / jnp.maximum(d_ref[...], 1.0)
    z = h2[...] + (p0[...] + p1[...]) * inv
    z = jnp.maximum(
        jnp.dot(z, w1[...], preferred_element_type=jnp.float32) + b1[...], 0.0)
    z = jnp.dot(z, w2[...], preferred_element_type=jnp.float32) + b2[...]
    h3 = jnp.maximum(z * sb[...] + tb[...], 0.0)

    @pl.when(i == 0)
    def _():
        a0[...] = jnp.zeros_like(a0)
        a1[...] = jnp.zeros_like(a1)
        a2[...] = jnp.zeros_like(a2)
        a3[...] = jnp.zeros_like(a3)
        cnt[...] = jnp.zeros_like(cnt)

    oh = (b_ref[...] == lax.broadcasted_iota(jnp.int32, (BR, G), 1)
          ).astype(jnp.float32)
    dn = (((0,), (0,)), ((), ()))
    a0[...] += lax.dot_general(oh, h0[...], dn, preferred_element_type=jnp.float32)
    a1[...] += lax.dot_general(oh, h1[...], dn, preferred_element_type=jnp.float32)
    a2[...] += lax.dot_general(oh, h2[...], dn, preferred_element_type=jnp.float32)
    a3[...] += lax.dot_general(oh, h3, dn, preferred_element_type=jnp.float32)
    cnt[...] += lax.dot_general(oh, jnp.ones((BR, 1), jnp.float32), dn,
                                preferred_element_type=jnp.float32)
    np_ref[...] = h1[...] + h2[...] + h3

    @pl.when(i == pl.num_programs(0) - 1)
    def _():
        invc = 1.0 / jnp.maximum(cnt[...], 1.0)
        g = jnp.dot(a0[...] * invc, pw0[...], preferred_element_type=jnp.float32) + pb0[...]
        g += jnp.dot(a1[...] * invc, pw1[...], preferred_element_type=jnp.float32) + pb1[...]
        g += jnp.dot(a2[...] * invc, pw2[...], preferred_element_type=jnp.float32) + pb2[...]
        g += jnp.dot(a3[...] * invc, pw3[...], preferred_element_type=jnp.float32) + pb3[...]
        gp_ref[...] = g


def _tc_pool(h0, h1, h2, p0, p1, deg, conv3, batch2d, preds):
    full = lambda r, c: pl.BlockSpec((r, c), lambda i: (0, 0))
    row = lambda c: pl.BlockSpec((BR, c), lambda i: (i, 0))
    return pl.pallas_call(
        _tc_pool_body,
        grid=(N // BR,),
        in_specs=[row(H), row(H), row(H), row(H), row(H), row(1)]
        + [full(H, H), full(1, H), full(H, H), full(1, H), full(1, H), full(1, H)]
        + [row(1)]
        + [full(H, H) if k % 2 == 0 else full(1, H) for k in range(8)],
        out_specs=[row(H), full(G, H)],
        out_shape=[
            jax.ShapeDtypeStruct((N, H), jnp.float32),
            jax.ShapeDtypeStruct((G, H), jnp.float32),
        ],
        scratch_shapes=[pltpu.VMEM((G, H), jnp.float32)] * 4
        + [pltpu.VMEM((G, 1), jnp.float32)],
    )(h0, h1, h2, p0, p1, deg, *conv3, batch2d, *preds)



_BN_S = 1.0 / (1.0 + 1e-5) ** 0.5


def kernel(x, params, edge_index, batch):
    p = params
    pad = EPAD - E
    src = edge_index[0].astype(jnp.int32)
    dst = edge_index[1].astype(jnp.int32)
    srcp = jnp.concatenate([src, jnp.zeros((pad,), jnp.int32)]).reshape(EPAD // CH, CH)
    dstp = jnp.concatenate([dst, jnp.full((pad,), N, jnp.int32)]).reshape(EPAD // CH, CH)
    batch2d = batch.astype(jnp.int32).reshape(N, 1)

    zero_h = jnp.zeros((RPT, H), jnp.float32)

    r = lambda v: v.reshape(1, H)
    sb1 = r(p['bn1_1_g'] * _BN_S)
    tb1 = r(p['bn1_1_b'])

    sc_agg = _sc_kernels()
    deg = _tc_deg(dst.reshape(E, 1)).reshape(NHI * 128, 1)[:N]

    h0 = _tc_in(x, p['lin1_1_W'], r(p['lin1_1_b']), sb1, tb1,
                p['lin1_2_W'], r(p['lin1_2_b']))

    hs = [h0]
    h = h0
    for i in range(1, 3):
        ag = sc_agg(h, srcp, dstp, zero_h)
        h = _tc_gin(h, ag[0], ag[1], deg,
                    p[f'conv{i}_W1'], r(p[f'conv{i}_b1']),
                    p[f'conv{i}_W2'], r(p[f'conv{i}_b2']),
                    r(p[f'bn{i}_g'] * _BN_S), r(p[f'bn{i}_b']))
        hs.append(h)

    ag3 = sc_agg(h, srcp, dstp, zero_h)
    conv3 = (p['conv3_W1'], r(p['conv3_b1']), p['conv3_W2'], r(p['conv3_b2']),
             r(p['bn3_g'] * _BN_S), r(p['bn3_b']))
    preds = []
    for l in range(4):
        preds += [p[f'pred{l}_W'], r(p[f'pred{l}_b'])]
    npool, gpool = _tc_pool(hs[0], hs[1], hs[2], ag3[0], ag3[1], deg,
                            conv3, batch2d, preds)
    return (npool, gpool)

# --- scband reference (transcript-rebuilt; emitter-appended) ---
"""Pipeline reference for scband-net-69707319214346 (READ-ONLY COPY).

The authoritative reference and input builder live on the scoring server;
editing this copy changes nothing except your own understanding.
"""

import jax, jax.numpy as jnp
import numpy as np

N = 10000
E = 320000
D = 128
H = 128
G = 128


def setup_inputs(seed: int = 0) -> dict:
    key = jax.random.key(seed)
    ks = jax.random.split(key, 32)
    x = jax.random.normal(ks[0], (N, D), dtype=jnp.float32)
    edge_index = jax.random.randint(ks[1], (2, E), 0, N)
    batch = jnp.sort(jax.random.randint(ks[2], (N,), 0, G))

    def lin(k, fin, fout):
        kw, kb = jax.random.split(k)
        W = jax.random.normal(kw, (fin, fout), dtype=jnp.float32) * 0.05
        b = jax.random.normal(kb, (fout,), dtype=jnp.float32) * 0.05
        return W, b

    p = {}
    p['lin1_1_W'], p['lin1_1_b'] = lin(ks[3], D, H)
    p['bn1_1_g'] = jnp.ones((H,), jnp.float32)
    p['bn1_1_b'] = jnp.zeros((H,), jnp.float32)
    p['lin1_2_W'], p['lin1_2_b'] = lin(ks[4], H, H)
    for i in range(1, 4):
        p[f'conv{i}_W1'], p[f'conv{i}_b1'] = lin(ks[4 + 2 * i], H, H)
        p[f'conv{i}_W2'], p[f'conv{i}_b2'] = lin(ks[5 + 2 * i], H, H)
        p[f'bn{i}_g'] = jnp.ones((H,), jnp.float32)
        p[f'bn{i}_b'] = jnp.zeros((H,), jnp.float32)
    for l in range(4):
        p[f'pred{l}_W'], p[f'pred{l}_b'] = lin(ks[12 + l], H, H)
    return {'x': x, 'params': p, 'edge_index': edge_index, 'batch': batch}


def reference(x, params, edge_index, batch):
    src = edge_index[0]
    dst = edge_index[1]

    def bn(h, g, b):
        # eval-mode BatchNorm1d: running_mean=0, running_var=1, eps=1e-5
        return (h / jnp.sqrt(1.0 + 1e-5)) * g + b

    def gin_mean(h, W1, b1, W2, b2):
        # GINConv(aggr='mean', eps=0): nn(x + mean_{j in N(i)} x_j)
        msg = h[src]
        agg = jax.ops.segment_sum(msg, dst, num_segments=N)
        deg = jax.ops.segment_sum(jnp.ones((E,), h.dtype), dst, num_segments=N)
        agg = agg / jnp.maximum(deg, 1.0)[:, None]
        z = h + agg
        z = jnp.maximum(z @ W1 + b1, 0.0)
        return z @ W2 + b2

    def global_mean_pool(h):
        s = jax.ops.segment_sum(h, batch, num_segments=G)
        c = jax.ops.segment_sum(jnp.ones((N,), h.dtype), batch, num_segments=G)
        return s / jnp.maximum(c, 1.0)[:, None]

    h = jnp.maximum(bn(x @ params['lin1_1_W'] + params['lin1_1_b'], params['bn1_1_g'], params['bn1_1_b']), 0.0)
    h = h @ params['lin1_2_W'] + params['lin1_2_b']
    hidden = [h]

    h = jnp.maximum(bn(gin_mean(h, params['conv1_W1'], params['conv1_b1'], params['conv1_W2'], params['conv1_b2']), params['bn1_g'], params['bn1_b']), 0.0)
    npool = h
    hidden.append(h)

    h = jnp.maximum(bn(gin_mean(h, params['conv2_W1'], params['conv2_b1'], params['conv2_W2'], params['conv2_b2']), params['bn2_g'], params['bn2_b']), 0.0)
    npool = npool + h
    hidden.append(h)

    h = jnp.maximum(bn(gin_mean(h, params['conv3_W1'], params['conv3_b1'], params['conv3_W2'], params['conv3_b2']), params['bn3_g'], params['bn3_b']), 0.0)
    npool = npool + h
    hidden.append(h)

    gpool = jnp.zeros((G, H), jnp.float32)
    for l, lh in enumerate(hidden):
        gp = global_mean_pool(lh)
        # dropout is identity in eval mode
        gpool = gpool + (gp @ params[f'pred{l}_W'] + params[f'pred{l}_b'])
    return (npool, gpool)

if __name__ == "__main__":
    import jax
    _d = setup_inputs()
    print(jax.jit(kernel)(*tuple(_d.values())))

</pallas_src>

<mosaic_0001>
#map = affine_map<(d0, d1) -> (0, 0)>
#map1 = affine_map<(d0, d1) -> (0, 0, 0)>
module attributes {stable_mosaic.version = 14 : i64} {
  func.func @_sc_agg(%arg0: i32, %arg1: i32, %arg2: memref<10000x128xf32, #tpu.memory_space<hbm>>, %arg3: memref<2560x128xi32, #tpu.memory_space<hbm>>, %arg4: memref<2560x128xi32, #tpu.memory_space<hbm>>, %arg5: memref<632x128xf32, #tpu.memory_space<hbm>>, %arg6: memref<2x10000x128xf32, #tpu.memory_space<hbm>>, %arg7: memref<48x128xi32, #tpu.memory_space<vmem>>, %arg8: memref<48x128xi32, #tpu.memory_space<vmem>>, %arg9: memref<128x128xf32, #tpu.memory_space<vmem>>, %arg10: memref<128x128xf32, #tpu.memory_space<vmem>>, %arg11: memref<10008x128xf32, #tpu.memory_space<vmem_shared>>, %arg12: memref<!tpu.dma_semaphore, #tpu.memory_space<semaphore_mem>>, %arg13: memref<!tpu.dma_semaphore, #tpu.memory_space<semaphore_mem>>, %arg14: memref<!tpu.dma_semaphore, #tpu.memory_space<semaphore_mem>>, %arg15: memref<!tpu.dma_semaphore, #tpu.memory_space<semaphore_mem>>) attributes {dimension_semantics = [#tpu.dimension_semantics<core_parallel>, #tpu.dimension_semantics<subcore_parallel>], iteration_bounds = array<i64: 2, 16>, scalar_prefetch = 0 : i64, scratch_operands = 9 : i64, tpu.core_type = #tpu.core_type<sc_vector_subcore>, window_params = [{transform_indices = #map}, {transform_indices = #map}, {transform_indices = #map}, {transform_indices = #map}, {transform_indices = #map1}]} {
    %lt3A = arith.constant 15 : i32
    %lt3A_0 = arith.cmpi slt, %arg1, %lt3A : i32
    %convert_element_type3A = arith.extui %lt3A_0 : i1 to i32
    %cond3A = arith.constant 0 : i32
    %cond3A_1 = arith.cmpi ne, %convert_element_type3A, %cond3A : i32
    scf.if %cond3A_1 {
      %mul3A = arith.constant 632 : i32
      %mul3A_27 = arith.muli %arg1, %mul3A : i32
      "tpu.region"() ({
        %run_scoped3A = tpu.sem_alloc : memref<!tpu.dma_semaphore, #tpu.memory_space<semaphore_mem>>
        %dma_start3A = arith.constant 0 : i32
        %dma_start3A_28 = tpu.memref_slice %arg11[%mul3A_27, %dma_start3A] : memref<10008x128xf32, #tpu.memory_space<vmem_shared>> -> memref<632x128xf32, #tpu.memory_space<vmem_shared>>
        tpu.enqueue_dma source(%arg5 : memref<632x128xf32, #tpu.memory_space<hbm>>) target(%dma_start3A_28 : memref<632x128xf32, #tpu.memory_space<vmem_shared>>) target_semaphore(%run_scoped3A : memref<!tpu.dma_semaphore, #tpu.memory_space<semaphore_mem>>)
        %dma_wait3A = arith.constant 0 : i32
        %dma_wait3A_29 = tpu.memref_slice %arg11[%mul3A_27, %dma_wait3A] : memref<10008x128xf32, #tpu.memory_space<vmem_shared>> -> memref<632x128xf32, #tpu.memory_space<vmem_shared>>
        tpu.wait_dma2 semaphore(%run_scoped3A : memref<!tpu.dma_semaphore, #tpu.memory_space<semaphore_mem>>) src(%arg5 : memref<632x128xf32, #tpu.memory_space<hbm>>) dst(%dma_wait3A_29 : memref<632x128xf32, #tpu.memory_space<vmem_shared>>)
        tpu.yield
      }) : () -> ()
    } else {
    }
    %eq3A = arith.constant 15 : i32
    %eq3A_2 = arith.cmpi eq, %arg1, %eq3A : i32
    %convert_element_type3A_3 = arith.extui %eq3A_2 : i1 to i32
    %cond3A_4 = arith.constant 0 : i32
    %cond3A_5 = arith.cmpi ne, %convert_element_type3A_3, %cond3A_4 : i32
    scf.if %cond3A_5 {
      "tpu.region"() ({
        %run_scoped3A = tpu.sem_alloc : memref<!tpu.dma_semaphore, #tpu.memory_space<semaphore_mem>>
        %dma_start3A = arith.constant 9480 : i32
        %dma_start3A_27 = arith.constant 0 : i32
        %dma_start3A_28 = tpu.memref_slice %arg11[%dma_start3A, %dma_start3A_27] : memref<10008x128xf32, #tpu.memory_space<vmem_shared>> -> memref<520x128xf32, #tpu.memory_space<vmem_shared>>
        %dma_start3A_29 = arith.constant 0 : i32
        %dma_start3A_30 = arith.constant 0 : i32
        %dma_start3A_31 = tpu.memref_slice %arg5[%dma_start3A_29, %dma_start3A_30] : memref<632x128xf32, #tpu.memory_space<hbm>> -> memref<520x128xf32, #tpu.memory_space<hbm>>
        tpu.enqueue_dma source(%dma_start3A_31 : memref<520x128xf32, #tpu.memory_space<hbm>>) target(%dma_start3A_28 : memref<520x128xf32, #tpu.memory_space<vmem_shared>>) target_semaphore(%run_scoped3A : memref<!tpu.dma_semaphore, #tpu.memory_space<semaphore_mem>>)
        %dma_wait3A = arith.constant 9480 : i32
        %dma_wait3A_32 = arith.constant 0 : i32
        %dma_wait3A_33 = tpu.memref_slice %arg11[%dma_wait3A, %dma_wait3A_32] : memref<10008x128xf32, #tpu.memory_space<vmem_shared>> -> memref<520x128xf32, #tpu.memory_space<vmem_shared>>
        %dma_wait3A_34 = arith.constant 0 : i32
        %dma_wait3A_35 = arith.constant 0 : i32
        %dma_wait3A_36 = tpu.memref_slice %arg5[%dma_wait3A_34, %dma_wait3A_35] : memref<632x128xf32, #tpu.memory_space<hbm>> -> memref<520x128xf32, #tpu.memory_space<hbm>>
        tpu.wait_dma2 semaphore(%run_scoped3A : memref<!tpu.dma_semaphore, #tpu.memory_space<semaphore_mem>>) src(%dma_wait3A_36 : memref<520x128xf32, #tpu.memory_space<hbm>>) dst(%dma_wait3A_33 : memref<520x128xf32, #tpu.memory_space<vmem_shared>>)
        tpu.yield
      }) : () -> ()
    } else {
    }
    %barrier3A = arith.constant 0 : index
    tpu.barrier barrier_id(%barrier3A)
    %eq3A_6 = arith.constant 0 : i32
    %eq3A_7 = arith.cmpi eq, %arg0, %eq3A_6 : i32
    %convert_element_type3A_8 = arith.extui %eq3A_7 : i1 to i32
    %cond3A_9 = arith.constant 0 : i32
    %cond3A_10 = arith.cmpi ne, %convert_element_type3A_8, %cond3A_9 : i32
    scf.if %cond3A_10 {
      %mul3A = arith.constant 144 : i32
      %mul3A_27 = arith.muli %arg1, %mul3A : i32
      %add3A = arith.constant 0 : i32
      %add3A_28 = arith.addi %mul3A_27, %add3A : i32
      "tpu.region"() ({
        %run_scoped3A = tpu.sem_alloc : memref<!tpu.dma_semaphore, #tpu.memory_space<semaphore_mem>>
        %dma_start3A_87 = arith.constant 0 : i32
        %dma_start3A_88 = arith.constant 0 : i32
        %dma_start3A_89 = tpu.memref_slice %arg7[%dma_start3A_87, %dma_start3A_88] : memref<48x128xi32, #tpu.memory_space<vmem>> -> memref<48x128xi32, #tpu.memory_space<vmem>>
        %dma_start3A_90 = arith.constant 0 : i32
        %dma_start3A_91 = tpu.memref_slice %arg3[%add3A_28, %dma_start3A_90] : memref<2560x128xi32, #tpu.memory_space<hbm>> -> memref<48x128xi32, #tpu.memory_space<hbm>>
        %dma_start3A_92 = arith.constant 0 : i32
        %dma_start3A_93 = arith.constant 0 : i32
        %dma_start3A_94 = tpu.memref_slice %arg7[%dma_start3A_92, %dma_start3A_93] : memref<48x128xi32, #tpu.memory_space<vmem>> -> memref<48x128xi32, #tpu.memory_space<vmem>>
        %dma_start3A_95 = arith.constant 0 : i32
        %dma_start3A_96 = tpu.memref_slice %arg3[%add3A_28, %dma_start3A_95] : memref<2560x128xi32, #tpu.memory_space<hbm>> -> memref<48x128xi32, #tpu.memory_space<hbm>>
        tpu.enqueue_dma source(%dma_start3A_96 : memref<48x128xi32, #tpu.memory_space<hbm>>) target(%dma_start3A_94 : memref<48x128xi32, #tpu.memory_space<vmem>>) target_semaphore(%run_scoped3A : memref<!tpu.dma_semaphore, #tpu.memory_space<semaphore_mem>>)
        %dma_wait3A_97 = arith.constant 0 : i32
        %dma_wait3A_98 = arith.constant 0 : i32
        %dma_wait3A_99 = tpu.memref_slice %arg7[%dma_wait3A_97, %dma_wait3A_98] : memref<48x128xi32, #tpu.memory_space<vmem>> -> memref<48x128xi32, #tpu.memory_space<vmem>>
        %dma_wait3A_100 = arith.constant 0 : i32
        %dma_wait3A_101 = tpu.memref_slice %arg3[%add3A_28, %dma_wait3A_100] : memref<2560x128xi32, #tpu.memory_space<hbm>> -> memref<48x128xi32, #tpu.memory_space<hbm>>
        %dma_wait3A_102 = arith.constant 0 : i32
        %dma_wait3A_103 = arith.constant 0 : i32
        %dma_wait3A_104 = tpu.memref_slice %arg7[%dma_wait3A_102, %dma_wait3A_103] : memref<48x128xi32, #tpu.memory_space<vmem>> -> memref<48x128xi32, #tpu.memory_space<vmem>>
        %dma_wait3A_105 = arith.constant 0 : i32
        %dma_wait3A_106 = tpu.memref_slice %arg3[%add3A_28, %dma_wait3A_105] : memref<2560x128xi32, #tpu.memory_space<hbm>> -> memref<48x128xi32, #tpu.memory_space<hbm>>
        tpu.wait_dma2 semaphore(%run_scoped3A : memref<!tpu.dma_semaphore, #tpu.memory_space<semaphore_mem>>) src(%dma_wait3A_106 : memref<48x128xi32, #tpu.memory_space<hbm>>) dst(%dma_wait3A_104 : memref<48x128xi32, #tpu.memory_space<vmem>>)
        tpu.yield
      }) : () -> ()
      "tpu.region"() ({
        %run_scoped3A = tpu.sem_alloc : memref<!tpu.dma_semaphore, #tpu.memory_space<semaphore_mem>>
        %dma_start3A_87 = arith.constant 0 : i32
        %dma_start3A_88 = arith.constant 0 : i32
        %dma_start3A_89 = tpu.memref_slice %arg8[%dma_start3A_87, %dma_start3A_88] : memref<48x128xi32, #tpu.memory_space<vmem>> -> memref<48x128xi32, #tpu.memory_space<vmem>>
        %dma_start3A_90 = arith.constant 0 : i32
        %dma_start3A_91 = tpu.memref_slice %arg4[%add3A_28, %dma_start3A_90] : memref<2560x128xi32, #tpu.memory_space<hbm>> -> memref<48x128xi32, #tpu.memory_space<hbm>>
        %dma_start3A_92 = arith.constant 0 : i32
        %dma_start3A_93 = arith.constant 0 : i32
        %dma_start3A_94 = tpu.memref_slice %arg8[%dma_start3A_92, %dma_start3A_93] : memref<48x128xi32, #tpu.memory_space<vmem>> -> memref<48x128xi32, #tpu.memory_space<vmem>>
        %dma_start3A_95 = arith.constant 0 : i32
        %dma_start3A_96 = tpu.memref_slice %arg4[%add3A_28, %dma_start3A_95] : memref<2560x128xi32, #tpu.memory_space<hbm>> -> memref<48x128xi32, #tpu.memory_space<hbm>>
        tpu.enqueue_dma source(%dma_start3A_96 : memref<48x128xi32, #tpu.memory_space<hbm>>) target(%dma_start3A_94 : memref<48x128xi32, #tpu.memory_space<vmem>>) target_semaphore(%run_scoped3A : memref<!tpu.dma_semaphore, #tpu.memory_space<semaphore_mem>>)
        %dma_wait3A_97 = arith.constant 0 : i32
        %dma_wait3A_98 = arith.constant 0 : i32
        %dma_wait3A_99 = tpu.memref_slice %arg8[%dma_wait3A_97, %dma_wait3A_98] : memref<48x128xi32, #tpu.memory_space<vmem>> -> memref<48x128xi32, #tpu.memory_space<vmem>>
        %dma_wait3A_100 = arith.constant 0 : i32
        %dma_wait3A_101 = tpu.memref_slice %arg4[%add3A_28, %dma_wait3A_100] : memref<2560x128xi32, #tpu.memory_space<hbm>> -> memref<48x128xi32, #tpu.memory_space<hbm>>
        %dma_wait3A_102 = arith.constant 0 : i32
        %dma_wait3A_103 = arith.constant 0 : i32
        %dma_wait3A_104 = tpu.memref_slice %arg8[%dma_wait3A_102, %dma_wait3A_103] : memref<48x128xi32, #tpu.memory_space<vmem>> -> memref<48x128xi32, #tpu.memory_space<vmem>>
        %dma_wait3A_105 = arith.constant 0 : i32
        %dma_wait3A_106 = tpu.memref_slice %arg4[%add3A_28, %dma_wait3A_105] : memref<2560x128xi32, #tpu.memory_space<hbm>> -> memref<48x128xi32, #tpu.memory_space<hbm>>
        tpu.wait_dma2 semaphore(%run_scoped3A : memref<!tpu.dma_semaphore, #tpu.memory_space<semaphore_mem>>) src(%dma_wait3A_106 : memref<48x128xi32, #tpu.memory_space<hbm>>) dst(%dma_wait3A_104 : memref<48x128xi32, #tpu.memory_space<vmem>>)
        tpu.yield
      }) : () -> ()
      %dma_start3A = arith.constant 0 : i32
      %dma_start3A_29 = arith.constant 0 : i32
      %dma_start3A_30 = tpu.memref_slice %arg7[%dma_start3A, %dma_start3A_29] : memref<48x128xi32, #tpu.memory_space<vmem>> -> memref<1x128xi32, #tpu.memory_space<vmem>>
      %dma_start3A_31 = tpu.memref_squeeze %dma_start3A_30 : memref<1x128xi32, #tpu.memory_space<vmem>> -> memref<128xi32, #tpu.memory_space<vmem>>
      %dma_start3A_32 = arith.constant 0 : i32
      %dma_start3A_33 = arith.constant 0 : i32
      %dma_start3A_34 = tpu.memref_slice %arg2[%dma_start3A_32, %dma_start3A_33] : memref<10000x128xf32, #tpu.memory_space<hbm>> -> memref<10000x128xf32, #tpu.memory_space<hbm>>
      tpu.enqueue_indirect_dma source(%dma_start3A_34 : memref<10000x128xf32, #tpu.memory_space<hbm>>) target(%arg9 : memref<128x128xf32, #tpu.memory_space<vmem>>) offsets(%dma_start3A_31 : memref<128xi32, #tpu.memory_space<vmem>>) semaphore(%arg12 : memref<!tpu.dma_semaphore, #tpu.memory_space<semaphore_mem>>)
      %scan3A = arith.constant 0 : i32
      %scan3A_35 = arith.constant 24 : i32
      %scan3A_36 = arith.addi %scan3A, %scan3A_35 : i32
      %scan3A_37 = arith.constant 1 : i32
      scf.for %scan3A_87 = %scan3A to %scan3A_36 step %scan3A_37  : i32 {
        %mul3A_88 = arith.constant 1 : i32
        %mul3A_89 = arith.muli %scan3A_87, %mul3A_88 : i32
        %add3A_90 = arith.constant 0 : i32
        %add3A_91 = arith.addi %add3A_90, %mul3A_89 : i32
        %mul3A_92 = arith.constant 2 : i32
        %mul3A_93 = arith.muli %add3A_91, %mul3A_92 : i32
        %add3A_94 = arith.constant 0 : i32
        %add3A_95 = arith.addi %mul3A_93, %add3A_94 : i32
        %dma_wait3A_96 = arith.constant 0 : i32
        %dma_wait3A_97 = arith.constant 0 : i32
        %dma_wait3A_98 = tpu.memref_slice %arg7[%dma_wait3A_96, %dma_wait3A_97] : memref<48x128xi32, #tpu.memory_space<vmem>> -> memref<1x128xi32, #tpu.memory_space<vmem>>
        %dma_wait3A_99 = tpu.memref_squeeze %dma_wait3A_98 : memref<1x128xi32, #tpu.memory_space<vmem>> -> memref<128xi32, #tpu.memory_space<vmem>>
        %dma_wait3A_100 = arith.constant 0 : i32
        %dma_wait3A_101 = arith.constant 0 : i32
        %dma_wait3A_102 = tpu.memref_slice %arg2[%dma_wait3A_100, %dma_wait3A_101] : memref<10000x128xf32, #tpu.memory_space<hbm>> -> memref<10000x128xf32, #tpu.memory_space<hbm>>
        tpu.wait_indirect_dma semaphore(%arg12 : memref<!tpu.dma_semaphore, #tpu.memory_space<semaphore_mem>>) src(%dma_wait3A_102 : memref<10000x128xf32, #tpu.memory_space<hbm>>) dst(%arg9 : memref<128x128xf32, #tpu.memory_space<vmem>>)
        %dma_start3A_103 = arith.constant 0 : i32
        %dma_start3A_104 = tpu.memref_slice %arg8[%add3A_95, %dma_start3A_103] : memref<48x128xi32, #tpu.memory_space<vmem>> -> memref<1x128xi32, #tpu.memory_space<vmem>>
        %dma_start3A_105 = tpu.memref_squeeze %dma_start3A_104 : memref<1x128xi32, #tpu.memory_space<vmem>> -> memref<128xi32, #tpu.memory_space<vmem>>
        %dma_start3A_106 = arith.constant 0 : i32
        %dma_start3A_107 = arith.constant 0 : i32
        %dma_start3A_108 = tpu.memref_slice %arg11[%dma_start3A_106, %dma_start3A_107] : memref<10008x128xf32, #tpu.memory_space<vmem_shared>> -> memref<10008x128xf32, #tpu.memory_space<vmem_shared>>
        tpu.enqueue_indirect_dma source(%arg9 : memref<128x128xf32, #tpu.memory_space<vmem>>) target(%dma_start3A_108 : memref<10008x128xf32, #tpu.memory_space<vmem_shared>>) offsets(%dma_start3A_105 : memref<128xi32, #tpu.memory_space<vmem>>) semaphore(%arg14 : memref<!tpu.dma_semaphore, #tpu.memory_space<semaphore_mem>>) {add = true}
        %add3A_109 = arith.constant 1 : i32
        %add3A_110 = arith.addi %add3A_95, %add3A_109 : i32
        %lt3A_111 = arith.constant 48 : i32
        %lt3A_112 = arith.cmpi slt, %add3A_110, %lt3A_111 : i32
        %convert_element_type3A_113 = arith.extui %lt3A_112 : i1 to i32
        %cond3A_114 = arith.constant 0 : i32
        %cond3A_115 = arith.cmpi ne, %convert_element_type3A_113, %cond3A_114 : i32
        scf.if %cond3A_115 {
          %ge3A = arith.constant 1 : i32
          %ge3A_140 = arith.cmpi sge, %add3A_95, %ge3A : i32
          %convert_element_type3A_141 = arith.extui %ge3A_140 : i1 to i32
          %cond3A_142 = arith.constant 0 : i32
          %cond3A_143 = arith.cmpi ne, %convert_element_type3A_141, %cond3A_142 : i32
          scf.if %cond3A_143 {
            %dma_wait3A_152 = arith.constant 0 : i32
            %dma_wait3A_153 = arith.constant 0 : i32
            %dma_wait3A_154 = tpu.memref_slice %arg8[%dma_wait3A_152, %dma_wait3A_153] : memref<48x128xi32, #tpu.memory_space<vmem>> -> memref<1x128xi32, #tpu.memory_space<vmem>>
            %dma_wait3A_155 = tpu.memref_squeeze %dma_wait3A_154 : memref<1x128xi32, #tpu.memory_space<vmem>> -> memref<128xi32, #tpu.memory_space<vmem>>
            %dma_wait3A_156 = arith.constant 0 : i32
            %dma_wait3A_157 = arith.constant 0 : i32
            %dma_wait3A_158 = tpu.memref_slice %arg11[%dma_wait3A_156, %dma_wait3A_157] : memref<10008x128xf32, #tpu.memory_space<vmem_shared>> -> memref<10008x128xf32, #tpu.memory_space<vmem_shared>>
            tpu.wait_indirect_dma semaphore(%arg15 : memref<!tpu.dma_semaphore, #tpu.memory_space<semaphore_mem>>) src(%arg10 : memref<128x128xf32, #tpu.memory_space<vmem>>) dst(%dma_wait3A_158 : memref<10008x128xf32, #tpu.memory_space<vmem_shared>>)
          } else {
          }
          %add3A_144 = arith.constant 1 : i32
          %add3A_145 = arith.addi %add3A_95, %add3A_144 : i32
          %dma_start3A_146 = arith.constant 0 : i32
          %dma_start3A_147 = tpu.memref_slice %arg7[%add3A_145, %dma_start3A_146] : memref<48x128xi32, #tpu.memory_space<vmem>> -> memref<1x128xi32, #tpu.memory_space<vmem>>
          %dma_start3A_148 = tpu.memref_squeeze %dma_start3A_147 : memref<1x128xi32, #tpu.memory_space<vmem>> -> memref<128xi32, #tpu.memory_space<vmem>>
          %dma_start3A_149 = arith.constant 0 : i32
          %dma_start3A_150 = arith.constant 0 : i32
          %dma_start3A_151 = tpu.memref_slice %arg2[%dma_start3A_149, %dma_start3A_150] : memref<10000x128xf32, #tpu.memory_space<hbm>> -> memref<10000x128xf32, #tpu.memory_space<hbm>>
          tpu.enqueue_indirect_dma source(%dma_start3A_151 : memref<10000x128xf32, #tpu.memory_space<hbm>>) target(%arg10 : memref<128x128xf32, #tpu.memory_space<vmem>>) offsets(%dma_start3A_148 : memref<128xi32, #tpu.memory_space<vmem>>) semaphore(%arg13 : memref<!tpu.dma_semaphore, #tpu.memory_space<semaphore_mem>>)
        } else {
        }
        %mul3A_116 = arith.constant 2 : i32
        %mul3A_117 = arith.muli %add3A_91, %mul3A_116 : i32
        %add3A_118 = arith.constant 1 : i32
        %add3A_119 = arith.addi %mul3A_117, %add3A_118 : i32
        %dma_wait3A_120 = arith.constant 0 : i32
        %dma_wait3A_121 = arith.constant 0 : i32
        %dma_wait3A_122 = tpu.memref_slice %arg7[%dma_wait3A_120, %dma_wait3A_121] : memref<48x128xi32, #tpu.memory_space<vmem>> -> memref<1x128xi32, #tpu.memory_space<vmem>>
        %dma_wait3A_123 = tpu.memref_squeeze %dma_wait3A_122 : memref<1x128xi32, #tpu.memory_space<vmem>> -> memref<128xi32, #tpu.memory_space<vmem>>
        %dma_wait3A_124 = arith.constant 0 : i32
        %dma_wait3A_125 = arith.constant 0 : i32
        %dma_wait3A_126 = tpu.memref_slice %arg2[%dma_wait3A_124, %dma_wait3A_125] : memref<10000x128xf32, #tpu.memory_space<hbm>> -> memref<10000x128xf32, #tpu.memory_space<hbm>>
        tpu.wait_indirect_dma semaphore(%arg13 : memref<!tpu.dma_semaphore, #tpu.memory_space<semaphore_mem>>) src(%dma_wait3A_126 : memref<10000x128xf32, #tpu.memory_space<hbm>>) dst(%arg10 : memref<128x128xf32, #tpu.memory_space<vmem>>)
        %dma_start3A_127 = arith.constant 0 : i32
        %dma_start3A_128 = tpu.memref_slice %arg8[%add3A_119, %dma_start3A_127] : memref<48x128xi32, #tpu.memory_space<vmem>> -> memref<1x128xi32, #tpu.memory_space<vmem>>
        %dma_start3A_129 = tpu.memref_squeeze %dma_start3A_128 : memref<1x128xi32, #tpu.memory_space<vmem>> -> memref<128xi32, #tpu.memory_space<vmem>>
        %dma_start3A_130 = arith.constant 0 : i32
        %dma_start3A_131 = arith.constant 0 : i32
        %dma_start3A_132 = tpu.memref_slice %arg11[%dma_start3A_130, %dma_start3A_131] : memref<10008x128xf32, #tpu.memory_space<vmem_shared>> -> memref<10008x128xf32, #tpu.memory_space<vmem_shared>>
        tpu.enqueue_indirect_dma source(%arg10 : memref<128x128xf32, #tpu.memory_space<vmem>>) target(%dma_start3A_132 : memref<10008x128xf32, #tpu.memory_space<vmem_shared>>) offsets(%dma_start3A_129 : memref<128xi32, #tpu.memory_space<vmem>>) semaphore(%arg15 : memref<!tpu.dma_semaphore, #tpu.memory_space<semaphore_mem>>) {add = true}
        %add3A_133 = arith.constant 1 : i32
        %add3A_134 = arith.addi %add3A_119, %add3A_133 : i32
        %lt3A_135 = arith.constant 48 : i32
        %lt3A_136 = arith.cmpi slt, %add3A_134, %lt3A_135 : i32
        %convert_element_type3A_137 = arith.extui %lt3A_136 : i1 to i32
        %cond3A_138 = arith.constant 0 : i32
        %cond3A_139 = arith.cmpi ne, %convert_element_type3A_137, %cond3A_138 : i32
        scf.if %cond3A_139 {
          %ge3A = arith.constant 1 : i32
          %ge3A_140 = arith.cmpi sge, %add3A_119, %ge3A : i32
          %convert_element_type3A_141 = arith.extui %ge3A_140 : i1 to i32
          %cond3A_142 = arith.constant 0 : i32
          %cond3A_143 = arith.cmpi ne, %convert_element_type3A_141, %cond3A_142 : i32
          scf.if %cond3A_143 {
            %dma_wait3A_152 = arith.constant 0 : i32
            %dma_wait3A_153 = arith.constant 0 : i32
            %dma_wait3A_154 = tpu.memref_slice %arg8[%dma_wait3A_152, %dma_wait3A_153] : memref<48x128xi32, #tpu.memory_space<vmem>> -> memref<1x128xi32, #tpu.memory_space<vmem>>
            %dma_wait3A_155 = tpu.memref_squeeze %dma_wait3A_154 : memref<1x128xi32, #tpu.memory_space<vmem>> -> memref<128xi32, #tpu.memory_space<vmem>>
            %dma_wait3A_156 = arith.constant 0 : i32
            %dma_wait3A_157 = arith.constant 0 : i32
            %dma_wait3A_158 = tpu.memref_slice %arg11[%dma_wait3A_156, %dma_wait3A_157] : memref<10008x128xf32, #tpu.memory_space<vmem_shared>> -> memref<10008x128xf32, #tpu.memory_space<vmem_shared>>
            tpu.wait_indirect_dma semaphore(%arg14 : memref<!tpu.dma_semaphore, #tpu.memory_space<semaphore_mem>>) src(%arg9 : memref<128x128xf32, #tpu.memory_space<vmem>>) dst(%dma_wait3A_158 : memref<10008x128xf32, #tpu.memory_space<vmem_shared>>)
          } else {
          }
          %add3A_144 = arith.constant 1 : i32
          %add3A_145 = arith.addi %add3A_119, %add3A_144 : i32
          %dma_start3A_146 = arith.constant 0 : i32
          %dma_start3A_147 = tpu.memref_slice %arg7[%add3A_145, %dma_start3A_146] : memref<48x128xi32, #tpu.memory_space<vmem>> -> memref<1x128xi32, #tpu.memory_space<vmem>>
          %dma_start3A_148 = tpu.memref_squeeze %dma_start3A_147 : memref<1x128xi32, #tpu.memory_space<vmem>> -> memref<128xi32, #tpu.memory_space<vmem>>
          %dma_start3A_149 = arith.constant 0 : i32
          %dma_start3A_150 = arith.constant 0 : i32
          %dma_start3A_151 = tpu.memref_slice %arg2[%dma_start3A_149, %dma_start3A_150] : memref<10000x128xf32, #tpu.memory_space<hbm>> -> memref<10000x128xf32, #tpu.memory_space<hbm>>
          tpu.enqueue_indirect_dma source(%dma_start3A_151 : memref<10000x128xf32, #tpu.memory_space<hbm>>) target(%arg9 : memref<128x128xf32, #tpu.memory_space<vmem>>) offsets(%dma_start3A_148 : memref<128xi32, #tpu.memory_space<vmem>>) semaphore(%arg12 : memref<!tpu.dma_semaphore, #tpu.memory_space<semaphore_mem>>)
        } else {
        }
      }
      %scan3A_38 = arith.constant 24 : i32
      %dma_wait3A = arith.constant 0 : i32
      %dma_wait3A_39 = arith.constant 0 : i32
      %dma_wait3A_40 = tpu.memref_slice %arg8[%dma_wait3A, %dma_wait3A_39] : memref<48x128xi32, #tpu.memory_space<vmem>> -> memref<1x128xi32, #tpu.memory_space<vmem>>
      %dma_wait3A_41 = tpu.memref_squeeze %dma_wait3A_40 : memref<1x128xi32, #tpu.memory_space<vmem>> -> memref<128xi32, #tpu.memory_space<vmem>>
      %dma_wait3A_42 = arith.constant 0 : i32
      %dma_wait3A_43 = arith.constant 0 : i32
      %dma_wait3A_44 = tpu.memref_slice %arg11[%dma_wait3A_42, %dma_wait3A_43] : memref<10008x128xf32, #tpu.memory_space<vmem_shared>> -> memref<10008x128xf32, #tpu.memory_space<vmem_shared>>
      tpu.wait_indirect_dma semaphore(%arg15 : memref<!tpu.dma_semaphore, #tpu.memory_space<semaphore_mem>>) src(%arg10 : memref<128x128xf32, #tpu.memory_space<vmem>>) dst(%dma_wait3A_44 : memref<10008x128xf32, #tpu.memory_space<vmem_shared>>)
      %add3A_45 = arith.constant 48 : i32
      %add3A_46 = arith.addi %mul3A_27, %add3A_45 : i32
      "tpu.region"() ({
        %run_scoped3A = tpu.sem_alloc : memref<!tpu.dma_semaphore, #tpu.memory_space<semaphore_mem>>
        %dma_start3A_87 = arith.constant 0 : i32
        %dma_start3A_88 = arith.constant 0 : i32
        %dma_start3A_89 = tpu.memref_slice %arg7[%dma_start3A_87, %dma_start3A_88] : memref<48x128xi32, #tpu.memory_space<vmem>> -> memref<48x128xi32, #tpu.memory_space<vmem>>
        %dma_start3A_90 = arith.constant 0 : i32
        %dma_start3A_91 = tpu.memref_slice %arg3[%add3A_46, %dma_start3A_90] : memref<2560x128xi32, #tpu.memory_space<hbm>> -> memref<48x128xi32, #tpu.memory_space<hbm>>
        %dma_start3A_92 = arith.constant 0 : i32
        %dma_start3A_93 = arith.constant 0 : i32
        %dma_start3A_94 = tpu.memref_slice %arg7[%dma_start3A_92, %dma_start3A_93] : memref<48x128xi32, #tpu.memory_space<vmem>> -> memref<48x128xi32, #tpu.memory_space<vmem>>
        %dma_start3A_95 = arith.constant 0 : i32
        %dma_start3A_96 = tpu.memref_slice %arg3[%add3A_46, %dma_start3A_95] : memref<2560x128xi32, #tpu.memory_space<hbm>> -> memref<48x128xi32, #tpu.memory_space<hbm>>
        tpu.enqueue_dma source(%dma_start3A_96 : memref<48x128xi32, #tpu.memory_space<hbm>>) target(%dma_start3A_94 : memref<48x128xi32, #tpu.memory_space<vmem>>) target_semaphore(%run_scoped3A : memref<!tpu.dma_semaphore, #tpu.memory_space<semaphore_mem>>)
        %dma_wait3A_97 = arith.constant 0 : i32
        %dma_wait3A_98 = arith.constant 0 : i32
        %dma_wait3A_99 = tpu.memref_slice %arg7[%dma_wait3A_97, %dma_wait3A_98] : memref<48x128xi32, #tpu.memory_space<vmem>> -> memref<48x128xi32, #tpu.memory_space<vmem>>
        %dma_wait3A_100 = arith.constant 0 : i32
        %dma_wait3A_101 = tpu.memref_slice %arg3[%add3A_46, %dma_wait3A_100] : memref<2560x128xi32, #tpu.memory_space<hbm>> -> memref<48x128xi32, #tpu.memory_space<hbm>>
        %dma_wait3A_102 = arith.constant 0 : i32
        %dma_wait3A_103 = arith.constant 0 : i32
        %dma_wait3A_104 = tpu.memref_slice %arg7[%dma_wait3A_102, %dma_wait3A_103] : memref<48x128xi32, #tpu.memory_space<vmem>> -> memref<48x128xi32, #tpu.memory_space<vmem>>
        %dma_wait3A_105 = arith.constant 0 : i32
        %dma_wait3A_106 = tpu.memref_slice %arg3[%add3A_46, %dma_wait3A_105] : memref<2560x128xi32, #tpu.memory_space<hbm>> -> memref<48x128xi32, #tpu.memory_space<hbm>>
        tpu.wait_dma2 semaphore(%run_scoped3A : memref<!tpu.dma_semaphore, #tpu.memory_space<semaphore_mem>>) src(%dma_wait3A_106 : memref<48x128xi32, #tpu.memory_space<hbm>>) dst(%dma_wait3A_104 : memref<48x128xi32, #tpu.memory_space<vmem>>)
        tpu.yield
      }) : () -> ()
      "tpu.region"() ({
        %run_scoped3A = tpu.sem_alloc : memref<!tpu.dma_semaphore, #tpu.memory_space<semaphore_mem>>
        %dma_start3A_87 = arith.constant 0 : i32
        %dma_start3A_88 = arith.constant 0 : i32
        %dma_start3A_89 = tpu.memref_slice %arg8[%dma_start3A_87, %dma_start3A_88] : memref<48x128xi32, #tpu.memory_space<vmem>> -> memref<48x128xi32, #tpu.memory_space<vmem>>
        %dma_start3A_90 = arith.constant 0 : i32
        %dma_start3A_91 = tpu.memref_slice %arg4[%add3A_46, %dma_start3A_90] : memref<2560x128xi32, #tpu.memory_space<hbm>> -> memref<48x128xi32, #tpu.memory_space<hbm>>
        %dma_start3A_92 = arith.constant 0 : i32
        %dma_start3A_93 = arith.constant 0 : i32
        %dma_start3A_94 = tpu.memref_slice %arg8[%dma_start3A_92, %dma_start3A_93] : memref<48x128xi32, #tpu.memory_space<vmem>> -> memref<48x128xi32, #tpu.memory_space<vmem>>
        %dma_start3A_95 = arith.constant 0 : i32
        %dma_start3A_96 = tpu.memref_slice %arg4[%add3A_46, %dma_start3A_95] : memref<2560x128xi32, #tpu.memory_space<hbm>> -> memref<48x128xi32, #tpu.memory_space<hbm>>
        tpu.enqueue_dma source(%dma_start3A_96 : memref<48x128xi32, #tpu.memory_space<hbm>>) target(%dma_start3A_94 : memref<48x128xi32, #tpu.memory_space<vmem>>) target_semaphore(%run_scoped3A : memref<!tpu.dma_semaphore, #tpu.memory_space<semaphore_mem>>)
        %dma_wait3A_97 = arith.constant 0 : i32
        %dma_wait3A_98 = arith.constant 0 : i32
        %dma_wait3A_99 = tpu.memref_slice %arg8[%dma_wait3A_97, %dma_wait3A_98] : memref<48x128xi32, #tpu.memory_space<vmem>> -> memref<48x128xi32, #tpu.memory_space<vmem>>
        %dma_wait3A_100 = arith.constant 0 : i32
        %dma_wait3A_101 = tpu.memref_slice %arg4[%add3A_46, %dma_wait3A_100] : memref<2560x128xi32, #tpu.memory_space<hbm>> -> memref<48x128xi32, #tpu.memory_space<hbm>>
        %dma_wait3A_102 = arith.constant 0 : i32
        %dma_wait3A_103 = arith.constant 0 : i32
        %dma_wait3A_104 = tpu.memref_slice %arg8[%dma_wait3A_102, %dma_wait3A_103] : memref<48x128xi32, #tpu.memory_space<vmem>> -> memref<48x128xi32, #tpu.memory_space<vmem>>
        %dma_wait3A_105 = arith.constant 0 : i32
        %dma_wait3A_106 = tpu.memref_slice %arg4[%add3A_46, %dma_wait3A_105] : memref<2560x128xi32, #tpu.memory_space<hbm>> -> memref<48x128xi32, #tpu.memory_space<hbm>>
        tpu.wait_dma2 semaphore(%run_scoped3A : memref<!tpu.dma_semaphore, #tpu.memory_space<semaphore_mem>>) src(%dma_wait3A_106 : memref<48x128xi32, #tpu.memory_space<hbm>>) dst(%dma_wait3A_104 : memref<48x128xi32, #tpu.memory_space<vmem>>)
        tpu.yield
      }) : () -> ()
      %dma_start3A_47 = arith.constant 0 : i32
      %dma_start3A_48 = arith.constant 0 : i32
      %dma_start3A_49 = tpu.memref_slice %arg7[%dma_start3A_47, %dma_start3A_48] : memref<48x128xi32, #tpu.memory_space<vmem>> -> memref<1x128xi32, #tpu.memory_space<vmem>>
      %dma_start3A_50 = tpu.memref_squeeze %dma_start3A_49 : memref<1x128xi32, #tpu.memory_space<vmem>> -> memref<128xi32, #tpu.memory_space<vmem>>
      %dma_start3A_51 = arith.constant 0 : i32
      %dma_start3A_52 = arith.constant 0 : i32
      %dma_start3A_53 = tpu.memref_slice %arg2[%dma_start3A_51, %dma_start3A_52] : memref<10000x128xf32, #tpu.memory_space<hbm>> -> memref<10000x128xf32, #tpu.memory_space<hbm>>
      tpu.enqueue_indirect_dma source(%dma_start3A_53 : memref<10000x128xf32, #tpu.memory_space<hbm>>) target(%arg9 : memref<128x128xf32, #tpu.memory_space<vmem>>) offsets(%dma_start3A_50 : memref<128xi32, #tpu.memory_space<vmem>>) semaphore(%arg12 : memref<!tpu.dma_semaphore, #tpu.memory_space<semaphore_mem>>)
      %scan3A_54 = arith.constant 0 : i32
      %scan3A_55 = arith.constant 24 : i32
      %scan3A_56 = arith.addi %scan3A_54, %scan3A_55 : i32
      %scan3A_57 = arith.constant 1 : i32
      scf.for %scan3A_87 = %scan3A_54 to %scan3A_56 step %scan3A_57  : i32 {
        %mul3A_88 = arith.constant 1 : i32
        %mul3A_89 = arith.muli %scan3A_87, %mul3A_88 : i32
        %add3A_90 = arith.constant 0 : i32
        %add3A_91 = arith.addi %add3A_90, %mul3A_89 : i32
        %mul3A_92 = arith.constant 2 : i32
        %mul3A_93 = arith.muli %add3A_91, %mul3A_92 : i32
        %add3A_94 = arith.constant 0 : i32
        %add3A_95 = arith.addi %mul3A_93, %add3A_94 : i32
        %dma_wait3A_96 = arith.constant 0 : i32
        %dma_wait3A_97 = arith.constant 0 : i32
        %dma_wait3A_98 = tpu.memref_slice %arg7[%dma_wait3A_96, %dma_wait3A_97] : memref<48x128xi32, #tpu.memory_space<vmem>> -> memref<1x128xi32, #tpu.memory_space<vmem>>
        %dma_wait3A_99 = tpu.memref_squeeze %dma_wait3A_98 : memref<1x128xi32, #tpu.memory_space<vmem>> -> memref<128xi32, #tpu.memory_space<vmem>>
        %dma_wait3A_100 = arith.constant 0 : i32
        %dma_wait3A_101 = arith.constant 0 : i32
        %dma_wait3A_102 = tpu.memref_slice %arg2[%dma_wait3A_100, %dma_wait3A_101] : memref<10000x128xf32, #tpu.memory_space<hbm>> -> memref<10000x128xf32, #tpu.memory_space<hbm>>
        tpu.wait_indirect_dma semaphore(%arg12 : memref<!tpu.dma_semaphore, #tpu.memory_space<semaphore_mem>>) src(%dma_wait3A_102 : memref<10000x128xf32, #tpu.memory_space<hbm>>) dst(%arg9 : memref<128x128xf32, #tpu.memory_space<vmem>>)
        %dma_start3A_103 = arith.constant 0 : i32
        %dma_start3A_104 = tpu.memref_slice %arg8[%add3A_95, %dma_start3A_103] : memref<48x128xi32, #tpu.memory_space<vmem>> -> memref<1x128xi32, #tpu.memory_space<vmem>>
        %dma_start3A_105 = tpu.memref_squeeze %dma_start3A_104 : memref<1x128xi32, #tpu.memory_space<vmem>> -> memref<128xi32, #tpu.memory_space<vmem>>
        %dma_start3A_106 = arith.constant 0 : i32
        %dma_start3A_107 = arith.constant 0 : i32
        %dma_start3A_108 = tpu.memref_slice %arg11[%dma_start3A_106, %dma_start3A_107] : memref<10008x128xf32, #tpu.memory_space<vmem_shared>> -> memref<10008x128xf32, #tpu.memory_space<vmem_shared>>
        tpu.enqueue_indirect_dma source(%arg9 : memref<128x128xf32, #tpu.memory_space<vmem>>) target(%dma_start3A_108 : memref<10008x128xf32, #tpu.memory_space<vmem_shared>>) offsets(%dma_start3A_105 : memref<128xi32, #tpu.memory_space<vmem>>) semaphore(%arg14 : memref<!tpu.dma_semaphore, #tpu.memory_space<semaphore_mem>>) {add = true}
        %add3A_109 = arith.constant 1 : i32
        %add3A_110 = arith.addi %add3A_95, %add3A_109 : i32
        %lt3A_111 = arith.constant 48 : i32
        %lt3A_112 = arith.cmpi slt, %add3A_110, %lt3A_111 : i32
        %convert_element_type3A_113 = arith.extui %lt3A_112 : i1 to i32
        %cond3A_114 = arith.constant 0 : i32
        %cond3A_115 = arith.cmpi ne, %convert_element_type3A_113, %cond3A_114 : i32
        scf.if %cond3A_115 {
          %ge3A = arith.constant 1 : i32
          %ge3A_140 = arith.cmpi sge, %add3A_95, %ge3A : i32
          %convert_element_type3A_141 = arith.extui %ge3A_140 : i1 to i32
          %cond3A_142 = arith.constant 0 : i32
          %cond3A_143 = arith.cmpi ne, %convert_element_type3A_141, %cond3A_142 : i32
          scf.if %cond3A_143 {
            %dma_wait3A_152 = arith.constant 0 : i32
            %dma_wait3A_153 = arith.constant 0 : i32
            %dma_wait3A_154 = tpu.memref_slice %arg8[%dma_wait3A_152, %dma_wait3A_153] : memref<48x128xi32, #tpu.memory_space<vmem>> -> memref<1x128xi32, #tpu.memory_space<vmem>>
            %dma_wait3A_155 = tpu.memref_squeeze %dma_wait3A_154 : memref<1x128xi32, #tpu.memory_space<vmem>> -> memref<128xi32, #tpu.memory_space<vmem>>
            %dma_wait3A_156 = arith.constant 0 : i32
            %dma_wait3A_157 = arith.constant 0 : i32
            %dma_wait3A_158 = tpu.memref_slice %arg11[%dma_wait3A_156, %dma_wait3A_157] : memref<10008x128xf32, #tpu.memory_space<vmem_shared>> -> memref<10008x128xf32, #tpu.memory_space<vmem_shared>>
            tpu.wait_indirect_dma semaphore(%arg15 : memref<!tpu.dma_semaphore, #tpu.memory_space<semaphore_mem>>) src(%arg10 : memref<128x128xf32, #tpu.memory_space<vmem>>) dst(%dma_wait3A_158 : memref<10008x128xf32, #tpu.memory_space<vmem_shared>>)
          } else {
          }
          %add3A_144 = arith.constant 1 : i32
          %add3A_145 = arith.addi %add3A_95, %add3A_144 : i32
          %dma_start3A_146 = arith.constant 0 : i32
          %dma_start3A_147 = tpu.memref_slice %arg7[%add3A_145, %dma_start3A_146] : memref<48x128xi32, #tpu.memory_space<vmem>> -> memref<1x128xi32, #tpu.memory_space<vmem>>
          %dma_start3A_148 = tpu.memref_squeeze %dma_start3A_147 : memref<1x128xi32, #tpu.memory_space<vmem>> -> memref<128xi32, #tpu.memory_space<vmem>>
          %dma_start3A_149 = arith.constant 0 : i32
          %dma_start3A_150 = arith.constant 0 : i32
          %dma_start3A_151 = tpu.memref_slice %arg2[%dma_start3A_149, %dma_start3A_150] : memref<10000x128xf32, #tpu.memory_space<hbm>> -> memref<10000x128xf32, #tpu.memory_space<hbm>>
          tpu.enqueue_indirect_dma source(%dma_start3A_151 : memref<10000x128xf32, #tpu.memory_space<hbm>>) target(%arg10 : memref<128x128xf32, #tpu.memory_space<vmem>>) offsets(%dma_start3A_148 : memref<128xi32, #tpu.memory_space<vmem>>) semaphore(%arg13 : memref<!tpu.dma_semaphore, #tpu.memory_space<semaphore_mem>>)
        } else {
        }
        %mul3A_116 = arith.constant 2 : i32
        %mul3A_117 = arith.muli %add3A_91, %mul3A_116 : i32
        %add3A_118 = arith.constant 1 : i32
        %add3A_119 = arith.addi %mul3A_117, %add3A_118 : i32
        %dma_wait3A_120 = arith.constant 0 : i32
        %dma_wait3A_121 = arith.constant 0 : i32
        %dma_wait3A_122 = tpu.memref_slice %arg7[%dma_wait3A_120, %dma_wait3A_121] : memref<48x128xi32, #tpu.memory_space<vmem>> -> memref<1x128xi32, #tpu.memory_space<vmem>>
        %dma_wait3A_123 = tpu.memref_squeeze %dma_wait3A_122 : memref<1x128xi32, #tpu.memory_space<vmem>> -> memref<128xi32, #tpu.memory_space<vmem>>
        %dma_wait3A_124 = arith.constant 0 : i32
        %dma_wait3A_125 = arith.constant 0 : i32
        %dma_wait3A_126 = tpu.memref_slice %arg2[%dma_wait3A_124, %dma_wait3A_125] : memref<10000x128xf32, #tpu.memory_space<hbm>> -> memref<10000x128xf32, #tpu.memory_space<hbm>>
        tpu.wait_indirect_dma semaphore(%arg13 : memref<!tpu.dma_semaphore, #tpu.memory_space<semaphore_mem>>) src(%dma_wait3A_126 : memref<10000x128xf32, #tpu.memory_space<hbm>>) dst(%arg10 : memref<128x128xf32, #tpu.memory_space<vmem>>)
        %dma_start3A_127 = arith.constant 0 : i32
        %dma_start3A_128 = tpu.memref_slice %arg8[%add3A_119, %dma_start3A_127] : memref<48x128xi32, #tpu.memory_space<vmem>> -> memref<1x128xi32, #tpu.memory_space<vmem>>
        %dma_start3A_129 = tpu.memref_squeeze %dma_start3A_128 : memref<1x128xi32, #tpu.memory_space<vmem>> -> memref<128xi32, #tpu.memory_space<vmem>>
        %dma_start3A_130 = arith.constant 0 : i32
        %dma_start3A_131 = arith.constant 0 : i32
        %dma_start3A_132 = tpu.memref_slice %arg11[%dma_start3A_130, %dma_start3A_131] : memref<10008x128xf32, #tpu.memory_space<vmem_shared>> -> memref<10008x128xf32, #tpu.memory_space<vmem_shared>>
        tpu.enqueue_indirect_dma source(%arg10 : memref<128x128xf32, #tpu.memory_space<vmem>>) target(%dma_start3A_132 : memref<10008x128xf32, #tpu.memory_space<vmem_shared>>) offsets(%dma_start3A_129 : memref<128xi32, #tpu.memory_space<vmem>>) semaphore(%arg15 : memref<!tpu.dma_semaphore, #tpu.memory_space<semaphore_mem>>) {add = true}
        %add3A_133 = arith.constant 1 : i32
        %add3A_134 = arith.addi %add3A_119, %add3A_133 : i32
        %lt3A_135 = arith.constant 48 : i32
        %lt3A_136 = arith.cmpi slt, %add3A_134, %lt3A_135 : i32
        %convert_element_type3A_137 = arith.extui %lt3A_136 : i1 to i32
        %cond3A_138 = arith.constant 0 : i32
        %cond3A_139 = arith.cmpi ne, %convert_element_type3A_137, %cond3A_138 : i32
        scf.if %cond3A_139 {
          %ge3A = arith.constant 1 : i32
          %ge3A_140 = arith.cmpi sge, %add3A_119, %ge3A : i32
          %convert_element_type3A_141 = arith.extui %ge3A_140 : i1 to i32
          %cond3A_142 = arith.constant 0 : i32
          %cond3A_143 = arith.cmpi ne, %convert_element_type3A_141, %cond3A_142 : i32
          scf.if %cond3A_143 {
            %dma_wait3A_152 = arith.constant 0 : i32
            %dma_wait3A_153 = arith.constant 0 : i32
            %dma_wait3A_154 = tpu.memref_slice %arg8[%dma_wait3A_152, %dma_wait3A_153] : memref<48x128xi32, #tpu.memory_space<vmem>> -> memref<1x128xi32, #tpu.memory_space<vmem>>
            %dma_wait3A_155 = tpu.memref_squeeze %dma_wait3A_154 : memref<1x128xi32, #tpu.memory_space<vmem>> -> memref<128xi32, #tpu.memory_space<vmem>>
            %dma_wait3A_156 = arith.constant 0 : i32
            %dma_wait3A_157 = arith.constant 0 : i32
            %dma_wait3A_158 = tpu.memref_slice %arg11[%dma_wait3A_156, %dma_wait3A_157] : memref<10008x128xf32, #tpu.memory_space<vmem_shared>> -> memref<10008x128xf32, #tpu.memory_space<vmem_shared>>
            tpu.wait_indirect_dma semaphore(%arg14 : memref<!tpu.dma_semaphore, #tpu.memory_space<semaphore_mem>>) src(%arg9 : memref<128x128xf32, #tpu.memory_space<vmem>>) dst(%dma_wait3A_158 : memref<10008x128xf32, #tpu.memory_space<vmem_shared>>)
          } else {
          }
          %add3A_144 = arith.constant 1 : i32
          %add3A_145 = arith.addi %add3A_119, %add3A_144 : i32
          %dma_start3A_146 = arith.constant 0 : i32
          %dma_start3A_147 = tpu.memref_slice %arg7[%add3A_145, %dma_start3A_146] : memref<48x128xi32, #tpu.memory_space<vmem>> -> memref<1x128xi32, #tpu.memory_space<vmem>>
          %dma_start3A_148 = tpu.memref_squeeze %dma_start3A_147 : memref<1x128xi32, #tpu.memory_space<vmem>> -> memref<128xi32, #tpu.memory_space<vmem>>
          %dma_start3A_149 = arith.constant 0 : i32
          %dma_start3A_150 = arith.constant 0 : i32
          %dma_start3A_151 = tpu.memref_slice %arg2[%dma_start3A_149, %dma_start3A_150] : memref<10000x128xf32, #tpu.memory_space<hbm>> -> memref<10000x128xf32, #tpu.memory_space<hbm>>
          tpu.enqueue_indirect_dma source(%dma_start3A_151 : memref<10000x128xf32, #tpu.memory_space<hbm>>) target(%arg9 : memref<128x128xf32, #tpu.memory_space<vmem>>) offsets(%dma_start3A_148 : memref<128xi32, #tpu.memory_space<vmem>>) semaphore(%arg12 : memref<!tpu.dma_semaphore, #tpu.memory_space<semaphore_mem>>)
        } else {
        }
      }
      %scan3A_58 = arith.constant 24 : i32
      %dma_wait3A_59 = arith.constant 0 : i32
      %dma_wait3A_60 = arith.constant 0 : i32
      %dma_wait3A_61 = tpu.memref_slice %arg8[%dma_wait3A_59, %dma_wait3A_60] : memref<48x128xi32, #tpu.memory_space<vmem>> -> memref<1x128xi32, #tpu.memory_space<vmem>>
      %dma_wait3A_62 = tpu.memref_squeeze %dma_wait3A_61 : memref<1x128xi32, #tpu.memory_space<vmem>> -> memref<128xi32, #tpu.memory_space<vmem>>
      %dma_wait3A_63 = arith.constant 0 : i32
      %dma_wait3A_64 = arith.constant 0 : i32
      %dma_wait3A_65 = tpu.memref_slice %arg11[%dma_wait3A_63, %dma_wait3A_64] : memref<10008x128xf32, #tpu.memory_space<vmem_shared>> -> memref<10008x128xf32, #tpu.memory_space<vmem_shared>>
      tpu.wait_indirect_dma semaphore(%arg15 : memref<!tpu.dma_semaphore, #tpu.memory_space<semaphore_mem>>) src(%arg10 : memref<128x128xf32, #tpu.memory_space<vmem>>) dst(%dma_wait3A_65 : memref<10008x128xf32, #tpu.memory_space<vmem_shared>>)
      %add3A_66 = arith.constant 96 : i32
      %add3A_67 = arith.addi %mul3A_27, %add3A_66 : i32
      "tpu.region"() ({
        %run_scoped3A = tpu.sem_alloc : memref<!tpu.dma_semaphore, #tpu.memory_space<semaphore_mem>>
        %dma_start3A_87 = arith.constant 0 : i32
        %dma_start3A_88 = arith.constant 0 : i32
        %dma_start3A_89 = tpu.memref_slice %arg7[%dma_start3A_87, %dma_start3A_88] : memref<48x128xi32, #tpu.memory_space<vmem>> -> memref<48x128xi32, #tpu.memory_space<vmem>>
        %dma_start3A_90 = arith.constant 0 : i32
        %dma_start3A_91 = tpu.memref_slice %arg3[%add3A_67, %dma_start3A_90] : memref<2560x128xi32, #tpu.memory_space<hbm>> -> memref<48x128xi32, #tpu.memory_space<hbm>>
        %dma_start3A_92 = arith.constant 0 : i32
        %dma_start3A_93 = arith.constant 0 : i32
        %dma_start3A_94 = tpu.memref_slice %arg7[%dma_start3A_92, %dma_start3A_93] : memref<48x128xi32, #tpu.memory_space<vmem>> -> memref<48x128xi32, #tpu.memory_space<vmem>>
        %dma_start3A_95 = arith.constant 0 : i32
        %dma_start3A_96 = tpu.memref_slice %arg3[%add3A_67, %dma_start3A_95] : memref<2560x128xi32, #tpu.memory_space<hbm>> -> memref<48x128xi32, #tpu.memory_space<hbm>>
        tpu.enqueue_dma source(%dma_start3A_96 : memref<48x128xi32, #tpu.memory_space<hbm>>) target(%dma_start3A_94 : memref<48x128xi32, #tpu.memory_space<vmem>>) target_semaphore(%run_scoped3A : memref<!tpu.dma_semaphore, #tpu.memory_space<semaphore_mem>>)
        %dma_wait3A_97 = arith.constant 0 : i32
        %dma_wait3A_98 = arith.constant 0 : i32
        %dma_wait3A_99 = tpu.memref_slice %arg7[%dma_wait3A_97, %dma_wait3A_98] : memref<48x128xi32, #tpu.memory_space<vmem>> -> memref<48x128xi32, #tpu.memory_space<vmem>>
        %dma_wait3A_100 = arith.constant 0 : i32
        %dma_wait3A_101 = tpu.memref_slice %arg3[%add3A_67, %dma_wait3A_100] : memref<2560x128xi32, #tpu.memory_space<hbm>> -> memref<48x128xi32, #tpu.memory_space<hbm>>
        %dma_wait3A_102 = arith.constant 0 : i32
        %dma_wait3A_103 = arith.constant 0 : i32
        %dma_wait3A_104 = tpu.memref_slice %arg7[%dma_wait3A_102, %dma_wait3A_103] : memref<48x128xi32, #tpu.memory_space<vmem>> -> memref<48x128xi32, #tpu.memory_space<vmem>>
        %dma_wait3A_105 = arith.constant 0 : i32
        %dma_wait3A_106 = tpu.memref_slice %arg3[%add3A_67, %dma_wait3A_105] : memref<2560x128xi32, #tpu.memory_space<hbm>> -> memref<48x128xi32, #tpu.memory_space<hbm>>
        tpu.wait_dma2 semaphore(%run_scoped3A : memref<!tpu.dma_semaphore, #tpu.memory_space<semaphore_mem>>) src(%dma_wait3A_106 : memref<48x128xi32, #tpu.memory_space<hbm>>) dst(%dma_wait3A_104 : memref<48x128xi32, #tpu.memory_space<vmem>>)
        tpu.yield
      }) : () -> ()
      "tpu.region"() ({
        %run_scoped3A = tpu.sem_alloc : memref<!tpu.dma_semaphore, #tpu.memory_space<semaphore_mem>>
        %dma_start3A_87 = arith.constant 0 : i32
        %dma_start3A_88 = arith.constant 0 : i32
        %dma_start3A_89 = tpu.memref_slice %arg8[%dma_start3A_87, %dma_start3A_88] : memref<48x128xi32, #tpu.memory_space<vmem>> -> memref<48x128xi32, #tpu.memory_space<vmem>>
        %dma_start3A_90 = arith.constant 0 : i32
        %dma_start3A_91 = tpu.memref_slice %arg4[%add3A_67, %dma_start3A_90] : memref<2560x128xi32, #tpu.memory_space<hbm>> -> memref<48x128xi32, #tpu.memory_space<hbm>>
        %dma_start3A_92 = arith.constant 0 : i32
        %dma_start3A_93 = arith.constant 0 : i32
        %dma_start3A_94 = tpu.memref_slice %arg8[%dma_start3A_92, %dma_start3A_93] : memref<48x128xi32, #tpu.memory_space<vmem>> -> memref<48x128xi32, #tpu.memory_space<vmem>>
        %dma_start3A_95 = arith.constant 0 : i32
        %dma_start3A_96 = tpu.memref_slice %arg4[%add3A_67, %dma_start3A_95] : memref<2560x128xi32, #tpu.memory_space<hbm>> -> memref<48x128xi32, #tpu.memory_space<hbm>>
        tpu.enqueue_dma source(%dma_start3A_96 : memref<48x128xi32, #tpu.memory_space<hbm>>) target(%dma_start3A_94 : memref<48x128xi32, #tpu.memory_space<vmem>>) target_semaphore(%run_scoped3A : memref<!tpu.dma_semaphore, #tpu.memory_space<semaphore_mem>>)
        %dma_wait3A_97 = arith.constant 0 : i32
        %dma_wait3A_98 = arith.constant 0 : i32
        %dma_wait3A_99 = tpu.memref_slice %arg8[%dma_wait3A_97, %dma_wait3A_98] : memref<48x128xi32, #tpu.memory_space<vmem>> -> memref<48x128xi32, #tpu.memory_space<vmem>>
        %dma_wait3A_100 = arith.constant 0 : i32
        %dma_wait3A_101 = tpu.memref_slice %arg4[%add3A_67, %dma_wait3A_100] : memref<2560x128xi32, #tpu.memory_space<hbm>> -> memref<48x128xi32, #tpu.memory_space<hbm>>
        %dma_wait3A_102 = arith.constant 0 : i32
        %dma_wait3A_103 = arith.constant 0 : i32
        %dma_wait3A_104 = tpu.memref_slice %arg8[%dma_wait3A_102, %dma_wait3A_103] : memref<48x128xi32, #tpu.memory_space<vmem>> -> memref<48x128xi32, #tpu.memory_space<vmem>>
        %dma_wait3A_105 = arith.constant 0 : i32
        %dma_wait3A_106 = tpu.memref_slice %arg4[%add3A_67, %dma_wait3A_105] : memref<2560x128xi32, #tpu.memory_space<hbm>> -> memref<48x128xi32, #tpu.memory_space<hbm>>
        tpu.wait_dma2 semaphore(%run_scoped3A : memref<!tpu.dma_semaphore, #tpu.memory_space<semaphore_mem>>) src(%dma_wait3A_106 : memref<48x128xi32, #tpu.memory_space<hbm>>) dst(%dma_wait3A_104 : memref<48x128xi32, #tpu.memory_space<vmem>>)
        tpu.yield
      }) : () -> ()
      %dma_start3A_68 = arith.constant 0 : i32
      %dma_start3A_69 = arith.constant 0 : i32
      %dma_start3A_70 = tpu.memref_slice %arg7[%dma_start3A_68, %dma_start3A_69] : memref<48x128xi32, #tpu.memory_space<vmem>> -> memref<1x128xi32, #tpu.memory_space<vmem>>
      %dma_start3A_71 = tpu.memref_squeeze %dma_start3A_70 : memref<1x128xi32, #tpu.memory_space<vmem>> -> memref<128xi32, #tpu.memory_space<vmem>>
      %dma_start3A_72 = arith.constant 0 : i32
      %dma_start3A_73 = arith.constant 0 : i32
      %dma_start3A_74 = tpu.memref_slice %arg2[%dma_start3A_72, %dma_start3A_73] : memref<10000x128xf32, #tpu.memory_space<hbm>> -> memref<10000x128xf32, #tpu.memory_space<hbm>>
      tpu.enqueue_indirect_dma source(%dma_start3A_74 : memref<10000x128xf32, #tpu.memory_space<hbm>>) target(%arg9 : memref<128x128xf32, #tpu.memory_space<vmem>>) offsets(%dma_start3A_71 : memref<128xi32, #tpu.memory_space<vmem>>) semaphore(%arg12 : memref<!tpu.dma_semaphore, #tpu.memory_space<semaphore_mem>>)
      %scan3A_75 = arith.constant 0 : i32
      %scan3A_76 = arith.constant 24 : i32
      %scan3A_77 = arith.addi %scan3A_75, %scan3A_76 : i32
      %scan3A_78 = arith.constant 1 : i32
      scf.for %scan3A_87 = %scan3A_75 to %scan3A_77 step %scan3A_78  : i32 {
        %mul3A_88 = arith.constant 1 : i32
        %mul3A_89 = arith.muli %scan3A_87, %mul3A_88 : i32
        %add3A_90 = arith.constant 0 : i32
        %add3A_91 = arith.addi %add3A_90, %mul3A_89 : i32
        %mul3A_92 = arith.constant 2 : i32
        %mul3A_93 = arith.muli %add3A_91, %mul3A_92 : i32
        %add3A_94 = arith.constant 0 : i32
        %add3A_95 = arith.addi %mul3A_93, %add3A_94 : i32
        %dma_wait3A_96 = arith.constant 0 : i32
        %dma_wait3A_97 = arith.constant 0 : i32
        %dma_wait3A_98 = tpu.memref_slice %arg7[%dma_wait3A_96, %dma_wait3A_97] : memref<48x128xi32, #tpu.memory_space<vmem>> -> memref<1x128xi32, #tpu.memory_space<vmem>>
        %dma_wait3A_99 = tpu.memref_squeeze %dma_wait3A_98 : memref<1x128xi32, #tpu.memory_space<vmem>> -> memref<128xi32, #tpu.memory_space<vmem>>
        %dma_wait3A_100 = arith.constant 0 : i32
        %dma_wait3A_101 = arith.constant 0 : i32
        %dma_wait3A_102 = tpu.memref_slice %arg2[%dma_wait3A_100, %dma_wait3A_101] : memref<10000x128xf32, #tpu.memory_space<hbm>> -> memref<10000x128xf32, #tpu.memory_space<hbm>>
        tpu.wait_indirect_dma semaphore(%arg12 : memref<!tpu.dma_semaphore, #tpu.memory_space<semaphore_mem>>) src(%dma_wait3A_102 : memref<10000x128xf32, #tpu.memory_space<hbm>>) dst(%arg9 : memref<128x128xf32, #tpu.memory_space<vmem>>)
        %dma_start3A_103 = arith.constant 0 : i32
        %dma_start3A_104 = tpu.memref_slice %arg8[%add3A_95, %dma_start3A_103] : memref<48x128xi32, #tpu.memory_space<vmem>> -> memref<1x128xi32, #tpu.memory_space<vmem>>
        %dma_start3A_105 = tpu.memref_squeeze %dma_start3A_104 : memref<1x128xi32, #tpu.memory_space<vmem>> -> memref<128xi32, #tpu.memory_space<vmem>>
        %dma_start3A_106 = arith.constant 0 : i32
        %dma_start3A_107 = arith.constant 0 : i32
        %dma_start3A_108 = tpu.memref_slice %arg11[%dma_start3A_106, %dma_start3A_107] : memref<10008x128xf32, #tpu.memory_space<vmem_shared>> -> memref<10008x128xf32, #tpu.memory_space<vmem_shared>>
        tpu.enqueue_indirect_dma source(%arg9 : memref<128x128xf32, #tpu.memory_space<vmem>>) target(%dma_start3A_108 : memref<10008x128xf32, #tpu.memory_space<vmem_shared>>) offsets(%dma_start3A_105 : memref<128xi32, #tpu.memory_space<vmem>>) semaphore(%arg14 : memref<!tpu.dma_semaphore, #tpu.memory_space<semaphore_mem>>) {add = true}
        %add3A_109 = arith.constant 1 : i32
        %add3A_110 = arith.addi %add3A_95, %add3A_109 : i32
        %lt3A_111 = arith.constant 48 : i32
        %lt3A_112 = arith.cmpi slt, %add3A_110, %lt3A_111 : i32
        %convert_element_type3A_113 = arith.extui %lt3A_112 : i1 to i32
        %cond3A_114 = arith.constant 0 : i32
        %cond3A_115 = arith.cmpi ne, %convert_element_type3A_113, %cond3A_114 : i32
        scf.if %cond3A_115 {
          %ge3A = arith.constant 1 : i32
          %ge3A_140 = arith.cmpi sge, %add3A_95, %ge3A : i32
          %convert_element_type3A_141 = arith.extui %ge3A_140 : i1 to i32
          %cond3A_142 = arith.constant 0 : i32
          %cond3A_143 = arith.cmpi ne, %convert_element_type3A_141, %cond3A_142 : i32
          scf.if %cond3A_143 {
            %dma_wait3A_152 = arith.constant 0 : i32
            %dma_wait3A_153 = arith.constant 0 : i32
            %dma_wait3A_154 = tpu.memref_slice %arg8[%dma_wait3A_152, %dma_wait3A_153] : memref<48x128xi32, #tpu.memory_space<vmem>> -> memref<1x128xi32, #tpu.memory_space<vmem>>
            %dma_wait3A_155 = tpu.memref_squeeze %dma_wait3A_154 : memref<1x128xi32, #tpu.memory_space<vmem>> -> memref<128xi32, #tpu.memory_space<vmem>>
            %dma_wait3A_156 = arith.constant 0 : i32
            %dma_wait3A_157 = arith.constant 0 : i32
            %dma_wait3A_158 = tpu.memref_slice %arg11[%dma_wait3A_156, %dma_wait3A_157] : memref<10008x128xf32, #tpu.memory_space<vmem_shared>> -> memref<10008x128xf32, #tpu.memory_space<vmem_shared>>
            tpu.wait_indirect_dma semaphore(%arg15 : memref<!tpu.dma_semaphore, #tpu.memory_space<semaphore_mem>>) src(%arg10 : memref<128x128xf32, #tpu.memory_space<vmem>>) dst(%dma_wait3A_158 : memref<10008x128xf32, #tpu.memory_space<vmem_shared>>)
          } else {
          }
          %add3A_144 = arith.constant 1 : i32
          %add3A_145 = arith.addi %add3A_95, %add3A_144 : i32
          %dma_start3A_146 = arith.constant 0 : i32
          %dma_start3A_147 = tpu.memref_slice %arg7[%add3A_145, %dma_start3A_146] : memref<48x128xi32, #tpu.memory_space<vmem>> -> memref<1x128xi32, #tpu.memory_space<vmem>>
          %dma_start3A_148 = tpu.memref_squeeze %dma_start3A_147 : memref<1x128xi32, #tpu.memory_space<vmem>> -> memref<128xi32, #tpu.memory_space<vmem>>
          %dma_start3A_149 = arith.constant 0 : i32
          %dma_start3A_150 = arith.constant 0 : i32
          %dma_start3A_151 = tpu.memref_slice %arg2[%dma_start3A_149, %dma_start3A_150] : memref<10000x128xf32, #tpu.memory_space<hbm>> -> memref<10000x128xf32, #tpu.memory_space<hbm>>
          tpu.enqueue_indirect_dma source(%dma_start3A_151 : memref<10000x128xf32, #tpu.memory_space<hbm>>) target(%arg10 : memref<128x128xf32, #tpu.memory_space<vmem>>) offsets(%dma_start3A_148 : memref<128xi32, #tpu.memory_space<vmem>>) semaphore(%arg13 : memref<!tpu.dma_semaphore, #tpu.memory_space<semaphore_mem>>)
        } else {
        }
        %mul3A_116 = arith.constant 2 : i32
        %mul3A_117 = arith.muli %add3A_91, %mul3A_116 : i32
        %add3A_118 = arith.constant 1 : i32
        %add3A_119 = arith.addi %mul3A_117, %add3A_118 : i32
        %dma_wait3A_120 = arith.constant 0 : i32
        %dma_wait3A_121 = arith.constant 0 : i32
        %dma_wait3A_122 = tpu.memref_slice %arg7[%dma_wait3A_120, %dma_wait3A_121] : memref<48x128xi32, #tpu.memory_space<vmem>> -> memref<1x128xi32, #tpu.memory_space<vmem>>
        %dma_wait3A_123 = tpu.memref_squeeze %dma_wait3A_122 : memref<1x128xi32, #tpu.memory_space<vmem>> -> memref<128xi32, #tpu.memory_space<vmem>>
        %dma_wait3A_124 = arith.constant 0 : i32
        %dma_wait3A_125 = arith.constant 0 : i32
        %dma_wait3A_126 = tpu.memref_slice %arg2[%dma_wait3A_124, %dma_wait3A_125] : memref<10000x128xf32, #tpu.memory_space<hbm>> -> memref<10000x128xf32, #tpu.memory_space<hbm>>
        tpu.wait_indirect_dma semaphore(%arg13 : memref<!tpu.dma_semaphore, #tpu.memory_space<semaphore_mem>>) src(%dma_wait3A_126 : memref<10000x128xf32, #tpu.memory_space<hbm>>) dst(%arg10 : memref<128x128xf32, #tpu.memory_space<vmem>>)
        %dma_start3A_127 = arith.constant 0 : i32
        %dma_start3A_128 = tpu.memref_slice %arg8[%add3A_119, %dma_start3A_127] : memref<48x128xi32, #tpu.memory_space<vmem>> -> memref<1x128xi32, #tpu.memory_space<vmem>>
        %dma_start3A_129 = tpu.memref_squeeze %dma_start3A_128 : memref<1x128xi32, #tpu.memory_space<vmem>> -> memref<128xi32, #tpu.memory_space<vmem>>
        %dma_start3A_130 = arith.constant 0 : i32
        %dma_start3A_131 = arith.constant 0 : i32
        %dma_start3A_132 = tpu.memref_slice %arg11[%dma_start3A_130, %dma_start3A_131] : memref<10008x128xf32, #tpu.memory_space<vmem_shared>> -> memref<10008x128xf32, #tpu.memory_space<vmem_shared>>
        tpu.enqueue_indirect_dma source(%arg10 : memref<128x128xf32, #tpu.memory_space<vmem>>) target(%dma_start3A_132 : memref<10008x128xf32, #tpu.memory_space<vmem_shared>>) offsets(%dma_start3A_129 : memref<128xi32, #tpu.memory_space<vmem>>) semaphore(%arg15 : memref<!tpu.dma_semaphore, #tpu.memory_space<semaphore_mem>>) {add = true}
        %add3A_133 = arith.constant 1 : i32
        %add3A_134 = arith.addi %add3A_119, %add3A_133 : i32
        %lt3A_135 = arith.constant 48 : i32
        %lt3A_136 = arith.cmpi slt, %add3A_134, %lt3A_135 : i32
        %convert_element_type3A_137 = arith.extui %lt3A_136 : i1 to i32
        %cond3A_138 = arith.constant 0 : i32
        %cond3A_139 = arith.cmpi ne, %convert_element_type3A_137, %cond3A_138 : i32
        scf.if %cond3A_139 {
          %ge3A = arith.constant 1 : i32
          %ge3A_140 = arith.cmpi sge, %add3A_119, %ge3A : i32
          %convert_element_type3A_141 = arith.extui %ge3A_140 : i1 to i32
          %cond3A_142 = arith.constant 0 : i32
          %cond3A_143 = arith.cmpi ne, %convert_element_type3A_141, %cond3A_142 : i32
          scf.if %cond3A_143 {
            %dma_wait3A_152 = arith.constant 0 : i32
            %dma_wait3A_153 = arith.constant 0 : i32
            %dma_wait3A_154 = tpu.memref_slice %arg8[%dma_wait3A_152, %dma_wait3A_153] : memref<48x128xi32, #tpu.memory_space<vmem>> -> memref<1x128xi32, #tpu.memory_space<vmem>>
            %dma_wait3A_155 = tpu.memref_squeeze %dma_wait3A_154 : memref<1x128xi32, #tpu.memory_space<vmem>> -> memref<128xi32, #tpu.memory_space<vmem>>
            %dma_wait3A_156 = arith.constant 0 : i32
            %dma_wait3A_157 = arith.constant 0 : i32
            %dma_wait3A_158 = tpu.memref_slice %arg11[%dma_wait3A_156, %dma_wait3A_157] : memref<10008x128xf32, #tpu.memory_space<vmem_shared>> -> memref<10008x128xf32, #tpu.memory_space<vmem_shared>>
            tpu.wait_indirect_dma semaphore(%arg14 : memref<!tpu.dma_semaphore, #tpu.memory_space<semaphore_mem>>) src(%arg9 : memref<128x128xf32, #tpu.memory_space<vmem>>) dst(%dma_wait3A_158 : memref<10008x128xf32, #tpu.memory_space<vmem_shared>>)
          } else {
          }
          %add3A_144 = arith.constant 1 : i32
          %add3A_145 = arith.addi %add3A_119, %add3A_144 : i32
          %dma_start3A_146 = arith.constant 0 : i32
          %dma_start3A_147 = tpu.memref_slice %arg7[%add3A_145, %dma_start3A_146] : memref<48x128xi32, #tpu.memory_space<vmem>> -> memref<1x128xi32, #tpu.memory_space<vmem>>
          %dma_start3A_148 = tpu.memref_squeeze %dma_start3A_147 : memref<1x128xi32, #tpu.memory_space<vmem>> -> memref<128xi32, #tpu.memory_space<vmem>>
          %dma_start3A_149 = arith.constant 0 : i32
          %dma_start3A_150 = arith.constant 0 : i32
          %dma_start3A_151 = tpu.memref_slice %arg2[%dma_start3A_149, %dma_start3A_150] : memref<10000x128xf32, #tpu.memory_space<hbm>> -> memref<10000x128xf32, #tpu.memory_space<hbm>>
          tpu.enqueue_indirect_dma source(%dma_start3A_151 : memref<10000x128xf32, #tpu.memory_space<hbm>>) target(%arg9 : memref<128x128xf32, #tpu.memory_space<vmem>>) offsets(%dma_start3A_148 : memref<128xi32, #tpu.memory_space<vmem>>) semaphore(%arg12 : memref<!tpu.dma_semaphore, #tpu.memory_space<semaphore_mem>>)
        } else {
        }
      }
      %scan3A_79 = arith.constant 24 : i32
      %dma_wait3A_80 = arith.constant 0 : i32
      %dma_wait3A_81 = arith.constant 0 : i32
      %dma_wait3A_82 = tpu.memref_slice %arg8[%dma_wait3A_80, %dma_wait3A_81] : memref<48x128xi32, #tpu.memory_space<vmem>> -> memref<1x128xi32, #tpu.memory_space<vmem>>
      %dma_wait3A_83 = tpu.memref_squeeze %dma_wait3A_82 : memref<1x128xi32, #tpu.memory_space<vmem>> -> memref<128xi32, #tpu.memory_space<vmem>>
      %dma_wait3A_84 = arith.constant 0 : i32
      %dma_wait3A_85 = arith.constant 0 : i32
      %dma_wait3A_86 = tpu.memref_slice %arg11[%dma_wait3A_84, %dma_wait3A_85] : memref<10008x128xf32, #tpu.memory_space<vmem_shared>> -> memref<10008x128xf32, #tpu.memory_space<vmem_shared>>
      tpu.wait_indirect_dma semaphore(%arg15 : memref<!tpu.dma_semaphore, #tpu.memory_space<semaphore_mem>>) src(%arg10 : memref<128x128xf32, #tpu.memory_space<vmem>>) dst(%dma_wait3A_86 : memref<10008x128xf32, #tpu.memory_space<vmem_shared>>)
    } else {
    }
    %eq3A_11 = arith.constant 1 : i32
    %eq3A_12 = arith.cmpi eq, %arg0, %eq3A_11 : i32
    %convert_element_type3A_13 = arith.extui %eq3A_12 : i1 to i32
    %cond3A_14 = arith.constant 0 : i32
    %cond3A_15 = arith.cmpi ne, %convert_element_type3A_13, %cond3A_14 : i32
    scf.if %cond3A_15 {
      %mul3A = arith.constant 16 : i32
      %mul3A_27 = arith.muli %arg1, %mul3A : i32
      %add3A = arith.constant 2304 : i32
      %add3A_28 = arith.addi %add3A, %mul3A_27 : i32
      %add3A_29 = arith.constant 0 : i32
      %add3A_30 = arith.addi %add3A_28, %add3A_29 : i32
      "tpu.region"() ({
        %run_scoped3A = tpu.sem_alloc : memref<!tpu.dma_semaphore, #tpu.memory_space<semaphore_mem>>
        %dma_start3A_47 = arith.constant 0 : i32
        %dma_start3A_48 = arith.constant 0 : i32
        %dma_start3A_49 = tpu.memref_slice %arg7[%dma_start3A_47, %dma_start3A_48] : memref<48x128xi32, #tpu.memory_space<vmem>> -> memref<16x128xi32, #tpu.memory_space<vmem>>
        %dma_start3A_50 = arith.constant 0 : i32
        %dma_start3A_51 = tpu.memref_slice %arg3[%add3A_30, %dma_start3A_50] : memref<2560x128xi32, #tpu.memory_space<hbm>> -> memref<16x128xi32, #tpu.memory_space<hbm>>
        %dma_start3A_52 = arith.constant 0 : i32
        %dma_start3A_53 = arith.constant 0 : i32
        %dma_start3A_54 = tpu.memref_slice %arg7[%dma_start3A_52, %dma_start3A_53] : memref<48x128xi32, #tpu.memory_space<vmem>> -> memref<16x128xi32, #tpu.memory_space<vmem>>
        %dma_start3A_55 = arith.constant 0 : i32
        %dma_start3A_56 = tpu.memref_slice %arg3[%add3A_30, %dma_start3A_55] : memref<2560x128xi32, #tpu.memory_space<hbm>> -> memref<16x128xi32, #tpu.memory_space<hbm>>
        tpu.enqueue_dma source(%dma_start3A_56 : memref<16x128xi32, #tpu.memory_space<hbm>>) target(%dma_start3A_54 : memref<16x128xi32, #tpu.memory_space<vmem>>) target_semaphore(%run_scoped3A : memref<!tpu.dma_semaphore, #tpu.memory_space<semaphore_mem>>)
        %dma_wait3A_57 = arith.constant 0 : i32
        %dma_wait3A_58 = arith.constant 0 : i32
        %dma_wait3A_59 = tpu.memref_slice %arg7[%dma_wait3A_57, %dma_wait3A_58] : memref<48x128xi32, #tpu.memory_space<vmem>> -> memref<16x128xi32, #tpu.memory_space<vmem>>
        %dma_wait3A_60 = arith.constant 0 : i32
        %dma_wait3A_61 = tpu.memref_slice %arg3[%add3A_30, %dma_wait3A_60] : memref<2560x128xi32, #tpu.memory_space<hbm>> -> memref<16x128xi32, #tpu.memory_space<hbm>>
        %dma_wait3A_62 = arith.constant 0 : i32
        %dma_wait3A_63 = arith.constant 0 : i32
        %dma_wait3A_64 = tpu.memref_slice %arg7[%dma_wait3A_62, %dma_wait3A_63] : memref<48x128xi32, #tpu.memory_space<vmem>> -> memref<16x128xi32, #tpu.memory_space<vmem>>
        %dma_wait3A_65 = arith.constant 0 : i32
        %dma_wait3A_66 = tpu.memref_slice %arg3[%add3A_30, %dma_wait3A_65] : memref<2560x128xi32, #tpu.memory_space<hbm>> -> memref<16x128xi32, #tpu.memory_space<hbm>>
        tpu.wait_dma2 semaphore(%run_scoped3A : memref<!tpu.dma_semaphore, #tpu.memory_space<semaphore_mem>>) src(%dma_wait3A_66 : memref<16x128xi32, #tpu.memory_space<hbm>>) dst(%dma_wait3A_64 : memref<16x128xi32, #tpu.memory_space<vmem>>)
        tpu.yield
      }) : () -> ()
      "tpu.region"() ({
        %run_scoped3A = tpu.sem_alloc : memref<!tpu.dma_semaphore, #tpu.memory_space<semaphore_mem>>
        %dma_start3A_47 = arith.constant 0 : i32
        %dma_start3A_48 = arith.constant 0 : i32
        %dma_start3A_49 = tpu.memref_slice %arg8[%dma_start3A_47, %dma_start3A_48] : memref<48x128xi32, #tpu.memory_space<vmem>> -> memref<16x128xi32, #tpu.memory_space<vmem>>
        %dma_start3A_50 = arith.constant 0 : i32
        %dma_start3A_51 = tpu.memref_slice %arg4[%add3A_30, %dma_start3A_50] : memref<2560x128xi32, #tpu.memory_space<hbm>> -> memref<16x128xi32, #tpu.memory_space<hbm>>
        %dma_start3A_52 = arith.constant 0 : i32
        %dma_start3A_53 = arith.constant 0 : i32
        %dma_start3A_54 = tpu.memref_slice %arg8[%dma_start3A_52, %dma_start3A_53] : memref<48x128xi32, #tpu.memory_space<vmem>> -> memref<16x128xi32, #tpu.memory_space<vmem>>
        %dma_start3A_55 = arith.constant 0 : i32
        %dma_start3A_56 = tpu.memref_slice %arg4[%add3A_30, %dma_start3A_55] : memref<2560x128xi32, #tpu.memory_space<hbm>> -> memref<16x128xi32, #tpu.memory_space<hbm>>
        tpu.enqueue_dma source(%dma_start3A_56 : memref<16x128xi32, #tpu.memory_space<hbm>>) target(%dma_start3A_54 : memref<16x128xi32, #tpu.memory_space<vmem>>) target_semaphore(%run_scoped3A : memref<!tpu.dma_semaphore, #tpu.memory_space<semaphore_mem>>)
        %dma_wait3A_57 = arith.constant 0 : i32
        %dma_wait3A_58 = arith.constant 0 : i32
        %dma_wait3A_59 = tpu.memref_slice %arg8[%dma_wait3A_57, %dma_wait3A_58] : memref<48x128xi32, #tpu.memory_space<vmem>> -> memref<16x128xi32, #tpu.memory_space<vmem>>
        %dma_wait3A_60 = arith.constant 0 : i32
        %dma_wait3A_61 = tpu.memref_slice %arg4[%add3A_30, %dma_wait3A_60] : memref<2560x128xi32, #tpu.memory_space<hbm>> -> memref<16x128xi32, #tpu.memory_space<hbm>>
        %dma_wait3A_62 = arith.constant 0 : i32
        %dma_wait3A_63 = arith.constant 0 : i32
        %dma_wait3A_64 = tpu.memref_slice %arg8[%dma_wait3A_62, %dma_wait3A_63] : memref<48x128xi32, #tpu.memory_space<vmem>> -> memref<16x128xi32, #tpu.memory_space<vmem>>
        %dma_wait3A_65 = arith.constant 0 : i32
        %dma_wait3A_66 = tpu.memref_slice %arg4[%add3A_30, %dma_wait3A_65] : memref<2560x128xi32, #tpu.memory_space<hbm>> -> memref<16x128xi32, #tpu.memory_space<hbm>>
        tpu.wait_dma2 semaphore(%run_scoped3A : memref<!tpu.dma_semaphore, #tpu.memory_space<semaphore_mem>>) src(%dma_wait3A_66 : memref<16x128xi32, #tpu.memory_space<hbm>>) dst(%dma_wait3A_64 : memref<16x128xi32, #tpu.memory_space<vmem>>)
        tpu.yield
      }) : () -> ()
      %dma_start3A = arith.constant 0 : i32
      %dma_start3A_31 = arith.constant 0 : i32
      %dma_start3A_32 = tpu.memref_slice %arg7[%dma_start3A, %dma_start3A_31] : memref<48x128xi32, #tpu.memory_space<vmem>> -> memref<1x128xi32, #tpu.memory_space<vmem>>
      %dma_start3A_33 = tpu.memref_squeeze %dma_start3A_32 : memref<1x128xi32, #tpu.memory_space<vmem>> -> memref<128xi32, #tpu.memory_space<vmem>>
      %dma_start3A_34 = arith.constant 0 : i32
      %dma_start3A_35 = arith.constant 0 : i32
      %dma_start3A_36 = tpu.memref_slice %arg2[%dma_start3A_34, %dma_start3A_35] : memref<10000x128xf32, #tpu.memory_space<hbm>> -> memref<10000x128xf32, #tpu.memory_space<hbm>>
      tpu.enqueue_indirect_dma source(%dma_start3A_36 : memref<10000x128xf32, #tpu.memory_space<hbm>>) target(%arg9 : memref<128x128xf32, #tpu.memory_space<vmem>>) offsets(%dma_start3A_33 : memref<128xi32, #tpu.memory_space<vmem>>) semaphore(%arg12 : memref<!tpu.dma_semaphore, #tpu.memory_space<semaphore_mem>>)
      %scan3A = arith.constant 0 : i32
      %scan3A_37 = arith.constant 8 : i32
      %scan3A_38 = arith.addi %scan3A, %scan3A_37 : i32
      %scan3A_39 = arith.constant 1 : i32
      scf.for %scan3A_47 = %scan3A to %scan3A_38 step %scan3A_39  : i32 {
        %mul3A_48 = arith.constant 1 : i32
        %mul3A_49 = arith.muli %scan3A_47, %mul3A_48 : i32
        %add3A_50 = arith.constant 0 : i32
        %add3A_51 = arith.addi %add3A_50, %mul3A_49 : i32
        %mul3A_52 = arith.constant 2 : i32
        %mul3A_53 = arith.muli %add3A_51, %mul3A_52 : i32
        %add3A_54 = arith.constant 0 : i32
        %add3A_55 = arith.addi %mul3A_53, %add3A_54 : i32
        %dma_wait3A_56 = arith.constant 0 : i32
        %dma_wait3A_57 = arith.constant 0 : i32
        %dma_wait3A_58 = tpu.memref_slice %arg7[%dma_wait3A_56, %dma_wait3A_57] : memref<48x128xi32, #tpu.memory_space<vmem>> -> memref<1x128xi32, #tpu.memory_space<vmem>>
        %dma_wait3A_59 = tpu.memref_squeeze %dma_wait3A_58 : memref<1x128xi32, #tpu.memory_space<vmem>> -> memref<128xi32, #tpu.memory_space<vmem>>
        %dma_wait3A_60 = arith.constant 0 : i32
        %dma_wait3A_61 = arith.constant 0 : i32
        %dma_wait3A_62 = tpu.memref_slice %arg2[%dma_wait3A_60, %dma_wait3A_61] : memref<10000x128xf32, #tpu.memory_space<hbm>> -> memref<10000x128xf32, #tpu.memory_space<hbm>>
        tpu.wait_indirect_dma semaphore(%arg12 : memref<!tpu.dma_semaphore, #tpu.memory_space<semaphore_mem>>) src(%dma_wait3A_62 : memref<10000x128xf32, #tpu.memory_space<hbm>>) dst(%arg9 : memref<128x128xf32, #tpu.memory_space<vmem>>)
        %dma_start3A_63 = arith.constant 0 : i32
        %dma_start3A_64 = tpu.memref_slice %arg8[%add3A_55, %dma_start3A_63] : memref<48x128xi32, #tpu.memory_space<vmem>> -> memref<1x128xi32, #tpu.memory_space<vmem>>
        %dma_start3A_65 = tpu.memref_squeeze %dma_start3A_64 : memref<1x128xi32, #tpu.memory_space<vmem>> -> memref<128xi32, #tpu.memory_space<vmem>>
        %dma_start3A_66 = arith.constant 0 : i32
        %dma_start3A_67 = arith.constant 0 : i32
        %dma_start3A_68 = tpu.memref_slice %arg11[%dma_start3A_66, %dma_start3A_67] : memref<10008x128xf32, #tpu.memory_space<vmem_shared>> -> memref<10008x128xf32, #tpu.memory_space<vmem_shared>>
        tpu.enqueue_indirect_dma source(%arg9 : memref<128x128xf32, #tpu.memory_space<vmem>>) target(%dma_start3A_68 : memref<10008x128xf32, #tpu.memory_space<vmem_shared>>) offsets(%dma_start3A_65 : memref<128xi32, #tpu.memory_space<vmem>>) semaphore(%arg14 : memref<!tpu.dma_semaphore, #tpu.memory_space<semaphore_mem>>) {add = true}
        %add3A_69 = arith.constant 1 : i32
        %add3A_70 = arith.addi %add3A_55, %add3A_69 : i32
        %lt3A_71 = arith.constant 16 : i32
        %lt3A_72 = arith.cmpi slt, %add3A_70, %lt3A_71 : i32
        %convert_element_type3A_73 = arith.extui %lt3A_72 : i1 to i32
        %cond3A_74 = arith.constant 0 : i32
        %cond3A_75 = arith.cmpi ne, %convert_element_type3A_73, %cond3A_74 : i32
        scf.if %cond3A_75 {
          %ge3A = arith.constant 1 : i32
          %ge3A_100 = arith.cmpi sge, %add3A_55, %ge3A : i32
          %convert_element_type3A_101 = arith.extui %ge3A_100 : i1 to i32
          %cond3A_102 = arith.constant 0 : i32
          %cond3A_103 = arith.cmpi ne, %convert_element_type3A_101, %cond3A_102 : i32
          scf.if %cond3A_103 {
            %dma_wait3A_112 = arith.constant 0 : i32
            %dma_wait3A_113 = arith.constant 0 : i32
            %dma_wait3A_114 = tpu.memref_slice %arg8[%dma_wait3A_112, %dma_wait3A_113] : memref<48x128xi32, #tpu.memory_space<vmem>> -> memref<1x128xi32, #tpu.memory_space<vmem>>
            %dma_wait3A_115 = tpu.memref_squeeze %dma_wait3A_114 : memref<1x128xi32, #tpu.memory_space<vmem>> -> memref<128xi32, #tpu.memory_space<vmem>>
            %dma_wait3A_116 = arith.constant 0 : i32
            %dma_wait3A_117 = arith.constant 0 : i32
            %dma_wait3A_118 = tpu.memref_slice %arg11[%dma_wait3A_116, %dma_wait3A_117] : memref<10008x128xf32, #tpu.memory_space<vmem_shared>> -> memref<10008x128xf32, #tpu.memory_space<vmem_shared>>
            tpu.wait_indirect_dma semaphore(%arg15 : memref<!tpu.dma_semaphore, #tpu.memory_space<semaphore_mem>>) src(%arg10 : memref<128x128xf32, #tpu.memory_space<vmem>>) dst(%dma_wait3A_118 : memref<10008x128xf32, #tpu.memory_space<vmem_shared>>)
          } else {
          }
          %add3A_104 = arith.constant 1 : i32
          %add3A_105 = arith.addi %add3A_55, %add3A_104 : i32
          %dma_start3A_106 = arith.constant 0 : i32
          %dma_start3A_107 = tpu.memref_slice %arg7[%add3A_105, %dma_start3A_106] : memref<48x128xi32, #tpu.memory_space<vmem>> -> memref<1x128xi32, #tpu.memory_space<vmem>>
          %dma_start3A_108 = tpu.memref_squeeze %dma_start3A_107 : memref<1x128xi32, #tpu.memory_space<vmem>> -> memref<128xi32, #tpu.memory_space<vmem>>
          %dma_start3A_109 = arith.constant 0 : i32
          %dma_start3A_110 = arith.constant 0 : i32
          %dma_start3A_111 = tpu.memref_slice %arg2[%dma_start3A_109, %dma_start3A_110] : memref<10000x128xf32, #tpu.memory_space<hbm>> -> memref<10000x128xf32, #tpu.memory_space<hbm>>
          tpu.enqueue_indirect_dma source(%dma_start3A_111 : memref<10000x128xf32, #tpu.memory_space<hbm>>) target(%arg10 : memref<128x128xf32, #tpu.memory_space<vmem>>) offsets(%dma_start3A_108 : memref<128xi32, #tpu.memory_space<vmem>>) semaphore(%arg13 : memref<!tpu.dma_semaphore, #tpu.memory_space<semaphore_mem>>)
        } else {
        }
        %mul3A_76 = arith.constant 2 : i32
        %mul3A_77 = arith.muli %add3A_51, %mul3A_76 : i32
        %add3A_78 = arith.constant 1 : i32
        %add3A_79 = arith.addi %mul3A_77, %add3A_78 : i32
        %dma_wait3A_80 = arith.constant 0 : i32
        %dma_wait3A_81 = arith.constant 0 : i32
        %dma_wait3A_82 = tpu.memref_slice %arg7[%dma_wait3A_80, %dma_wait3A_81] : memref<48x128xi32, #tpu.memory_space<vmem>> -> memref<1x128xi32, #tpu.memory_space<vmem>>
        %dma_wait3A_83 = tpu.memref_squeeze %dma_wait3A_82 : memref<1x128xi32, #tpu.memory_space<vmem>> -> memref<128xi32, #tpu.memory_space<vmem>>
        %dma_wait3A_84 = arith.constant 0 : i32
        %dma_wait3A_85 = arith.constant 0 : i32
        %dma_wait3A_86 = tpu.memref_slice %arg2[%dma_wait3A_84, %dma_wait3A_85] : memref<10000x128xf32, #tpu.memory_space<hbm>> -> memref<10000x128xf32, #tpu.memory_space<hbm>>
        tpu.wait_indirect_dma semaphore(%arg13 : memref<!tpu.dma_semaphore, #tpu.memory_space<semaphore_mem>>) src(%dma_wait3A_86 : memref<10000x128xf32, #tpu.memory_space<hbm>>) dst(%arg10 : memref<128x128xf32, #tpu.memory_space<vmem>>)
        %dma_start3A_87 = arith.constant 0 : i32
        %dma_start3A_88 = tpu.memref_slice %arg8[%add3A_79, %dma_start3A_87] : memref<48x128xi32, #tpu.memory_space<vmem>> -> memref<1x128xi32, #tpu.memory_space<vmem>>
        %dma_start3A_89 = tpu.memref_squeeze %dma_start3A_88 : memref<1x128xi32, #tpu.memory_space<vmem>> -> memref<128xi32, #tpu.memory_space<vmem>>
        %dma_start3A_90 = arith.constant 0 : i32
        %dma_start3A_91 = arith.constant 0 : i32
        %dma_start3A_92 = tpu.memref_slice %arg11[%dma_start3A_90, %dma_start3A_91] : memref<10008x128xf32, #tpu.memory_space<vmem_shared>> -> memref<10008x128xf32, #tpu.memory_space<vmem_shared>>
        tpu.enqueue_indirect_dma source(%arg10 : memref<128x128xf32, #tpu.memory_space<vmem>>) target(%dma_start3A_92 : memref<10008x128xf32, #tpu.memory_space<vmem_shared>>) offsets(%dma_start3A_89 : memref<128xi32, #tpu.memory_space<vmem>>) semaphore(%arg15 : memref<!tpu.dma_semaphore, #tpu.memory_space<semaphore_mem>>) {add = true}
        %add3A_93 = arith.constant 1 : i32
        %add3A_94 = arith.addi %add3A_79, %add3A_93 : i32
        %lt3A_95 = arith.constant 16 : i32
        %lt3A_96 = arith.cmpi slt, %add3A_94, %lt3A_95 : i32
        %convert_element_type3A_97 = arith.extui %lt3A_96 : i1 to i32
        %cond3A_98 = arith.constant 0 : i32
        %cond3A_99 = arith.cmpi ne, %convert_element_type3A_97, %cond3A_98 : i32
        scf.if %cond3A_99 {
          %ge3A = arith.constant 1 : i32
          %ge3A_100 = arith.cmpi sge, %add3A_79, %ge3A : i32
          %convert_element_type3A_101 = arith.extui %ge3A_100 : i1 to i32
          %cond3A_102 = arith.constant 0 : i32
          %cond3A_103 = arith.cmpi ne, %convert_element_type3A_101, %cond3A_102 : i32
          scf.if %cond3A_103 {
            %dma_wait3A_112 = arith.constant 0 : i32
            %dma_wait3A_113 = arith.constant 0 : i32
            %dma_wait3A_114 = tpu.memref_slice %arg8[%dma_wait3A_112, %dma_wait3A_113] : memref<48x128xi32, #tpu.memory_space<vmem>> -> memref<1x128xi32, #tpu.memory_space<vmem>>
            %dma_wait3A_115 = tpu.memref_squeeze %dma_wait3A_114 : memref<1x128xi32, #tpu.memory_space<vmem>> -> memref<128xi32, #tpu.memory_space<vmem>>
            %dma_wait3A_116 = arith.constant 0 : i32
            %dma_wait3A_117 = arith.constant 0 : i32
            %dma_wait3A_118 = tpu.memref_slice %arg11[%dma_wait3A_116, %dma_wait3A_117] : memref<10008x128xf32, #tpu.memory_space<vmem_shared>> -> memref<10008x128xf32, #tpu.memory_space<vmem_shared>>
            tpu.wait_indirect_dma semaphore(%arg14 : memref<!tpu.dma_semaphore, #tpu.memory_space<semaphore_mem>>) src(%arg9 : memref<128x128xf32, #tpu.memory_space<vmem>>) dst(%dma_wait3A_118 : memref<10008x128xf32, #tpu.memory_space<vmem_shared>>)
          } else {
          }
          %add3A_104 = arith.constant 1 : i32
          %add3A_105 = arith.addi %add3A_79, %add3A_104 : i32
          %dma_start3A_106 = arith.constant 0 : i32
          %dma_start3A_107 = tpu.memref_slice %arg7[%add3A_105, %dma_start3A_106] : memref<48x128xi32, #tpu.memory_space<vmem>> -> memref<1x128xi32, #tpu.memory_space<vmem>>
          %dma_start3A_108 = tpu.memref_squeeze %dma_start3A_107 : memref<1x128xi32, #tpu.memory_space<vmem>> -> memref<128xi32, #tpu.memory_space<vmem>>
          %dma_start3A_109 = arith.constant 0 : i32
          %dma_start3A_110 = arith.constant 0 : i32
          %dma_start3A_111 = tpu.memref_slice %arg2[%dma_start3A_109, %dma_start3A_110] : memref<10000x128xf32, #tpu.memory_space<hbm>> -> memref<10000x128xf32, #tpu.memory_space<hbm>>
          tpu.enqueue_indirect_dma source(%dma_start3A_111 : memref<10000x128xf32, #tpu.memory_space<hbm>>) target(%arg9 : memref<128x128xf32, #tpu.memory_space<vmem>>) offsets(%dma_start3A_108 : memref<128xi32, #tpu.memory_space<vmem>>) semaphore(%arg12 : memref<!tpu.dma_semaphore, #tpu.memory_space<semaphore_mem>>)
        } else {
        }
      }
      %scan3A_40 = arith.constant 8 : i32
      %dma_wait3A = arith.constant 0 : i32
      %dma_wait3A_41 = arith.constant 0 : i32
      %dma_wait3A_42 = tpu.memref_slice %arg8[%dma_wait3A, %dma_wait3A_41] : memref<48x128xi32, #tpu.memory_space<vmem>> -> memref<1x128xi32, #tpu.memory_space<vmem>>
      %dma_wait3A_43 = tpu.memref_squeeze %dma_wait3A_42 : memref<1x128xi32, #tpu.memory_space<vmem>> -> memref<128xi32, #tpu.memory_space<vmem>>
      %dma_wait3A_44 = arith.constant 0 : i32
      %dma_wait3A_45 = arith.constant 0 : i32
      %dma_wait3A_46 = tpu.memref_slice %arg11[%dma_wait3A_44, %dma_wait3A_45] : memref<10008x128xf32, #tpu.memory_space<vmem_shared>> -> memref<10008x128xf32, #tpu.memory_space<vmem_shared>>
      tpu.wait_indirect_dma semaphore(%arg15 : memref<!tpu.dma_semaphore, #tpu.memory_space<semaphore_mem>>) src(%arg10 : memref<128x128xf32, #tpu.memory_space<vmem>>) dst(%dma_wait3A_46 : memref<10008x128xf32, #tpu.memory_space<vmem_shared>>)
    } else {
    }
    %barrier3A_16 = arith.constant 0 : index
    tpu.barrier barrier_id(%barrier3A_16)
    %lt3A_17 = arith.constant 15 : i32
    %lt3A_18 = arith.cmpi slt, %arg1, %lt3A_17 : i32
    %convert_element_type3A_19 = arith.extui %lt3A_18 : i1 to i32
    %cond3A_20 = arith.constant 0 : i32
    %cond3A_21 = arith.cmpi ne, %convert_element_type3A_19, %cond3A_20 : i32
    scf.if %cond3A_21 {
      %mul3A = arith.constant 632 : i32
      %mul3A_27 = arith.muli %arg1, %mul3A : i32
      %mul3A_28 = arith.constant 632 : i32
      %mul3A_29 = arith.muli %arg1, %mul3A_28 : i32
      "tpu.region"() ({
        %run_scoped3A = tpu.sem_alloc : memref<!tpu.dma_semaphore, #tpu.memory_space<semaphore_mem>>
        %dma_start3A = arith.constant 0 : i32
        %dma_start3A_30 = tpu.memref_slice %arg6[%arg0, %mul3A_29, %dma_start3A] : memref<2x10000x128xf32, #tpu.memory_space<hbm>> -> memref<1x632x128xf32, #tpu.memory_space<hbm>>
        %dma_start3A_31 = tpu.memref_squeeze %dma_start3A_30 : memref<1x632x128xf32, #tpu.memory_space<hbm>> -> memref<632x128xf32, #tpu.memory_space<hbm>>
        %dma_start3A_32 = arith.constant 0 : i32
        %dma_start3A_33 = tpu.memref_slice %arg11[%mul3A_27, %dma_start3A_32] : memref<10008x128xf32, #tpu.memory_space<vmem_shared>> -> memref<632x128xf32, #tpu.memory_space<vmem_shared>>
        tpu.enqueue_dma source(%dma_start3A_33 : memref<632x128xf32, #tpu.memory_space<vmem_shared>>) target(%dma_start3A_31 : memref<632x128xf32, #tpu.memory_space<hbm>>) target_semaphore(%run_scoped3A : memref<!tpu.dma_semaphore, #tpu.memory_space<semaphore_mem>>)
        %dma_wait3A = arith.constant 0 : i32
        %dma_wait3A_34 = tpu.memref_slice %arg6[%arg0, %mul3A_29, %dma_wait3A] : memref<2x10000x128xf32, #tpu.memory_space<hbm>> -> memref<1x632x128xf32, #tpu.memory_space<hbm>>
        %dma_wait3A_35 = tpu.memref_squeeze %dma_wait3A_34 : memref<1x632x128xf32, #tpu.memory_space<hbm>> -> memref<632x128xf32, #tpu.memory_space<hbm>>
        %dma_wait3A_36 = arith.constant 0 : i32
        %dma_wait3A_37 = tpu.memref_slice %arg11[%mul3A_27, %dma_wait3A_36] : memref<10008x128xf32, #tpu.memory_space<vmem_shared>> -> memref<632x128xf32, #tpu.memory_space<vmem_shared>>
        tpu.wait_dma2 semaphore(%run_scoped3A : memref<!tpu.dma_semaphore, #tpu.memory_space<semaphore_mem>>) src(%dma_wait3A_37 : memref<632x128xf32, #tpu.memory_space<vmem_shared>>) dst(%dma_wait3A_35 : memref<632x128xf32, #tpu.memory_space<hbm>>)
        tpu.yield
      }) : () -> ()
    } else {
    }
    %eq3A_22 = arith.constant 15 : i32
    %eq3A_23 = arith.cmpi eq, %arg1, %eq3A_22 : i32
    %convert_element_type3A_24 = arith.extui %eq3A_23 : i1 to i32
    %cond3A_25 = arith.constant 0 : i32
    %cond3A_26 = arith.cmpi ne, %convert_element_type3A_24, %cond3A_25 : i32
    scf.if %cond3A_26 {
      "tpu.region"() ({
        %run_scoped3A = tpu.sem_alloc : memref<!tpu.dma_semaphore, #tpu.memory_space<semaphore_mem>>
        %dma_start3A = arith.constant 9480 : i32
        %dma_start3A_27 = arith.constant 0 : i32
        %dma_start3A_28 = tpu.memref_slice %arg6[%arg0, %dma_start3A, %dma_start3A_27] : memref<2x10000x128xf32, #tpu.memory_space<hbm>> -> memref<1x520x128xf32, #tpu.memory_space<hbm>>
        %dma_start3A_29 = tpu.memref_squeeze %dma_start3A_28 : memref<1x520x128xf32, #tpu.memory_space<hbm>> -> memref<520x128xf32, #tpu.memory_space<hbm>>
        %dma_start3A_30 = arith.constant 9480 : i32
        %dma_start3A_31 = arith.constant 0 : i32
        %dma_start3A_32 = tpu.memref_slice %arg11[%dma_start3A_30, %dma_start3A_31] : memref<10008x128xf32, #tpu.memory_space<vmem_shared>> -> memref<520x128xf32, #tpu.memory_space<vmem_shared>>
        tpu.enqueue_dma source(%dma_start3A_32 : memref<520x128xf32, #tpu.memory_space<vmem_shared>>) target(%dma_start3A_29 : memref<520x128xf32, #tpu.memory_space<hbm>>) target_semaphore(%run_scoped3A : memref<!tpu.dma_semaphore, #tpu.memory_space<semaphore_mem>>)
        %dma_wait3A = arith.constant 9480 : i32
        %dma_wait3A_33 = arith.constant 0 : i32
        %dma_wait3A_34 = tpu.memref_slice %arg6[%arg0, %dma_wait3A, %dma_wait3A_33] : memref<2x10000x128xf32, #tpu.memory_space<hbm>> -> memref<1x520x128xf32, #tpu.memory_space<hbm>>
        %dma_wait3A_35 = tpu.memref_squeeze %dma_wait3A_34 : memref<1x520x128xf32, #tpu.memory_space<hbm>> -> memref<520x128xf32, #tpu.memory_space<hbm>>
        %dma_wait3A_36 = arith.constant 9480 : i32
        %dma_wait3A_37 = arith.constant 0 : i32
        %dma_wait3A_38 = tpu.memref_slice %arg11[%dma_wait3A_36, %dma_wait3A_37] : memref<10008x128xf32, #tpu.memory_space<vmem_shared>> -> memref<520x128xf32, #tpu.memory_space<vmem_shared>>
        tpu.wait_dma2 semaphore(%run_scoped3A : memref<!tpu.dma_semaphore, #tpu.memory_space<semaphore_mem>>) src(%dma_wait3A_38 : memref<520x128xf32, #tpu.memory_space<vmem_shared>>) dst(%dma_wait3A_35 : memref<520x128xf32, #tpu.memory_space<hbm>>)
        tpu.yield
      }) : () -> ()
    } else {
    }
    return
  }
}

#map = affine_map<(d0, d1) -> (0, 0)>
#map1 = affine_map<(d0, d1) -> (0, 0, 0)>
module attributes {stable_mosaic.version = 14 : i64} {
  func.func @_sc_agg(%arg0: i32, %arg1: i32, %arg2: memref<10000x128xf32, #tpu.memory_space<hbm>>, %arg3: memref<2560x128xi32, #tpu.memory_space<hbm>>, %arg4: memref<2560x128xi32, #tpu.memory_space<hbm>>, %arg5: memref<632x128xf32, #tpu.memory_space<hbm>>, %arg6: memref<2x10000x128xf32, #tpu.memory_space<hbm>>, %arg7: memref<48x128xi32, #tpu.memory_space<vmem>>, %arg8: memref<48x128xi32, #tpu.memory_space<vmem>>, %arg9: memref<128x128xf32, #tpu.memory_space<vmem>>, %arg10: memref<128x128xf32, #tpu.memory_space<vmem>>, %arg11: memref<10008x128xf32, #tpu.memory_space<vmem_shared>>, %arg12: memref<!tpu.dma_semaphore, #tpu.memory_space<semaphore_mem>>, %arg13: memref<!tpu.dma_semaphore, #tpu.memory_space<semaphore_mem>>, %arg14: memref<!tpu.dma_semaphore, #tpu.memory_space<semaphore_mem>>, %arg15: memref<!tpu.dma_semaphore, #tpu.memory_space<semaphore_mem>>) attributes {dimension_semantics = [#tpu.dimension_semantics<core_parallel>, #tpu.dimension_semantics<subcore_parallel>], iteration_bounds = array<i64: 2, 16>, scalar_prefetch = 0 : i64, scratch_operands = 9 : i64, tpu.core_type = #tpu.core_type<sc_vector_subcore>, window_params = [{transform_indices = #map}, {transform_indices = #map}, {transform_indices = #map}, {transform_indices = #map}, {transform_indices = #map1}]} {
    %lt3A = arith.constant 15 : i32
    %lt3A_0 = arith.cmpi slt, %arg1, %lt3A : i32
    %convert_element_type3A = arith.extui %lt3A_0 : i1 to i32
    %cond3A = arith.constant 0 : i32
    %cond3A_1 = arith.cmpi ne, %convert_element_type3A, %cond3A : i32
    scf.if %cond3A_1 {
      %mul3A = arith.constant 632 : i32
      %mul3A_27 = arith.muli %arg1, %mul3A : i32
      "tpu.region"() ({
        %run_scoped3A = tpu.sem_alloc : memref<!tpu.dma_semaphore, #tpu.memory_space<semaphore_mem>>
        %dma_start3A = arith.constant 0 : i32
        %dma_start3A_28 = tpu.memref_slice %arg11[%mul3A_27, %dma_start3A] : memref<10008x128xf32, #tpu.memory_space<vmem_shared>> -> memref<632x128xf32, #tpu.memory_space<vmem_shared>>
        tpu.enqueue_dma source(%arg5 : memref<632x128xf32, #tpu.memory_space<hbm>>) target(%dma_start3A_28 : memref<632x128xf32, #tpu.memory_space<vmem_shared>>) target_semaphore(%run_scoped3A : memref<!tpu.dma_semaphore, #tpu.memory_space<semaphore_mem>>)
        %dma_wait3A = arith.constant 0 : i32
        %dma_wait3A_29 = tpu.memref_slice %arg11[%mul3A_27, %dma_wait3A] : memref<10008x128xf32, #tpu.memory_space<vmem_shared>> -> memref<632x128xf32, #tpu.memory_space<vmem_shared>>
        tpu.wait_dma2 semaphore(%run_scoped3A : memref<!tpu.dma_semaphore, #tpu.memory_space<semaphore_mem>>) src(%arg5 : memref<632x128xf32, #tpu.memory_space<hbm>>) dst(%dma_wait3A_29 : memref<632x128xf32, #tpu.memory_space<vmem_shared>>)
        tpu.yield
      }) : () -> ()
    } else {
    }
    %eq3A = arith.constant 15 : i32
    %eq3A_2 = arith.cmpi eq, %arg1, %eq3A : i32
    %convert_element_type3A_3 = arith.extui %eq3A_2 : i1 to i32
    %cond3A_4 = arith.constant 0 : i32
    %cond3A_5 = arith.cmpi ne, %convert_element_type3A_3, %cond3A_4 : i32
    scf.if %cond3A_5 {
      "tpu.region"() ({
        %run_scoped3A = tpu.sem_alloc : memref<!tpu.dma_semaphore, #tpu.memory_space<semaphore_mem>>
        %dma_start3A = arith.constant 9480 : i32
        %dma_start3A_27 = arith.constant 0 : i32
        %dma_start3A_28 = tpu.memref_slice %arg11[%dma_start3A, %dma_start3A_27] : memref<10008x128xf32, #tpu.memory_space<vmem_shared>> -> memref<520x128xf32, #tpu.memory_space<vmem_shared>>
        %dma_start3A_29 = arith.constant 0 : i32
        %dma_start3A_30 = arith.constant 0 : i32
        %dma_start3A_31 = tpu.memref_slice %arg5[%dma_start3A_29, %dma_start3A_30] : memref<632x128xf32, #tpu.memory_space<hbm>> -> memref<520x128xf32, #tpu.memory_space<hbm>>
        tpu.enqueue_dma source(%dma_start3A_31 : memref<520x128xf32, #tpu.memory_space<hbm>>) target(%dma_start3A_28 : memref<520x128xf32, #tpu.memory_space<vmem_shared>>) target_semaphore(%run_scoped3A : memref<!tpu.dma_semaphore, #tpu.memory_space<semaphore_mem>>)
        %dma_wait3A = arith.constant 9480 : i32
        %dma_wait3A_32 = arith.constant 0 : i32
        %dma_wait3A_33 = tpu.memref_slice %arg11[%dma_wait3A, %dma_wait3A_32] : memref<10008x128xf32, #tpu.memory_space<vmem_shared>> -> memref<520x128xf32, #tpu.memory_space<vmem_shared>>
        %dma_wait3A_34 = arith.constant 0 : i32
        %dma_wait3A_35 = arith.constant 0 : i32
        %dma_wait3A_36 = tpu.memref_slice %arg5[%dma_wait3A_34, %dma_wait3A_35] : memref<632x128xf32, #tpu.memory_space<hbm>> -> memref<520x128xf32, #tpu.memory_space<hbm>>
        tpu.wait_dma2 semaphore(%run_scoped3A : memref<!tpu.dma_semaphore, #tpu.memory_space<semaphore_mem>>) src(%dma_wait3A_36 : memref<520x128xf32, #tpu.memory_space<hbm>>) dst(%dma_wait3A_33 : memref<520x128xf32, #tpu.memory_space<vmem_shared>>)
        tpu.yield
      }) : () -> ()
    } else {
    }
    %barrier3A = arith.constant 0 : index
    tpu.barrier barrier_id(%barrier3A)
    %eq3A_6 = arith.constant 0 : i32
    %eq3A_7 = arith.cmpi eq, %arg0, %eq3A_6 : i32
    %convert_element_type3A_8 = arith.extui %eq3A_7 : i1 to i32
    %cond3A_9 = arith.constant 0 : i32
    %cond3A_10 = arith.cmpi ne, %convert_element_type3A_8, %cond3A_9 : i32
    scf.if %cond3A_10 {
      %mul3A = arith.constant 144 : i32
      %mul3A_27 = arith.muli %arg1, %mul3A : i32
      %add3A = arith.constant 0 : i32
      %add3A_28 = arith.addi %mul3A_27, %add3A : i32
      "tpu.region"() ({
        %run_scoped3A = tpu.sem_alloc : memref<!tpu.dma_semaphore, #tpu.memory_space<semaphore_mem>>
        %dma_start3A_87 = arith.constant 0 : i32
        %dma_start3A_88 = arith.constant 0 : i32
        %dma_start3A_89 = tpu.memref_slice %arg7[%dma_start3A_87, %dma_start3A_88] : memref<48x128xi32, #tpu.memory_space<vmem>> -> memref<48x128xi32, #tpu.memory_space<vmem>>
        %dma_start3A_90 = arith.constant 0 : i32
        %dma_start3A_91 = tpu.memref_slice %arg3[%add3A_28, %dma_start3A_90] : memref<2560x128xi32, #tpu.memory_space<hbm>> -> memref<48x128xi32, #tpu.memory_space<hbm>>
        %dma_start3A_92 = arith.constant 0 : i32
        %dma_start3A_93 = arith.constant 0 : i32
        %dma_start3A_94 = tpu.memref_slice %arg7[%dma_start3A_92, %dma_start3A_93] : memref<48x128xi32, #tpu.memory_space<vmem>> -> memref<48x128xi32, #tpu.memory_space<vmem>>
        %dma_start3A_95 = arith.constant 0 : i32
        %dma_start3A_96 = tpu.memref_slice %arg3[%add3A_28, %dma_start3A_95] : memref<2560x128xi32, #tpu.memory_space<hbm>> -> memref<48x128xi32, #tpu.memory_space<hbm>>
        tpu.enqueue_dma source(%dma_start3A_96 : memref<48x128xi32, #tpu.memory_space<hbm>>) target(%dma_start3A_94 : memref<48x128xi32, #tpu.memory_space<vmem>>) target_semaphore(%run_scoped3A : memref<!tpu.dma_semaphore, #tpu.memory_space<semaphore_mem>>)
        %dma_wait3A_97 = arith.constant 0 : i32
        %dma_wait3A_98 = arith.constant 0 : i32
        %dma_wait3A_99 = tpu.memref_slice %arg7[%dma_wait3A_97, %dma_wait3A_98] : memref<48x128xi32, #tpu.memory_space<vmem>> -> memref<48x128xi32, #tpu.memory_space<vmem>>
        %dma_wait3A_100 = arith.constant 0 : i32
        %dma_wait3A_101 = tpu.memref_slice %arg3[%add3A_28, %dma_wait3A_100] : memref<2560x128xi32, #tpu.memory_space<hbm>> -> memref<48x128xi32, #tpu.memory_space<hbm>>
        %dma_wait3A_102 = arith.constant 0 : i32
        %dma_wait3A_103 = arith.constant 0 : i32
        %dma_wait3A_104 = tpu.memref_slice %arg7[%dma_wait3A_102, %dma_wait3A_103] : memref<48x128xi32, #tpu.memory_space<vmem>> -> memref<48x128xi32, #tpu.memory_space<vmem>>
        %dma_wait3A_105 = arith.constant 0 : i32
        %dma_wait3A_106 = tpu.memref_slice %arg3[%add3A_28, %dma_wait3A_105] : memref<2560x128xi32, #tpu.memory_space<hbm>> -> memref<48x128xi32, #tpu.memory_space<hbm>>
        tpu.wait_dma2 semaphore(%run_scoped3A : memref<!tpu.dma_semaphore, #tpu.memory_space<semaphore_mem>>) src(%dma_wait3A_106 : memref<48x128xi32, #tpu.memory_space<hbm>>) dst(%dma_wait3A_104 : memref<48x128xi32, #tpu.memory_space<vmem>>)
        tpu.yield
      }) : () -> ()
      "tpu.region"() ({
        %run_scoped3A = tpu.sem_alloc : memref<!tpu.dma_semaphore, #tpu.memory_space<semaphore_mem>>
        %dma_start3A_87 = arith.constant 0 : i32
        %dma_start3A_88 = arith.constant 0 : i32
        %dma_start3A_89 = tpu.memref_slice %arg8[%dma_start3A_87, %dma_start3A_88] : memref<48x128xi32, #tpu.memory_space<vmem>> -> memref<48x128xi32, #tpu.memory_space<vmem>>
        %dma_start3A_90 = arith.constant 0 : i32
        %dma_start3A_91 = tpu.memref_slice %arg4[%add3A_28, %dma_start3A_90] : memref<2560x128xi32, #tpu.memory_space<hbm>> -> memref<48x128xi32, #tpu.memory_space<hbm>>
        %dma_start3A_92 = arith.constant 0 : i32
        %dma_start3A_93 = arith.constant 0 : i32
        %dma_start3A_94 = tpu.memref_slice %arg8[%dma_start3A_92, %dma_start3A_93] : memref<48x128xi32, #tpu.memory_space<vmem>> -> memref<48x128xi32, #tpu.memory_space<vmem>>
        %dma_start3A_95 = arith.constant 0 : i32
        %dma_start3A_96 = tpu.memref_slice %arg4[%add3A_28, %dma_start3A_95] : memref<2560x128xi32, #tpu.memory_space<hbm>> -> memref<48x128xi32, #tpu.memory_space<hbm>>
        tpu.enqueue_dma source(%dma_start3A_96 : memref<48x128xi32, #tpu.memory_space<hbm>>) target(%dma_start3A_94 : memref<48x128xi32, #tpu.memory_space<vmem>>) target_semaphore(%run_scoped3A : memref<!tpu.dma_semaphore, #tpu.memory_space<semaphore_mem>>)
        %dma_wait3A_97 = arith.constant 0 : i32
        %dma_wait3A_98 = arith.constant 0 : i32
        %dma_wait3A_99 = tpu.memref_slice %arg8[%dma_wait3A_97, %dma_wait3A_98] : memref<48x128xi32, #tpu.memory_space<vmem>> -> memref<48x128xi32, #tpu.memory_space<vmem>>
        %dma_wait3A_100 = arith.constant 0 : i32
        %dma_wait3A_101 = tpu.memref_slice %arg4[%add3A_28, %dma_wait3A_100] : memref<2560x128xi32, #tpu.memory_space<hbm>> -> memref<48x128xi32, #tpu.memory_space<hbm>>
        %dma_wait3A_102 = arith.constant 0 : i32
        %dma_wait3A_103 = arith.constant 0 : i32
        %dma_wait3A_104 = tpu.memref_slice %arg8[%dma_wait3A_102, %dma_wait3A_103] : memref<48x128xi32, #tpu.memory_space<vmem>> -> memref<48x128xi32, #tpu.memory_space<vmem>>
        %dma_wait3A_105 = arith.constant 0 : i32
        %dma_wait3A_106 = tpu.memref_slice %arg4[%add3A_28, %dma_wait3A_105] : memref<2560x128xi32, #tpu.memory_space<hbm>> -> memref<48x128xi32, #tpu.memory_space<hbm>>
        tpu.wait_dma2 semaphore(%run_scoped3A : memref<!tpu.dma_semaphore, #tpu.memory_space<semaphore_mem>>) src(%dma_wait3A_106 : memref<48x128xi32, #tpu.memory_space<hbm>>) dst(%dma_wait3A_104 : memref<48x128xi32, #tpu.memory_space<vmem>>)
        tpu.yield
      }) : () -> ()
      %dma_start3A = arith.constant 0 : i32
      %dma_start3A_29 = arith.constant 0 : i32
      %dma_start3A_30 = tpu.memref_slice %arg7[%dma_start3A, %dma_start3A_29] : memref<48x128xi32, #tpu.memory_space<vmem>> -> memref<1x128xi32, #tpu.memory_space<vmem>>
      %dma_start3A_31 = tpu.memref_squeeze %dma_start3A_30 : memref<1x128xi32, #tpu.memory_space<vmem>> -> memref<128xi32, #tpu.memory_space<vmem>>
      %dma_start3A_32 = arith.constant 0 : i32
      %dma_start3A_33 = arith.constant 0 : i32
      %dma_start3A_34 = tpu.memref_slice %arg2[%dma_start3A_32, %dma_start3A_33] : memref<10000x128xf32, #tpu.memory_space<hbm>> -> memref<10000x128xf32, #tpu.memory_space<hbm>>
      tpu.enqueue_indirect_dma source(%dma_start3A_34 : memref<10000x128xf32, #tpu.memory_space<hbm>>) target(%arg9 : memref<128x128xf32, #tpu.memory_space<vmem>>) offsets(%dma_start3A_31 : memref<128xi32, #tpu.memory_space<vmem>>) semaphore(%arg12 : memref<!tpu.dma_semaphore, #tpu.memory_space<semaphore_mem>>)
      %scan3A = arith.constant 0 : i32
      %scan3A_35 = arith.constant 24 : i32
      %scan3A_36 = arith.addi %scan3A, %scan3A_35 : i32
      %scan3A_37 = arith.constant 1 : i32
      scf.for %scan3A_87 = %scan3A to %scan3A_36 step %scan3A_37  : i32 {
        %mul3A_88 = arith.constant 1 : i32
        %mul3A_89 = arith.muli %scan3A_87, %mul3A_88 : i32
        %add3A_90 = arith.constant 0 : i32
        %add3A_91 = arith.addi %add3A_90, %mul3A_89 : i32
        %mul3A_92 = arith.constant 2 : i32
        %mul3A_93 = arith.muli %add3A_91, %mul3A_92 : i32
        %add3A_94 = arith.constant 0 : i32
        %add3A_95 = arith.addi %mul3A_93, %add3A_94 : i32
        %dma_wait3A_96 = arith.constant 0 : i32
        %dma_wait3A_97 = arith.constant 0 : i32
        %dma_wait3A_98 = tpu.memref_slice %arg7[%dma_wait3A_96, %dma_wait3A_97] : memref<48x128xi32, #tpu.memory_space<vmem>> -> memref<1x128xi32, #tpu.memory_space<vmem>>
        %dma_wait3A_99 = tpu.memref_squeeze %dma_wait3A_98 : memref<1x128xi32, #tpu.memory_space<vmem>> -> memref<128xi32, #tpu.memory_space<vmem>>
        %dma_wait3A_100 = arith.constant 0 : i32
        %dma_wait3A_101 = arith.constant 0 : i32
        %dma_wait3A_102 = tpu.memref_slice %arg2[%dma_wait3A_100, %dma_wait3A_101] : memref<10000x128xf32, #tpu.memory_space<hbm>> -> memref<10000x128xf32, #tpu.memory_space<hbm>>
        tpu.wait_indirect_dma semaphore(%arg12 : memref<!tpu.dma_semaphore, #tpu.memory_space<semaphore_mem>>) src(%dma_wait3A_102 : memref<10000x128xf32, #tpu.memory_space<hbm>>) dst(%arg9 : memref<128x128xf32, #tpu.memory_space<vmem>>)
        %dma_start3A_103 = arith.constant 0 : i32
        %dma_start3A_104 = tpu.memref_slice %arg8[%add3A_95, %dma_start3A_103] : memref<48x128xi32, #tpu.memory_space<vmem>> -> memref<1x128xi32, #tpu.memory_space<vmem>>
        %dma_start3A_105 = tpu.memref_squeeze %dma_start3A_104 : memref<1x128xi32, #tpu.memory_space<vmem>> -> memref<128xi32, #tpu.memory_space<vmem>>
        %dma_start3A_106 = arith.constant 0 : i32
        %dma_start3A_107 = arith.constant 0 : i32
        %dma_start3A_108 = tpu.memref_slice %arg11[%dma_start3A_106, %dma_start3A_107] : memref<10008x128xf32, #tpu.memory_space<vmem_shared>> -> memref<10008x128xf32, #tpu.memory_space<vmem_shared>>
        tpu.enqueue_indirect_dma source(%arg9 : memref<128x128xf32, #tpu.memory_space<vmem>>) target(%dma_start3A_108 : memref<10008x128xf32, #tpu.memory_space<vmem_shared>>) offsets(%dma_start3A_105 : memref<128xi32, #tpu.memory_space<vmem>>) semaphore(%arg14 : memref<!tpu.dma_semaphore, #tpu.memory_space<semaphore_mem>>) {add = true}
        %add3A_109 = arith.constant 1 : i32
        %add3A_110 = arith.addi %add3A_95, %add3A_109 : i32
        %lt3A_111 = arith.constant 48 : i32
        %lt3A_112 = arith.cmpi slt, %add3A_110, %lt3A_111 : i32
        %convert_element_type3A_113 = arith.extui %lt3A_112 : i1 to i32
        %cond3A_114 = arith.constant 0 : i32
        %cond3A_115 = arith.cmpi ne, %convert_element_type3A_113, %cond3A_114 : i32
        scf.if %cond3A_115 {
          %ge3A = arith.constant 1 : i32
          %ge3A_140 = arith.cmpi sge, %add3A_95, %ge3A : i32
          %convert_element_type3A_141 = arith.extui %ge3A_140 : i1 to i32
          %cond3A_142 = arith.constant 0 : i32
          %cond3A_143 = arith.cmpi ne, %convert_element_type3A_141, %cond3A_142 : i32
          scf.if %cond3A_143 {
            %dma_wait3A_152 = arith.constant 0 : i32
            %dma_wait3A_153 = arith.constant 0 : i32
            %dma_wait3A_154 = tpu.memref_slice %arg8[%dma_wait3A_152, %dma_wait3A_153] : memref<48x128xi32, #tpu.memory_space<vmem>> -> memref<1x128xi32, #tpu.memory_space<vmem>>
            %dma_wait3A_155 = tpu.memref_squeeze %dma_wait3A_154 : memref<1x128xi32, #tpu.memory_space<vmem>> -> memref<128xi32, #tpu.memory_space<vmem>>
            %dma_wait3A_156 = arith.constant 0 : i32
            %dma_wait3A_157 = arith.constant 0 : i32
            %dma_wait3A_158 = tpu.memref_slice %arg11[%dma_wait3A_156, %dma_wait3A_157] : memref<10008x128xf32, #tpu.memory_space<vmem_shared>> -> memref<10008x128xf32, #tpu.memory_space<vmem_shared>>
            tpu.wait_indirect_dma semaphore(%arg15 : memref<!tpu.dma_semaphore, #tpu.memory_space<semaphore_mem>>) src(%arg10 : memref<128x128xf32, #tpu.memory_space<vmem>>) dst(%dma_wait3A_158 : memref<10008x128xf32, #tpu.memory_space<vmem_shared>>)
          } else {
          }
          %add3A_144 = arith.constant 1 : i32
          %add3A_145 = arith.addi %add3A_95, %add3A_144 : i32
          %dma_start3A_146 = arith.constant 0 : i32
          %dma_start3A_147 = tpu.memref_slice %arg7[%add3A_145, %dma_start3A_146] : memref<48x128xi32, #tpu.memory_space<vmem>> -> memref<1x128xi32, #tpu.memory_space<vmem>>
          %dma_start3A_148 = tpu.memref_squeeze %dma_start3A_147 : memref<1x128xi32, #tpu.memory_space<vmem>> -> memref<128xi32, #tpu.memory_space<vmem>>
          %dma_start3A_149 = arith.constant 0 : i32
          %dma_start3A_150 = arith.constant 0 : i32
          %dma_start3A_151 = tpu.memref_slice %arg2[%dma_start3A_149, %dma_start3A_150] : memref<10000x128xf32, #tpu.memory_space<hbm>> -> memref<10000x128xf32, #tpu.memory_space<hbm>>
          tpu.enqueue_indirect_dma source(%dma_start3A_151 : memref<10000x128xf32, #tpu.memory_space<hbm>>) target(%arg10 : memref<128x128xf32, #tpu.memory_space<vmem>>) offsets(%dma_start3A_148 : memref<128xi32, #tpu.memory_space<vmem>>) semaphore(%arg13 : memref<!tpu.dma_semaphore, #tpu.memory_space<semaphore_mem>>)
        } else {
        }
        %mul3A_116 = arith.constant 2 : i32
        %mul3A_117 = arith.muli %add3A_91, %mul3A_116 : i32
        %add3A_118 = arith.constant 1 : i32
        %add3A_119 = arith.addi %mul3A_117, %add3A_118 : i32
        %dma_wait3A_120 = arith.constant 0 : i32
        %dma_wait3A_121 = arith.constant 0 : i32
        %dma_wait3A_122 = tpu.memref_slice %arg7[%dma_wait3A_120, %dma_wait3A_121] : memref<48x128xi32, #tpu.memory_space<vmem>> -> memref<1x128xi32, #tpu.memory_space<vmem>>
        %dma_wait3A_123 = tpu.memref_squeeze %dma_wait3A_122 : memref<1x128xi32, #tpu.memory_space<vmem>> -> memref<128xi32, #tpu.memory_space<vmem>>
        %dma_wait3A_124 = arith.constant 0 : i32
        %dma_wait3A_125 = arith.constant 0 : i32
        %dma_wait3A_126 = tpu.memref_slice %arg2[%dma_wait3A_124, %dma_wait3A_125] : memref<10000x128xf32, #tpu.memory_space<hbm>> -> memref<10000x128xf32, #tpu.memory_space<hbm>>
        tpu.wait_indirect_dma semaphore(%arg13 : memref<!tpu.dma_semaphore, #tpu.memory_space<semaphore_mem>>) src(%dma_wait3A_126 : memref<10000x128xf32, #tpu.memory_space<hbm>>) dst(%arg10 : memref<128x128xf32, #tpu.memory_space<vmem>>)
        %dma_start3A_127 = arith.constant 0 : i32
        %dma_start3A_128 = tpu.memref_slice %arg8[%add3A_119, %dma_start3A_127] : memref<48x128xi32, #tpu.memory_space<vmem>> -> memref<1x128xi32, #tpu.memory_space<vmem>>
        %dma_start3A_129 = tpu.memref_squeeze %dma_start3A_128 : memref<1x128xi32, #tpu.memory_space<vmem>> -> memref<128xi32, #tpu.memory_space<vmem>>
        %dma_start3A_130 = arith.constant 0 : i32
        %dma_start3A_131 = arith.constant 0 : i32
        %dma_start3A_132 = tpu.memref_slice %arg11[%dma_start3A_130, %dma_start3A_131] : memref<10008x128xf32, #tpu.memory_space<vmem_shared>> -> memref<10008x128xf32, #tpu.memory_space<vmem_shared>>
        tpu.enqueue_indirect_dma source(%arg10 : memref<128x128xf32, #tpu.memory_space<vmem>>) target(%dma_start3A_132 : memref<10008x128xf32, #tpu.memory_space<vmem_shared>>) offsets(%dma_start3A_129 : memref<128xi32, #tpu.memory_space<vmem>>) semaphore(%arg15 : memref<!tpu.dma_semaphore, #tpu.memory_space<semaphore_mem>>) {add = true}
        %add3A_133 = arith.constant 1 : i32
        %add3A_134 = arith.addi %add3A_119, %add3A_133 : i32
        %lt3A_135 = arith.constant 48 : i32
        %lt3A_136 = arith.cmpi slt, %add3A_134, %lt3A_135 : i32
        %convert_element_type3A_137 = arith.extui %lt3A_136 : i1 to i32
        %cond3A_138 = arith.constant 0 : i32
        %cond3A_139 = arith.cmpi ne, %convert_element_type3A_137, %cond3A_138 : i32
        scf.if %cond3A_139 {
          %ge3A = arith.constant 1 : i32
          %ge3A_140 = arith.cmpi sge, %add3A_119, %ge3A : i32
          %convert_element_type3A_141 = arith.extui %ge3A_140 : i1 to i32
          %cond3A_142 = arith.constant 0 : i32
          %cond3A_143 = arith.cmpi ne, %convert_element_type3A_141, %cond3A_142 : i32
          scf.if %cond3A_143 {
            %dma_wait3A_152 = arith.constant 0 : i32
            %dma_wait3A_153 = arith.constant 0 : i32
            %dma_wait3A_154 = tpu.memref_slice %arg8[%dma_wait3A_152, %dma_wait3A_153] : memref<48x128xi32, #tpu.memory_space<vmem>> -> memref<1x128xi32, #tpu.memory_space<vmem>>
            %dma_wait3A_155 = tpu.memref_squeeze %dma_wait3A_154 : memref<1x128xi32, #tpu.memory_space<vmem>> -> memref<128xi32, #tpu.memory_space<vmem>>
            %dma_wait3A_156 = arith.constant 0 : i32
            %dma_wait3A_157 = arith.constant 0 : i32
            %dma_wait3A_158 = tpu.memref_slice %arg11[%dma_wait3A_156, %dma_wait3A_157] : memref<10008x128xf32, #tpu.memory_space<vmem_shared>> -> memref<10008x128xf32, #tpu.memory_space<vmem_shared>>
            tpu.wait_indirect_dma semaphore(%arg14 : memref<!tpu.dma_semaphore, #tpu.memory_space<semaphore_mem>>) src(%arg9 : memref<128x128xf32, #tpu.memory_space<vmem>>) dst(%dma_wait3A_158 : memref<10008x128xf32, #tpu.memory_space<vmem_shared>>)
          } else {
          }
          %add3A_144 = arith.constant 1 : i32
          %add3A_145 = arith.addi %add3A_119, %add3A_144 : i32
          %dma_start3A_146 = arith.constant 0 : i32
          %dma_start3A_147 = tpu.memref_slice %arg7[%add3A_145, %dma_start3A_146] : memref<48x128xi32, #tpu.memory_space<vmem>> -> memref<1x128xi32, #tpu.memory_space<vmem>>
          %dma_start3A_148 = tpu.memref_squeeze %dma_start3A_147 : memref<1x128xi32, #tpu.memory_space<vmem>> -> memref<128xi32, #tpu.memory_space<vmem>>
          %dma_start3A_149 = arith.constant 0 : i32
          %dma_start3A_150 = arith.constant 0 : i32
          %dma_start3A_151 = tpu.memref_slice %arg2[%dma_start3A_149, %dma_start3A_150] : memref<10000x128xf32, #tpu.memory_space<hbm>> -> memref<10000x128xf32, #tpu.memory_space<hbm>>
          tpu.enqueue_indirect_dma source(%dma_start3A_151 : memref<10000x128xf32, #tpu.memory_space<hbm>>) target(%arg9 : memref<128x128xf32, #tpu.memory_space<vmem>>) offsets(%dma_start3A_148 : memref<128xi32, #tpu.memory_space<vmem>>) semaphore(%arg12 : memref<!tpu.dma_semaphore, #tpu.memory_space<semaphore_mem>>)
        } else {
        }
      }
      %scan3A_38 = arith.constant 24 : i32
      %dma_wait3A = arith.constant 0 : i32
      %dma_wait3A_39 = arith.constant 0 : i32
      %dma_wait3A_40 = tpu.memref_slice %arg8[%dma_wait3A, %dma_wait3A_39] : memref<48x128xi32, #tpu.memory_space<vmem>> -> memref<1x128xi32, #tpu.memory_space<vmem>>
      %dma_wait3A_41 = tpu.memref_squeeze %dma_wait3A_40 : memref<1x128xi32, #tpu.memory_space<vmem>> -> memref<128xi32, #tpu.memory_space<vmem>>
      %dma_wait3A_42 = arith.constant 0 : i32
      %dma_wait3A_43 = arith.constant 0 : i32
      %dma_wait3A_44 = tpu.memref_slice %arg11[%dma_wait3A_42, %dma_wait3A_43] : memref<10008x128xf32, #tpu.memory_space<vmem_shared>> -> memref<10008x128xf32, #tpu.memory_space<vmem_shared>>
      tpu.wait_indirect_dma semaphore(%arg15 : memref<!tpu.dma_semaphore, #tpu.memory_space<semaphore_mem>>) src(%arg10 : memref<128x128xf32, #tpu.memory_space<vmem>>) dst(%dma_wait3A_44 : memref<10008x128xf32, #tpu.memory_space<vmem_shared>>)
      %add3A_45 = arith.constant 48 : i32
      %add3A_46 = arith.addi %mul3A_27, %add3A_45 : i32
      "tpu.region"() ({
        %run_scoped3A = tpu.sem_alloc : memref<!tpu.dma_semaphore, #tpu.memory_space<semaphore_mem>>
        %dma_start3A_87 = arith.constant 0 : i32
        %dma_start3A_88 = arith.constant 0 : i32
        %dma_start3A_89 = tpu.memref_slice %arg7[%dma_start3A_87, %dma_start3A_88] : memref<48x128xi32, #tpu.memory_space<vmem>> -> memref<48x128xi32, #tpu.memory_space<vmem>>
        %dma_start3A_90 = arith.constant 0 : i32
        %dma_start3A_91 = tpu.memref_slice %arg3[%add3A_46, %dma_start3A_90] : memref<2560x128xi32, #tpu.memory_space<hbm>> -> memref<48x128xi32, #tpu.memory_space<hbm>>
        %dma_start3A_92 = arith.constant 0 : i32
        %dma_start3A_93 = arith.constant 0 : i32
        %dma_start3A_94 = tpu.memref_slice %arg7[%dma_start3A_92, %dma_start3A_93] : memref<48x128xi32, #tpu.memory_space<vmem>> -> memref<48x128xi32, #tpu.memory_space<vmem>>
        %dma_start3A_95 = arith.constant 0 : i32
        %dma_start3A_96 = tpu.memref_slice %arg3[%add3A_46, %dma_start3A_95] : memref<2560x128xi32, #tpu.memory_space<hbm>> -> memref<48x128xi32, #tpu.memory_space<hbm>>
        tpu.enqueue_dma source(%dma_start3A_96 : memref<48x128xi32, #tpu.memory_space<hbm>>) target(%dma_start3A_94 : memref<48x128xi32, #tpu.memory_space<vmem>>) target_semaphore(%run_scoped3A : memref<!tpu.dma_semaphore, #tpu.memory_space<semaphore_mem>>)
        %dma_wait3A_97 = arith.constant 0 : i32
        %dma_wait3A_98 = arith.constant 0 : i32
        %dma_wait3A_99 = tpu.memref_slice %arg7[%dma_wait3A_97, %dma_wait3A_98] : memref<48x128xi32, #tpu.memory_space<vmem>> -> memref<48x128xi32, #tpu.memory_space<vmem>>
        %dma_wait3A_100 = arith.constant 0 : i32
        %dma_wait3A_101 = tpu.memref_slice %arg3[%add3A_46, %dma_wait3A_100] : memref<2560x128xi32, #tpu.memory_space<hbm>> -> memref<48x128xi32, #tpu.memory_space<hbm>>
        %dma_wait3A_102 = arith.constant 0 : i32
        %dma_wait3A_103 = arith.constant 0 : i32
        %dma_wait3A_104 = tpu.memref_slice %arg7[%dma_wait3A_102, %dma_wait3A_103] : memref<48x128xi32, #tpu.memory_space<vmem>> -> memref<48x128xi32, #tpu.memory_space<vmem>>
        %dma_wait3A_105 = arith.constant 0 : i32
        %dma_wait3A_106 = tpu.memref_slice %arg3[%add3A_46, %dma_wait3A_105] : memref<2560x128xi32, #tpu.memory_space<hbm>> -> memref<48x128xi32, #tpu.memory_space<hbm>>
        tpu.wait_dma2 semaphore(%run_scoped3A : memref<!tpu.dma_semaphore, #tpu.memory_space<semaphore_mem>>) src(%dma_wait3A_106 : memref<48x128xi32, #tpu.memory_space<hbm>>) dst(%dma_wait3A_104 : memref<48x128xi32, #tpu.memory_space<vmem>>)
        tpu.yield
      }) : () -> ()
      "tpu.region"() ({
        %run_scoped3A = tpu.sem_alloc : memref<!tpu.dma_semaphore, #tpu.memory_space<semaphore_mem>>
        %dma_start3A_87 = arith.constant 0 : i32
        %dma_start3A_88 = arith.constant 0 : i32
        %dma_start3A_89 = tpu.memref_slice %arg8[%dma_start3A_87, %dma_start3A_88] : memref<48x128xi32, #tpu.memory_space<vmem>> -> memref<48x128xi32, #tpu.memory_space<vmem>>
        %dma_start3A_90 = arith.constant 0 : i32
        %dma_start3A_91 = tpu.memref_slice %arg4[%add3A_46, %dma_start3A_90] : memref<2560x128xi32, #tpu.memory_space<hbm>> -> memref<48x128xi32, #tpu.memory_space<hbm>>
        %dma_start3A_92 = arith.constant 0 : i32
        %dma_start3A_93 = arith.constant 0 : i32
        %dma_start3A_94 = tpu.memref_slice %arg8[%dma_start3A_92, %dma_start3A_93] : memref<48x128xi32, #tpu.memory_space<vmem>> -> memref<48x128xi32, #tpu.memory_space<vmem>>
        %dma_start3A_95 = arith.constant 0 : i32
        %dma_start3A_96 = tpu.memref_slice %arg4[%add3A_46, %dma_start3A_95] : memref<2560x128xi32, #tpu.memory_space<hbm>> -> memref<48x128xi32, #tpu.memory_space<hbm>>
        tpu.enqueue_dma source(%dma_start3A_96 : memref<48x128xi32, #tpu.memory_space<hbm>>) target(%dma_start3A_94 : memref<48x128xi32, #tpu.memory_space<vmem>>) target_semaphore(%run_scoped3A : memref<!tpu.dma_semaphore, #tpu.memory_space<semaphore_mem>>)
        %dma_wait3A_97 = arith.constant 0 : i32
        %dma_wait3A_98 = arith.constant 0 : i32
        %dma_wait3A_99 = tpu.memref_slice %arg8[%dma_wait3A_97, %dma_wait3A_98] : memref<48x128xi32, #tpu.memory_space<vmem>> -> memref<48x128xi32, #tpu.memory_space<vmem>>
        %dma_wait3A_100 = arith.constant 0 : i32
        %dma_wait3A_101 = tpu.memref_slice %arg4[%add3A_46, %dma_wait3A_100] : memref<2560x128xi32, #tpu.memory_space<hbm>> -> memref<48x128xi32, #tpu.memory_space<hbm>>
        %dma_wait3A_102 = arith.constant 0 : i32
        %dma_wait3A_103 = arith.constant 0 : i32
        %dma_wait3A_104 = tpu.memref_slice %arg8[%dma_wait3A_102, %dma_wait3A_103] : memref<48x128xi32, #tpu.memory_space<vmem>> -> memref<48x128xi32, #tpu.memory_space<vmem>>
        %dma_wait3A_105 = arith.constant 0 : i32
        %dma_wait3A_106 = tpu.memref_slice %arg4[%add3A_46, %dma_wait3A_105] : memref<2560x128xi32, #tpu.memory_space<hbm>> -> memref<48x128xi32, #tpu.memory_space<hbm>>
        tpu.wait_dma2 semaphore(%run_scoped3A : memref<!tpu.dma_semaphore, #tpu.memory_space<semaphore_mem>>) src(%dma_wait3A_106 : memref<48x128xi32, #tpu.memory_space<hbm>>) dst(%dma_wait3A_104 : memref<48x128xi32, #tpu.memory_space<vmem>>)
        tpu.yield
      }) : () -> ()
      %dma_start3A_47 = arith.constant 0 : i32
      %dma_start3A_48 = arith.constant 0 : i32
      %dma_start3A_49 = tpu.memref_slice %arg7[%dma_start3A_47, %dma_start3A_48] : memref<48x128xi32, #tpu.memory_space<vmem>> -> memref<1x128xi32, #tpu.memory_space<vmem>>
      %dma_start3A_50 = tpu.memref_squeeze %dma_start3A_49 : memref<1x128xi32, #tpu.memory_space<vmem>> -> memref<128xi32, #tpu.memory_space<vmem>>
      %dma_start3A_51 = arith.constant 0 : i32
      %dma_start3A_52 = arith.constant 0 : i32
      %dma_start3A_53 = tpu.memref_slice %arg2[%dma_start3A_51, %dma_start3A_52] : memref<10000x128xf32, #tpu.memory_space<hbm>> -> memref<10000x128xf32, #tpu.memory_space<hbm>>
      tpu.enqueue_indirect_dma source(%dma_start3A_53 : memref<10000x128xf32, #tpu.memory_space<hbm>>) target(%arg9 : memref<128x128xf32, #tpu.memory_space<vmem>>) offsets(%dma_start3A_50 : memref<128xi32, #tpu.memory_space<vmem>>) semaphore(%arg12 : memref<!tpu.dma_semaphore, #tpu.memory_space<semaphore_mem>>)
      %scan3A_54 = arith.constant 0 : i32
      %scan3A_55 = arith.constant 24 : i32
      %scan3A_56 = arith.addi %scan3A_54, %scan3A_55 : i32
      %scan3A_57 = arith.constant 1 : i32
      scf.for %scan3A_87 = %scan3A_54 to %scan3A_56 step %scan3A_57  : i32 {
        %mul3A_88 = arith.constant 1 : i32
        %mul3A_89 = arith.muli %scan3A_87, %mul3A_88 : i32
        %add3A_90 = arith.constant 0 : i32
        %add3A_91 = arith.addi %add3A_90, %mul3A_89 : i32
        %mul3A_92 = arith.constant 2 : i32
        %mul3A_93 = arith.muli %add3A_91, %mul3A_92 : i32
        %add3A_94 = arith.constant 0 : i32
        %add3A_95 = arith.addi %mul3A_93, %add3A_94 : i32
        %dma_wait3A_96 = arith.constant 0 : i32
        %dma_wait3A_97 = arith.constant 0 : i32
        %dma_wait3A_98 = tpu.memref_slice %arg7[%dma_wait3A_96, %dma_wait3A_97] : memref<48x128xi32, #tpu.memory_space<vmem>> -> memref<1x128xi32, #tpu.memory_space<vmem>>
        %dma_wait3A_99 = tpu.memref_squeeze %dma_wait3A_98 : memref<1x128xi32, #tpu.memory_space<vmem>> -> memref<128xi32, #tpu.memory_space<vmem>>
        %dma_wait3A_100 = arith.constant 0 : i32
        %dma_wait3A_101 = arith.constant 0 : i32
        %dma_wait3A_102 = tpu.memref_slice %arg2[%dma_wait3A_100, %dma_wait3A_101] : memref<10000x128xf32, #tpu.memory_space<hbm>> -> memref<10000x128xf32, #tpu.memory_space<hbm>>
        tpu.wait_indirect_dma semaphore(%arg12 : memref<!tpu.dma_semaphore, #tpu.memory_space<semaphore_mem>>) src(%dma_wait3A_102 : memref<10000x128xf32, #tpu.memory_space<hbm>>) dst(%arg9 : memref<128x128xf32, #tpu.memory_space<vmem>>)
        %dma_start3A_103 = arith.constant 0 : i32
        %dma_start3A_104 = tpu.memref_slice %arg8[%add3A_95, %dma_start3A_103] : memref<48x128xi32, #tpu.memory_space<vmem>> -> memref<1x128xi32, #tpu.memory_space<vmem>>
        %dma_start3A_105 = tpu.memref_squeeze %dma_start3A_104 : memref<1x128xi32, #tpu.memory_space<vmem>> -> memref<128xi32, #tpu.memory_space<vmem>>
        %dma_start3A_106 = arith.constant 0 : i32
        %dma_start3A_107 = arith.constant 0 : i32
        %dma_start3A_108 = tpu.memref_slice %arg11[%dma_start3A_106, %dma_start3A_107] : memref<10008x128xf32, #tpu.memory_space<vmem_shared>> -> memref<10008x128xf32, #tpu.memory_space<vmem_shared>>
        tpu.enqueue_indirect_dma source(%arg9 : memref<128x128xf32, #tpu.memory_space<vmem>>) target(%dma_start3A_108 : memref<10008x128xf32, #tpu.memory_space<vmem_shared>>) offsets(%dma_start3A_105 : memref<128xi32, #tpu.memory_space<vmem>>) semaphore(%arg14 : memref<!tpu.dma_semaphore, #tpu.memory_space<semaphore_mem>>) {add = true}
        %add3A_109 = arith.constant 1 : i32
        %add3A_110 = arith.addi %add3A_95, %add3A_109 : i32
        %lt3A_111 = arith.constant 48 : i32
        %lt3A_112 = arith.cmpi slt, %add3A_110, %lt3A_111 : i32
        %convert_element_type3A_113 = arith.extui %lt3A_112 : i1 to i32
        %cond3A_114 = arith.constant 0 : i32
        %cond3A_115 = arith.cmpi ne, %convert_element_type3A_113, %cond3A_114 : i32
        scf.if %cond3A_115 {
          %ge3A = arith.constant 1 : i32
          %ge3A_140 = arith.cmpi sge, %add3A_95, %ge3A : i32
          %convert_element_type3A_141 = arith.extui %ge3A_140 : i1 to i32
          %cond3A_142 = arith.constant 0 : i32
          %cond3A_143 = arith.cmpi ne, %convert_element_type3A_141, %cond3A_142 : i32
          scf.if %cond3A_143 {
            %dma_wait3A_152 = arith.constant 0 : i32
            %dma_wait3A_153 = arith.constant 0 : i32
            %dma_wait3A_154 = tpu.memref_slice %arg8[%dma_wait3A_152, %dma_wait3A_153] : memref<48x128xi32, #tpu.memory_space<vmem>> -> memref<1x128xi32, #tpu.memory_space<vmem>>
            %dma_wait3A_155 = tpu.memref_squeeze %dma_wait3A_154 : memref<1x128xi32, #tpu.memory_space<vmem>> -> memref<128xi32, #tpu.memory_space<vmem>>
            %dma_wait3A_156 = arith.constant 0 : i32
            %dma_wait3A_157 = arith.constant 0 : i32
            %dma_wait3A_158 = tpu.memref_slice %arg11[%dma_wait3A_156, %dma_wait3A_157] : memref<10008x128xf32, #tpu.memory_space<vmem_shared>> -> memref<10008x128xf32, #tpu.memory_space<vmem_shared>>
            tpu.wait_indirect_dma semaphore(%arg15 : memref<!tpu.dma_semaphore, #tpu.memory_space<semaphore_mem>>) src(%arg10 : memref<128x128xf32, #tpu.memory_space<vmem>>) dst(%dma_wait3A_158 : memref<10008x128xf32, #tpu.memory_space<vmem_shared>>)
          } else {
          }
          %add3A_144 = arith.constant 1 : i32
          %add3A_145 = arith.addi %add3A_95, %add3A_144 : i32
          %dma_start3A_146 = arith.constant 0 : i32
          %dma_start3A_147 = tpu.memref_slice %arg7[%add3A_145, %dma_start3A_146] : memref<48x128xi32, #tpu.memory_space<vmem>> -> memref<1x128xi32, #tpu.memory_space<vmem>>
          %dma_start3A_148 = tpu.memref_squeeze %dma_start3A_147 : memref<1x128xi32, #tpu.memory_space<vmem>> -> memref<128xi32, #tpu.memory_space<vmem>>
          %dma_start3A_149 = arith.constant 0 : i32
          %dma_start3A_150 = arith.constant 0 : i32
          %dma_start3A_151 = tpu.memref_slice %arg2[%dma_start3A_149, %dma_start3A_150] : memref<10000x128xf32, #tpu.memory_space<hbm>> -> memref<10000x128xf32, #tpu.memory_space<hbm>>
          tpu.enqueue_indirect_dma source(%dma_start3A_151 : memref<10000x128xf32, #tpu.memory_space<hbm>>) target(%arg10 : memref<128x128xf32, #tpu.memory_space<vmem>>) offsets(%dma_start3A_148 : memref<128xi32, #tpu.memory_space<vmem>>) semaphore(%arg13 : memref<!tpu.dma_semaphore, #tpu.memory_space<semaphore_mem>>)
        } else {
        }
        %mul3A_116 = arith.constant 2 : i32
        %mul3A_117 = arith.muli %add3A_91, %mul3A_116 : i32
        %add3A_118 = arith.constant 1 : i32
        %add3A_119 = arith.addi %mul3A_117, %add3A_118 : i32
        %dma_wait3A_120 = arith.constant 0 : i32
        %dma_wait3A_121 = arith.constant 0 : i32
        %dma_wait3A_122 = tpu.memref_slice %arg7[%dma_wait3A_120, %dma_wait3A_121] : memref<48x128xi32, #tpu.memory_space<vmem>> -> memref<1x128xi32, #tpu.memory_space<vmem>>
        %dma_wait3A_123 = tpu.memref_squeeze %dma_wait3A_122 : memref<1x128xi32, #tpu.memory_space<vmem>> -> memref<128xi32, #tpu.memory_space<vmem>>
        %dma_wait3A_124 = arith.constant 0 : i32
        %dma_wait3A_125 = arith.constant 0 : i32
        %dma_wait3A_126 = tpu.memref_slice %arg2[%dma_wait3A_124, %dma_wait3A_125] : memref<10000x128xf32, #tpu.memory_space<hbm>> -> memref<10000x128xf32, #tpu.memory_space<hbm>>
        tpu.wait_indirect_dma semaphore(%arg13 : memref<!tpu.dma_semaphore, #tpu.memory_space<semaphore_mem>>) src(%dma_wait3A_126 : memref<10000x128xf32, #tpu.memory_space<hbm>>) dst(%arg10 : memref<128x128xf32, #tpu.memory_space<vmem>>)
        %dma_start3A_127 = arith.constant 0 : i32
        %dma_start3A_128 = tpu.memref_slice %arg8[%add3A_119, %dma_start3A_127] : memref<48x128xi32, #tpu.memory_space<vmem>> -> memref<1x128xi32, #tpu.memory_space<vmem>>
        %dma_start3A_129 = tpu.memref_squeeze %dma_start3A_128 : memref<1x128xi32, #tpu.memory_space<vmem>> -> memref<128xi32, #tpu.memory_space<vmem>>
        %dma_start3A_130 = arith.constant 0 : i32
        %dma_start3A_131 = arith.constant 0 : i32
        %dma_start3A_132 = tpu.memref_slice %arg11[%dma_start3A_130, %dma_start3A_131] : memref<10008x128xf32, #tpu.memory_space<vmem_shared>> -> memref<10008x128xf32, #tpu.memory_space<vmem_shared>>
        tpu.enqueue_indirect_dma source(%arg10 : memref<128x128xf32, #tpu.memory_space<vmem>>) target(%dma_start3A_132 : memref<10008x128xf32, #tpu.memory_space<vmem_shared>>) offsets(%dma_start3A_129 : memref<128xi32, #tpu.memory_space<vmem>>) semaphore(%arg15 : memref<!tpu.dma_semaphore, #tpu.memory_space<semaphore_mem>>) {add = true}
        %add3A_133 = arith.constant 1 : i32
        %add3A_134 = arith.addi %add3A_119, %add3A_133 : i32
        %lt3A_135 = arith.constant 48 : i32
        %lt3A_136 = arith.cmpi slt, %add3A_134, %lt3A_135 : i32
        %convert_element_type3A_137 = arith.extui %lt3A_136 : i1 to i32
        %cond3A_138 = arith.constant 0 : i32
        %cond3A_139 = arith.cmpi ne, %convert_element_type3A_137, %cond3A_138 : i32
        scf.if %cond3A_139 {
          %ge3A = arith.constant 1 : i32
          %ge3A_140 = arith.cmpi sge, %add3A_119, %ge3A : i32
          %convert_element_type3A_141 = arith.extui %ge3A_140 : i1 to i32
          %cond3A_142 = arith.constant 0 : i32
          %cond3A_143 = arith.cmpi ne, %convert_element_type3A_141, %cond3A_142 : i32
          scf.if %cond3A_143 {
            %dma_wait3A_152 = arith.constant 0 : i32
            %dma_wait3A_153 = arith.constant 0 : i32
            %dma_wait3A_154 = tpu.memref_slice %arg8[%dma_wait3A_152, %dma_wait3A_153] : memref<48x128xi32, #tpu.memory_space<vmem>> -> memref<1x128xi32, #tpu.memory_space<vmem>>
            %dma_wait3A_155 = tpu.memref_squeeze %dma_wait3A_154 : memref<1x128xi32, #tpu.memory_space<vmem>> -> memref<128xi32, #tpu.memory_space<vmem>>
            %dma_wait3A_156 = arith.constant 0 : i32
            %dma_wait3A_157 = arith.constant 0 : i32
            %dma_wait3A_158 = tpu.memref_slice %arg11[%dma_wait3A_156, %dma_wait3A_157] : memref<10008x128xf32, #tpu.memory_space<vmem_shared>> -> memref<10008x128xf32, #tpu.memory_space<vmem_shared>>
            tpu.wait_indirect_dma semaphore(%arg14 : memref<!tpu.dma_semaphore, #tpu.memory_space<semaphore_mem>>) src(%arg9 : memref<128x128xf32, #tpu.memory_space<vmem>>) dst(%dma_wait3A_158 : memref<10008x128xf32, #tpu.memory_space<vmem_shared>>)
          } else {
          }
          %add3A_144 = arith.constant 1 : i32
          %add3A_145 = arith.addi %add3A_119, %add3A_144 : i32
          %dma_start3A_146 = arith.constant 0 : i32
          %dma_start3A_147 = tpu.memref_slice %arg7[%add3A_145, %dma_start3A_146] : memref<48x128xi32, #tpu.memory_space<vmem>> -> memref<1x128xi32, #tpu.memory_space<vmem>>
          %dma_start3A_148 = tpu.memref_squeeze %dma_start3A_147 : memref<1x128xi32, #tpu.memory_space<vmem>> -> memref<128xi32, #tpu.memory_space<vmem>>
          %dma_start3A_149 = arith.constant 0 : i32
          %dma_start3A_150 = arith.constant 0 : i32
          %dma_start3A_151 = tpu.memref_slice %arg2[%dma_start3A_149, %dma_start3A_150] : memref<10000x128xf32, #tpu.memory_space<hbm>> -> memref<10000x128xf32, #tpu.memory_space<hbm>>
          tpu.enqueue_indirect_dma source(%dma_start3A_151 : memref<10000x128xf32, #tpu.memory_space<hbm>>) target(%arg9 : memref<128x128xf32, #tpu.memory_space<vmem>>) offsets(%dma_start3A_148 : memref<128xi32, #tpu.memory_space<vmem>>) semaphore(%arg12 : memref<!tpu.dma_semaphore, #tpu.memory_space<semaphore_mem>>)
        } else {
        }
      }
      %scan3A_58 = arith.constant 24 : i32
      %dma_wait3A_59 = arith.constant 0 : i32
      %dma_wait3A_60 = arith.constant 0 : i32
      %dma_wait3A_61 = tpu.memref_slice %arg8[%dma_wait3A_59, %dma_wait3A_60] : memref<48x128xi32, #tpu.memory_space<vmem>> -> memref<1x128xi32, #tpu.memory_space<vmem>>
      %dma_wait3A_62 = tpu.memref_squeeze %dma_wait3A_61 : memref<1x128xi32, #tpu.memory_space<vmem>> -> memref<128xi32, #tpu.memory_space<vmem>>
      %dma_wait3A_63 = arith.constant 0 : i32
      %dma_wait3A_64 = arith.constant 0 : i32
      %dma_wait3A_65 = tpu.memref_slice %arg11[%dma_wait3A_63, %dma_wait3A_64] : memref<10008x128xf32, #tpu.memory_space<vmem_shared>> -> memref<10008x128xf32, #tpu.memory_space<vmem_shared>>
      tpu.wait_indirect_dma semaphore(%arg15 : memref<!tpu.dma_semaphore, #tpu.memory_space<semaphore_mem>>) src(%arg10 : memref<128x128xf32, #tpu.memory_space<vmem>>) dst(%dma_wait3A_65 : memref<10008x128xf32, #tpu.memory_space<vmem_shared>>)
      %add3A_66 = arith.constant 96 : i32
      %add3A_67 = arith.addi %mul3A_27, %add3A_66 : i32
      "tpu.region"() ({
        %run_scoped3A = tpu.sem_alloc : memref<!tpu.dma_semaphore, #tpu.memory_space<semaphore_mem>>
        %dma_start3A_87 = arith.constant 0 : i32
        %dma_start3A_88 = arith.constant 0 : i32
        %dma_start3A_89 = tpu.memref_slice %arg7[%dma_start3A_87, %dma_start3A_88] : memref<48x128xi32, #tpu.memory_space<vmem>> -> memref<48x128xi32, #tpu.memory_space<vmem>>
        %dma_start3A_90 = arith.constant 0 : i32
        %dma_start3A_91 = tpu.memref_slice %arg3[%add3A_67, %dma_start3A_90] : memref<2560x128xi32, #tpu.memory_space<hbm>> -> memref<48x128xi32, #tpu.memory_space<hbm>>
        %dma_start3A_92 = arith.constant 0 : i32
        %dma_start3A_93 = arith.constant 0 : i32
        %dma_start3A_94 = tpu.memref_slice %arg7[%dma_start3A_92, %dma_start3A_93] : memref<48x128xi32, #tpu.memory_space<vmem>> -> memref<48x128xi32, #tpu.memory_space<vmem>>
        %dma_start3A_95 = arith.constant 0 : i32
        %dma_start3A_96 = tpu.memref_slice %arg3[%add3A_67, %dma_start3A_95] : memref<2560x128xi32, #tpu.memory_space<hbm>> -> memref<48x128xi32, #tpu.memory_space<hbm>>
        tpu.enqueue_dma source(%dma_start3A_96 : memref<48x128xi32, #tpu.memory_space<hbm>>) target(%dma_start3A_94 : memref<48x128xi32, #tpu.memory_space<vmem>>) target_semaphore(%run_scoped3A : memref<!tpu.dma_semaphore, #tpu.memory_space<semaphore_mem>>)
        %dma_wait3A_97 = arith.constant 0 : i32
        %dma_wait3A_98 = arith.constant 0 : i32
        %dma_wait3A_99 = tpu.memref_slice %arg7[%dma_wait3A_97, %dma_wait3A_98] : memref<48x128xi32, #tpu.memory_space<vmem>> -> memref<48x128xi32, #tpu.memory_space<vmem>>
        %dma_wait3A_100 = arith.constant 0 : i32
        %dma_wait3A_101 = tpu.memref_slice %arg3[%add3A_67, %dma_wait3A_100] : memref<2560x128xi32, #tpu.memory_space<hbm>> -> memref<48x128xi32, #tpu.memory_space<hbm>>
        %dma_wait3A_102 = arith.constant 0 : i32
        %dma_wait3A_103 = arith.constant 0 : i32
        %dma_wait3A_104 = tpu.memref_slice %arg7[%dma_wait3A_102, %dma_wait3A_103] : memref<48x128xi32, #tpu.memory_space<vmem>> -> memref<48x128xi32, #tpu.memory_space<vmem>>
        %dma_wait3A_105 = arith.constant 0 : i32
        %dma_wait3A_106 = tpu.memref_slice %arg3[%add3A_67, %dma_wait3A_105] : memref<2560x128xi32, #tpu.memory_space<hbm>> -> memref<48x128xi32, #tpu.memory_space<hbm>>
        tpu.wait_dma2 semaphore(%run_scoped3A : memref<!tpu.dma_semaphore, #tpu.memory_space<semaphore_mem>>) src(%dma_wait3A_106 : memref<48x128xi32, #tpu.memory_space<hbm>>) dst(%dma_wait3A_104 : memref<48x128xi32, #tpu.memory_space<vmem>>)
        tpu.yield
      }) : () -> ()
      "tpu.region"() ({
        %run_scoped3A = tpu.sem_alloc : memref<!tpu.dma_semaphore, #tpu.memory_space<semaphore_mem>>
        %dma_start3A_87 = arith.constant 0 : i32
        %dma_start3A_88 = arith.constant 0 : i32
        %dma_start3A_89 = tpu.memref_slice %arg8[%dma_start3A_87, %dma_start3A_88] : memref<48x128xi32, #tpu.memory_space<vmem>> -> memref<48x128xi32, #tpu.memory_space<vmem>>
        %dma_start3A_90 = arith.constant 0 : i32
        %dma_start3A_91 = tpu.memref_slice %arg4[%add3A_67, %dma_start3A_90] : memref<2560x128xi32, #tpu.memory_space<hbm>> -> memref<48x128xi32, #tpu.memory_space<hbm>>
        %dma_start3A_92 = arith.constant 0 : i32
        %dma_start3A_93 = arith.constant 0 : i32
        %dma_start3A_94 = tpu.memref_slice %arg8[%dma_start3A_92, %dma_start3A_93] : memref<48x128xi32, #tpu.memory_space<vmem>> -> memref<48x128xi32, #tpu.memory_space<vmem>>
        %dma_start3A_95 = arith.constant 0 : i32
        %dma_start3A_96 = tpu.memref_slice %arg4[%add3A_67, %dma_start3A_95] : memref<2560x128xi32, #tpu.memory_space<hbm>> -> memref<48x128xi32, #tpu.memory_space<hbm>>
        tpu.enqueue_dma source(%dma_start3A_96 : memref<48x128xi32, #tpu.memory_space<hbm>>) target(%dma_start3A_94 : memref<48x128xi32, #tpu.memory_space<vmem>>) target_semaphore(%run_scoped3A : memref<!tpu.dma_semaphore, #tpu.memory_space<semaphore_mem>>)
        %dma_wait3A_97 = arith.constant 0 : i32
        %dma_wait3A_98 = arith.constant 0 : i32
        %dma_wait3A_99 = tpu.memref_slice %arg8[%dma_wait3A_97, %dma_wait3A_98] : memref<48x128xi32, #tpu.memory_space<vmem>> -> memref<48x128xi32, #tpu.memory_space<vmem>>
        %dma_wait3A_100 = arith.constant 0 : i32
        %dma_wait3A_101 = tpu.memref_slice %arg4[%add3A_67, %dma_wait3A_100] : memref<2560x128xi32, #tpu.memory_space<hbm>> -> memref<48x128xi32, #tpu.memory_space<hbm>>
        %dma_wait3A_102 = arith.constant 0 : i32
        %dma_wait3A_103 = arith.constant 0 : i32
        %dma_wait3A_104 = tpu.memref_slice %arg8[%dma_wait3A_102, %dma_wait3A_103] : memref<48x128xi32, #tpu.memory_space<vmem>> -> memref<48x128xi32, #tpu.memory_space<vmem>>
        %dma_wait3A_105 = arith.constant 0 : i32
        %dma_wait3A_106 = tpu.memref_slice %arg4[%add3A_67, %dma_wait3A_105] : memref<2560x128xi32, #tpu.memory_space<hbm>> -> memref<48x128xi32, #tpu.memory_space<hbm>>
        tpu.wait_dma2 semaphore(%run_scoped3A : memref<!tpu.dma_semaphore, #tpu.memory_space<semaphore_mem>>) src(%dma_wait3A_106 : memref<48x128xi32, #tpu.memory_space<hbm>>) dst(%dma_wait3A_104 : memref<48x128xi32, #tpu.memory_space<vmem>>)
        tpu.yield
      }) : () -> ()
      %dma_start3A_68 = arith.constant 0 : i32
      %dma_start3A_69 = arith.constant 0 : i32
      %dma_start3A_70 = tpu.memref_slice %arg7[%dma_start3A_68, %dma_start3A_69] : memref<48x128xi32, #tpu.memory_space<vmem>> -> memref<1x128xi32, #tpu.memory_space<vmem>>
      %dma_start3A_71 = tpu.memref_squeeze %dma_start3A_70 : memref<1x128xi32, #tpu.memory_space<vmem>> -> memref<128xi32, #tpu.memory_space<vmem>>
      %dma_start3A_72 = arith.constant 0 : i32
      %dma_start3A_73 = arith.constant 0 : i32
      %dma_start3A_74 = tpu.memref_slice %arg2[%dma_start3A_72, %dma_start3A_73] : memref<10000x128xf32, #tpu.memory_space<hbm>> -> memref<10000x128xf32, #tpu.memory_space<hbm>>
      tpu.enqueue_indirect_dma source(%dma_start3A_74 : memref<10000x128xf32, #tpu.memory_space<hbm>>) target(%arg9 : memref<128x128xf32, #tpu.memory_space<vmem>>) offsets(%dma_start3A_71 : memref<128xi32, #tpu.memory_space<vmem>>) semaphore(%arg12 : memref<!tpu.dma_semaphore, #tpu.memory_space<semaphore_mem>>)
      %scan3A_75 = arith.constant 0 : i32
      %scan3A_76 = arith.constant 24 : i32
      %scan3A_77 = arith.addi %scan3A_75, %scan3A_76 : i32
      %scan3A_78 = arith.constant 1 : i32
      scf.for %scan3A_87 = %scan3A_75 to %scan3A_77 step %scan3A_78  : i32 {
        %mul3A_88 = arith.constant 1 : i32
        %mul3A_89 = arith.muli %scan3A_87, %mul3A_88 : i32
        %add3A_90 = arith.constant 0 : i32
        %add3A_91 = arith.addi %add3A_90, %mul3A_89 : i32
        %mul3A_92 = arith.constant 2 : i32
        %mul3A_93 = arith.muli %add3A_91, %mul3A_92 : i32
        %add3A_94 = arith.constant 0 : i32
        %add3A_95 = arith.addi %mul3A_93, %add3A_94 : i32
        %dma_wait3A_96 = arith.constant 0 : i32
        %dma_wait3A_97 = arith.constant 0 : i32
        %dma_wait3A_98 = tpu.memref_slice %arg7[%dma_wait3A_96, %dma_wait3A_97] : memref<48x128xi32, #tpu.memory_space<vmem>> -> memref<1x128xi32, #tpu.memory_space<vmem>>
        %dma_wait3A_99 = tpu.memref_squeeze %dma_wait3A_98 : memref<1x128xi32, #tpu.memory_space<vmem>> -> memref<128xi32, #tpu.memory_space<vmem>>
        %dma_wait3A_100 = arith.constant 0 : i32
        %dma_wait3A_101 = arith.constant 0 : i32
        %dma_wait3A_102 = tpu.memref_slice %arg2[%dma_wait3A_100, %dma_wait3A_101] : memref<10000x128xf32, #tpu.memory_space<hbm>> -> memref<10000x128xf32, #tpu.memory_space<hbm>>
        tpu.wait_indirect_dma semaphore(%arg12 : memref<!tpu.dma_semaphore, #tpu.memory_space<semaphore_mem>>) src(%dma_wait3A_102 : memref<10000x128xf32, #tpu.memory_space<hbm>>) dst(%arg9 : memref<128x128xf32, #tpu.memory_space<vmem>>)
        %dma_start3A_103 = arith.constant 0 : i32
        %dma_start3A_104 = tpu.memref_slice %arg8[%add3A_95, %dma_start3A_103] : memref<48x128xi32, #tpu.memory_space<vmem>> -> memref<1x128xi32, #tpu.memory_space<vmem>>
        %dma_start3A_105 = tpu.memref_squeeze %dma_start3A_104 : memref<1x128xi32, #tpu.memory_space<vmem>> -> memref<128xi32, #tpu.memory_space<vmem>>
        %dma_start3A_106 = arith.constant 0 : i32
        %dma_start3A_107 = arith.constant 0 : i32
        %dma_start3A_108 = tpu.memref_slice %arg11[%dma_start3A_106, %dma_start3A_107] : memref<10008x128xf32, #tpu.memory_space<vmem_shared>> -> memref<10008x128xf32, #tpu.memory_space<vmem_shared>>
        tpu.enqueue_indirect_dma source(%arg9 : memref<128x128xf32, #tpu.memory_space<vmem>>) target(%dma_start3A_108 : memref<10008x128xf32, #tpu.memory_space<vmem_shared>>) offsets(%dma_start3A_105 : memref<128xi32, #tpu.memory_space<vmem>>) semaphore(%arg14 : memref<!tpu.dma_semaphore, #tpu.memory_space<semaphore_mem>>) {add = true}
        %add3A_109 = arith.constant 1 : i32
        %add3A_110 = arith.addi %add3A_95, %add3A_109 : i32
        %lt3A_111 = arith.constant 48 : i32
        %lt3A_112 = arith.cmpi slt, %add3A_110, %lt3A_111 : i32
        %convert_element_type3A_113 = arith.extui %lt3A_112 : i1 to i32
        %cond3A_114 = arith.constant 0 : i32
        %cond3A_115 = arith.cmpi ne, %convert_element_type3A_113, %cond3A_114 : i32
        scf.if %cond3A_115 {
          %ge3A = arith.constant 1 : i32
          %ge3A_140 = arith.cmpi sge, %add3A_95, %ge3A : i32
          %convert_element_type3A_141 = arith.extui %ge3A_140 : i1 to i32
          %cond3A_142 = arith.constant 0 : i32
          %cond3A_143 = arith.cmpi ne, %convert_element_type3A_141, %cond3A_142 : i32
          scf.if %cond3A_143 {
            %dma_wait3A_152 = arith.constant 0 : i32
            %dma_wait3A_153 = arith.constant 0 : i32
            %dma_wait3A_154 = tpu.memref_slice %arg8[%dma_wait3A_152, %dma_wait3A_153] : memref<48x128xi32, #tpu.memory_space<vmem>> -> memref<1x128xi32, #tpu.memory_space<vmem>>
            %dma_wait3A_155 = tpu.memref_squeeze %dma_wait3A_154 : memref<1x128xi32, #tpu.memory_space<vmem>> -> memref<128xi32, #tpu.memory_space<vmem>>
            %dma_wait3A_156 = arith.constant 0 : i32
            %dma_wait3A_157 = arith.constant 0 : i32
            %dma_wait3A_158 = tpu.memref_slice %arg11[%dma_wait3A_156, %dma_wait3A_157] : memref<10008x128xf32, #tpu.memory_space<vmem_shared>> -> memref<10008x128xf32, #tpu.memory_space<vmem_shared>>
            tpu.wait_indirect_dma semaphore(%arg15 : memref<!tpu.dma_semaphore, #tpu.memory_space<semaphore_mem>>) src(%arg10 : memref<128x128xf32, #tpu.memory_space<vmem>>) dst(%dma_wait3A_158 : memref<10008x128xf32, #tpu.memory_space<vmem_shared>>)
          } else {
          }
          %add3A_144 = arith.constant 1 : i32
          %add3A_145 = arith.addi %add3A_95, %add3A_144 : i32
          %dma_start3A_146 = arith.constant 0 : i32
          %dma_start3A_147 = tpu.memref_slice %arg7[%add3A_145, %dma_start3A_146] : memref<48x128xi32, #tpu.memory_space<vmem>> -> memref<1x128xi32, #tpu.memory_space<vmem>>
          %dma_start3A_148 = tpu.memref_squeeze %dma_start3A_147 : memref<1x128xi32, #tpu.memory_space<vmem>> -> memref<128xi32, #tpu.memory_space<vmem>>
          %dma_start3A_149 = arith.constant 0 : i32
          %dma_start3A_150 = arith.constant 0 : i32
          %dma_start3A_151 = tpu.memref_slice %arg2[%dma_start3A_149, %dma_start3A_150] : memref<10000x128xf32, #tpu.memory_space<hbm>> -> memref<10000x128xf32, #tpu.memory_space<hbm>>
          tpu.enqueue_indirect_dma source(%dma_start3A_151 : memref<10000x128xf32, #tpu.memory_space<hbm>>) target(%arg10 : memref<128x128xf32, #tpu.memory_space<vmem>>) offsets(%dma_start3A_148 : memref<128xi32, #tpu.memory_space<vmem>>) semaphore(%arg13 : memref<!tpu.dma_semaphore, #tpu.memory_space<semaphore_mem>>)
        } else {
        }
        %mul3A_116 = arith.constant 2 : i32
        %mul3A_117 = arith.muli %add3A_91, %mul3A_116 : i32
        %add3A_118 = arith.constant 1 : i32
        %add3A_119 = arith.addi %mul3A_117, %add3A_118 : i32
        %dma_wait3A_120 = arith.constant 0 : i32
        %dma_wait3A_121 = arith.constant 0 : i32
        %dma_wait3A_122 = tpu.memref_slice %arg7[%dma_wait3A_120, %dma_wait3A_121] : memref<48x128xi32, #tpu.memory_space<vmem>> -> memref<1x128xi32, #tpu.memory_space<vmem>>
        %dma_wait3A_123 = tpu.memref_squeeze %dma_wait3A_122 : memref<1x128xi32, #tpu.memory_space<vmem>> -> memref<128xi32, #tpu.memory_space<vmem>>
        %dma_wait3A_124 = arith.constant 0 : i32
        %dma_wait3A_125 = arith.constant 0 : i32
        %dma_wait3A_126 = tpu.memref_slice %arg2[%dma_wait3A_124, %dma_wait3A_125] : memref<10000x128xf32, #tpu.memory_space<hbm>> -> memref<10000x128xf32, #tpu.memory_space<hbm>>
        tpu.wait_indirect_dma semaphore(%arg13 : memref<!tpu.dma_semaphore, #tpu.memory_space<semaphore_mem>>) src(%dma_wait3A_126 : memref<10000x128xf32, #tpu.memory_space<hbm>>) dst(%arg10 : memref<128x128xf32, #tpu.memory_space<vmem>>)
        %dma_start3A_127 = arith.constant 0 : i32
        %dma_start3A_128 = tpu.memref_slice %arg8[%add3A_119, %dma_start3A_127] : memref<48x128xi32, #tpu.memory_space<vmem>> -> memref<1x128xi32, #tpu.memory_space<vmem>>
        %dma_start3A_129 = tpu.memref_squeeze %dma_start3A_128 : memref<1x128xi32, #tpu.memory_space<vmem>> -> memref<128xi32, #tpu.memory_space<vmem>>
        %dma_start3A_130 = arith.constant 0 : i32
        %dma_start3A_131 = arith.constant 0 : i32
        %dma_start3A_132 = tpu.memref_slice %arg11[%dma_start3A_130, %dma_start3A_131] : memref<10008x128xf32, #tpu.memory_space<vmem_shared>> -> memref<10008x128xf32, #tpu.memory_space<vmem_shared>>
        tpu.enqueue_indirect_dma source(%arg10 : memref<128x128xf32, #tpu.memory_space<vmem>>) target(%dma_start3A_132 : memref<10008x128xf32, #tpu.memory_space<vmem_shared>>) offsets(%dma_start3A_129 : memref<128xi32, #tpu.memory_space<vmem>>) semaphore(%arg15 : memref<!tpu.dma_semaphore, #tpu.memory_space<semaphore_mem>>) {add = true}
        %add3A_133 = arith.constant 1 : i32
        %add3A_134 = arith.addi %add3A_119, %add3A_133 : i32
        %lt3A_135 = arith.constant 48 : i32
        %lt3A_136 = arith.cmpi slt, %add3A_134, %lt3A_135 : i32
        %convert_element_type3A_137 = arith.extui %lt3A_136 : i1 to i32
        %cond3A_138 = arith.constant 0 : i32
        %cond3A_139 = arith.cmpi ne, %convert_element_type3A_137, %cond3A_138 : i32
        scf.if %cond3A_139 {
          %ge3A = arith.constant 1 : i32
          %ge3A_140 = arith.cmpi sge, %add3A_119, %ge3A : i32
          %convert_element_type3A_141 = arith.extui %ge3A_140 : i1 to i32
          %cond3A_142 = arith.constant 0 : i32
          %cond3A_143 = arith.cmpi ne, %convert_element_type3A_141, %cond3A_142 : i32
          scf.if %cond3A_143 {
            %dma_wait3A_152 = arith.constant 0 : i32
            %dma_wait3A_153 = arith.constant 0 : i32
            %dma_wait3A_154 = tpu.memref_slice %arg8[%dma_wait3A_152, %dma_wait3A_153] : memref<48x128xi32, #tpu.memory_space<vmem>> -> memref<1x128xi32, #tpu.memory_space<vmem>>
            %dma_wait3A_155 = tpu.memref_squeeze %dma_wait3A_154 : memref<1x128xi32, #tpu.memory_space<vmem>> -> memref<128xi32, #tpu.memory_space<vmem>>
            %dma_wait3A_156 = arith.constant 0 : i32
            %dma_wait3A_157 = arith.constant 0 : i32
            %dma_wait3A_158 = tpu.memref_slice %arg11[%dma_wait3A_156, %dma_wait3A_157] : memref<10008x128xf32, #tpu.memory_space<vmem_shared>> -> memref<10008x128xf32, #tpu.memory_space<vmem_shared>>
            tpu.wait_indirect_dma semaphore(%arg14 : memref<!tpu.dma_semaphore, #tpu.memory_space<semaphore_mem>>) src(%arg9 : memref<128x128xf32, #tpu.memory_space<vmem>>) dst(%dma_wait3A_158 : memref<10008x128xf32, #tpu.memory_space<vmem_shared>>)
          } else {
          }
          %add3A_144 = arith.constant 1 : i32
          %add3A_145 = arith.addi %add3A_119, %add3A_144 : i32
          %dma_start3A_146 = arith.constant 0 : i32
          %dma_start3A_147 = tpu.memref_slice %arg7[%add3A_145, %dma_start3A_146] : memref<48x128xi32, #tpu.memory_space<vmem>> -> memref<1x128xi32, #tpu.memory_space<vmem>>
          %dma_start3A_148 = tpu.memref_squeeze %dma_start3A_147 : memref<1x128xi32, #tpu.memory_space<vmem>> -> memref<128xi32, #tpu.memory_space<vmem>>
          %dma_start3A_149 = arith.constant 0 : i32
          %dma_start3A_150 = arith.constant 0 : i32
          %dma_start3A_151 = tpu.memref_slice %arg2[%dma_start3A_149, %dma_start3A_150] : memref<10000x128xf32, #tpu.memory_space<hbm>> -> memref<10000x128xf32, #tpu.memory_space<hbm>>
          tpu.enqueue_indirect_dma source(%dma_start3A_151 : memref<10000x128xf32, #tpu.memory_space<hbm>>) target(%arg9 : memref<128x128xf32, #tpu.memory_space<vmem>>) offsets(%dma_start3A_148 : memref<128xi32, #tpu.memory_space<vmem>>) semaphore(%arg12 : memref<!tpu.dma_semaphore, #tpu.memory_space<semaphore_mem>>)
        } else {
        }
      }
      %scan3A_79 = arith.constant 24 : i32
      %dma_wait3A_80 = arith.constant 0 : i32
      %dma_wait3A_81 = arith.constant 0 : i32
      %dma_wait3A_82 = tpu.memref_slice %arg8[%dma_wait3A_80, %dma_wait3A_81] : memref<48x128xi32, #tpu.memory_space<vmem>> -> memref<1x128xi32, #tpu.memory_space<vmem>>
      %dma_wait3A_83 = tpu.memref_squeeze %dma_wait3A_82 : memref<1x128xi32, #tpu.memory_space<vmem>> -> memref<128xi32, #tpu.memory_space<vmem>>
      %dma_wait3A_84 = arith.constant 0 : i32
      %dma_wait3A_85 = arith.constant 0 : i32
      %dma_wait3A_86 = tpu.memref_slice %arg11[%dma_wait3A_84, %dma_wait3A_85] : memref<10008x128xf32, #tpu.memory_space<vmem_shared>> -> memref<10008x128xf32, #tpu.memory_space<vmem_shared>>
      tpu.wait_indirect_dma semaphore(%arg15 : memref<!tpu.dma_semaphore, #tpu.memory_space<semaphore_mem>>) src(%arg10 : memref<128x128xf32, #tpu.memory_space<vmem>>) dst(%dma_wait3A_86 : memref<10008x128xf32, #tpu.memory_space<vmem_shared>>)
    } else {
    }
    %eq3A_11 = arith.constant 1 : i32
    %eq3A_12 = arith.cmpi eq, %arg0, %eq3A_11 : i32
    %convert_element_type3A_13 = arith.extui %eq3A_12 : i1 to i32
    %cond3A_14 = arith.constant 0 : i32
    %cond3A_15 = arith.cmpi ne, %convert_element_type3A_13, %cond3A_14 : i32
    scf.if %cond3A_15 {
      %mul3A = arith.constant 16 : i32
      %mul3A_27 = arith.muli %arg1, %mul3A : i32
      %add3A = arith.constant 2304 : i32
      %add3A_28 = arith.addi %add3A, %mul3A_27 : i32
      %add3A_29 = arith.constant 0 : i32
      %add3A_30 = arith.addi %add3A_28, %add3A_29 : i32
      "tpu.region"() ({
        %run_scoped3A = tpu.sem_alloc : memref<!tpu.dma_semaphore, #tpu.memory_space<semaphore_mem>>
        %dma_start3A_47 = arith.constant 0 : i32
        %dma_start3A_48 = arith.constant 0 : i32
        %dma_start3A_49 = tpu.memref_slice %arg7[%dma_start3A_47, %dma_start3A_48] : memref<48x128xi32, #tpu.memory_space<vmem>> -> memref<16x128xi32, #tpu.memory_space<vmem>>
        %dma_start3A_50 = arith.constant 0 : i32
        %dma_start3A_51 = tpu.memref_slice %arg3[%add3A_30, %dma_start3A_50] : memref<2560x128xi32, #tpu.memory_space<hbm>> -> memref<16x128xi32, #tpu.memory_space<hbm>>
        %dma_start3A_52 = arith.constant 0 : i32
        %dma_start3A_53 = arith.constant 0 : i32
        %dma_start3A_54 = tpu.memref_slice %arg7[%dma_start3A_52, %dma_start3A_53] : memref<48x128xi32, #tpu.memory_space<vmem>> -> memref<16x128xi32, #tpu.memory_space<vmem>>
        %dma_start3A_55 = arith.constant 0 : i32
        %dma_start3A_56 = tpu.memref_slice %arg3[%add3A_30, %dma_start3A_55] : memref<2560x128xi32, #tpu.memory_space<hbm>> -> memref<16x128xi32, #tpu.memory_space<hbm>>
        tpu.enqueue_dma source(%dma_start3A_56 : memref<16x128xi32, #tpu.memory_space<hbm>>) target(%dma_start3A_54 : memref<16x128xi32, #tpu.memory_space<vmem>>) target_semaphore(%run_scoped3A : memref<!tpu.dma_semaphore, #tpu.memory_space<semaphore_mem>>)
        %dma_wait3A_57 = arith.constant 0 : i32
        %dma_wait3A_58 = arith.constant 0 : i32
        %dma_wait3A_59 = tpu.memref_slice %arg7[%dma_wait3A_57, %dma_wait3A_58] : memref<48x128xi32, #tpu.memory_space<vmem>> -> memref<16x128xi32, #tpu.memory_space<vmem>>
        %dma_wait3A_60 = arith.constant 0 : i32
        %dma_wait3A_61 = tpu.memref_slice %arg3[%add3A_30, %dma_wait3A_60] : memref<2560x128xi32, #tpu.memory_space<hbm>> -> memref<16x128xi32, #tpu.memory_space<hbm>>
        %dma_wait3A_62 = arith.constant 0 : i32
        %dma_wait3A_63 = arith.constant 0 : i32
        %dma_wait3A_64 = tpu.memref_slice %arg7[%dma_wait3A_62, %dma_wait3A_63] : memref<48x128xi32, #tpu.memory_space<vmem>> -> memref<16x128xi32, #tpu.memory_space<vmem>>
        %dma_wait3A_65 = arith.constant 0 : i32
        %dma_wait3A_66 = tpu.memref_slice %arg3[%add3A_30, %dma_wait3A_65] : memref<2560x128xi32, #tpu.memory_space<hbm>> -> memref<16x128xi32, #tpu.memory_space<hbm>>
        tpu.wait_dma2 semaphore(%run_scoped3A : memref<!tpu.dma_semaphore, #tpu.memory_space<semaphore_mem>>) src(%dma_wait3A_66 : memref<16x128xi32, #tpu.memory_space<hbm>>) dst(%dma_wait3A_64 : memref<16x128xi32, #tpu.memory_space<vmem>>)
        tpu.yield
      }) : () -> ()
      "tpu.region"() ({
        %run_scoped3A = tpu.sem_alloc : memref<!tpu.dma_semaphore, #tpu.memory_space<semaphore_mem>>
        %dma_start3A_47 = arith.constant 0 : i32
        %dma_start3A_48 = arith.constant 0 : i32
        %dma_start3A_49 = tpu.memref_slice %arg8[%dma_start3A_47, %dma_start3A_48] : memref<48x128xi32, #tpu.memory_space<vmem>> -> memref<16x128xi32, #tpu.memory_space<vmem>>
        %dma_start3A_50 = arith.constant 0 : i32
        %dma_start3A_51 = tpu.memref_slice %arg4[%add3A_30, %dma_start3A_50] : memref<2560x128xi32, #tpu.memory_space<hbm>> -> memref<16x128xi32, #tpu.memory_space<hbm>>
        %dma_start3A_52 = arith.constant 0 : i32
        %dma_start3A_53 = arith.constant 0 : i32
        %dma_start3A_54 = tpu.memref_slice %arg8[%dma_start3A_52, %dma_start3A_53] : memref<48x128xi32, #tpu.memory_space<vmem>> -> memref<16x128xi32, #tpu.memory_space<vmem>>
        %dma_start3A_55 = arith.constant 0 : i32
        %dma_start3A_56 = tpu.memref_slice %arg4[%add3A_30, %dma_start3A_55] : memref<2560x128xi32, #tpu.memory_space<hbm>> -> memref<16x128xi32, #tpu.memory_space<hbm>>
        tpu.enqueue_dma source(%dma_start3A_56 : memref<16x128xi32, #tpu.memory_space<hbm>>) target(%dma_start3A_54 : memref<16x128xi32, #tpu.memory_space<vmem>>) target_semaphore(%run_scoped3A : memref<!tpu.dma_semaphore, #tpu.memory_space<semaphore_mem>>)
        %dma_wait3A_57 = arith.constant 0 : i32
        %dma_wait3A_58 = arith.constant 0 : i32
        %dma_wait3A_59 = tpu.memref_slice %arg8[%dma_wait3A_57, %dma_wait3A_58] : memref<48x128xi32, #tpu.memory_space<vmem>> -> memref<16x128xi32, #tpu.memory_space<vmem>>
        %dma_wait3A_60 = arith.constant 0 : i32
        %dma_wait3A_61 = tpu.memref_slice %arg4[%add3A_30, %dma_wait3A_60] : memref<2560x128xi32, #tpu.memory_space<hbm>> -> memref<16x128xi32, #tpu.memory_space<hbm>>
        %dma_wait3A_62 = arith.constant 0 : i32
        %dma_wait3A_63 = arith.constant 0 : i32
        %dma_wait3A_64 = tpu.memref_slice %arg8[%dma_wait3A_62, %dma_wait3A_63] : memref<48x128xi32, #tpu.memory_space<vmem>> -> memref<16x128xi32, #tpu.memory_space<vmem>>
        %dma_wait3A_65 = arith.constant 0 : i32
        %dma_wait3A_66 = tpu.memref_slice %arg4[%add3A_30, %dma_wait3A_65] : memref<2560x128xi32, #tpu.memory_space<hbm>> -> memref<16x128xi32, #tpu.memory_space<hbm>>
        tpu.wait_dma2 semaphore(%run_scoped3A : memref<!tpu.dma_semaphore, #tpu.memory_space<semaphore_mem>>) src(%dma_wait3A_66 : memref<16x128xi32, #tpu.memory_space<hbm>>) dst(%dma_wait3A_64 : memref<16x128xi32, #tpu.memory_space<vmem>>)
        tpu.yield
      }) : () -> ()
      %dma_start3A = arith.constant 0 : i32
      %dma_start3A_31 = arith.constant 0 : i32
      %dma_start3A_32 = tpu.memref_slice %arg7[%dma_start3A, %dma_start3A_31] : memref<48x128xi32, #tpu.memory_space<vmem>> -> memref<1x128xi32, #tpu.memory_space<vmem>>
      %dma_start3A_33 = tpu.memref_squeeze %dma_start3A_32 : memref<1x128xi32, #tpu.memory_space<vmem>> -> memref<128xi32, #tpu.memory_space<vmem>>
      %dma_start3A_34 = arith.constant 0 : i32
      %dma_start3A_35 = arith.constant 0 : i32
      %dma_start3A_36 = tpu.memref_slice %arg2[%dma_start3A_34, %dma_start3A_35] : memref<10000x128xf32, #tpu.memory_space<hbm>> -> memref<10000x128xf32, #tpu.memory_space<hbm>>
      tpu.enqueue_indirect_dma source(%dma_start3A_36 : memref<10000x128xf32, #tpu.memory_space<hbm>>) target(%arg9 : memref<128x128xf32, #tpu.memory_space<vmem>>) offsets(%dma_start3A_33 : memref<128xi32, #tpu.memory_space<vmem>>) semaphore(%arg12 : memref<!tpu.dma_semaphore, #tpu.memory_space<semaphore_mem>>)
      %scan3A = arith.constant 0 : i32
      %scan3A_37 = arith.constant 8 : i32
      %scan3A_38 = arith.addi %scan3A, %scan3A_37 : i32
      %scan3A_39 = arith.constant 1 : i32
      scf.for %scan3A_47 = %scan3A to %scan3A_38 step %scan3A_39  : i32 {
        %mul3A_48 = arith.constant 1 : i32
        %mul3A_49 = arith.muli %scan3A_47, %mul3A_48 : i32
        %add3A_50 = arith.constant 0 : i32
        %add3A_51 = arith.addi %add3A_50, %mul3A_49 : i32
        %mul3A_52 = arith.constant 2 : i32
        %mul3A_53 = arith.muli %add3A_51, %mul3A_52 : i32
        %add3A_54 = arith.constant 0 : i32
        %add3A_55 = arith.addi %mul3A_53, %add3A_54 : i32
        %dma_wait3A_56 = arith.constant 0 : i32
        %dma_wait3A_57 = arith.constant 0 : i32
        %dma_wait3A_58 = tpu.memref_slice %arg7[%dma_wait3A_56, %dma_wait3A_57] : memref<48x128xi32, #tpu.memory_space<vmem>> -> memref<1x128xi32, #tpu.memory_space<vmem>>
        %dma_wait3A_59 = tpu.memref_squeeze %dma_wait3A_58 : memref<1x128xi32, #tpu.memory_space<vmem>> -> memref<128xi32, #tpu.memory_space<vmem>>
        %dma_wait3A_60 = arith.constant 0 : i32
        %dma_wait3A_61 = arith.constant 0 : i32
        %dma_wait3A_62 = tpu.memref_slice %arg2[%dma_wait3A_60, %dma_wait3A_61] : memref<10000x128xf32, #tpu.memory_space<hbm>> -> memref<10000x128xf32, #tpu.memory_space<hbm>>
        tpu.wait_indirect_dma semaphore(%arg12 : memref<!tpu.dma_semaphore, #tpu.memory_space<semaphore_mem>>) src(%dma_wait3A_62 : memref<10000x128xf32, #tpu.memory_space<hbm>>) dst(%arg9 : memref<128x128xf32, #tpu.memory_space<vmem>>)
        %dma_start3A_63 = arith.constant 0 : i32
        %dma_start3A_64 = tpu.memref_slice %arg8[%add3A_55, %dma_start3A_63] : memref<48x128xi32, #tpu.memory_space<vmem>> -> memref<1x128xi32, #tpu.memory_space<vmem>>
        %dma_start3A_65 = tpu.memref_squeeze %dma_start3A_64 : memref<1x128xi32, #tpu.memory_space<vmem>> -> memref<128xi32, #tpu.memory_space<vmem>>
        %dma_start3A_66 = arith.constant 0 : i32
        %dma_start3A_67 = arith.constant 0 : i32
        %dma_start3A_68 = tpu.memref_slice %arg11[%dma_start3A_66, %dma_start3A_67] : memref<10008x128xf32, #tpu.memory_space<vmem_shared>> -> memref<10008x128xf32, #tpu.memory_space<vmem_shared>>
        tpu.enqueue_indirect_dma source(%arg9 : memref<128x128xf32, #tpu.memory_space<vmem>>) target(%dma_start3A_68 : memref<10008x128xf32, #tpu.memory_space<vmem_shared>>) offsets(%dma_start3A_65 : memref<128xi32, #tpu.memory_space<vmem>>) semaphore(%arg14 : memref<!tpu.dma_semaphore, #tpu.memory_space<semaphore_mem>>) {add = true}
        %add3A_69 = arith.constant 1 : i32
        %add3A_70 = arith.addi %add3A_55, %add3A_69 : i32
        %lt3A_71 = arith.constant 16 : i32
        %lt3A_72 = arith.cmpi slt, %add3A_70, %lt3A_71 : i32
        %convert_element_type3A_73 = arith.extui %lt3A_72 : i1 to i32
        %cond3A_74 = arith.constant 0 : i32
        %cond3A_75 = arith.cmpi ne, %convert_element_type3A_73, %cond3A_74 : i32
        scf.if %cond3A_75 {
          %ge3A = arith.constant 1 : i32
          %ge3A_100 = arith.cmpi sge, %add3A_55, %ge3A : i32
          %convert_element_type3A_101 = arith.extui %ge3A_100 : i1 to i32
          %cond3A_102 = arith.constant 0 : i32
          %cond3A_103 = arith.cmpi ne, %convert_element_type3A_101, %cond3A_102 : i32
          scf.if %cond3A_103 {
            %dma_wait3A_112 = arith.constant 0 : i32
            %dma_wait3A_113 = arith.constant 0 : i32
            %dma_wait3A_114 = tpu.memref_slice %arg8[%dma_wait3A_112, %dma_wait3A_113] : memref<48x128xi32, #tpu.memory_space<vmem>> -> memref<1x128xi32, #tpu.memory_space<vmem>>
            %dma_wait3A_115 = tpu.memref_squeeze %dma_wait3A_114 : memref<1x128xi32, #tpu.memory_space<vmem>> -> memref<128xi32, #tpu.memory_space<vmem>>
            %dma_wait3A_116 = arith.constant 0 : i32
            %dma_wait3A_117 = arith.constant 0 : i32
            %dma_wait3A_118 = tpu.memref_slice %arg11[%dma_wait3A_116, %dma_wait3A_117] : memref<10008x128xf32, #tpu.memory_space<vmem_shared>> -> memref<10008x128xf32, #tpu.memory_space<vmem_shared>>
            tpu.wait_indirect_dma semaphore(%arg15 : memref<!tpu.dma_semaphore, #tpu.memory_space<semaphore_mem>>) src(%arg10 : memref<128x128xf32, #tpu.memory_space<vmem>>) dst(%dma_wait3A_118 : memref<10008x128xf32, #tpu.memory_space<vmem_shared>>)
          } else {
          }
          %add3A_104 = arith.constant 1 : i32
          %add3A_105 = arith.addi %add3A_55, %add3A_104 : i32
          %dma_start3A_106 = arith.constant 0 : i32
          %dma_start3A_107 = tpu.memref_slice %arg7[%add3A_105, %dma_start3A_106] : memref<48x128xi32, #tpu.memory_space<vmem>> -> memref<1x128xi32, #tpu.memory_space<vmem>>
          %dma_start3A_108 = tpu.memref_squeeze %dma_start3A_107 : memref<1x128xi32, #tpu.memory_space<vmem>> -> memref<128xi32, #tpu.memory_space<vmem>>
          %dma_start3A_109 = arith.constant 0 : i32
          %dma_start3A_110 = arith.constant 0 : i32
          %dma_start3A_111 = tpu.memref_slice %arg2[%dma_start3A_109, %dma_start3A_110] : memref<10000x128xf32, #tpu.memory_space<hbm>> -> memref<10000x128xf32, #tpu.memory_space<hbm>>
          tpu.enqueue_indirect_dma source(%dma_start3A_111 : memref<10000x128xf32, #tpu.memory_space<hbm>>) target(%arg10 : memref<128x128xf32, #tpu.memory_space<vmem>>) offsets(%dma_start3A_108 : memref<128xi32, #tpu.memory_space<vmem>>) semaphore(%arg13 : memref<!tpu.dma_semaphore, #tpu.memory_space<semaphore_mem>>)
        } else {
        }
        %mul3A_76 = arith.constant 2 : i32
        %mul3A_77 = arith.muli %add3A_51, %mul3A_76 : i32
        %add3A_78 = arith.constant 1 : i32
        %add3A_79 = arith.addi %mul3A_77, %add3A_78 : i32
        %dma_wait3A_80 = arith.constant 0 : i32
        %dma_wait3A_81 = arith.constant 0 : i32
        %dma_wait3A_82 = tpu.memref_slice %arg7[%dma_wait3A_80, %dma_wait3A_81] : memref<48x128xi32, #tpu.memory_space<vmem>> -> memref<1x128xi32, #tpu.memory_space<vmem>>
        %dma_wait3A_83 = tpu.memref_squeeze %dma_wait3A_82 : memref<1x128xi32, #tpu.memory_space<vmem>> -> memref<128xi32, #tpu.memory_space<vmem>>
        %dma_wait3A_84 = arith.constant 0 : i32
        %dma_wait3A_85 = arith.constant 0 : i32
        %dma_wait3A_86 = tpu.memref_slice %arg2[%dma_wait3A_84, %dma_wait3A_85] : memref<10000x128xf32, #tpu.memory_space<hbm>> -> memref<10000x128xf32, #tpu.memory_space<hbm>>
        tpu.wait_indirect_dma semaphore(%arg13 : memref<!tpu.dma_semaphore, #tpu.memory_space<semaphore_mem>>) src(%dma_wait3A_86 : memref<10000x128xf32, #tpu.memory_space<hbm>>) dst(%arg10 : memref<128x128xf32, #tpu.memory_space<vmem>>)
        %dma_start3A_87 = arith.constant 0 : i32
        %dma_start3A_88 = tpu.memref_slice %arg8[%add3A_79, %dma_start3A_87] : memref<48x128xi32, #tpu.memory_space<vmem>> -> memref<1x128xi32, #tpu.memory_space<vmem>>
        %dma_start3A_89 = tpu.memref_squeeze %dma_start3A_88 : memref<1x128xi32, #tpu.memory_space<vmem>> -> memref<128xi32, #tpu.memory_space<vmem>>
        %dma_start3A_90 = arith.constant 0 : i32
        %dma_start3A_91 = arith.constant 0 : i32
        %dma_start3A_92 = tpu.memref_slice %arg11[%dma_start3A_90, %dma_start3A_91] : memref<10008x128xf32, #tpu.memory_space<vmem_shared>> -> memref<10008x128xf32, #tpu.memory_space<vmem_shared>>
        tpu.enqueue_indirect_dma source(%arg10 : memref<128x128xf32, #tpu.memory_space<vmem>>) target(%dma_start3A_92 : memref<10008x128xf32, #tpu.memory_space<vmem_shared>>) offsets(%dma_start3A_89 : memref<128xi32, #tpu.memory_space<vmem>>) semaphore(%arg15 : memref<!tpu.dma_semaphore, #tpu.memory_space<semaphore_mem>>) {add = true}
        %add3A_93 = arith.constant 1 : i32
        %add3A_94 = arith.addi %add3A_79, %add3A_93 : i32
        %lt3A_95 = arith.constant 16 : i32
        %lt3A_96 = arith.cmpi slt, %add3A_94, %lt3A_95 : i32
        %convert_element_type3A_97 = arith.extui %lt3A_96 : i1 to i32
        %cond3A_98 = arith.constant 0 : i32
        %cond3A_99 = arith.cmpi ne, %convert_element_type3A_97, %cond3A_98 : i32
        scf.if %cond3A_99 {
          %ge3A = arith.constant 1 : i32
          %ge3A_100 = arith.cmpi sge, %add3A_79, %ge3A : i32
          %convert_element_type3A_101 = arith.extui %ge3A_100 : i1 to i32
          %cond3A_102 = arith.constant 0 : i32
          %cond3A_103 = arith.cmpi ne, %convert_element_type3A_101, %cond3A_102 : i32
          scf.if %cond3A_103 {
            %dma_wait3A_112 = arith.constant 0 : i32
            %dma_wait3A_113 = arith.constant 0 : i32
            %dma_wait3A_114 = tpu.memref_slice %arg8[%dma_wait3A_112, %dma_wait3A_113] : memref<48x128xi32, #tpu.memory_space<vmem>> -> memref<1x128xi32, #tpu.memory_space<vmem>>
            %dma_wait3A_115 = tpu.memref_squeeze %dma_wait3A_114 : memref<1x128xi32, #tpu.memory_space<vmem>> -> memref<128xi32, #tpu.memory_space<vmem>>
            %dma_wait3A_116 = arith.constant 0 : i32
            %dma_wait3A_117 = arith.constant 0 : i32
            %dma_wait3A_118 = tpu.memref_slice %arg11[%dma_wait3A_116, %dma_wait3A_117] : memref<10008x128xf32, #tpu.memory_space<vmem_shared>> -> memref<10008x128xf32, #tpu.memory_space<vmem_shared>>
            tpu.wait_indirect_dma semaphore(%arg14 : memref<!tpu.dma_semaphore, #tpu.memory_space<semaphore_mem>>) src(%arg9 : memref<128x128xf32, #tpu.memory_space<vmem>>) dst(%dma_wait3A_118 : memref<10008x128xf32, #tpu.memory_space<vmem_shared>>)
          } else {
          }
          %add3A_104 = arith.constant 1 : i32
          %add3A_105 = arith.addi %add3A_79, %add3A_104 : i32
          %dma_start3A_106 = arith.constant 0 : i32
          %dma_start3A_107 = tpu.memref_slice %arg7[%add3A_105, %dma_start3A_106] : memref<48x128xi32, #tpu.memory_space<vmem>> -> memref<1x128xi32, #tpu.memory_space<vmem>>
          %dma_start3A_108 = tpu.memref_squeeze %dma_start3A_107 : memref<1x128xi32, #tpu.memory_space<vmem>> -> memref<128xi32, #tpu.memory_space<vmem>>
          %dma_start3A_109 = arith.constant 0 : i32
          %dma_start3A_110 = arith.constant 0 : i32
          %dma_start3A_111 = tpu.memref_slice %arg2[%dma_start3A_109, %dma_start3A_110] : memref<10000x128xf32, #tpu.memory_space<hbm>> -> memref<10000x128xf32, #tpu.memory_space<hbm>>
          tpu.enqueue_indirect_dma source(%dma_start3A_111 : memref<10000x128xf32, #tpu.memory_space<hbm>>) target(%arg9 : memref<128x128xf32, #tpu.memory_space<vmem>>) offsets(%dma_start3A_108 : memref<128xi32, #tpu.memory_space<vmem>>) semaphore(%arg12 : memref<!tpu.dma_semaphore, #tpu.memory_space<semaphore_mem>>)
        } else {
        }
      }
      %scan3A_40 = arith.constant 8 : i32
      %dma_wait3A = arith.constant 0 : i32
      %dma_wait3A_41 = arith.constant 0 : i32
      %dma_wait3A_42 = tpu.memref_slice %arg8[%dma_wait3A, %dma_wait3A_41] : memref<48x128xi32, #tpu.memory_space<vmem>> -> memref<1x128xi32, #tpu.memory_space<vmem>>
      %dma_wait3A_43 = tpu.memref_squeeze %dma_wait3A_42 : memref<1x128xi32, #tpu.memory_space<vmem>> -> memref<128xi32, #tpu.memory_space<vmem>>
      %dma_wait3A_44 = arith.constant 0 : i32
      %dma_wait3A_45 = arith.constant 0 : i32
      %dma_wait3A_46 = tpu.memref_slice %arg11[%dma_wait3A_44, %dma_wait3A_45] : memref<10008x128xf32, #tpu.memory_space<vmem_shared>> -> memref<10008x128xf32, #tpu.memory_space<vmem_shared>>
      tpu.wait_indirect_dma semaphore(%arg15 : memref<!tpu.dma_semaphore, #tpu.memory_space<semaphore_mem>>) src(%arg10 : memref<128x128xf32, #tpu.memory_space<vmem>>) dst(%dma_wait3A_46 : memref<10008x128xf32, #tpu.memory_space<vmem_shared>>)
    } else {
    }
    %barrier3A_16 = arith.constant 0 : index
    tpu.barrier barrier_id(%barrier3A_16)
    %lt3A_17 = arith.constant 15 : i32
    %lt3A_18 = arith.cmpi slt, %arg1, %lt3A_17 : i32
    %convert_element_type3A_19 = arith.extui %lt3A_18 : i1 to i32
    %cond3A_20 = arith.constant 0 : i32
    %cond3A_21 = arith.cmpi ne, %convert_element_type3A_19, %cond3A_20 : i32
    scf.if %cond3A_21 {
      %mul3A = arith.constant 632 : i32
      %mul3A_27 = arith.muli %arg1, %mul3A : i32
      %mul3A_28 = arith.constant 632 : i32
      %mul3A_29 = arith.muli %arg1, %mul3A_28 : i32
      "tpu.region"() ({
        %run_scoped3A = tpu.sem_alloc : memref<!tpu.dma_semaphore, #tpu.memory_space<semaphore_mem>>
        %dma_start3A = arith.constant 0 : i32
        %dma_start3A_30 = tpu.memref_slice %arg6[%arg0, %mul3A_29, %dma_start3A] : memref<2x10000x128xf32, #tpu.memory_space<hbm>> -> memref<1x632x128xf32, #tpu.memory_space<hbm>>
        %dma_start3A_31 = tpu.memref_squeeze %dma_start3A_30 : memref<1x632x128xf32, #tpu.memory_space<hbm>> -> memref<632x128xf32, #tpu.memory_space<hbm>>
        %dma_start3A_32 = arith.constant 0 : i32
        %dma_start3A_33 = tpu.memref_slice %arg11[%mul3A_27, %dma_start3A_32] : memref<10008x128xf32, #tpu.memory_space<vmem_shared>> -> memref<632x128xf32, #tpu.memory_space<vmem_shared>>
        tpu.enqueue_dma source(%dma_start3A_33 : memref<632x128xf32, #tpu.memory_space<vmem_shared>>) target(%dma_start3A_31 : memref<632x128xf32, #tpu.memory_space<hbm>>) target_semaphore(%run_scoped3A : memref<!tpu.dma_semaphore, #tpu.memory_space<semaphore_mem>>)
        %dma_wait3A = arith.constant 0 : i32
        %dma_wait3A_34 = tpu.memref_slice %arg6[%arg0, %mul3A_29, %dma_wait3A] : memref<2x10000x128xf32, #tpu.memory_space<hbm>> -> memref<1x632x128xf32, #tpu.memory_space<hbm>>
        %dma_wait3A_35 = tpu.memref_squeeze %dma_wait3A_34 : memref<1x632x128xf32, #tpu.memory_space<hbm>> -> memref<632x128xf32, #tpu.memory_space<hbm>>
        %dma_wait3A_36 = arith.constant 0 : i32
        %dma_wait3A_37 = tpu.memref_slice %arg11[%mul3A_27, %dma_wait3A_36] : memref<10008x128xf32, #tpu.memory_space<vmem_shared>> -> memref<632x128xf32, #tpu.memory_space<vmem_shared>>
        tpu.wait_dma2 semaphore(%run_scoped3A : memref<!tpu.dma_semaphore, #tpu.memory_space<semaphore_mem>>) src(%dma_wait3A_37 : memref<632x128xf32, #tpu.memory_space<vmem_shared>>) dst(%dma_wait3A_35 : memref<632x128xf32, #tpu.memory_space<hbm>>)
        tpu.yield
      }) : () -> ()
    } else {
    }
    %eq3A_22 = arith.constant 15 : i32
    %eq3A_23 = arith.cmpi eq, %arg1, %eq3A_22 : i32
    %convert_element_type3A_24 = arith.extui %eq3A_23 : i1 to i32
    %cond3A_25 = arith.constant 0 : i32
    %cond3A_26 = arith.cmpi ne, %convert_element_type3A_24, %cond3A_25 : i32
    scf.if %cond3A_26 {
      "tpu.region"() ({
        %run_scoped3A = tpu.sem_alloc : memref<!tpu.dma_semaphore, #tpu.memory_space<semaphore_mem>>
        %dma_start3A = arith.constant 9480 : i32
        %dma_start3A_27 = arith.constant 0 : i32
        %dma_start3A_28 = tpu.memref_slice %arg6[%arg0, %dma_start3A, %dma_start3A_27] : memref<2x10000x128xf32, #tpu.memory_space<hbm>> -> memref<1x520x128xf32, #tpu.memory_space<hbm>>
        %dma_start3A_29 = tpu.memref_squeeze %dma_start3A_28 : memref<1x520x128xf32, #tpu.memory_space<hbm>> -> memref<520x128xf32, #tpu.memory_space<hbm>>
        %dma_start3A_30 = arith.constant 9480 : i32
        %dma_start3A_31 = arith.constant 0 : i32
        %dma_start3A_32 = tpu.memref_slice %arg11[%dma_start3A_30, %dma_start3A_31] : memref<10008x128xf32, #tpu.memory_space<vmem_shared>> -> memref<520x128xf32, #tpu.memory_space<vmem_shared>>
        tpu.enqueue_dma source(%dma_start3A_32 : memref<520x128xf32, #tpu.memory_space<vmem_shared>>) target(%dma_start3A_29 : memref<520x128xf32, #tpu.memory_space<hbm>>) target_semaphore(%run_scoped3A : memref<!tpu.dma_semaphore, #tpu.memory_space<semaphore_mem>>)
        %dma_wait3A = arith.constant 9480 : i32
        %dma_wait3A_33 = arith.constant 0 : i32
        %dma_wait3A_34 = tpu.memref_slice %arg6[%arg0, %dma_wait3A, %dma_wait3A_33] : memref<2x10000x128xf32, #tpu.memory_space<hbm>> -> memref<1x520x128xf32, #tpu.memory_space<hbm>>
        %dma_wait3A_35 = tpu.memref_squeeze %dma_wait3A_34 : memref<1x520x128xf32, #tpu.memory_space<hbm>> -> memref<520x128xf32, #tpu.memory_space<hbm>>
        %dma_wait3A_36 = arith.constant 9480 : i32
        %dma_wait3A_37 = arith.constant 0 : i32
        %dma_wait3A_38 = tpu.memref_slice %arg11[%dma_wait3A_36, %dma_wait3A_37] : memref<10008x128xf32, #tpu.memory_space<vmem_shared>> -> memref<520x128xf32, #tpu.memory_space<vmem_shared>>
        tpu.wait_dma2 semaphore(%run_scoped3A : memref<!tpu.dma_semaphore, #tpu.memory_space<semaphore_mem>>) src(%dma_wait3A_38 : memref<520x128xf32, #tpu.memory_space<vmem_shared>>) dst(%dma_wait3A_35 : memref<520x128xf32, #tpu.memory_space<hbm>>)
        tpu.yield
      }) : () -> ()
    } else {
    }
    return
  }
}

#map = affine_map<(d0, d1) -> (0, 0)>
#map1 = affine_map<(d0, d1) -> (0, 0, 0)>
module attributes {stable_mosaic.version = 14 : i64} {
  func.func @_sc_agg(%arg0: i32, %arg1: i32, %arg2: memref<10000x128xf32, #tpu.memory_space<hbm>>, %arg3: memref<2560x128xi32, #tpu.memory_space<hbm>>, %arg4: memref<2560x128xi32, #tpu.memory_space<hbm>>, %arg5: memref<632x128xf32, #tpu.memory_space<hbm>>, %arg6: memref<2x10000x128xf32, #tpu.memory_space<hbm>>, %arg7: memref<48x128xi32, #tpu.memory_space<vmem>>, %arg8: memref<48x128xi32, #tpu.memory_space<vmem>>, %arg9: memref<128x128xf32, #tpu.memory_space<vmem>>, %arg10: memref<128x128xf32, #tpu.memory_space<vmem>>, %arg11: memref<10008x128xf32, #tpu.memory_space<vmem_shared>>, %arg12: memref<!tpu.dma_semaphore, #tpu.memory_space<semaphore_mem>>, %arg13: memref<!tpu.dma_semaphore, #tpu.memory_space<semaphore_mem>>, %arg14: memref<!tpu.dma_semaphore, #tpu.memory_space<semaphore_mem>>, %arg15: memref<!tpu.dma_semaphore, #tpu.memory_space<semaphore_mem>>) attributes {dimension_semantics = [#tpu.dimension_semantics<core_parallel>, #tpu.dimension_semantics<subcore_parallel>], iteration_bounds = array<i64: 2, 16>, scalar_prefetch = 0 : i64, scratch_operands = 9 : i64, tpu.core_type = #tpu.core_type<sc_vector_subcore>, window_params = [{transform_indices = #map}, {transform_indices = #map}, {transform_indices = #map}, {transform_indices = #map}, {transform_indices = #map1}]} {
    %lt3A = arith.constant 15 : i32
    %lt3A_0 = arith.cmpi slt, %arg1, %lt3A : i32
    %convert_element_type3A = arith.extui %lt3A_0 : i1 to i32
    %cond3A = arith.constant 0 : i32
    %cond3A_1 = arith.cmpi ne, %convert_element_type3A, %cond3A : i32
    scf.if %cond3A_1 {
      %mul3A = arith.constant 632 : i32
      %mul3A_27 = arith.muli %arg1, %mul3A : i32
      "tpu.region"() ({
        %run_scoped3A = tpu.sem_alloc : memref<!tpu.dma_semaphore, #tpu.memory_space<semaphore_mem>>
        %dma_start3A = arith.constant 0 : i32
        %dma_start3A_28 = tpu.memref_slice %arg11[%mul3A_27, %dma_start3A] : memref<10008x128xf32, #tpu.memory_space<vmem_shared>> -> memref<632x128xf32, #tpu.memory_space<vmem_shared>>
        tpu.enqueue_dma source(%arg5 : memref<632x128xf32, #tpu.memory_space<hbm>>) target(%dma_start3A_28 : memref<632x128xf32, #tpu.memory_space<vmem_shared>>) target_semaphore(%run_scoped3A : memref<!tpu.dma_semaphore, #tpu.memory_space<semaphore_mem>>)
        %dma_wait3A = arith.constant 0 : i32
        %dma_wait3A_29 = tpu.memref_slice %arg11[%mul3A_27, %dma_wait3A] : memref<10008x128xf32, #tpu.memory_space<vmem_shared>> -> memref<632x128xf32, #tpu.memory_space<vmem_shared>>
        tpu.wait_dma2 semaphore(%run_scoped3A : memref<!tpu.dma_semaphore, #tpu.memory_space<semaphore_mem>>) src(%arg5 : memref<632x128xf32, #tpu.memory_space<hbm>>) dst(%dma_wait3A_29 : memref<632x128xf32, #tpu.memory_space<vmem_shared>>)
        tpu.yield
      }) : () -> ()
    } else {
    }
    %eq3A = arith.constant 15 : i32
    %eq3A_2 = arith.cmpi eq, %arg1, %eq3A : i32
    %convert_element_type3A_3 = arith.extui %eq3A_2 : i1 to i32
    %cond3A_4 = arith.constant 0 : i32
    %cond3A_5 = arith.cmpi ne, %convert_element_type3A_3, %cond3A_4 : i32
    scf.if %cond3A_5 {
      "tpu.region"() ({
        %run_scoped3A = tpu.sem_alloc : memref<!tpu.dma_semaphore, #tpu.memory_space<semaphore_mem>>
        %dma_start3A = arith.constant 9480 : i32
        %dma_start3A_27 = arith.constant 0 : i32
        %dma_start3A_28 = tpu.memref_slice %arg11[%dma_start3A, %dma_start3A_27] : memref<10008x128xf32, #tpu.memory_space<vmem_shared>> -> memref<520x128xf32, #tpu.memory_space<vmem_shared>>
        %dma_start3A_29 = arith.constant 0 : i32
        %dma_start3A_30 = arith.constant 0 : i32
        %dma_start3A_31 = tpu.memref_slice %arg5[%dma_start3A_29, %dma_start3A_30] : memref<632x128xf32, #tpu.memory_space<hbm>> -> memref<520x128xf32, #tpu.memory_space<hbm>>
        tpu.enqueue_dma source(%dma_start3A_31 : memref<520x128xf32, #tpu.memory_space<hbm>>) target(%dma_start3A_28 : memref<520x128xf32, #tpu.memory_space<vmem_shared>>) target_semaphore(%run_scoped3A : memref<!tpu.dma_semaphore, #tpu.memory_space<semaphore_mem>>)
        %dma_wait3A = arith.constant 9480 : i32
        %dma_wait3A_32 = arith.constant 0 : i32
        %dma_wait3A_33 = tpu.memref_slice %arg11[%dma_wait3A, %dma_wait3A_32] : memref<10008x128xf32, #tpu.memory_space<vmem_shared>> -> memref<520x128xf32, #tpu.memory_space<vmem_shared>>
        %dma_wait3A_34 = arith.constant 0 : i32
        %dma_wait3A_35 = arith.constant 0 : i32
        %dma_wait3A_36 = tpu.memref_slice %arg5[%dma_wait3A_34, %dma_wait3A_35] : memref<632x128xf32, #tpu.memory_space<hbm>> -> memref<520x128xf32, #tpu.memory_space<hbm>>
        tpu.wait_dma2 semaphore(%run_scoped3A : memref<!tpu.dma_semaphore, #tpu.memory_space<semaphore_mem>>) src(%dma_wait3A_36 : memref<520x128xf32, #tpu.memory_space<hbm>>) dst(%dma_wait3A_33 : memref<520x128xf32, #tpu.memory_space<vmem_shared>>)
        tpu.yield
      }) : () -> ()
    } else {
    }
    %barrier3A = arith.constant 0 : index
    tpu.barrier barrier_id(%barrier3A)
    %eq3A_6 = arith.constant 0 : i32
    %eq3A_7 = arith.cmpi eq, %arg0, %eq3A_6 : i32
    %convert_element_type3A_8 = arith.extui %eq3A_7 : i1 to i32
    %cond3A_9 = arith.constant 0 : i32
    %cond3A_10 = arith.cmpi ne, %convert_element_type3A_8, %cond3A_9 : i32
    scf.if %cond3A_10 {
      %mul3A = arith.constant 144 : i32
      %mul3A_27 = arith.muli %arg1, %mul3A : i32
      %add3A = arith.constant 0 : i32
      %add3A_28 = arith.addi %mul3A_27, %add3A : i32
      "tpu.region"() ({
        %run_scoped3A = tpu.sem_alloc : memref<!tpu.dma_semaphore, #tpu.memory_space<semaphore_mem>>
        %dma_start3A_87 = arith.constant 0 : i32
        %dma_start3A_88 = arith.constant 0 : i32
        %dma_start3A_89 = tpu.memref_slice %arg7[%dma_start3A_87, %dma_start3A_88] : memref<48x128xi32, #tpu.memory_space<vmem>> -> memref<48x128xi32, #tpu.memory_space<vmem>>
        %dma_start3A_90 = arith.constant 0 : i32
        %dma_start3A_91 = tpu.memref_slice %arg3[%add3A_28, %dma_start3A_90] : memref<2560x128xi32, #tpu.memory_space<hbm>> -> memref<48x128xi32, #tpu.memory_space<hbm>>
        %dma_start3A_92 = arith.constant 0 : i32
        %dma_start3A_93 = arith.constant 0 : i32
        %dma_start3A_94 = tpu.memref_slice %arg7[%dma_start3A_92, %dma_start3A_93] : memref<48x128xi32, #tpu.memory_space<vmem>> -> memref<48x128xi32, #tpu.memory_space<vmem>>
        %dma_start3A_95 = arith.constant 0 : i32
        %dma_start3A_96 = tpu.memref_slice %arg3[%add3A_28, %dma_start3A_95] : memref<2560x128xi32, #tpu.memory_space<hbm>> -> memref<48x128xi32, #tpu.memory_space<hbm>>
        tpu.enqueue_dma source(%dma_start3A_96 : memref<48x128xi32, #tpu.memory_space<hbm>>) target(%dma_start3A_94 : memref<48x128xi32, #tpu.memory_space<vmem>>) target_semaphore(%run_scoped3A : memref<!tpu.dma_semaphore, #tpu.memory_space<semaphore_mem>>)
        %dma_wait3A_97 = arith.constant 0 : i32
        %dma_wait3A_98 = arith.constant 0 : i32
        %dma_wait3A_99 = tpu.memref_slice %arg7[%dma_wait3A_97, %dma_wait3A_98] : memref<48x128xi32, #tpu.memory_space<vmem>> -> memref<48x128xi32, #tpu.memory_space<vmem>>
        %dma_wait3A_100 = arith.constant 0 : i32
        %dma_wait3A_101 = tpu.memref_slice %arg3[%add3A_28, %dma_wait3A_100] : memref<2560x128xi32, #tpu.memory_space<hbm>> -> memref<48x128xi32, #tpu.memory_space<hbm>>
        %dma_wait3A_102 = arith.constant 0 : i32
        %dma_wait3A_103 = arith.constant 0 : i32
        %dma_wait3A_104 = tpu.memref_slice %arg7[%dma_wait3A_102, %dma_wait3A_103] : memref<48x128xi32, #tpu.memory_space<vmem>> -> memref<48x128xi32, #tpu.memory_space<vmem>>
        %dma_wait3A_105 = arith.constant 0 : i32
        %dma_wait3A_106 = tpu.memref_slice %arg3[%add3A_28, %dma_wait3A_105] : memref<2560x128xi32, #tpu.memory_space<hbm>> -> memref<48x128xi32, #tpu.memory_space<hbm>>
        tpu.wait_dma2 semaphore(%run_scoped3A : memref<!tpu.dma_semaphore, #tpu.memory_space<semaphore_mem>>) src(%dma_wait3A_106 : memref<48x128xi32, #tpu.memory_space<hbm>>) dst(%dma_wait3A_104 : memref<48x128xi32, #tpu.memory_space<vmem>>)
        tpu.yield
      }) : () -> ()
      "tpu.region"() ({
        %run_scoped3A = tpu.sem_alloc : memref<!tpu.dma_semaphore, #tpu.memory_space<semaphore_mem>>
        %dma_start3A_87 = arith.constant 0 : i32
        %dma_start3A_88 = arith.constant 0 : i32
        %dma_start3A_89 = tpu.memref_slice %arg8[%dma_start3A_87, %dma_start3A_88] : memref<48x128xi32, #tpu.memory_space<vmem>> -> memref<48x128xi32, #tpu.memory_space<vmem>>
        %dma_start3A_90 = arith.constant 0 : i32
        %dma_start3A_91 = tpu.memref_slice %arg4[%add3A_28, %dma_start3A_90] : memref<2560x128xi32, #tpu.memory_space<hbm>> -> memref<48x128xi32, #tpu.memory_space<hbm>>
        %dma_start3A_92 = arith.constant 0 : i32
        %dma_start3A_93 = arith.constant 0 : i32
        %dma_start3A_94 = tpu.memref_slice %arg8[%dma_start3A_92, %dma_start3A_93] : memref<48x128xi32, #tpu.memory_space<vmem>> -> memref<48x128xi32, #tpu.memory_space<vmem>>
        %dma_start3A_95 = arith.constant 0 : i32
        %dma_start3A_96 = tpu.memref_slice %arg4[%add3A_28, %dma_start3A_95] : memref<2560x128xi32, #tpu.memory_space<hbm>> -> memref<48x128xi32, #tpu.memory_space<hbm>>
        tpu.enqueue_dma source(%dma_start3A_96 : memref<48x128xi32, #tpu.memory_space<hbm>>) target(%dma_start3A_94 : memref<48x128xi32, #tpu.memory_space<vmem>>) target_semaphore(%run_scoped3A : memref<!tpu.dma_semaphore, #tpu.memory_space<semaphore_mem>>)
        %dma_wait3A_97 = arith.constant 0 : i32
        %dma_wait3A_98 = arith.constant 0 : i32
        %dma_wait3A_99 = tpu.memref_slice %arg8[%dma_wait3A_97, %dma_wait3A_98] : memref<48x128xi32, #tpu.memory_space<vmem>> -> memref<48x128xi32, #tpu.memory_space<vmem>>
        %dma_wait3A_100 = arith.constant 0 : i32
        %dma_wait3A_101 = tpu.memref_slice %arg4[%add3A_28, %dma_wait3A_100] : memref<2560x128xi32, #tpu.memory_space<hbm>> -> memref<48x128xi32, #tpu.memory_space<hbm>>
        %dma_wait3A_102 = arith.constant 0 : i32
        %dma_wait3A_103 = arith.constant 0 : i32
        %dma_wait3A_104 = tpu.memref_slice %arg8[%dma_wait3A_102, %dma_wait3A_103] : memref<48x128xi32, #tpu.memory_space<vmem>> -> memref<48x128xi32, #tpu.memory_space<vmem>>
        %dma_wait3A_105 = arith.constant 0 : i32
        %dma_wait3A_106 = tpu.memref_slice %arg4[%add3A_28, %dma_wait3A_105] : memref<2560x128xi32, #tpu.memory_space<hbm>> -> memref<48x128xi32, #tpu.memory_space<hbm>>
        tpu.wait_dma2 semaphore(%run_scoped3A : memref<!tpu.dma_semaphore, #tpu.memory_space<semaphore_mem>>) src(%dma_wait3A_106 : memref<48x128xi32, #tpu.memory_space<hbm>>) dst(%dma_wait3A_104 : memref<48x128xi32, #tpu.memory_space<vmem>>)
        tpu.yield
      }) : () -> ()
      %dma_start3A = arith.constant 0 : i32
      %dma_start3A_29 = arith.constant 0 : i32
      %dma_start3A_30 = tpu.memref_slice %arg7[%dma_start3A, %dma_start3A_29] : memref<48x128xi32, #tpu.memory_space<vmem>> -> memref<1x128xi32, #tpu.memory_space<vmem>>
      %dma_start3A_31 = tpu.memref_squeeze %dma_start3A_30 : memref<1x128xi32, #tpu.memory_space<vmem>> -> memref<128xi32, #tpu.memory_space<vmem>>
      %dma_start3A_32 = arith.constant 0 : i32
      %dma_start3A_33 = arith.constant 0 : i32
      %dma_start3A_34 = tpu.memref_slice %arg2[%dma_start3A_32, %dma_start3A_33] : memref<10000x128xf32, #tpu.memory_space<hbm>> -> memref<10000x128xf32, #tpu.memory_space<hbm>>
      tpu.enqueue_indirect_dma source(%dma_start3A_34 : memref<10000x128xf32, #tpu.memory_space<hbm>>) target(%arg9 : memref<128x128xf32, #tpu.memory_space<vmem>>) offsets(%dma_start3A_31 : memref<128xi32, #tpu.memory_space<vmem>>) semaphore(%arg12 : memref<!tpu.dma_semaphore, #tpu.memory_space<semaphore_mem>>)
      %scan3A = arith.constant 0 : i32
      %scan3A_35 = arith.constant 24 : i32
      %scan3A_36 = arith.addi %scan3A, %scan3A_35 : i32
      %scan3A_37 = arith.constant 1 : i32
      scf.for %scan3A_87 = %scan3A to %scan3A_36 step %scan3A_37  : i32 {
        %mul3A_88 = arith.constant 1 : i32
        %mul3A_89 = arith.muli %scan3A_87, %mul3A_88 : i32
        %add3A_90 = arith.constant 0 : i32
        %add3A_91 = arith.addi %add3A_90, %mul3A_89 : i32
        %mul3A_92 = arith.constant 2 : i32
        %mul3A_93 = arith.muli %add3A_91, %mul3A_92 : i32
        %add3A_94 = arith.constant 0 : i32
        %add3A_95 = arith.addi %mul3A_93, %add3A_94 : i32
        %dma_wait3A_96 = arith.constant 0 : i32
        %dma_wait3A_97 = arith.constant 0 : i32
        %dma_wait3A_98 = tpu.memref_slice %arg7[%dma_wait3A_96, %dma_wait3A_97] : memref<48x128xi32, #tpu.memory_space<vmem>> -> memref<1x128xi32, #tpu.memory_space<vmem>>
        %dma_wait3A_99 = tpu.memref_squeeze %dma_wait3A_98 : memref<1x128xi32, #tpu.memory_space<vmem>> -> memref<128xi32, #tpu.memory_space<vmem>>
        %dma_wait3A_100 = arith.constant 0 : i32
        %dma_wait3A_101 = arith.constant 0 : i32
        %dma_wait3A_102 = tpu.memref_slice %arg2[%dma_wait3A_100, %dma_wait3A_101] : memref<10000x128xf32, #tpu.memory_space<hbm>> -> memref<10000x128xf32, #tpu.memory_space<hbm>>
        tpu.wait_indirect_dma semaphore(%arg12 : memref<!tpu.dma_semaphore, #tpu.memory_space<semaphore_mem>>) src(%dma_wait3A_102 : memref<10000x128xf32, #tpu.memory_space<hbm>>) dst(%arg9 : memref<128x128xf32, #tpu.memory_space<vmem>>)
        %dma_start3A_103 = arith.constant 0 : i32
        %dma_start3A_104 = tpu.memref_slice %arg8[%add3A_95, %dma_start3A_103] : memref<48x128xi32, #tpu.memory_space<vmem>> -> memref<1x128xi32, #tpu.memory_space<vmem>>
        %dma_start3A_105 = tpu.memref_squeeze %dma_start3A_104 : memref<1x128xi32, #tpu.memory_space<vmem>> -> memref<128xi32, #tpu.memory_space<vmem>>
        %dma_start3A_106 = arith.constant 0 : i32
        %dma_start3A_107 = arith.constant 0 : i32
        %dma_start3A_108 = tpu.memref_slice %arg11[%dma_start3A_106, %dma_start3A_107] : memref<10008x128xf32, #tpu.memory_space<vmem_shared>> -> memref<10008x128xf32, #tpu.memory_space<vmem_shared>>
        tpu.enqueue_indirect_dma source(%arg9 : memref<128x128xf32, #tpu.memory_space<vmem>>) target(%dma_start3A_108 : memref<10008x128xf32, #tpu.memory_space<vmem_shared>>) offsets(%dma_start3A_105 : memref<128xi32, #tpu.memory_space<vmem>>) semaphore(%arg14 : memref<!tpu.dma_semaphore, #tpu.memory_space<semaphore_mem>>) {add = true}
        %add3A_109 = arith.constant 1 : i32
        %add3A_110 = arith.addi %add3A_95, %add3A_109 : i32
        %lt3A_111 = arith.constant 48 : i32
        %lt3A_112 = arith.cmpi slt, %add3A_110, %lt3A_111 : i32
        %convert_element_type3A_113 = arith.extui %lt3A_112 : i1 to i32
        %cond3A_114 = arith.constant 0 : i32
        %cond3A_115 = arith.cmpi ne, %convert_element_type3A_113, %cond3A_114 : i32
        scf.if %cond3A_115 {
          %ge3A = arith.constant 1 : i32
          %ge3A_140 = arith.cmpi sge, %add3A_95, %ge3A : i32
          %convert_element_type3A_141 = arith.extui %ge3A_140 : i1 to i32
          %cond3A_142 = arith.constant 0 : i32
          %cond3A_143 = arith.cmpi ne, %convert_element_type3A_141, %cond3A_142 : i32
          scf.if %cond3A_143 {
            %dma_wait3A_152 = arith.constant 0 : i32
            %dma_wait3A_153 = arith.constant 0 : i32
            %dma_wait3A_154 = tpu.memref_slice %arg8[%dma_wait3A_152, %dma_wait3A_153] : memref<48x128xi32, #tpu.memory_space<vmem>> -> memref<1x128xi32, #tpu.memory_space<vmem>>
            %dma_wait3A_155 = tpu.memref_squeeze %dma_wait3A_154 : memref<1x128xi32, #tpu.memory_space<vmem>> -> memref<128xi32, #tpu.memory_space<vmem>>
            %dma_wait3A_156 = arith.constant 0 : i32
            %dma_wait3A_157 = arith.constant 0 : i32
            %dma_wait3A_158 = tpu.memref_slice %arg11[%dma_wait3A_156, %dma_wait3A_157] : memref<10008x128xf32, #tpu.memory_space<vmem_shared>> -> memref<10008x128xf32, #tpu.memory_space<vmem_shared>>
            tpu.wait_indirect_dma semaphore(%arg15 : memref<!tpu.dma_semaphore, #tpu.memory_space<semaphore_mem>>) src(%arg10 : memref<128x128xf32, #tpu.memory_space<vmem>>) dst(%dma_wait3A_158 : memref<10008x128xf32, #tpu.memory_space<vmem_shared>>)
          } else {
          }
          %add3A_144 = arith.constant 1 : i32
          %add3A_145 = arith.addi %add3A_95, %add3A_144 : i32
          %dma_start3A_146 = arith.constant 0 : i32
          %dma_start3A_147 = tpu.memref_slice %arg7[%add3A_145, %dma_start3A_146] : memref<48x128xi32, #tpu.memory_space<vmem>> -> memref<1x128xi32, #tpu.memory_space<vmem>>
          %dma_start3A_148 = tpu.memref_squeeze %dma_start3A_147 : memref<1x128xi32, #tpu.memory_space<vmem>> -> memref<128xi32, #tpu.memory_space<vmem>>
          %dma_start3A_149 = arith.constant 0 : i32
          %dma_start3A_150 = arith.constant 0 : i32
          %dma_start3A_151 = tpu.memref_slice %arg2[%dma_start3A_149, %dma_start3A_150] : memref<10000x128xf32, #tpu.memory_space<hbm>> -> memref<10000x128xf32, #tpu.memory_space<hbm>>
          tpu.enqueue_indirect_dma source(%dma_start3A_151 : memref<10000x128xf32, #tpu.memory_space<hbm>>) target(%arg10 : memref<128x128xf32, #tpu.memory_space<vmem>>) offsets(%dma_start3A_148 : memref<128xi32, #tpu.memory_space<vmem>>) semaphore(%arg13 : memref<!tpu.dma_semaphore, #tpu.memory_space<semaphore_mem>>)
        } else {
        }
        %mul3A_116 = arith.constant 2 : i32
        %mul3A_117 = arith.muli %add3A_91, %mul3A_116 : i32
        %add3A_118 = arith.constant 1 : i32
        %add3A_119 = arith.addi %mul3A_117, %add3A_118 : i32
        %dma_wait3A_120 = arith.constant 0 : i32
        %dma_wait3A_121 = arith.constant 0 : i32
        %dma_wait3A_122 = tpu.memref_slice %arg7[%dma_wait3A_120, %dma_wait3A_121] : memref<48x128xi32, #tpu.memory_space<vmem>> -> memref<1x128xi32, #tpu.memory_space<vmem>>
        %dma_wait3A_123 = tpu.memref_squeeze %dma_wait3A_122 : memref<1x128xi32, #tpu.memory_space<vmem>> -> memref<128xi32, #tpu.memory_space<vmem>>
        %dma_wait3A_124 = arith.constant 0 : i32
        %dma_wait3A_125 = arith.constant 0 : i32
        %dma_wait3A_126 = tpu.memref_slice %arg2[%dma_wait3A_124, %dma_wait3A_125] : memref<10000x128xf32, #tpu.memory_space<hbm>> -> memref<10000x128xf32, #tpu.memory_space<hbm>>
        tpu.wait_indirect_dma semaphore(%arg13 : memref<!tpu.dma_semaphore, #tpu.memory_space<semaphore_mem>>) src(%dma_wait3A_126 : memref<10000x128xf32, #tpu.memory_space<hbm>>) dst(%arg10 : memref<128x128xf32, #tpu.memory_space<vmem>>)
        %dma_start3A_127 = arith.constant 0 : i32
        %dma_start3A_128 = tpu.memref_slice %arg8[%add3A_119, %dma_start3A_127] : memref<48x128xi32, #tpu.memory_space<vmem>> -> memref<1x128xi32, #tpu.memory_space<vmem>>
        %dma_start3A_129 = tpu.memref_squeeze %dma_start3A_128 : memref<1x128xi32, #tpu.memory_space<vmem>> -> memref<128xi32, #tpu.memory_space<vmem>>
        %dma_start3A_130 = arith.constant 0 : i32
        %dma_start3A_131 = arith.constant 0 : i32
        %dma_start3A_132 = tpu.memref_slice %arg11[%dma_start3A_130, %dma_start3A_131] : memref<10008x128xf32, #tpu.memory_space<vmem_shared>> -> memref<10008x128xf32, #tpu.memory_space<vmem_shared>>
        tpu.enqueue_indirect_dma source(%arg10 : memref<128x128xf32, #tpu.memory_space<vmem>>) target(%dma_start3A_132 : memref<10008x128xf32, #tpu.memory_space<vmem_shared>>) offsets(%dma_start3A_129 : memref<128xi32, #tpu.memory_space<vmem>>) semaphore(%arg15 : memref<!tpu.dma_semaphore, #tpu.memory_space<semaphore_mem>>) {add = true}
        %add3A_133 = arith.constant 1 : i32
        %add3A_134 = arith.addi %add3A_119, %add3A_133 : i32
        %lt3A_135 = arith.constant 48 : i32
        %lt3A_136 = arith.cmpi slt, %add3A_134, %lt3A_135 : i32
        %convert_element_type3A_137 = arith.extui %lt3A_136 : i1 to i32
        %cond3A_138 = arith.constant 0 : i32
        %cond3A_139 = arith.cmpi ne, %convert_element_type3A_137, %cond3A_138 : i32
        scf.if %cond3A_139 {
          %ge3A = arith.constant 1 : i32
          %ge3A_140 = arith.cmpi sge, %add3A_119, %ge3A : i32
          %convert_element_type3A_141 = arith.extui %ge3A_140 : i1 to i32
          %cond3A_142 = arith.constant 0 : i32
          %cond3A_143 = arith.cmpi ne, %convert_element_type3A_141, %cond3A_142 : i32
          scf.if %cond3A_143 {
            %dma_wait3A_152 = arith.constant 0 : i32
            %dma_wait3A_153 = arith.constant 0 : i32
            %dma_wait3A_154 = tpu.memref_slice %arg8[%dma_wait3A_152, %dma_wait3A_153] : memref<48x128xi32, #tpu.memory_space<vmem>> -> memref<1x128xi32, #tpu.memory_space<vmem>>
            %dma_wait3A_155 = tpu.memref_squeeze %dma_wait3A_154 : memref<1x128xi32, #tpu.memory_space<vmem>> -> memref<128xi32, #tpu.memory_space<vmem>>
            %dma_wait3A_156 = arith.constant 0 : i32
            %dma_wait3A_157 = arith.constant 0 : i32
            %dma_wait3A_158 = tpu.memref_slice %arg11[%dma_wait3A_156, %dma_wait3A_157] : memref<10008x128xf32, #tpu.memory_space<vmem_shared>> -> memref<10008x128xf32, #tpu.memory_space<vmem_shared>>
            tpu.wait_indirect_dma semaphore(%arg14 : memref<!tpu.dma_semaphore, #tpu.memory_space<semaphore_mem>>) src(%arg9 : memref<128x128xf32, #tpu.memory_space<vmem>>) dst(%dma_wait3A_158 : memref<10008x128xf32, #tpu.memory_space<vmem_shared>>)
          } else {
          }
          %add3A_144 = arith.constant 1 : i32
          %add3A_145 = arith.addi %add3A_119, %add3A_144 : i32
          %dma_start3A_146 = arith.constant 0 : i32
          %dma_start3A_147 = tpu.memref_slice %arg7[%add3A_145, %dma_start3A_146] : memref<48x128xi32, #tpu.memory_space<vmem>> -> memref<1x128xi32, #tpu.memory_space<vmem>>
          %dma_start3A_148 = tpu.memref_squeeze %dma_start3A_147 : memref<1x128xi32, #tpu.memory_space<vmem>> -> memref<128xi32, #tpu.memory_space<vmem>>
          %dma_start3A_149 = arith.constant 0 : i32
          %dma_start3A_150 = arith.constant 0 : i32
          %dma_start3A_151 = tpu.memref_slice %arg2[%dma_start3A_149, %dma_start3A_150] : memref<10000x128xf32, #tpu.memory_space<hbm>> -> memref<10000x128xf32, #tpu.memory_space<hbm>>
          tpu.enqueue_indirect_dma source(%dma_start3A_151 : memref<10000x128xf32, #tpu.memory_space<hbm>>) target(%arg9 : memref<128x128xf32, #tpu.memory_space<vmem>>) offsets(%dma_start3A_148 : memref<128xi32, #tpu.memory_space<vmem>>) semaphore(%arg12 : memref<!tpu.dma_semaphore, #tpu.memory_space<semaphore_mem>>)
        } else {
        }
      }
      %scan3A_38 = arith.constant 24 : i32
      %dma_wait3A = arith.constant 0 : i32
      %dma_wait3A_39 = arith.constant 0 : i32
      %dma_wait3A_40 = tpu.memref_slice %arg8[%dma_wait3A, %dma_wait3A_39] : memref<48x128xi32, #tpu.memory_space<vmem>> -> memref<1x128xi32, #tpu.memory_space<vmem>>
      %dma_wait3A_41 = tpu.memref_squeeze %dma_wait3A_40 : memref<1x128xi32, #tpu.memory_space<vmem>> -> memref<128xi32, #tpu.memory_space<vmem>>
      %dma_wait3A_42 = arith.constant 0 : i32
      %dma_wait3A_43 = arith.constant 0 : i32
      %dma_wait3A_44 = tpu.memref_slice %arg11[%dma_wait3A_42, %dma_wait3A_43] : memref<10008x128xf32, #tpu.memory_space<vmem_shared>> -> memref<10008x128xf32, #tpu.memory_space<vmem_shared>>
      tpu.wait_indirect_dma semaphore(%arg15 : memref<!tpu.dma_semaphore, #tpu.memory_space<semaphore_mem>>) src(%arg10 : memref<128x128xf32, #tpu.memory_space<vmem>>) dst(%dma_wait3A_44 : memref<10008x128xf32, #tpu.memory_space<vmem_shared>>)
      %add3A_45 = arith.constant 48 : i32
      %add3A_46 = arith.addi %mul3A_27, %add3A_45 : i32
      "tpu.region"() ({
        %run_scoped3A = tpu.sem_alloc : memref<!tpu.dma_semaphore, #tpu.memory_space<semaphore_mem>>
        %dma_start3A_87 = arith.constant 0 : i32
        %dma_start3A_88 = arith.constant 0 : i32
        %dma_start3A_89 = tpu.memref_slice %arg7[%dma_start3A_87, %dma_start3A_88] : memref<48x128xi32, #tpu.memory_space<vmem>> -> memref<48x128xi32, #tpu.memory_space<vmem>>
        %dma_start3A_90 = arith.constant 0 : i32
        %dma_start3A_91 = tpu.memref_slice %arg3[%add3A_46, %dma_start3A_90] : memref<2560x128xi32, #tpu.memory_space<hbm>> -> memref<48x128xi32, #tpu.memory_space<hbm>>
        %dma_start3A_92 = arith.constant 0 : i32
        %dma_start3A_93 = arith.constant 0 : i32
        %dma_start3A_94 = tpu.memref_slice %arg7[%dma_start3A_92, %dma_start3A_93] : memref<48x128xi32, #tpu.memory_space<vmem>> -> memref<48x128xi32, #tpu.memory_space<vmem>>
        %dma_start3A_95 = arith.constant 0 : i32
        %dma_start3A_96 = tpu.memref_slice %arg3[%add3A_46, %dma_start3A_95] : memref<2560x128xi32, #tpu.memory_space<hbm>> -> memref<48x128xi32, #tpu.memory_space<hbm>>
        tpu.enqueue_dma source(%dma_start3A_96 : memref<48x128xi32, #tpu.memory_space<hbm>>) target(%dma_start3A_94 : memref<48x128xi32, #tpu.memory_space<vmem>>) target_semaphore(%run_scoped3A : memref<!tpu.dma_semaphore, #tpu.memory_space<semaphore_mem>>)
        %dma_wait3A_97 = arith.constant 0 : i32
        %dma_wait3A_98 = arith.constant 0 : i32
        %dma_wait3A_99 = tpu.memref_slice %arg7[%dma_wait3A_97, %dma_wait3A_98] : memref<48x128xi32, #tpu.memory_space<vmem>> -> memref<48x128xi32, #tpu.memory_space<vmem>>
        %dma_wait3A_100 = arith.constant 0 : i32
        %dma_wait3A_101 = tpu.memref_slice %arg3[%add3A_46, %dma_wait3A_100] : memref<2560x128xi32, #tpu.memory_space<hbm>> -> memref<48x128xi32, #tpu.memory_space<hbm>>
        %dma_wait3A_102 = arith.constant 0 : i32
        %dma_wait3A_103 = arith.constant 0 : i32
        %dma_wait3A_104 = tpu.memref_slice %arg7[%dma_wait3A_102, %dma_wait3A_103] : memref<48x128xi32, #tpu.memory_space<vmem>> -> memref<48x128xi32, #tpu.memory_space<vmem>>
        %dma_wait3A_105 = arith.constant 0 : i32
        %dma_wait3A_106 = tpu.memref_slice %arg3[%add3A_46, %dma_wait3A_105] : memref<2560x128xi32, #tpu.memory_space<hbm>> -> memref<48x128xi32, #tpu.memory_space<hbm>>
        tpu.wait_dma2 semaphore(%run_scoped3A : memref<!tpu.dma_semaphore, #tpu.memory_space<semaphore_mem>>) src(%dma_wait3A_106 : memref<48x128xi32, #tpu.memory_space<hbm>>) dst(%dma_wait3A_104 : memref<48x128xi32, #tpu.memory_space<vmem>>)
        tpu.yield
      }) : () -> ()
      "tpu.region"() ({
        %run_scoped3A = tpu.sem_alloc : memref<!tpu.dma_semaphore, #tpu.memory_space<semaphore_mem>>
        %dma_start3A_87 = arith.constant 0 : i32
        %dma_start3A_88 = arith.constant 0 : i32
        %dma_start3A_89 = tpu.memref_slice %arg8[%dma_start3A_87, %dma_start3A_88] : memref<48x128xi32, #tpu.memory_space<vmem>> -> memref<48x128xi32, #tpu.memory_space<vmem>>
        %dma_start3A_90 = arith.constant 0 : i32
        %dma_start3A_91 = tpu.memref_slice %arg4[%add3A_46, %dma_start3A_90] : memref<2560x128xi32, #tpu.memory_space<hbm>> -> memref<48x128xi32, #tpu.memory_space<hbm>>
        %dma_start3A_92 = arith.constant 0 : i32
        %dma_start3A_93 = arith.constant 0 : i32
        %dma_start3A_94 = tpu.memref_slice %arg8[%dma_start3A_92, %dma_start3A_93] : memref<48x128xi32, #tpu.memory_space<vmem>> -> memref<48x128xi32, #tpu.memory_space<vmem>>
        %dma_start3A_95 = arith.constant 0 : i32
        %dma_start3A_96 = tpu.memref_slice %arg4[%add3A_46, %dma_start3A_95] : memref<2560x128xi32, #tpu.memory_space<hbm>> -> memref<48x128xi32, #tpu.memory_space<hbm>>
        tpu.enqueue_dma source(%dma_start3A_96 : memref<48x128xi32, #tpu.memory_space<hbm>>) target(%dma_start3A_94 : memref<48x128xi32, #tpu.memory_space<vmem>>) target_semaphore(%run_scoped3A : memref<!tpu.dma_semaphore, #tpu.memory_space<semaphore_mem>>)
        %dma_wait3A_97 = arith.constant 0 : i32
        %dma_wait3A_98 = arith.constant 0 : i32
        %dma_wait3A_99 = tpu.memref_slice %arg8[%dma_wait3A_97, %dma_wait3A_98] : memref<48x128xi32, #tpu.memory_space<vmem>> -> memref<48x128xi32, #tpu.memory_space<vmem>>
        %dma_wait3A_100 = arith.constant 0 : i32
        %dma_wait3A_101 = tpu.memref_slice %arg4[%add3A_46, %dma_wait3A_100] : memref<2560x128xi32, #tpu.memory_space<hbm>> -> memref<48x128xi32, #tpu.memory_space<hbm>>
        %dma_wait3A_102 = arith.constant 0 : i32
        %dma_wait3A_103 = arith.constant 0 : i32
        %dma_wait3A_104 = tpu.memref_slice %arg8[%dma_wait3A_102, %dma_wait3A_103] : memref<48x128xi32, #tpu.memory_space<vmem>> -> memref<48x128xi32, #tpu.memory_space<vmem>>
        %dma_wait3A_105 = arith.constant 0 : i32
        %dma_wait3A_106 = tpu.memref_slice %arg4[%add3A_46, %dma_wait3A_105] : memref<2560x128xi32, #tpu.memory_space<hbm>> -> memref<48x128xi32, #tpu.memory_space<hbm>>
        tpu.wait_dma2 semaphore(%run_scoped3A : memref<!tpu.dma_semaphore, #tpu.memory_space<semaphore_mem>>) src(%dma_wait3A_106 : memref<48x128xi32, #tpu.memory_space<hbm>>) dst(%dma_wait3A_104 : memref<48x128xi32, #tpu.memory_space<vmem>>)
        tpu.yield
      }) : () -> ()
      %dma_start3A_47 = arith.constant 0 : i32
      %dma_start3A_48 = arith.constant 0 : i32
      %dma_start3A_49 = tpu.memref_slice %arg7[%dma_start3A_47, %dma_start3A_48] : memref<48x128xi32, #tpu.memory_space<vmem>> -> memref<1x128xi32, #tpu.memory_space<vmem>>
      %dma_start3A_50 = tpu.memref_squeeze %dma_start3A_49 : memref<1x128xi32, #tpu.memory_space<vmem>> -> memref<128xi32, #tpu.memory_space<vmem>>
      %dma_start3A_51 = arith.constant 0 : i32
      %dma_start3A_52 = arith.constant 0 : i32
      %dma_start3A_53 = tpu.memref_slice %arg2[%dma_start3A_51, %dma_start3A_52] : memref<10000x128xf32, #tpu.memory_space<hbm>> -> memref<10000x128xf32, #tpu.memory_space<hbm>>
      tpu.enqueue_indirect_dma source(%dma_start3A_53 : memref<10000x128xf32, #tpu.memory_space<hbm>>) target(%arg9 : memref<128x128xf32, #tpu.memory_space<vmem>>) offsets(%dma_start3A_50 : memref<128xi32, #tpu.memory_space<vmem>>) semaphore(%arg12 : memref<!tpu.dma_semaphore, #tpu.memory_space<semaphore_mem>>)
      %scan3A_54 = arith.constant 0 : i32
      %scan3A_55 = arith.constant 24 : i32
      %scan3A_56 = arith.addi %scan3A_54, %scan3A_55 : i32
      %scan3A_57 = arith.constant 1 : i32
      scf.for %scan3A_87 = %scan3A_54 to %scan3A_56 step %scan3A_57  : i32 {
        %mul3A_88 = arith.constant 1 : i32
        %mul3A_89 = arith.muli %scan3A_87, %mul3A_88 : i32
        %add3A_90 = arith.constant 0 : i32
        %add3A_91 = arith.addi %add3A_90, %mul3A_89 : i32
        %mul3A_92 = arith.constant 2 : i32
        %mul3A_93 = arith.muli %add3A_91, %mul3A_92 : i32
        %add3A_94 = arith.constant 0 : i32
        %add3A_95 = arith.addi %mul3A_93, %add3A_94 : i32
        %dma_wait3A_96 = arith.constant 0 : i32
        %dma_wait3A_97 = arith.constant 0 : i32
        %dma_wait3A_98 = tpu.memref_slice %arg7[%dma_wait3A_96, %dma_wait3A_97] : memref<48x128xi32, #tpu.memory_space<vmem>> -> memref<1x128xi32, #tpu.memory_space<vmem>>
        %dma_wait3A_99 = tpu.memref_squeeze %dma_wait3A_98 : memref<1x128xi32, #tpu.memory_space<vmem>> -> memref<128xi32, #tpu.memory_space<vmem>>
        %dma_wait3A_100 = arith.constant 0 : i32
        %dma_wait3A_101 = arith.constant 0 : i32
        %dma_wait3A_102 = tpu.memref_slice %arg2[%dma_wait3A_100, %dma_wait3A_101] : memref<10000x128xf32, #tpu.memory_space<hbm>> -> memref<10000x128xf32, #tpu.memory_space<hbm>>
        tpu.wait_indirect_dma semaphore(%arg12 : memref<!tpu.dma_semaphore, #tpu.memory_space<semaphore_mem>>) src(%dma_wait3A_102 : memref<10000x128xf32, #tpu.memory_space<hbm>>) dst(%arg9 : memref<128x128xf32, #tpu.memory_space<vmem>>)
        %dma_start3A_103 = arith.constant 0 : i32
        %dma_start3A_104 = tpu.memref_slice %arg8[%add3A_95, %dma_start3A_103] : memref<48x128xi32, #tpu.memory_space<vmem>> -> memref<1x128xi32, #tpu.memory_space<vmem>>
        %dma_start3A_105 = tpu.memref_squeeze %dma_start3A_104 : memref<1x128xi32, #tpu.memory_space<vmem>> -> memref<128xi32, #tpu.memory_space<vmem>>
        %dma_start3A_106 = arith.constant 0 : i32
        %dma_start3A_107 = arith.constant 0 : i32
        %dma_start3A_108 = tpu.memref_slice %arg11[%dma_start3A_106, %dma_start3A_107] : memref<10008x128xf32, #tpu.memory_space<vmem_shared>> -> memref<10008x128xf32, #tpu.memory_space<vmem_shared>>
        tpu.enqueue_indirect_dma source(%arg9 : memref<128x128xf32, #tpu.memory_space<vmem>>) target(%dma_start3A_108 : memref<10008x128xf32, #tpu.memory_space<vmem_shared>>) offsets(%dma_start3A_105 : memref<128xi32, #tpu.memory_space<vmem>>) semaphore(%arg14 : memref<!tpu.dma_semaphore, #tpu.memory_space<semaphore_mem>>) {add = true}
        %add3A_109 = arith.constant 1 : i32
        %add3A_110 = arith.addi %add3A_95, %add3A_109 : i32
        %lt3A_111 = arith.constant 48 : i32
        %lt3A_112 = arith.cmpi slt, %add3A_110, %lt3A_111 : i32
        %convert_element_type3A_113 = arith.extui %lt3A_112 : i1 to i32
        %cond3A_114 = arith.constant 0 : i32
        %cond3A_115 = arith.cmpi ne, %convert_element_type3A_113, %cond3A_114 : i32
        scf.if %cond3A_115 {
          %ge3A = arith.constant 1 : i32
          %ge3A_140 = arith.cmpi sge, %add3A_95, %ge3A : i32
          %convert_element_type3A_141 = arith.extui %ge3A_140 : i1 to i32
          %cond3A_142 = arith.constant 0 : i32
          %cond3A_143 = arith.cmpi ne, %convert_element_type3A_141, %cond3A_142 : i32
          scf.if %cond3A_143 {
            %dma_wait3A_152 = arith.constant 0 : i32
            %dma_wait3A_153 = arith.constant 0 : i32
            %dma_wait3A_154 = tpu.memref_slice %arg8[%dma_wait3A_152, %dma_wait3A_153] : memref<48x128xi32, #tpu.memory_space<vmem>> -> memref<1x128xi32, #tpu.memory_space<vmem>>
            %dma_wait3A_155 = tpu.memref_squeeze %dma_wait3A_154 : memref<1x128xi32, #tpu.memory_space<vmem>> -> memref<128xi32, #tpu.memory_space<vmem>>
            %dma_wait3A_156 = arith.constant 0 : i32
            %dma_wait3A_157 = arith.constant 0 : i32
            %dma_wait3A_158 = tpu.memref_slice %arg11[%dma_wait3A_156, %dma_wait3A_157] : memref<10008x128xf32, #tpu.memory_space<vmem_shared>> -> memref<10008x128xf32, #tpu.memory_space<vmem_shared>>
            tpu.wait_indirect_dma semaphore(%arg15 : memref<!tpu.dma_semaphore, #tpu.memory_space<semaphore_mem>>) src(%arg10 : memref<128x128xf32, #tpu.memory_space<vmem>>) dst(%dma_wait3A_158 : memref<10008x128xf32, #tpu.memory_space<vmem_shared>>)
          } else {
          }
          %add3A_144 = arith.constant 1 : i32
          %add3A_145 = arith.addi %add3A_95, %add3A_144 : i32
          %dma_start3A_146 = arith.constant 0 : i32
          %dma_start3A_147 = tpu.memref_slice %arg7[%add3A_145, %dma_start3A_146] : memref<48x128xi32, #tpu.memory_space<vmem>> -> memref<1x128xi32, #tpu.memory_space<vmem>>
          %dma_start3A_148 = tpu.memref_squeeze %dma_start3A_147 : memref<1x128xi32, #tpu.memory_space<vmem>> -> memref<128xi32, #tpu.memory_space<vmem>>
          %dma_start3A_149 = arith.constant 0 : i32
          %dma_start3A_150 = arith.constant 0 : i32
          %dma_start3A_151 = tpu.memref_slice %arg2[%dma_start3A_149, %dma_start3A_150] : memref<10000x128xf32, #tpu.memory_space<hbm>> -> memref<10000x128xf32, #tpu.memory_space<hbm>>
          tpu.enqueue_indirect_dma source(%dma_start3A_151 : memref<10000x128xf32, #tpu.memory_space<hbm>>) target(%arg10 : memref<128x128xf32, #tpu.memory_space<vmem>>) offsets(%dma_start3A_148 : memref<128xi32, #tpu.memory_space<vmem>>) semaphore(%arg13 : memref<!tpu.dma_semaphore, #tpu.memory_space<semaphore_mem>>)
        } else {
        }
        %mul3A_116 = arith.constant 2 : i32
        %mul3A_117 = arith.muli %add3A_91, %mul3A_116 : i32
        %add3A_118 = arith.constant 1 : i32
        %add3A_119 = arith.addi %mul3A_117, %add3A_118 : i32
        %dma_wait3A_120 = arith.constant 0 : i32
        %dma_wait3A_121 = arith.constant 0 : i32
        %dma_wait3A_122 = tpu.memref_slice %arg7[%dma_wait3A_120, %dma_wait3A_121] : memref<48x128xi32, #tpu.memory_space<vmem>> -> memref<1x128xi32, #tpu.memory_space<vmem>>
        %dma_wait3A_123 = tpu.memref_squeeze %dma_wait3A_122 : memref<1x128xi32, #tpu.memory_space<vmem>> -> memref<128xi32, #tpu.memory_space<vmem>>
        %dma_wait3A_124 = arith.constant 0 : i32
        %dma_wait3A_125 = arith.constant 0 : i32
        %dma_wait3A_126 = tpu.memref_slice %arg2[%dma_wait3A_124, %dma_wait3A_125] : memref<10000x128xf32, #tpu.memory_space<hbm>> -> memref<10000x128xf32, #tpu.memory_space<hbm>>
        tpu.wait_indirect_dma semaphore(%arg13 : memref<!tpu.dma_semaphore, #tpu.memory_space<semaphore_mem>>) src(%dma_wait3A_126 : memref<10000x128xf32, #tpu.memory_space<hbm>>) dst(%arg10 : memref<128x128xf32, #tpu.memory_space<vmem>>)
        %dma_start3A_127 = arith.constant 0 : i32
        %dma_start3A_128 = tpu.memref_slice %arg8[%add3A_119, %dma_start3A_127] : memref<48x128xi32, #tpu.memory_space<vmem>> -> memref<1x128xi32, #tpu.memory_space<vmem>>
        %dma_start3A_129 = tpu.memref_squeeze %dma_start3A_128 : memref<1x128xi32, #tpu.memory_space<vmem>> -> memref<128xi32, #tpu.memory_space<vmem>>
        %dma_start3A_130 = arith.constant 0 : i32
        %dma_start3A_131 = arith.constant 0 : i32
        %dma_start3A_132 = tpu.memref_slice %arg11[%dma_start3A_130, %dma_start3A_131] : memref<10008x128xf32, #tpu.memory_space<vmem_shared>> -> memref<10008x128xf32, #tpu.memory_space<vmem_shared>>
        tpu.enqueue_indirect_dma source(%arg10 : memref<128x128xf32, #tpu.memory_space<vmem>>) target(%dma_start3A_132 : memref<10008x128xf32, #tpu.memory_space<vmem_shared>>) offsets(%dma_start3A_129 : memref<128xi32, #tpu.memory_space<vmem>>) semaphore(%arg15 : memref<!tpu.dma_semaphore, #tpu.memory_space<semaphore_mem>>) {add = true}
        %add3A_133 = arith.constant 1 : i32
        %add3A_134 = arith.addi %add3A_119, %add3A_133 : i32
        %lt3A_135 = arith.constant 48 : i32
        %lt3A_136 = arith.cmpi slt, %add3A_134, %lt3A_135 : i32
        %convert_element_type3A_137 = arith.extui %lt3A_136 : i1 to i32
        %cond3A_138 = arith.constant 0 : i32
        %cond3A_139 = arith.cmpi ne, %convert_element_type3A_137, %cond3A_138 : i32
        scf.if %cond3A_139 {
          %ge3A = arith.constant 1 : i32
          %ge3A_140 = arith.cmpi sge, %add3A_119, %ge3A : i32
          %convert_element_type3A_141 = arith.extui %ge3A_140 : i1 to i32
          %cond3A_142 = arith.constant 0 : i32
          %cond3A_143 = arith.cmpi ne, %convert_element_type3A_141, %cond3A_142 : i32
          scf.if %cond3A_143 {
            %dma_wait3A_152 = arith.constant 0 : i32
            %dma_wait3A_153 = arith.constant 0 : i32
            %dma_wait3A_154 = tpu.memref_slice %arg8[%dma_wait3A_152, %dma_wait3A_153] : memref<48x128xi32, #tpu.memory_space<vmem>> -> memref<1x128xi32, #tpu.memory_space<vmem>>
            %dma_wait3A_155 = tpu.memref_squeeze %dma_wait3A_154 : memref<1x128xi32, #tpu.memory_space<vmem>> -> memref<128xi32, #tpu.memory_space<vmem>>
            %dma_wait3A_156 = arith.constant 0 : i32
            %dma_wait3A_157 = arith.constant 0 : i32
            %dma_wait3A_158 = tpu.memref_slice %arg11[%dma_wait3A_156, %dma_wait3A_157] : memref<10008x128xf32, #tpu.memory_space<vmem_shared>> -> memref<10008x128xf32, #tpu.memory_space<vmem_shared>>
            tpu.wait_indirect_dma semaphore(%arg14 : memref<!tpu.dma_semaphore, #tpu.memory_space<semaphore_mem>>) src(%arg9 : memref<128x128xf32, #tpu.memory_space<vmem>>) dst(%dma_wait3A_158 : memref<10008x128xf32, #tpu.memory_space<vmem_shared>>)
          } else {
          }
          %add3A_144 = arith.constant 1 : i32
          %add3A_145 = arith.addi %add3A_119, %add3A_144 : i32
          %dma_start3A_146 = arith.constant 0 : i32
          %dma_start3A_147 = tpu.memref_slice %arg7[%add3A_145, %dma_start3A_146] : memref<48x128xi32, #tpu.memory_space<vmem>> -> memref<1x128xi32, #tpu.memory_space<vmem>>
          %dma_start3A_148 = tpu.memref_squeeze %dma_start3A_147 : memref<1x128xi32, #tpu.memory_space<vmem>> -> memref<128xi32, #tpu.memory_space<vmem>>
          %dma_start3A_149 = arith.constant 0 : i32
          %dma_start3A_150 = arith.constant 0 : i32
          %dma_start3A_151 = tpu.memref_slice %arg2[%dma_start3A_149, %dma_start3A_150] : memref<10000x128xf32, #tpu.memory_space<hbm>> -> memref<10000x128xf32, #tpu.memory_space<hbm>>
          tpu.enqueue_indirect_dma source(%dma_start3A_151 : memref<10000x128xf32, #tpu.memory_space<hbm>>) target(%arg9 : memref<128x128xf32, #tpu.memory_space<vmem>>) offsets(%dma_start3A_148 : memref<128xi32, #tpu.memory_space<vmem>>) semaphore(%arg12 : memref<!tpu.dma_semaphore, #tpu.memory_space<semaphore_mem>>)
        } else {
        }
      }
      %scan3A_58 = arith.constant 24 : i32
      %dma_wait3A_59 = arith.constant 0 : i32
      %dma_wait3A_60 = arith.constant 0 : i32
      %dma_wait3A_61 = tpu.memref_slice %arg8[%dma_wait3A_59, %dma_wait3A_60] : memref<48x128xi32, #tpu.memory_space<vmem>> -> memref<1x128xi32, #tpu.memory_space<vmem>>
      %dma_wait3A_62 = tpu.memref_squeeze %dma_wait3A_61 : memref<1x128xi32, #tpu.memory_space<vmem>> -> memref<128xi32, #tpu.memory_space<vmem>>
      %dma_wait3A_63 = arith.constant 0 : i32
      %dma_wait3A_64 = arith.constant 0 : i32
      %dma_wait3A_65 = tpu.memref_slice %arg11[%dma_wait3A_63, %dma_wait3A_64] : memref<10008x128xf32, #tpu.memory_space<vmem_shared>> -> memref<10008x128xf32, #tpu.memory_space<vmem_shared>>
      tpu.wait_indirect_dma semaphore(%arg15 : memref<!tpu.dma_semaphore, #tpu.memory_space<semaphore_mem>>) src(%arg10 : memref<128x128xf32, #tpu.memory_space<vmem>>) dst(%dma_wait3A_65 : memref<10008x128xf32, #tpu.memory_space<vmem_shared>>)
      %add3A_66 = arith.constant 96 : i32
      %add3A_67 = arith.addi %mul3A_27, %add3A_66 : i32
      "tpu.region"() ({
        %run_scoped3A = tpu.sem_alloc : memref<!tpu.dma_semaphore, #tpu.memory_space<semaphore_mem>>
        %dma_start3A_87 = arith.constant 0 : i32
        %dma_start3A_88 = arith.constant 0 : i32
        %dma_start3A_89 = tpu.memref_slice %arg7[%dma_start3A_87, %dma_start3A_88] : memref<48x128xi32, #tpu.memory_space<vmem>> -> memref<48x128xi32, #tpu.memory_space<vmem>>
        %dma_start3A_90 = arith.constant 0 : i32
        %dma_start3A_91 = tpu.memref_slice %arg3[%add3A_67, %dma_start3A_90] : memref<2560x128xi32, #tpu.memory_space<hbm>> -> memref<48x128xi32, #tpu.memory_space<hbm>>
        %dma_start3A_92 = arith.constant 0 : i32
        %dma_start3A_93 = arith.constant 0 : i32
        %dma_start3A_94 = tpu.memref_slice %arg7[%dma_start3A_92, %dma_start3A_93] : memref<48x128xi32, #tpu.memory_space<vmem>> -> memref<48x128xi32, #tpu.memory_space<vmem>>
        %dma_start3A_95 = arith.constant 0 : i32
        %dma_start3A_96 = tpu.memref_slice %arg3[%add3A_67, %dma_start3A_95] : memref<2560x128xi32, #tpu.memory_space<hbm>> -> memref<48x128xi32, #tpu.memory_space<hbm>>
        tpu.enqueue_dma source(%dma_start3A_96 : memref<48x128xi32, #tpu.memory_space<hbm>>) target(%dma_start3A_94 : memref<48x128xi32, #tpu.memory_space<vmem>>) target_semaphore(%run_scoped3A : memref<!tpu.dma_semaphore, #tpu.memory_space<semaphore_mem>>)
        %dma_wait3A_97 = arith.constant 0 : i32
        %dma_wait3A_98 = arith.constant 0 : i32
        %dma_wait3A_99 = tpu.memref_slice %arg7[%dma_wait3A_97, %dma_wait3A_98] : memref<48x128xi32, #tpu.memory_space<vmem>> -> memref<48x128xi32, #tpu.memory_space<vmem>>
        %dma_wait3A_100 = arith.constant 0 : i32
        %dma_wait3A_101 = tpu.memref_slice %arg3[%add3A_67, %dma_wait3A_100] : memref<2560x128xi32, #tpu.memory_space<hbm>> -> memref<48x128xi32, #tpu.memory_space<hbm>>
        %dma_wait3A_102 = arith.constant 0 : i32
        %dma_wait3A_103 = arith.constant 0 : i32
        %dma_wait3A_104 = tpu.memref_slice %arg7[%dma_wait3A_102, %dma_wait3A_103] : memref<48x128xi32, #tpu.memory_space<vmem>> -> memref<48x128xi32, #tpu.memory_space<vmem>>
        %dma_wait3A_105 = arith.constant 0 : i32
        %dma_wait3A_106 = tpu.memref_slice %arg3[%add3A_67, %dma_wait3A_105] : memref<2560x128xi32, #tpu.memory_space<hbm>> -> memref<48x128xi32, #tpu.memory_space<hbm>>
        tpu.wait_dma2 semaphore(%run_scoped3A : memref<!tpu.dma_semaphore, #tpu.memory_space<semaphore_mem>>) src(%dma_wait3A_106 : memref<48x128xi32, #tpu.memory_space<hbm>>) dst(%dma_wait3A_104 : memref<48x128xi32, #tpu.memory_space<vmem>>)
        tpu.yield
      }) : () -> ()
      "tpu.region"() ({
        %run_scoped3A = tpu.sem_alloc : memref<!tpu.dma_semaphore, #tpu.memory_space<semaphore_mem>>
        %dma_start3A_87 = arith.constant 0 : i32
        %dma_start3A_88 = arith.constant 0 : i32
        %dma_start3A_89 = tpu.memref_slice %arg8[%dma_start3A_87, %dma_start3A_88] : memref<48x128xi32, #tpu.memory_space<vmem>> -> memref<48x128xi32, #tpu.memory_space<vmem>>
        %dma_start3A_90 = arith.constant 0 : i32
        %dma_start3A_91 = tpu.memref_slice %arg4[%add3A_67, %dma_start3A_90] : memref<2560x128xi32, #tpu.memory_space<hbm>> -> memref<48x128xi32, #tpu.memory_space<hbm>>
        %dma_start3A_92 = arith.constant 0 : i32
        %dma_start3A_93 = arith.constant 0 : i32
        %dma_start3A_94 = tpu.memref_slice %arg8[%dma_start3A_92, %dma_start3A_93] : memref<48x128xi32, #tpu.memory_space<vmem>> -> memref<48x128xi32, #tpu.memory_space<vmem>>
        %dma_start3A_95 = arith.constant 0 : i32
        %dma_start3A_96 = tpu.memref_slice %arg4[%add3A_67, %dma_start3A_95] : memref<2560x128xi32, #tpu.memory_space<hbm>> -> memref<48x128xi32, #tpu.memory_space<hbm>>
        tpu.enqueue_dma source(%dma_start3A_96 : memref<48x128xi32, #tpu.memory_space<hbm>>) target(%dma_start3A_94 : memref<48x128xi32, #tpu.memory_space<vmem>>) target_semaphore(%run_scoped3A : memref<!tpu.dma_semaphore, #tpu.memory_space<semaphore_mem>>)
        %dma_wait3A_97 = arith.constant 0 : i32
        %dma_wait3A_98 = arith.constant 0 : i32
        %dma_wait3A_99 = tpu.memref_slice %arg8[%dma_wait3A_97, %dma_wait3A_98] : memref<48x128xi32, #tpu.memory_space<vmem>> -> memref<48x128xi32, #tpu.memory_space<vmem>>
        %dma_wait3A_100 = arith.constant 0 : i32
        %dma_wait3A_101 = tpu.memref_slice %arg4[%add3A_67, %dma_wait3A_100] : memref<2560x128xi32, #tpu.memory_space<hbm>> -> memref<48x128xi32, #tpu.memory_space<hbm>>
        %dma_wait3A_102 = arith.constant 0 : i32
        %dma_wait3A_103 = arith.constant 0 : i32
        %dma_wait3A_104 = tpu.memref_slice %arg8[%dma_wait3A_102, %dma_wait3A_103] : memref<48x128xi32, #tpu.memory_space<vmem>> -> memref<48x128xi32, #tpu.memory_space<vmem>>
        %dma_wait3A_105 = arith.constant 0 : i32
        %dma_wait3A_106 = tpu.memref_slice %arg4[%add3A_67, %dma_wait3A_105] : memref<2560x128xi32, #tpu.memory_space<hbm>> -> memref<48x128xi32, #tpu.memory_space<hbm>>
        tpu.wait_dma2 semaphore(%run_scoped3A : memref<!tpu.dma_semaphore, #tpu.memory_space<semaphore_mem>>) src(%dma_wait3A_106 : memref<48x128xi32, #tpu.memory_space<hbm>>) dst(%dma_wait3A_104 : memref<48x128xi32, #tpu.memory_space<vmem>>)
        tpu.yield
      }) : () -> ()
      %dma_start3A_68 = arith.constant 0 : i32
      %dma_start3A_69 = arith.constant 0 : i32
      %dma_start3A_70 = tpu.memref_slice %arg7[%dma_start3A_68, %dma_start3A_69] : memref<48x128xi32, #tpu.memory_space<vmem>> -> memref<1x128xi32, #tpu.memory_space<vmem>>
      %dma_start3A_71 = tpu.memref_squeeze %dma_start3A_70 : memref<1x128xi32, #tpu.memory_space<vmem>> -> memref<128xi32, #tpu.memory_space<vmem>>
      %dma_start3A_72 = arith.constant 0 : i32
      %dma_start3A_73 = arith.constant 0 : i32
      %dma_start3A_74 = tpu.memref_slice %arg2[%dma_start3A_72, %dma_start3A_73] : memref<10000x128xf32, #tpu.memory_space<hbm>> -> memref<10000x128xf32, #tpu.memory_space<hbm>>
      tpu.enqueue_indirect_dma source(%dma_start3A_74 : memref<10000x128xf32, #tpu.memory_space<hbm>>) target(%arg9 : memref<128x128xf32, #tpu.memory_space<vmem>>) offsets(%dma_start3A_71 : memref<128xi32, #tpu.memory_space<vmem>>) semaphore(%arg12 : memref<!tpu.dma_semaphore, #tpu.memory_space<semaphore_mem>>)
      %scan3A_75 = arith.constant 0 : i32
      %scan3A_76 = arith.constant 24 : i32
      %scan3A_77 = arith.addi %scan3A_75, %scan3A_76 : i32
      %scan3A_78 = arith.constant 1 : i32
      scf.for %scan3A_87 = %scan3A_75 to %scan3A_77 step %scan3A_78  : i32 {
        %mul3A_88 = arith.constant 1 : i32
        %mul3A_89 = arith.muli %scan3A_87, %mul3A_88 : i32
        %add3A_90 = arith.constant 0 : i32
        %add3A_91 = arith.addi %add3A_90, %mul3A_89 : i32
        %mul3A_92 = arith.constant 2 : i32
        %mul3A_93 = arith.muli %add3A_91, %mul3A_92 : i32
        %add3A_94 = arith.constant 0 : i32
        %add3A_95 = arith.addi %mul3A_93, %add3A_94 : i32
        %dma_wait3A_96 = arith.constant 0 : i32
        %dma_wait3A_97 = arith.constant 0 : i32
        %dma_wait3A_98 = tpu.memref_slice %arg7[%dma_wait3A_96, %dma_wait3A_97] : memref<48x128xi32, #tpu.memory_space<vmem>> -> memref<1x128xi32, #tpu.memory_space<vmem>>
        %dma_wait3A_99 = tpu.memref_squeeze %dma_wait3A_98 : memref<1x128xi32, #tpu.memory_space<vmem>> -> memref<128xi32, #tpu.memory_space<vmem>>
        %dma_wait3A_100 = arith.constant 0 : i32
        %dma_wait3A_101 = arith.constant 0 : i32
        %dma_wait3A_102 = tpu.memref_slice %arg2[%dma_wait3A_100, %dma_wait3A_101] : memref<10000x128xf32, #tpu.memory_space<hbm>> -> memref<10000x128xf32, #tpu.memory_space<hbm>>
        tpu.wait_indirect_dma semaphore(%arg12 : memref<!tpu.dma_semaphore, #tpu.memory_space<semaphore_mem>>) src(%dma_wait3A_102 : memref<10000x128xf32, #tpu.memory_space<hbm>>) dst(%arg9 : memref<128x128xf32, #tpu.memory_space<vmem>>)
        %dma_start3A_103 = arith.constant 0 : i32
        %dma_start3A_104 = tpu.memref_slice %arg8[%add3A_95, %dma_start3A_103] : memref<48x128xi32, #tpu.memory_space<vmem>> -> memref<1x128xi32, #tpu.memory_space<vmem>>
        %dma_start3A_105 = tpu.memref_squeeze %dma_start3A_104 : memref<1x128xi32, #tpu.memory_space<vmem>> -> memref<128xi32, #tpu.memory_space<vmem>>
        %dma_start3A_106 = arith.constant 0 : i32
        %dma_start3A_107 = arith.constant 0 : i32
        %dma_start3A_108 = tpu.memref_slice %arg11[%dma_start3A_106, %dma_start3A_107] : memref<10008x128xf32, #tpu.memory_space<vmem_shared>> -> memref<10008x128xf32, #tpu.memory_space<vmem_shared>>
        tpu.enqueue_indirect_dma source(%arg9 : memref<128x128xf32, #tpu.memory_space<vmem>>) target(%dma_start3A_108 : memref<10008x128xf32, #tpu.memory_space<vmem_shared>>) offsets(%dma_start3A_105 : memref<128xi32, #tpu.memory_space<vmem>>) semaphore(%arg14 : memref<!tpu.dma_semaphore, #tpu.memory_space<semaphore_mem>>) {add = true}
        %add3A_109 = arith.constant 1 : i32
        %add3A_110 = arith.addi %add3A_95, %add3A_109 : i32
        %lt3A_111 = arith.constant 48 : i32
        %lt3A_112 = arith.cmpi slt, %add3A_110, %lt3A_111 : i32
        %convert_element_type3A_113 = arith.extui %lt3A_112 : i1 to i32
        %cond3A_114 = arith.constant 0 : i32
        %cond3A_115 = arith.cmpi ne, %convert_element_type3A_113, %cond3A_114 : i32
        scf.if %cond3A_115 {
          %ge3A = arith.constant 1 : i32
          %ge3A_140 = arith.cmpi sge, %add3A_95, %ge3A : i32
          %convert_element_type3A_141 = arith.extui %ge3A_140 : i1 to i32
          %cond3A_142 = arith.constant 0 : i32
          %cond3A_143 = arith.cmpi ne, %convert_element_type3A_141, %cond3A_142 : i32
          scf.if %cond3A_143 {
            %dma_wait3A_152 = arith.constant 0 : i32
            %dma_wait3A_153 = arith.constant 0 : i32
            %dma_wait3A_154 = tpu.memref_slice %arg8[%dma_wait3A_152, %dma_wait3A_153] : memref<48x128xi32, #tpu.memory_space<vmem>> -> memref<1x128xi32, #tpu.memory_space<vmem>>
            %dma_wait3A_155 = tpu.memref_squeeze %dma_wait3A_154 : memref<1x128xi32, #tpu.memory_space<vmem>> -> memref<128xi32, #tpu.memory_space<vmem>>
            %dma_wait3A_156 = arith.constant 0 : i32
            %dma_wait3A_157 = arith.constant 0 : i32
            %dma_wait3A_158 = tpu.memref_slice %arg11[%dma_wait3A_156, %dma_wait3A_157] : memref<10008x128xf32, #tpu.memory_space<vmem_shared>> -> memref<10008x128xf32, #tpu.memory_space<vmem_shared>>
            tpu.wait_indirect_dma semaphore(%arg15 : memref<!tpu.dma_semaphore, #tpu.memory_space<semaphore_mem>>) src(%arg10 : memref<128x128xf32, #tpu.memory_space<vmem>>) dst(%dma_wait3A_158 : memref<10008x128xf32, #tpu.memory_space<vmem_shared>>)
          } else {
          }
          %add3A_144 = arith.constant 1 : i32
          %add3A_145 = arith.addi %add3A_95, %add3A_144 : i32
          %dma_start3A_146 = arith.constant 0 : i32
          %dma_start3A_147 = tpu.memref_slice %arg7[%add3A_145, %dma_start3A_146] : memref<48x128xi32, #tpu.memory_space<vmem>> -> memref<1x128xi32, #tpu.memory_space<vmem>>
          %dma_start3A_148 = tpu.memref_squeeze %dma_start3A_147 : memref<1x128xi32, #tpu.memory_space<vmem>> -> memref<128xi32, #tpu.memory_space<vmem>>
          %dma_start3A_149 = arith.constant 0 : i32
          %dma_start3A_150 = arith.constant 0 : i32
          %dma_start3A_151 = tpu.memref_slice %arg2[%dma_start3A_149, %dma_start3A_150] : memref<10000x128xf32, #tpu.memory_space<hbm>> -> memref<10000x128xf32, #tpu.memory_space<hbm>>
          tpu.enqueue_indirect_dma source(%dma_start3A_151 : memref<10000x128xf32, #tpu.memory_space<hbm>>) target(%arg10 : memref<128x128xf32, #tpu.memory_space<vmem>>) offsets(%dma_start3A_148 : memref<128xi32, #tpu.memory_space<vmem>>) semaphore(%arg13 : memref<!tpu.dma_semaphore, #tpu.memory_space<semaphore_mem>>)
        } else {
        }
        %mul3A_116 = arith.constant 2 : i32
        %mul3A_117 = arith.muli %add3A_91, %mul3A_116 : i32
        %add3A_118 = arith.constant 1 : i32
        %add3A_119 = arith.addi %mul3A_117, %add3A_118 : i32
        %dma_wait3A_120 = arith.constant 0 : i32
        %dma_wait3A_121 = arith.constant 0 : i32
        %dma_wait3A_122 = tpu.memref_slice %arg7[%dma_wait3A_120, %dma_wait3A_121] : memref<48x128xi32, #tpu.memory_space<vmem>> -> memref<1x128xi32, #tpu.memory_space<vmem>>
        %dma_wait3A_123 = tpu.memref_squeeze %dma_wait3A_122 : memref<1x128xi32, #tpu.memory_space<vmem>> -> memref<128xi32, #tpu.memory_space<vmem>>
        %dma_wait3A_124 = arith.constant 0 : i32
        %dma_wait3A_125 = arith.constant 0 : i32
        %dma_wait3A_126 = tpu.memref_slice %arg2[%dma_wait3A_124, %dma_wait3A_125] : memref<10000x128xf32, #tpu.memory_space<hbm>> -> memref<10000x128xf32, #tpu.memory_space<hbm>>
        tpu.wait_indirect_dma semaphore(%arg13 : memref<!tpu.dma_semaphore, #tpu.memory_space<semaphore_mem>>) src(%dma_wait3A_126 : memref<10000x128xf32, #tpu.memory_space<hbm>>) dst(%arg10 : memref<128x128xf32, #tpu.memory_space<vmem>>)
        %dma_start3A_127 = arith.constant 0 : i32
        %dma_start3A_128 = tpu.memref_slice %arg8[%add3A_119, %dma_start3A_127] : memref<48x128xi32, #tpu.memory_space<vmem>> -> memref<1x128xi32, #tpu.memory_space<vmem>>
        %dma_start3A_129 = tpu.memref_squeeze %dma_start3A_128 : memref<1x128xi32, #tpu.memory_space<vmem>> -> memref<128xi32, #tpu.memory_space<vmem>>
        %dma_start3A_130 = arith.constant 0 : i32
        %dma_start3A_131 = arith.constant 0 : i32
        %dma_start3A_132 = tpu.memref_slice %arg11[%dma_start3A_130, %dma_start3A_131] : memref<10008x128xf32, #tpu.memory_space<vmem_shared>> -> memref<10008x128xf32, #tpu.memory_space<vmem_shared>>
        tpu.enqueue_indirect_dma source(%arg10 : memref<128x128xf32, #tpu.memory_space<vmem>>) target(%dma_start3A_132 : memref<10008x128xf32, #tpu.memory_space<vmem_shared>>) offsets(%dma_start3A_129 : memref<128xi32, #tpu.memory_space<vmem>>) semaphore(%arg15 : memref<!tpu.dma_semaphore, #tpu.memory_space<semaphore_mem>>) {add = true}
        %add3A_133 = arith.constant 1 : i32
        %add3A_134 = arith.addi %add3A_119, %add3A_133 : i32
        %lt3A_135 = arith.constant 48 : i32
        %lt3A_136 = arith.cmpi slt, %add3A_134, %lt3A_135 : i32
        %convert_element_type3A_137 = arith.extui %lt3A_136 : i1 to i32
        %cond3A_138 = arith.constant 0 : i32
        %cond3A_139 = arith.cmpi ne, %convert_element_type3A_137, %cond3A_138 : i32
        scf.if %cond3A_139 {
          %ge3A = arith.constant 1 : i32
          %ge3A_140 = arith.cmpi sge, %add3A_119, %ge3A : i32
          %convert_element_type3A_141 = arith.extui %ge3A_140 : i1 to i32
          %cond3A_142 = arith.constant 0 : i32
          %cond3A_143 = arith.cmpi ne, %convert_element_type3A_141, %cond3A_142 : i32
          scf.if %cond3A_143 {
            %dma_wait3A_152 = arith.constant 0 : i32
            %dma_wait3A_153 = arith.constant 0 : i32
            %dma_wait3A_154 = tpu.memref_slice %arg8[%dma_wait3A_152, %dma_wait3A_153] : memref<48x128xi32, #tpu.memory_space<vmem>> -> memref<1x128xi32, #tpu.memory_space<vmem>>
            %dma_wait3A_155 = tpu.memref_squeeze %dma_wait3A_154 : memref<1x128xi32, #tpu.memory_space<vmem>> -> memref<128xi32, #tpu.memory_space<vmem>>
            %dma_wait3A_156 = arith.constant 0 : i32
            %dma_wait3A_157 = arith.constant 0 : i32
            %dma_wait3A_158 = tpu.memref_slice %arg11[%dma_wait3A_156, %dma_wait3A_157] : memref<10008x128xf32, #tpu.memory_space<vmem_shared>> -> memref<10008x128xf32, #tpu.memory_space<vmem_shared>>
            tpu.wait_indirect_dma semaphore(%arg14 : memref<!tpu.dma_semaphore, #tpu.memory_space<semaphore_mem>>) src(%arg9 : memref<128x128xf32, #tpu.memory_space<vmem>>) dst(%dma_wait3A_158 : memref<10008x128xf32, #tpu.memory_space<vmem_shared>>)
          } else {
          }
          %add3A_144 = arith.constant 1 : i32
          %add3A_145 = arith.addi %add3A_119, %add3A_144 : i32
          %dma_start3A_146 = arith.constant 0 : i32
          %dma_start3A_147 = tpu.memref_slice %arg7[%add3A_145, %dma_start3A_146] : memref<48x128xi32, #tpu.memory_space<vmem>> -> memref<1x128xi32, #tpu.memory_space<vmem>>
          %dma_start3A_148 = tpu.memref_squeeze %dma_start3A_147 : memref<1x128xi32, #tpu.memory_space<vmem>> -> memref<128xi32, #tpu.memory_space<vmem>>
          %dma_start3A_149 = arith.constant 0 : i32
          %dma_start3A_150 = arith.constant 0 : i32
          %dma_start3A_151 = tpu.memref_slice %arg2[%dma_start3A_149, %dma_start3A_150] : memref<10000x128xf32, #tpu.memory_space<hbm>> -> memref<10000x128xf32, #tpu.memory_space<hbm>>
          tpu.enqueue_indirect_dma source(%dma_start3A_151 : memref<10000x128xf32, #tpu.memory_space<hbm>>) target(%arg9 : memref<128x128xf32, #tpu.memory_space<vmem>>) offsets(%dma_start3A_148 : memref<128xi32, #tpu.memory_space<vmem>>) semaphore(%arg12 : memref<!tpu.dma_semaphore, #tpu.memory_space<semaphore_mem>>)
        } else {
        }
      }
      %scan3A_79 = arith.constant 24 : i32
      %dma_wait3A_80 = arith.constant 0 : i32
      %dma_wait3A_81 = arith.constant 0 : i32
      %dma_wait3A_82 = tpu.memref_slice %arg8[%dma_wait3A_80, %dma_wait3A_81] : memref<48x128xi32, #tpu.memory_space<vmem>> -> memref<1x128xi32, #tpu.memory_space<vmem>>
      %dma_wait3A_83 = tpu.memref_squeeze %dma_wait3A_82 : memref<1x128xi32, #tpu.memory_space<vmem>> -> memref<128xi32, #tpu.memory_space<vmem>>
      %dma_wait3A_84 = arith.constant 0 : i32
      %dma_wait3A_85 = arith.constant 0 : i32
      %dma_wait3A_86 = tpu.memref_slice %arg11[%dma_wait3A_84, %dma_wait3A_85] : memref<10008x128xf32, #tpu.memory_space<vmem_shared>> -> memref<10008x128xf32, #tpu.memory_space<vmem_shared>>
      tpu.wait_indirect_dma semaphore(%arg15 : memref<!tpu.dma_semaphore, #tpu.memory_space<semaphore_mem>>) src(%arg10 : memref<128x128xf32, #tpu.memory_space<vmem>>) dst(%dma_wait3A_86 : memref<10008x128xf32, #tpu.memory_space<vmem_shared>>)
    } else {
    }
    %eq3A_11 = arith.constant 1 : i32
    %eq3A_12 = arith.cmpi eq, %arg0, %eq3A_11 : i32
    %convert_element_type3A_13 = arith.extui %eq3A_12 : i1 to i32
    %cond3A_14 = arith.constant 0 : i32
    %cond3A_15 = arith.cmpi ne, %convert_element_type3A_13, %cond3A_14 : i32
    scf.if %cond3A_15 {
      %mul3A = arith.constant 16 : i32
      %mul3A_27 = arith.muli %arg1, %mul3A : i32
      %add3A = arith.constant 2304 : i32
      %add3A_28 = arith.addi %add3A, %mul3A_27 : i32
      %add3A_29 = arith.constant 0 : i32
      %add3A_30 = arith.addi %add3A_28, %add3A_29 : i32
      "tpu.region"() ({
        %run_scoped3A = tpu.sem_alloc : memref<!tpu.dma_semaphore, #tpu.memory_space<semaphore_mem>>
        %dma_start3A_47 = arith.constant 0 : i32
        %dma_start3A_48 = arith.constant 0 : i32
        %dma_start3A_49 = tpu.memref_slice %arg7[%dma_start3A_47, %dma_start3A_48] : memref<48x128xi32, #tpu.memory_space<vmem>> -> memref<16x128xi32, #tpu.memory_space<vmem>>
        %dma_start3A_50 = arith.constant 0 : i32
        %dma_start3A_51 = tpu.memref_slice %arg3[%add3A_30, %dma_start3A_50] : memref<2560x128xi32, #tpu.memory_space<hbm>> -> memref<16x128xi32, #tpu.memory_space<hbm>>
        %dma_start3A_52 = arith.constant 0 : i32
        %dma_start3A_53 = arith.constant 0 : i32
        %dma_start3A_54 = tpu.memref_slice %arg7[%dma_start3A_52, %dma_start3A_53] : memref<48x128xi32, #tpu.memory_space<vmem>> -> memref<16x128xi32, #tpu.memory_space<vmem>>
        %dma_start3A_55 = arith.constant 0 : i32
        %dma_start3A_56 = tpu.memref_slice %arg3[%add3A_30, %dma_start3A_55] : memref<2560x128xi32, #tpu.memory_space<hbm>> -> memref<16x128xi32, #tpu.memory_space<hbm>>
        tpu.enqueue_dma source(%dma_start3A_56 : memref<16x128xi32, #tpu.memory_space<hbm>>) target(%dma_start3A_54 : memref<16x128xi32, #tpu.memory_space<vmem>>) target_semaphore(%run_scoped3A : memref<!tpu.dma_semaphore, #tpu.memory_space<semaphore_mem>>)
        %dma_wait3A_57 = arith.constant 0 : i32
        %dma_wait3A_58 = arith.constant 0 : i32
        %dma_wait3A_59 = tpu.memref_slice %arg7[%dma_wait3A_57, %dma_wait3A_58] : memref<48x128xi32, #tpu.memory_space<vmem>> -> memref<16x128xi32, #tpu.memory_space<vmem>>
        %dma_wait3A_60 = arith.constant 0 : i32
        %dma_wait3A_61 = tpu.memref_slice %arg3[%add3A_30, %dma_wait3A_60] : memref<2560x128xi32, #tpu.memory_space<hbm>> -> memref<16x128xi32, #tpu.memory_space<hbm>>
        %dma_wait3A_62 = arith.constant 0 : i32
        %dma_wait3A_63 = arith.constant 0 : i32
        %dma_wait3A_64 = tpu.memref_slice %arg7[%dma_wait3A_62, %dma_wait3A_63] : memref<48x128xi32, #tpu.memory_space<vmem>> -> memref<16x128xi32, #tpu.memory_space<vmem>>
        %dma_wait3A_65 = arith.constant 0 : i32
        %dma_wait3A_66 = tpu.memref_slice %arg3[%add3A_30, %dma_wait3A_65] : memref<2560x128xi32, #tpu.memory_space<hbm>> -> memref<16x128xi32, #tpu.memory_space<hbm>>
        tpu.wait_dma2 semaphore(%run_scoped3A : memref<!tpu.dma_semaphore, #tpu.memory_space<semaphore_mem>>) src(%dma_wait3A_66 : memref<16x128xi32, #tpu.memory_space<hbm>>) dst(%dma_wait3A_64 : memref<16x128xi32, #tpu.memory_space<vmem>>)
        tpu.yield
      }) : () -> ()
      "tpu.region"() ({
        %run_scoped3A = tpu.sem_alloc : memref<!tpu.dma_semaphore, #tpu.memory_space<semaphore_mem>>
        %dma_start3A_47 = arith.constant 0 : i32
        %dma_start3A_48 = arith.constant 0 : i32
        %dma_start3A_49 = tpu.memref_slice %arg8[%dma_start3A_47, %dma_start3A_48] : memref<48x128xi32, #tpu.memory_space<vmem>> -> memref<16x128xi32, #tpu.memory_space<vmem>>
        %dma_start3A_50 = arith.constant 0 : i32
        %dma_start3A_51 = tpu.memref_slice %arg4[%add3A_30, %dma_start3A_50] : memref<2560x128xi32, #tpu.memory_space<hbm>> -> memref<16x128xi32, #tpu.memory_space<hbm>>
        %dma_start3A_52 = arith.constant 0 : i32
        %dma_start3A_53 = arith.constant 0 : i32
        %dma_start3A_54 = tpu.memref_slice %arg8[%dma_start3A_52, %dma_start3A_53] : memref<48x128xi32, #tpu.memory_space<vmem>> -> memref<16x128xi32, #tpu.memory_space<vmem>>
        %dma_start3A_55 = arith.constant 0 : i32
        %dma_start3A_56 = tpu.memref_slice %arg4[%add3A_30, %dma_start3A_55] : memref<2560x128xi32, #tpu.memory_space<hbm>> -> memref<16x128xi32, #tpu.memory_space<hbm>>
        tpu.enqueue_dma source(%dma_start3A_56 : memref<16x128xi32, #tpu.memory_space<hbm>>) target(%dma_start3A_54 : memref<16x128xi32, #tpu.memory_space<vmem>>) target_semaphore(%run_scoped3A : memref<!tpu.dma_semaphore, #tpu.memory_space<semaphore_mem>>)
        %dma_wait3A_57 = arith.constant 0 : i32
        %dma_wait3A_58 = arith.constant 0 : i32
        %dma_wait3A_59 = tpu.memref_slice %arg8[%dma_wait3A_57, %dma_wait3A_58] : memref<48x128xi32, #tpu.memory_space<vmem>> -> memref<16x128xi32, #tpu.memory_space<vmem>>
        %dma_wait3A_60 = arith.constant 0 : i32
        %dma_wait3A_61 = tpu.memref_slice %arg4[%add3A_30, %dma_wait3A_60] : memref<2560x128xi32, #tpu.memory_space<hbm>> -> memref<16x128xi32, #tpu.memory_space<hbm>>
        %dma_wait3A_62 = arith.constant 0 : i32
        %dma_wait3A_63 = arith.constant 0 : i32
        %dma_wait3A_64 = tpu.memref_slice %arg8[%dma_wait3A_62, %dma_wait3A_63] : memref<48x128xi32, #tpu.memory_space<vmem>> -> memref<16x128xi32, #tpu.memory_space<vmem>>
        %dma_wait3A_65 = arith.constant 0 : i32
        %dma_wait3A_66 = tpu.memref_slice %arg4[%add3A_30, %dma_wait3A_65] : memref<2560x128xi32, #tpu.memory_space<hbm>> -> memref<16x128xi32, #tpu.memory_space<hbm>>
        tpu.wait_dma2 semaphore(%run_scoped3A : memref<!tpu.dma_semaphore, #tpu.memory_space<semaphore_mem>>) src(%dma_wait3A_66 : memref<16x128xi32, #tpu.memory_space<hbm>>) dst(%dma_wait3A_64 : memref<16x128xi32, #tpu.memory_space<vmem>>)
        tpu.yield
      }) : () -> ()
      %dma_start3A = arith.constant 0 : i32
      %dma_start3A_31 = arith.constant 0 : i32
      %dma_start3A_32 = tpu.memref_slice %arg7[%dma_start3A, %dma_start3A_31] : memref<48x128xi32, #tpu.memory_space<vmem>> -> memref<1x128xi32, #tpu.memory_space<vmem>>
      %dma_start3A_33 = tpu.memref_squeeze %dma_start3A_32 : memref<1x128xi32, #tpu.memory_space<vmem>> -> memref<128xi32, #tpu.memory_space<vmem>>
      %dma_start3A_34 = arith.constant 0 : i32
      %dma_start3A_35 = arith.constant 0 : i32
      %dma_start3A_36 = tpu.memref_slice %arg2[%dma_start3A_34, %dma_start3A_35] : memref<10000x128xf32, #tpu.memory_space<hbm>> -> memref<10000x128xf32, #tpu.memory_space<hbm>>
      tpu.enqueue_indirect_dma source(%dma_start3A_36 : memref<10000x128xf32, #tpu.memory_space<hbm>>) target(%arg9 : memref<128x128xf32, #tpu.memory_space<vmem>>) offsets(%dma_start3A_33 : memref<128xi32, #tpu.memory_space<vmem>>) semaphore(%arg12 : memref<!tpu.dma_semaphore, #tpu.memory_space<semaphore_mem>>)
      %scan3A = arith.constant 0 : i32
      %scan3A_37 = arith.constant 8 : i32
      %scan3A_38 = arith.addi %scan3A, %scan3A_37 : i32
      %scan3A_39 = arith.constant 1 : i32
      scf.for %scan3A_47 = %scan3A to %scan3A_38 step %scan3A_39  : i32 {
        %mul3A_48 = arith.constant 1 : i32
        %mul3A_49 = arith.muli %scan3A_47, %mul3A_48 : i32
        %add3A_50 = arith.constant 0 : i32
        %add3A_51 = arith.addi %add3A_50, %mul3A_49 : i32
        %mul3A_52 = arith.constant 2 : i32
        %mul3A_53 = arith.muli %add3A_51, %mul3A_52 : i32
        %add3A_54 = arith.constant 0 : i32
        %add3A_55 = arith.addi %mul3A_53, %add3A_54 : i32
        %dma_wait3A_56 = arith.constant 0 : i32
        %dma_wait3A_57 = arith.constant 0 : i32
        %dma_wait3A_58 = tpu.memref_slice %arg7[%dma_wait3A_56, %dma_wait3A_57] : memref<48x128xi32, #tpu.memory_space<vmem>> -> memref<1x128xi32, #tpu.memory_space<vmem>>
        %dma_wait3A_59 = tpu.memref_squeeze %dma_wait3A_58 : memref<1x128xi32, #tpu.memory_space<vmem>> -> memref<128xi32, #tpu.memory_space<vmem>>
        %dma_wait3A_60 = arith.constant 0 : i32
        %dma_wait3A_61 = arith.constant 0 : i32
        %dma_wait3A_62 = tpu.memref_slice %arg2[%dma_wait3A_60, %dma_wait3A_61] : memref<10000x128xf32, #tpu.memory_space<hbm>> -> memref<10000x128xf32, #tpu.memory_space<hbm>>
        tpu.wait_indirect_dma semaphore(%arg12 : memref<!tpu.dma_semaphore, #tpu.memory_space<semaphore_mem>>) src(%dma_wait3A_62 : memref<10000x128xf32, #tpu.memory_space<hbm>>) dst(%arg9 : memref<128x128xf32, #tpu.memory_space<vmem>>)
        %dma_start3A_63 = arith.constant 0 : i32
        %dma_start3A_64 = tpu.memref_slice %arg8[%add3A_55, %dma_start3A_63] : memref<48x128xi32, #tpu.memory_space<vmem>> -> memref<1x128xi32, #tpu.memory_space<vmem>>
        %dma_start3A_65 = tpu.memref_squeeze %dma_start3A_64 : memref<1x128xi32, #tpu.memory_space<vmem>> -> memref<128xi32, #tpu.memory_space<vmem>>
        %dma_start3A_66 = arith.constant 0 : i32
        %dma_start3A_67 = arith.constant 0 : i32
        %dma_start3A_68 = tpu.memref_slice %arg11[%dma_start3A_66, %dma_start3A_67] : memref<10008x128xf32, #tpu.memory_space<vmem_shared>> -> memref<10008x128xf32, #tpu.memory_space<vmem_shared>>
        tpu.enqueue_indirect_dma source(%arg9 : memref<128x128xf32, #tpu.memory_space<vmem>>) target(%dma_start3A_68 : memref<10008x128xf32, #tpu.memory_space<vmem_shared>>) offsets(%dma_start3A_65 : memref<128xi32, #tpu.memory_space<vmem>>) semaphore(%arg14 : memref<!tpu.dma_semaphore, #tpu.memory_space<semaphore_mem>>) {add = true}
        %add3A_69 = arith.constant 1 : i32
        %add3A_70 = arith.addi %add3A_55, %add3A_69 : i32
        %lt3A_71 = arith.constant 16 : i32
        %lt3A_72 = arith.cmpi slt, %add3A_70, %lt3A_71 : i32
        %convert_element_type3A_73 = arith.extui %lt3A_72 : i1 to i32
        %cond3A_74 = arith.constant 0 : i32
        %cond3A_75 = arith.cmpi ne, %convert_element_type3A_73, %cond3A_74 : i32
        scf.if %cond3A_75 {
          %ge3A = arith.constant 1 : i32
          %ge3A_100 = arith.cmpi sge, %add3A_55, %ge3A : i32
          %convert_element_type3A_101 = arith.extui %ge3A_100 : i1 to i32
          %cond3A_102 = arith.constant 0 : i32
          %cond3A_103 = arith.cmpi ne, %convert_element_type3A_101, %cond3A_102 : i32
          scf.if %cond3A_103 {
            %dma_wait3A_112 = arith.constant 0 : i32
            %dma_wait3A_113 = arith.constant 0 : i32
            %dma_wait3A_114 = tpu.memref_slice %arg8[%dma_wait3A_112, %dma_wait3A_113] : memref<48x128xi32, #tpu.memory_space<vmem>> -> memref<1x128xi32, #tpu.memory_space<vmem>>
            %dma_wait3A_115 = tpu.memref_squeeze %dma_wait3A_114 : memref<1x128xi32, #tpu.memory_space<vmem>> -> memref<128xi32, #tpu.memory_space<vmem>>
            %dma_wait3A_116 = arith.constant 0 : i32
            %dma_wait3A_117 = arith.constant 0 : i32
            %dma_wait3A_118 = tpu.memref_slice %arg11[%dma_wait3A_116, %dma_wait3A_117] : memref<10008x128xf32, #tpu.memory_space<vmem_shared>> -> memref<10008x128xf32, #tpu.memory_space<vmem_shared>>
            tpu.wait_indirect_dma semaphore(%arg15 : memref<!tpu.dma_semaphore, #tpu.memory_space<semaphore_mem>>) src(%arg10 : memref<128x128xf32, #tpu.memory_space<vmem>>) dst(%dma_wait3A_118 : memref<10008x128xf32, #tpu.memory_space<vmem_shared>>)
          } else {
          }
          %add3A_104 = arith.constant 1 : i32
          %add3A_105 = arith.addi %add3A_55, %add3A_104 : i32
          %dma_start3A_106 = arith.constant 0 : i32
          %dma_start3A_107 = tpu.memref_slice %arg7[%add3A_105, %dma_start3A_106] : memref<48x128xi32, #tpu.memory_space<vmem>> -> memref<1x128xi32, #tpu.memory_space<vmem>>
          %dma_start3A_108 = tpu.memref_squeeze %dma_start3A_107 : memref<1x128xi32, #tpu.memory_space<vmem>> -> memref<128xi32, #tpu.memory_space<vmem>>
          %dma_start3A_109 = arith.constant 0 : i32
          %dma_start3A_110 = arith.constant 0 : i32
          %dma_start3A_111 = tpu.memref_slice %arg2[%dma_start3A_109, %dma_start3A_110] : memref<10000x128xf32, #tpu.memory_space<hbm>> -> memref<10000x128xf32, #tpu.memory_space<hbm>>
          tpu.enqueue_indirect_dma source(%dma_start3A_111 : memref<10000x128xf32, #tpu.memory_space<hbm>>) target(%arg10 : memref<128x128xf32, #tpu.memory_space<vmem>>) offsets(%dma_start3A_108 : memref<128xi32, #tpu.memory_space<vmem>>) semaphore(%arg13 : memref<!tpu.dma_semaphore, #tpu.memory_space<semaphore_mem>>)
        } else {
        }
        %mul3A_76 = arith.constant 2 : i32
        %mul3A_77 = arith.muli %add3A_51, %mul3A_76 : i32
        %add3A_78 = arith.constant 1 : i32
        %add3A_79 = arith.addi %mul3A_77, %add3A_78 : i32
        %dma_wait3A_80 = arith.constant 0 : i32
        %dma_wait3A_81 = arith.constant 0 : i32
        %dma_wait3A_82 = tpu.memref_slice %arg7[%dma_wait3A_80, %dma_wait3A_81] : memref<48x128xi32, #tpu.memory_space<vmem>> -> memref<1x128xi32, #tpu.memory_space<vmem>>
        %dma_wait3A_83 = tpu.memref_squeeze %dma_wait3A_82 : memref<1x128xi32, #tpu.memory_space<vmem>> -> memref<128xi32, #tpu.memory_space<vmem>>
        %dma_wait3A_84 = arith.constant 0 : i32
        %dma_wait3A_85 = arith.constant 0 : i32
        %dma_wait3A_86 = tpu.memref_slice %arg2[%dma_wait3A_84, %dma_wait3A_85] : memref<10000x128xf32, #tpu.memory_space<hbm>> -> memref<10000x128xf32, #tpu.memory_space<hbm>>
        tpu.wait_indirect_dma semaphore(%arg13 : memref<!tpu.dma_semaphore, #tpu.memory_space<semaphore_mem>>) src(%dma_wait3A_86 : memref<10000x128xf32, #tpu.memory_space<hbm>>) dst(%arg10 : memref<128x128xf32, #tpu.memory_space<vmem>>)
        %dma_start3A_87 = arith.constant 0 : i32
        %dma_start3A_88 = tpu.memref_slice %arg8[%add3A_79, %dma_start3A_87] : memref<48x128xi32, #tpu.memory_space<vmem>> -> memref<1x128xi32, #tpu.memory_space<vmem>>
        %dma_start3A_89 = tpu.memref_squeeze %dma_start3A_88 : memref<1x128xi32, #tpu.memory_space<vmem>> -> memref<128xi32, #tpu.memory_space<vmem>>
        %dma_start3A_90 = arith.constant 0 : i32
        %dma_start3A_91 = arith.constant 0 : i32
        %dma_start3A_92 = tpu.memref_slice %arg11[%dma_start3A_90, %dma_start3A_91] : memref<10008x128xf32, #tpu.memory_space<vmem_shared>> -> memref<10008x128xf32, #tpu.memory_space<vmem_shared>>
        tpu.enqueue_indirect_dma source(%arg10 : memref<128x128xf32, #tpu.memory_space<vmem>>) target(%dma_start3A_92 : memref<10008x128xf32, #tpu.memory_space<vmem_shared>>) offsets(%dma_start3A_89 : memref<128xi32, #tpu.memory_space<vmem>>) semaphore(%arg15 : memref<!tpu.dma_semaphore, #tpu.memory_space<semaphore_mem>>) {add = true}
        %add3A_93 = arith.constant 1 : i32
        %add3A_94 = arith.addi %add3A_79, %add3A_93 : i32
        %lt3A_95 = arith.constant 16 : i32
        %lt3A_96 = arith.cmpi slt, %add3A_94, %lt3A_95 : i32
        %convert_element_type3A_97 = arith.extui %lt3A_96 : i1 to i32
        %cond3A_98 = arith.constant 0 : i32
        %cond3A_99 = arith.cmpi ne, %convert_element_type3A_97, %cond3A_98 : i32
        scf.if %cond3A_99 {
          %ge3A = arith.constant 1 : i32
          %ge3A_100 = arith.cmpi sge, %add3A_79, %ge3A : i32
          %convert_element_type3A_101 = arith.extui %ge3A_100 : i1 to i32
          %cond3A_102 = arith.constant 0 : i32
          %cond3A_103 = arith.cmpi ne, %convert_element_type3A_101, %cond3A_102 : i32
          scf.if %cond3A_103 {
            %dma_wait3A_112 = arith.constant 0 : i32
            %dma_wait3A_113 = arith.constant 0 : i32
            %dma_wait3A_114 = tpu.memref_slice %arg8[%dma_wait3A_112, %dma_wait3A_113] : memref<48x128xi32, #tpu.memory_space<vmem>> -> memref<1x128xi32, #tpu.memory_space<vmem>>
            %dma_wait3A_115 = tpu.memref_squeeze %dma_wait3A_114 : memref<1x128xi32, #tpu.memory_space<vmem>> -> memref<128xi32, #tpu.memory_space<vmem>>
            %dma_wait3A_116 = arith.constant 0 : i32
            %dma_wait3A_117 = arith.constant 0 : i32
            %dma_wait3A_118 = tpu.memref_slice %arg11[%dma_wait3A_116, %dma_wait3A_117] : memref<10008x128xf32, #tpu.memory_space<vmem_shared>> -> memref<10008x128xf32, #tpu.memory_space<vmem_shared>>
            tpu.wait_indirect_dma semaphore(%arg14 : memref<!tpu.dma_semaphore, #tpu.memory_space<semaphore_mem>>) src(%arg9 : memref<128x128xf32, #tpu.memory_space<vmem>>) dst(%dma_wait3A_118 : memref<10008x128xf32, #tpu.memory_space<vmem_shared>>)
          } else {
          }
          %add3A_104 = arith.constant 1 : i32
          %add3A_105 = arith.addi %add3A_79, %add3A_104 : i32
          %dma_start3A_106 = arith.constant 0 : i32
          %dma_start3A_107 = tpu.memref_slice %arg7[%add3A_105, %dma_start3A_106] : memref<48x128xi32, #tpu.memory_space<vmem>> -> memref<1x128xi32, #tpu.memory_space<vmem>>
          %dma_start3A_108 = tpu.memref_squeeze %dma_start3A_107 : memref<1x128xi32, #tpu.memory_space<vmem>> -> memref<128xi32, #tpu.memory_space<vmem>>
          %dma_start3A_109 = arith.constant 0 : i32
          %dma_start3A_110 = arith.constant 0 : i32
          %dma_start3A_111 = tpu.memref_slice %arg2[%dma_start3A_109, %dma_start3A_110] : memref<10000x128xf32, #tpu.memory_space<hbm>> -> memref<10000x128xf32, #tpu.memory_space<hbm>>
          tpu.enqueue_indirect_dma source(%dma_start3A_111 : memref<10000x128xf32, #tpu.memory_space<hbm>>) target(%arg9 : memref<128x128xf32, #tpu.memory_space<vmem>>) offsets(%dma_start3A_108 : memref<128xi32, #tpu.memory_space<vmem>>) semaphore(%arg12 : memref<!tpu.dma_semaphore, #tpu.memory_space<semaphore_mem>>)
        } else {
        }
      }
      %scan3A_40 = arith.constant 8 : i32
      %dma_wait3A = arith.constant 0 : i32
      %dma_wait3A_41 = arith.constant 0 : i32
      %dma_wait3A_42 = tpu.memref_slice %arg8[%dma_wait3A, %dma_wait3A_41] : memref<48x128xi32, #tpu.memory_space<vmem>> -> memref<1x128xi32, #tpu.memory_space<vmem>>
      %dma_wait3A_43 = tpu.memref_squeeze %dma_wait3A_42 : memref<1x128xi32, #tpu.memory_space<vmem>> -> memref<128xi32, #tpu.memory_space<vmem>>
      %dma_wait3A_44 = arith.constant 0 : i32
      %dma_wait3A_45 = arith.constant 0 : i32
      %dma_wait3A_46 = tpu.memref_slice %arg11[%dma_wait3A_44, %dma_wait3A_45] : memref<10008x128xf32, #tpu.memory_space<vmem_shared>> -> memref<10008x128xf32, #tpu.memory_space<vmem_shared>>
      tpu.wait_indirect_dma semaphore(%arg15 : memref<!tpu.dma_semaphore, #tpu.memory_space<semaphore_mem>>) src(%arg10 : memref<128x128xf32, #tpu.memory_space<vmem>>) dst(%dma_wait3A_46 : memref<10008x128xf32, #tpu.memory_space<vmem_shared>>)
    } else {
    }
    %barrier3A_16 = arith.constant 0 : index
    tpu.barrier barrier_id(%barrier3A_16)
    %lt3A_17 = arith.constant 15 : i32
    %lt3A_18 = arith.cmpi slt, %arg1, %lt3A_17 : i32
    %convert_element_type3A_19 = arith.extui %lt3A_18 : i1 to i32
    %cond3A_20 = arith.constant 0 : i32
    %cond3A_21 = arith.cmpi ne, %convert_element_type3A_19, %cond3A_20 : i32
    scf.if %cond3A_21 {
      %mul3A = arith.constant 632 : i32
      %mul3A_27 = arith.muli %arg1, %mul3A : i32
      %mul3A_28 = arith.constant 632 : i32
      %mul3A_29 = arith.muli %arg1, %mul3A_28 : i32
      "tpu.region"() ({
        %run_scoped3A = tpu.sem_alloc : memref<!tpu.dma_semaphore, #tpu.memory_space<semaphore_mem>>
        %dma_start3A = arith.constant 0 : i32
        %dma_start3A_30 = tpu.memref_slice %arg6[%arg0, %mul3A_29, %dma_start3A] : memref<2x10000x128xf32, #tpu.memory_space<hbm>> -> memref<1x632x128xf32, #tpu.memory_space<hbm>>
        %dma_start3A_31 = tpu.memref_squeeze %dma_start3A_30 : memref<1x632x128xf32, #tpu.memory_space<hbm>> -> memref<632x128xf32, #tpu.memory_space<hbm>>
        %dma_start3A_32 = arith.constant 0 : i32
        %dma_start3A_33 = tpu.memref_slice %arg11[%mul3A_27, %dma_start3A_32] : memref<10008x128xf32, #tpu.memory_space<vmem_shared>> -> memref<632x128xf32, #tpu.memory_space<vmem_shared>>
        tpu.enqueue_dma source(%dma_start3A_33 : memref<632x128xf32, #tpu.memory_space<vmem_shared>>) target(%dma_start3A_31 : memref<632x128xf32, #tpu.memory_space<hbm>>) target_semaphore(%run_scoped3A : memref<!tpu.dma_semaphore, #tpu.memory_space<semaphore_mem>>)
        %dma_wait3A = arith.constant 0 : i32
        %dma_wait3A_34 = tpu.memref_slice %arg6[%arg0, %mul3A_29, %dma_wait3A] : memref<2x10000x128xf32, #tpu.memory_space<hbm>> -> memref<1x632x128xf32, #tpu.memory_space<hbm>>
        %dma_wait3A_35 = tpu.memref_squeeze %dma_wait3A_34 : memref<1x632x128xf32, #tpu.memory_space<hbm>> -> memref<632x128xf32, #tpu.memory_space<hbm>>
        %dma_wait3A_36 = arith.constant 0 : i32
        %dma_wait3A_37 = tpu.memref_slice %arg11[%mul3A_27, %dma_wait3A_36] : memref<10008x128xf32, #tpu.memory_space<vmem_shared>> -> memref<632x128xf32, #tpu.memory_space<vmem_shared>>
        tpu.wait_dma2 semaphore(%run_scoped3A : memref<!tpu.dma_semaphore, #tpu.memory_space<semaphore_mem>>) src(%dma_wait3A_37 : memref<632x128xf32, #tpu.memory_space<vmem_shared>>) dst(%dma_wait3A_35 : memref<632x128xf32, #tpu.memory_space<hbm>>)
        tpu.yield
      }) : () -> ()
    } else {
    }
    %eq3A_22 = arith.constant 15 : i32
    %eq3A_23 = arith.cmpi eq, %arg1, %eq3A_22 : i32
    %convert_element_type3A_24 = arith.extui %eq3A_23 : i1 to i32
    %cond3A_25 = arith.constant 0 : i32
    %cond3A_26 = arith.cmpi ne, %convert_element_type3A_24, %cond3A_25 : i32
    scf.if %cond3A_26 {
      "tpu.region"() ({
        %run_scoped3A = tpu.sem_alloc : memref<!tpu.dma_semaphore, #tpu.memory_space<semaphore_mem>>
        %dma_start3A = arith.constant 9480 : i32
        %dma_start3A_27 = arith.constant 0 : i32
        %dma_start3A_28 = tpu.memref_slice %arg6[%arg0, %dma_start3A, %dma_start3A_27] : memref<2x10000x128xf32, #tpu.memory_space<hbm>> -> memref<1x520x128xf32, #tpu.memory_space<hbm>>
        %dma_start3A_29 = tpu.memref_squeeze %dma_start3A_28 : memref<1x520x128xf32, #tpu.memory_space<hbm>> -> memref<520x128xf32, #tpu.memory_space<hbm>>
        %dma_start3A_30 = arith.constant 9480 : i32
        %dma_start3A_31 = arith.constant 0 : i32
        %dma_start3A_32 = tpu.memref_slice %arg11[%dma_start3A_30, %dma_start3A_31] : memref<10008x128xf32, #tpu.memory_space<vmem_shared>> -> memref<520x128xf32, #tpu.memory_space<vmem_shared>>
        tpu.enqueue_dma source(%dma_start3A_32 : memref<520x128xf32, #tpu.memory_space<vmem_shared>>) target(%dma_start3A_29 : memref<520x128xf32, #tpu.memory_space<hbm>>) target_semaphore(%run_scoped3A : memref<!tpu.dma_semaphore, #tpu.memory_space<semaphore_mem>>)
        %dma_wait3A = arith.constant 9480 : i32
        %dma_wait3A_33 = arith.constant 0 : i32
        %dma_wait3A_34 = tpu.memref_slice %arg6[%arg0, %dma_wait3A, %dma_wait3A_33] : memref<2x10000x128xf32, #tpu.memory_space<hbm>> -> memref<1x520x128xf32, #tpu.memory_space<hbm>>
        %dma_wait3A_35 = tpu.memref_squeeze %dma_wait3A_34 : memref<1x520x128xf32, #tpu.memory_space<hbm>> -> memref<520x128xf32, #tpu.memory_space<hbm>>
        %dma_wait3A_36 = arith.constant 9480 : i32
        %dma_wait3A_37 = arith.constant 0 : i32
        %dma_wait3A_38 = tpu.memref_slice %arg11[%dma_wait3A_36, %dma_wait3A_37] : memref<10008x128xf32, #tpu.memory_space<vmem_shared>> -> memref<520x128xf32, #tpu.memory_space<vmem_shared>>
        tpu.wait_dma2 semaphore(%run_scoped3A : memref<!tpu.dma_semaphore, #tpu.memory_space<semaphore_mem>>) src(%dma_wait3A_38 : memref<520x128xf32, #tpu.memory_space<vmem_shared>>) dst(%dma_wait3A_35 : memref<520x128xf32, #tpu.memory_space<hbm>>)
        tpu.yield
      }) : () -> ()
    } else {
    }
    return
  }
}

module attributes {stable_mosaic.version = 14 : i64} {
  func.func @_tc_in_body(%arg0: i32, %arg1: memref<2000x128xf32, #tpu.memory_space<vmem>>, %arg2: memref<128x128xf32, #tpu.memory_space<vmem>>, %arg3: memref<1x128xf32, #tpu.memory_space<vmem>>, %arg4: memref<1x128xf32, #tpu.memory_space<vmem>>, %arg5: memref<1x128xf32, #tpu.memory_space<vmem>>, %arg6: memref<128x128xf32, #tpu.memory_space<vmem>>, %arg7: memref<1x128xf32, #tpu.memory_space<vmem>>, %arg8: memref<2000x128xf32, #tpu.memory_space<vmem>>) attributes {dimension_semantics = [#tpu.dimension_semantics<arbitrary>], iteration_bounds = array<i64: 5>, scalar_prefetch = 0 : i64, scratch_operands = 0 : i64, tpu.core_type = #tpu.core_type<tc>, window_params = [{transform_indices = @transform_0, window_bounds = array<i64: 2000, 128>}, {pipeline_mode = #tpu.pipeline_mode<synchronous>, transform_indices = @transform_1, window_bounds = array<i64: 128, 128>}, {pipeline_mode = #tpu.pipeline_mode<synchronous>, transform_indices = @transform_2, window_bounds = array<i64: 1, 128>}, {pipeline_mode = #tpu.pipeline_mode<synchronous>, transform_indices = @transform_3, window_bounds = array<i64: 1, 128>}, {pipeline_mode = #tpu.pipeline_mode<synchronous>, transform_indices = @transform_4, window_bounds = array<i64: 1, 128>}, {pipeline_mode = #tpu.pipeline_mode<synchronous>, transform_indices = @transform_5, window_bounds = array<i64: 128, 128>}, {pipeline_mode = #tpu.pipeline_mode<synchronous>, transform_indices = @transform_6, window_bounds = array<i64: 1, 128>}, {transform_indices = @transform_7, window_bounds = array<i64: 2000, 128>}]} {
    %get3A = arith.constant 0 : index
    %get3A_0 = arith.constant 0 : index
    %get3A_1 = vector.load %arg1[%get3A, %get3A_0] : memref<2000x128xf32, #tpu.memory_space<vmem>>, vector<2000x128xf32>
    %get3A_2 = arith.constant 0 : index
    %get3A_3 = arith.constant 0 : index
    %get3A_4 = vector.load %arg2[%get3A_2, %get3A_3] : memref<128x128xf32, #tpu.memory_space<vmem>>, vector<128x128xf32>
    %dot_general3A = arith.constant dense<0.000000e+00> : vector<2000x128xf32>
    %dot_general3A_5 = tpu.matmul %get3A_1, %get3A_4, %dot_general3A {dimension_numbers = #tpu.dot_dimension_numbers<[1], [0], [0], [1], [0, 0, 1, 1], [], []>, transpose_lhs_hint = false} : vector<2000x128xf32>, vector<128x128xf32>, vector<2000x128xf32> -> vector<2000x128xf32>
    %get3A_6 = arith.constant 0 : index
    %get3A_7 = arith.constant 0 : index
    %get3A_8 = vector.load %arg3[%get3A_6, %get3A_7] : memref<1x128xf32, #tpu.memory_space<vmem>>, vector<1x128xf32>
    %add3A = vector.broadcast %get3A_8 : vector<1x128xf32> to vector<2000x128xf32>
    %add3A_9 = arith.addf %dot_general3A_5, %add3A : vector<2000x128xf32>
    %get3A_10 = arith.constant 0 : index
    %get3A_11 = arith.constant 0 : index
    %get3A_12 = vector.load %arg4[%get3A_10, %get3A_11] : memref<1x128xf32, #tpu.memory_space<vmem>>, vector<1x128xf32>
    %mul3A = vector.broadcast %get3A_12 : vector<1x128xf32> to vector<2000x128xf32>
    %mul3A_13 = arith.mulf %add3A_9, %mul3A : vector<2000x128xf32>
    %get3A_14 = arith.constant 0 : index
    %get3A_15 = arith.constant 0 : index
    %get3A_16 = vector.load %arg5[%get3A_14, %get3A_15] : memref<1x128xf32, #tpu.memory_space<vmem>>, vector<1x128xf32>
    %add3A_17 = vector.broadcast %get3A_16 : vector<1x128xf32> to vector<2000x128xf32>
    %add3A_18 = arith.addf %mul3A_13, %add3A_17 : vector<2000x128xf32>
    %max3A = arith.constant 0.000000e+00 : f32
    %max3A_19 = vector.broadcast %max3A : f32 to vector<2000x128xf32>
    %max3A_20 = arith.maximumf %add3A_18, %max3A_19 : vector<2000x128xf32>
    %get3A_21 = arith.constant 0 : index
    %get3A_22 = arith.constant 0 : index
    %get3A_23 = vector.load %arg6[%get3A_21, %get3A_22] : memref<128x128xf32, #tpu.memory_space<vmem>>, vector<128x128xf32>
    %dot_general3A_24 = arith.constant dense<0.000000e+00> : vector<2000x128xf32>
    %dot_general3A_25 = tpu.matmul %max3A_20, %get3A_23, %dot_general3A_24 {dimension_numbers = #tpu.dot_dimension_numbers<[1], [0], [0], [1], [0, 0, 1, 1], [], []>, transpose_lhs_hint = false} : vector<2000x128xf32>, vector<128x128xf32>, vector<2000x128xf32> -> vector<2000x128xf32>
    %get3A_26 = arith.constant 0 : index
    %get3A_27 = arith.constant 0 : index
    %get3A_28 = vector.load %arg7[%get3A_26, %get3A_27] : memref<1x128xf32, #tpu.memory_space<vmem>>, vector<1x128xf32>
    %add3A_29 = vector.broadcast %get3A_28 : vector<1x128xf32> to vector<2000x128xf32>
    %add3A_30 = arith.addf %dot_general3A_25, %add3A_29 : vector<2000x128xf32>
    %swap3A = arith.constant 0 : index
    %swap3A_31 = arith.constant 0 : index
    %swap3A_32 = vector.load %arg8[%swap3A, %swap3A_31] : memref<2000x128xf32, #tpu.memory_space<vmem>>, vector<2000x128xf32>
    tpu.vector_store %arg8[%swap3A, %swap3A_31], %add3A_30 {strides = array<i32>} : memref<2000x128xf32, #tpu.memory_space<vmem>>, vector<2000x128xf32>,
    return
  }
  func.func @transform_0(%arg0: i32) -> (i32, i32) {
    %c0_i32 = arith.constant 0 : i32
    %c0_i32_0 = arith.constant 0 : i32
    return %arg0, %c0_i32 : i32, i32
  }
  func.func @transform_1(%arg0: i32) -> (i32, i32) {
    %c0_i32 = arith.constant 0 : i32
    %c0_i32_0 = arith.constant 0 : i32
    %c0_i32_1 = arith.constant 0 : i32
    return %c0_i32, %c0_i32_0 : i32, i32
  }
  func.func @transform_2(%arg0: i32) -> (i32, i32) {
    %c0_i32 = arith.constant 0 : i32
    %c0_i32_0 = arith.constant 0 : i32
    %c0_i32_1 = arith.constant 0 : i32
    return %c0_i32, %c0_i32_0 : i32, i32
  }
  func.func @transform_3(%arg0: i32) -> (i32, i32) {
    %c0_i32 = arith.constant 0 : i32
    %c0_i32_0 = arith.constant 0 : i32
    %c0_i32_1 = arith.constant 0 : i32
    return %c0_i32, %c0_i32_0 : i32, i32
  }
  func.func @transform_4(%arg0: i32) -> (i32, i32) {
    %c0_i32 = arith.constant 0 : i32
    %c0_i32_0 = arith.constant 0 : i32
    %c0_i32_1 = arith.constant 0 : i32
    return %c0_i32, %c0_i32_0 : i32, i32
  }
  func.func @transform_5(%arg0: i32) -> (i32, i32) {
    %c0_i32 = arith.constant 0 : i32
    %c0_i32_0 = arith.constant 0 : i32
    %c0_i32_1 = arith.constant 0 : i32
    return %c0_i32, %c0_i32_0 : i32, i32
  }
  func.func @transform_6(%arg0: i32) -> (i32, i32) {
    %c0_i32 = arith.constant 0 : i32
    %c0_i32_0 = arith.constant 0 : i32
    %c0_i32_1 = arith.constant 0 : i32
    return %c0_i32, %c0_i32_0 : i32, i32
  }
  func.func @transform_7(%arg0: i32) -> (i32, i32) {
    %c0_i32 = arith.constant 0 : i32
    %c0_i32_0 = arith.constant 0 : i32
    return %arg0, %c0_i32 : i32, i32
  }
}

module attributes {stable_mosaic.version = 14 : i64} {
  func.func @_tc_deg_body(%arg0: i32, %arg1: memref<8000x1xi32, #tpu.memory_space<vmem>>, %arg2: memref<80x128xf32, #tpu.memory_space<vmem>>, %arg3: memref<80x128xf32, #tpu.memory_space<vmem>>) attributes {dimension_semantics = [#tpu.dimension_semantics<arbitrary>], iteration_bounds = array<i64: 40>, scalar_prefetch = 0 : i64, scratch_operands = 1 : i64, tpu.core_type = #tpu.core_type<tc>, window_params = [{transform_indices = @transform_0, window_bounds = array<i64: 8000, 1>}, {pipeline_mode = #tpu.pipeline_mode<synchronous>, transform_indices = @transform_1, window_bounds = array<i64: 80, 128>}]} {
    %eq3A = arith.constant 0 : i32
    %eq3A_0 = arith.cmpi eq, %arg0, %eq3A : i32
    %convert_element_type3A = arith.extui %eq3A_0 : i1 to i32
    %cond3A = arith.constant 0 : i32
    %cond3A_1 = arith.cmpi ne, %convert_element_type3A, %cond3A : i32
    scf.if %cond3A_1 {
      %broadcast_in_dim3A = arith.constant 0.000000e+00 : f32
      %broadcast_in_dim3A_50 = vector.broadcast %broadcast_in_dim3A : f32 to vector<80x128xf32>
      %swap3A_51 = arith.constant 0 : index
      %swap3A_52 = arith.constant 0 : index
      %swap3A_53 = vector.load %arg3[%swap3A_51, %swap3A_52] : memref<80x128xf32, #tpu.memory_space<vmem>>, vector<80x128xf32>
      tpu.vector_store %arg3[%swap3A_51, %swap3A_52], %broadcast_in_dim3A_50 {strides = array<i32>} : memref<80x128xf32, #tpu.memory_space<vmem>>, vector<80x128xf32>,
    } else {
    }
    %get3A = arith.constant 0 : index
    %get3A_2 = arith.constant 0 : index
    %get3A_3 = vector.load %arg1[%get3A, %get3A_2] : memref<8000x1xi32, #tpu.memory_space<vmem>>, vector<8000x1xi32>
    %jit3A = arith.constant 128 : i32
    %div3A = vector.broadcast %jit3A : i32 to vector<8000x1xi32>
    %div3A_4 = arith.divsi %get3A_3, %div3A : vector<8000x1xi32>
    %sign3A = arith.constant 0 : i32
    %sign3A_5 = vector.broadcast %sign3A : i32 to vector<8000x1xi32>
    %sign3A_6 = arith.cmpi sgt, %get3A_3, %sign3A_5 : vector<8000x1xi32>
    %sign3A_7 = arith.extui %sign3A_6 : vector<8000x1xi1> to vector<8000x1xi32>
    %sign3A_8 = arith.constant 0 : i32
    %sign3A_9 = vector.broadcast %sign3A_8 : i32 to vector<8000x1xi32>
    %sign3A_10 = arith.cmpi slt, %get3A_3, %sign3A_9 : vector<8000x1xi32>
    %sign3A_11 = arith.extui %sign3A_10 : vector<8000x1xi1> to vector<8000x1xi32>
    %sign3A_12 = arith.subi %sign3A_7, %sign3A_11 : vector<8000x1xi32>
    %sign3A_13 = arith.constant 0 : i32
    %sign3A_14 = arith.cmpi sgt, %jit3A, %sign3A_13 : i32
    %sign3A_15 = arith.extui %sign3A_14 : i1 to i32
    %sign3A_16 = arith.constant 0 : i32
    %sign3A_17 = arith.cmpi slt, %jit3A, %sign3A_16 : i32
    %sign3A_18 = arith.extui %sign3A_17 : i1 to i32
    %sign3A_19 = arith.subi %sign3A_15, %sign3A_18 : i32
    %ne3A = vector.broadcast %sign3A_19 : i32 to vector<8000x1xi32>
    %ne3A_20 = arith.cmpi ne, %sign3A_12, %ne3A : vector<8000x1xi32>
    %rem3A = vector.broadcast %jit3A : i32 to vector<8000x1xi32>
    %rem3A_21 = arith.remsi %get3A_3, %rem3A : vector<8000x1xi32>
    %ne3A_22 = arith.constant 0 : i32
    %ne3A_23 = vector.broadcast %ne3A_22 : i32 to vector<8000x1xi32>
    %ne3A_24 = arith.cmpi ne, %rem3A_21, %ne3A_23 : vector<8000x1xi32>
    %and3A = arith.andi %ne3A_20, %ne3A_24 : vector<8000x1xi1>
    %sub3A = arith.constant 1 : i32
    %sub3A_25 = vector.broadcast %sub3A : i32 to vector<8000x1xi32>
    %sub3A_26 = arith.subi %div3A_4, %sub3A_25 : vector<8000x1xi32>
    %select_n3A = arith.select %and3A, %sub3A_26, %div3A_4 : vector<8000x1xi1>, vector<8000x1xi32>
    %mul3A = arith.constant 128 : i32
    %mul3A_27 = vector.broadcast %mul3A : i32 to vector<8000x1xi32>
    %mul3A_28 = arith.muli %select_n3A, %mul3A_27 : vector<8000x1xi32>
    %sub3A_29 = arith.subi %get3A_3, %mul3A_28 : vector<8000x1xi32>
    %iota3A = tpu.iota {dimensions = array<i32: 1>} : vector<8000x80xi32>
    %eq3A_30 = vector.broadcast %select_n3A : vector<8000x1xi32> to vector<8000x80xi32>
    %eq3A_31 = arith.cmpi eq, %eq3A_30, %iota3A : vector<8000x80xi32>
    %convert_element_type3A_32 = arith.extui %eq3A_31 : vector<8000x80xi1> to vector<8000x80xi32>
    %convert_element_type3A_33 = arith.sitofp %convert_element_type3A_32 : vector<8000x80xi32> to vector<8000x80xf32>
    %iota3A_34 = tpu.iota {dimensions = array<i32: 1>} : vector<8000x128xi32>
    %eq3A_35 = vector.broadcast %sub3A_29 : vector<8000x1xi32> to vector<8000x128xi32>
    %eq3A_36 = arith.cmpi eq, %eq3A_35, %iota3A_34 : vector<8000x128xi32>
    %convert_element_type3A_37 = arith.extui %eq3A_36 : vector<8000x128xi1> to vector<8000x128xi32>
    %convert_element_type3A_38 = arith.sitofp %convert_element_type3A_37 : vector<8000x128xi32> to vector<8000x128xf32>
    %get3A_39 = arith.constant 0 : index
    %get3A_40 = arith.constant 0 : index
    %get3A_41 = vector.load %arg3[%get3A_39, %get3A_40] : memref<80x128xf32, #tpu.memory_space<vmem>>, vector<80x128xf32>
    %dot_general3A = arith.constant dense<0.000000e+00> : vector<80x128xf32>
    %dot_general3A_42 = tpu.matmul %convert_element_type3A_33, %convert_element_type3A_38, %dot_general3A {dimension_numbers = #tpu.dot_dimension_numbers<[0], [0], [1], [1], [0, 1, 1, 1], [], []>, transpose_lhs_hint = false} : vector<8000x80xf32>, vector<8000x128xf32>, vector<80x128xf32> -> vector<80x128xf32>
    %add3A = arith.addf %get3A_41, %dot_general3A_42 : vector<80x128xf32>
    %swap3A = arith.constant 0 : index
    %swap3A_43 = arith.constant 0 : index
    %swap3A_44 = vector.load %arg3[%swap3A, %swap3A_43] : memref<80x128xf32, #tpu.memory_space<vmem>>, vector<80x128xf32>
    tpu.vector_store %arg3[%swap3A, %swap3A_43], %add3A {strides = array<i32>} : memref<80x128xf32, #tpu.memory_space<vmem>>, vector<80x128xf32>,
    %eq3A_45 = arith.constant 39 : i32
    %eq3A_46 = arith.cmpi eq, %arg0, %eq3A_45 : i32
    %convert_element_type3A_47 = arith.extui %eq3A_46 : i1 to i32
    %cond3A_48 = arith.constant 0 : i32
    %cond3A_49 = arith.cmpi ne, %convert_element_type3A_47, %cond3A_48 : i32
    scf.if %cond3A_49 {
      %get3A_50 = arith.constant 0 : index
      %get3A_51 = arith.constant 0 : index
      %get3A_52 = vector.load %arg3[%get3A_50, %get3A_51] : memref<80x128xf32, #tpu.memory_space<vmem>>, vector<80x128xf32>
      %swap3A_53 = arith.constant 0 : index
      %swap3A_54 = arith.constant 0 : index
      %swap3A_55 = vector.load %arg2[%swap3A_53, %swap3A_54] : memref<80x128xf32, #tpu.memory_space<vmem>>, vector<80x128xf32>
      tpu.vector_store %arg2[%swap3A_53, %swap3A_54], %get3A_52 {strides = array<i32>} : memref<80x128xf32, #tpu.memory_space<vmem>>, vector<80x128xf32>,
    } else {
    }
    return
  }
  func.func @transform_0(%arg0: i32) -> (i32, i32) {
    %c0_i32 = arith.constant 0 : i32
    %c0_i32_0 = arith.constant 0 : i32
    return %arg0, %c0_i32 : i32, i32
  }
  func.func @transform_1(%arg0: i32) -> (i32, i32) {
    %c0_i32 = arith.constant 0 : i32
    %c0_i32_0 = arith.constant 0 : i32
    %c0_i32_1 = arith.constant 0 : i32
    return %c0_i32, %c0_i32_0 : i32, i32
  }
}

module attributes {stable_mosaic.version = 14 : i64} {
  func.func @_tc_gin_body(%arg0: i32, %arg1: memref<2000x128xf32, #tpu.memory_space<vmem>>, %arg2: memref<2000x128xf32, #tpu.memory_space<vmem>>, %arg3: memref<2000x128xf32, #tpu.memory_space<vmem>>, %arg4: memref<2000x1xf32, #tpu.memory_space<vmem>>, %arg5: memref<128x128xf32, #tpu.memory_space<vmem>>, %arg6: memref<1x128xf32, #tpu.memory_space<vmem>>, %arg7: memref<128x128xf32, #tpu.memory_space<vmem>>, %arg8: memref<1x128xf32, #tpu.memory_space<vmem>>, %arg9: memref<1x128xf32, #tpu.memory_space<vmem>>, %arg10: memref<1x128xf32, #tpu.memory_space<vmem>>, %arg11: memref<2000x128xf32, #tpu.memory_space<vmem>>) attributes {dimension_semantics = [#tpu.dimension_semantics<arbitrary>], iteration_bounds = array<i64: 5>, scalar_prefetch = 0 : i64, scratch_operands = 0 : i64, tpu.core_type = #tpu.core_type<tc>, window_params = [{transform_indices = @transform_0, window_bounds = array<i64: 2000, 128>}, {transform_indices = @transform_1, window_bounds = array<i64: 2000, 128>}, {transform_indices = @transform_2, window_bounds = array<i64: 2000, 128>}, {transform_indices = @transform_3, window_bounds = array<i64: 2000, 1>}, {pipeline_mode = #tpu.pipeline_mode<synchronous>, transform_indices = @transform_4, window_bounds = array<i64: 128, 128>}, {pipeline_mode = #tpu.pipeline_mode<synchronous>, transform_indices = @transform_5, window_bounds = array<i64: 1, 128>}, {pipeline_mode = #tpu.pipeline_mode<synchronous>, transform_indices = @transform_6, window_bounds = array<i64: 128, 128>}, {pipeline_mode = #tpu.pipeline_mode<synchronous>, transform_indices = @transform_7, window_bounds = array<i64: 1, 128>}, {pipeline_mode = #tpu.pipeline_mode<synchronous>, transform_indices = @transform_8, window_bounds = array<i64: 1, 128>}, {pipeline_mode = #tpu.pipeline_mode<synchronous>, transform_indices = @transform_9, window_bounds = array<i64: 1, 128>}, {transform_indices = @transform_10, window_bounds = array<i64: 2000, 128>}]} {
    %get3A = arith.constant 0 : index
    %get3A_0 = arith.constant 0 : index
    %get3A_1 = vector.load %arg4[%get3A, %get3A_0] : memref<2000x1xf32, #tpu.memory_space<vmem>>, vector<2000x1xf32>
    %max3A = arith.constant 1.000000e+00 : f32
    %max3A_2 = vector.broadcast %max3A : f32 to vector<2000x1xf32>
    %max3A_3 = arith.maximumf %get3A_1, %max3A_2 : vector<2000x1xf32>
    %div3A = arith.constant 1.000000e+00 : f32
    %div3A_4 = vector.broadcast %div3A : f32 to vector<2000x1xf32>
    %div3A_5 = arith.divf %div3A_4, %max3A_3 : vector<2000x1xf32>
    %get3A_6 = arith.constant 0 : index
    %get3A_7 = arith.constant 0 : index
    %get3A_8 = vector.load %arg1[%get3A_6, %get3A_7] : memref<2000x128xf32, #tpu.memory_space<vmem>>, vector<2000x128xf32>
    %get3A_9 = arith.constant 0 : index
    %get3A_10 = arith.constant 0 : index
    %get3A_11 = vector.load %arg2[%get3A_9, %get3A_10] : memref<2000x128xf32, #tpu.memory_space<vmem>>, vector<2000x128xf32>
    %get3A_12 = arith.constant 0 : index
    %get3A_13 = arith.constant 0 : index
    %get3A_14 = vector.load %arg3[%get3A_12, %get3A_13] : memref<2000x128xf32, #tpu.memory_space<vmem>>, vector<2000x128xf32>
    %add3A = arith.addf %get3A_11, %get3A_14 : vector<2000x128xf32>
    %mul3A = vector.broadcast %div3A_5 : vector<2000x1xf32> to vector<2000x128xf32>
    %mul3A_15 = arith.mulf %add3A, %mul3A : vector<2000x128xf32>
    %add3A_16 = arith.addf %get3A_8, %mul3A_15 : vector<2000x128xf32>
    %get3A_17 = arith.constant 0 : index
    %get3A_18 = arith.constant 0 : index
    %get3A_19 = vector.load %arg5[%get3A_17, %get3A_18] : memref<128x128xf32, #tpu.memory_space<vmem>>, vector<128x128xf32>
    %dot_general3A = arith.constant dense<0.000000e+00> : vector<2000x128xf32>
    %dot_general3A_20 = tpu.matmul %add3A_16, %get3A_19, %dot_general3A {dimension_numbers = #tpu.dot_dimension_numbers<[1], [0], [0], [1], [0, 0, 1, 1], [], []>, transpose_lhs_hint = false} : vector<2000x128xf32>, vector<128x128xf32>, vector<2000x128xf32> -> vector<2000x128xf32>
    %get3A_21 = arith.constant 0 : index
    %get3A_22 = arith.constant 0 : index
    %get3A_23 = vector.load %arg6[%get3A_21, %get3A_22] : memref<1x128xf32, #tpu.memory_space<vmem>>, vector<1x128xf32>
    %add3A_24 = vector.broadcast %get3A_23 : vector<1x128xf32> to vector<2000x128xf32>
    %add3A_25 = arith.addf %dot_general3A_20, %add3A_24 : vector<2000x128xf32>
    %max3A_26 = arith.constant 0.000000e+00 : f32
    %max3A_27 = vector.broadcast %max3A_26 : f32 to vector<2000x128xf32>
    %max3A_28 = arith.maximumf %add3A_25, %max3A_27 : vector<2000x128xf32>
    %get3A_29 = arith.constant 0 : index
    %get3A_30 = arith.constant 0 : index
    %get3A_31 = vector.load %arg7[%get3A_29, %get3A_30] : memref<128x128xf32, #tpu.memory_space<vmem>>, vector<128x128xf32>
    %dot_general3A_32 = arith.constant dense<0.000000e+00> : vector<2000x128xf32>
    %dot_general3A_33 = tpu.matmul %max3A_28, %get3A_31, %dot_general3A_32 {dimension_numbers = #tpu.dot_dimension_numbers<[1], [0], [0], [1], [0, 0, 1, 1], [], []>, transpose_lhs_hint = false} : vector<2000x128xf32>, vector<128x128xf32>, vector<2000x128xf32> -> vector<2000x128xf32>
    %get3A_34 = arith.constant 0 : index
    %get3A_35 = arith.constant 0 : index
    %get3A_36 = vector.load %arg8[%get3A_34, %get3A_35] : memref<1x128xf32, #tpu.memory_space<vmem>>, vector<1x128xf32>
    %add3A_37 = vector.broadcast %get3A_36 : vector<1x128xf32> to vector<2000x128xf32>
    %add3A_38 = arith.addf %dot_general3A_33, %add3A_37 : vector<2000x128xf32>
    %get3A_39 = arith.constant 0 : index
    %get3A_40 = arith.constant 0 : index
    %get3A_41 = vector.load %arg9[%get3A_39, %get3A_40] : memref<1x128xf32, #tpu.memory_space<vmem>>, vector<1x128xf32>
    %mul3A_42 = vector.broadcast %get3A_41 : vector<1x128xf32> to vector<2000x128xf32>
    %mul3A_43 = arith.mulf %add3A_38, %mul3A_42 : vector<2000x128xf32>
    %get3A_44 = arith.constant 0 : index
    %get3A_45 = arith.constant 0 : index
    %get3A_46 = vector.load %arg10[%get3A_44, %get3A_45] : memref<1x128xf32, #tpu.memory_space<vmem>>, vector<1x128xf32>
    %add3A_47 = vector.broadcast %get3A_46 : vector<1x128xf32> to vector<2000x128xf32>
    %add3A_48 = arith.addf %mul3A_43, %add3A_47 : vector<2000x128xf32>
    %max3A_49 = arith.constant 0.000000e+00 : f32
    %max3A_50 = vector.broadcast %max3A_49 : f32 to vector<2000x128xf32>
    %max3A_51 = arith.maximumf %add3A_48, %max3A_50 : vector<2000x128xf32>
    %swap3A = arith.constant 0 : index
    %swap3A_52 = arith.constant 0 : index
    %swap3A_53 = vector.load %arg11[%swap3A, %swap3A_52] : memref<2000x128xf32, #tpu.memory_space<vmem>>, vector<2000x128xf32>
    tpu.vector_store %arg11[%swap3A, %swap3A_52], %max3A_51 {strides = array<i32>} : memref<2000x128xf32, #tpu.memory_space<vmem>>, vector<2000x128xf32>,
    return
  }
  func.func @transform_0(%arg0: i32) -> (i32, i32) {
    %c0_i32 = arith.constant 0 : i32
    %c0_i32_0 = arith.constant 0 : i32
    return %arg0, %c0_i32 : i32, i32
  }
  func.func @transform_1(%arg0: i32) -> (i32, i32) {
    %c0_i32 = arith.constant 0 : i32
    %c0_i32_0 = arith.constant 0 : i32
    return %arg0, %c0_i32 : i32, i32
  }
  func.func @transform_2(%arg0: i32) -> (i32, i32) {
    %c0_i32 = arith.constant 0 : i32
    %c0_i32_0 = arith.constant 0 : i32
    return %arg0, %c0_i32 : i32, i32
  }
  func.func @transform_3(%arg0: i32) -> (i32, i32) {
    %c0_i32 = arith.constant 0 : i32
    %c0_i32_0 = arith.constant 0 : i32
    return %arg0, %c0_i32 : i32, i32
  }
  func.func @transform_4(%arg0: i32) -> (i32, i32) {
    %c0_i32 = arith.constant 0 : i32
    %c0_i32_0 = arith.constant 0 : i32
    %c0_i32_1 = arith.constant 0 : i32
    return %c0_i32, %c0_i32_0 : i32, i32
  }
  func.func @transform_5(%arg0: i32) -> (i32, i32) {
    %c0_i32 = arith.constant 0 : i32
    %c0_i32_0 = arith.constant 0 : i32
    %c0_i32_1 = arith.constant 0 : i32
    return %c0_i32, %c0_i32_0 : i32, i32
  }
  func.func @transform_6(%arg0: i32) -> (i32, i32) {
    %c0_i32 = arith.constant 0 : i32
    %c0_i32_0 = arith.constant 0 : i32
    %c0_i32_1 = arith.constant 0 : i32
    return %c0_i32, %c0_i32_0 : i32, i32
  }
  func.func @transform_7(%arg0: i32) -> (i32, i32) {
    %c0_i32 = arith.constant 0 : i32
    %c0_i32_0 = arith.constant 0 : i32
    %c0_i32_1 = arith.constant 0 : i32
    return %c0_i32, %c0_i32_0 : i32, i32
  }
  func.func @transform_8(%arg0: i32) -> (i32, i32) {
    %c0_i32 = arith.constant 0 : i32
    %c0_i32_0 = arith.constant 0 : i32
    %c0_i32_1 = arith.constant 0 : i32
    return %c0_i32, %c0_i32_0 : i32, i32
  }
  func.func @transform_9(%arg0: i32) -> (i32, i32) {
    %c0_i32 = arith.constant 0 : i32
    %c0_i32_0 = arith.constant 0 : i32
    %c0_i32_1 = arith.constant 0 : i32
    return %c0_i32, %c0_i32_0 : i32, i32
  }
  func.func @transform_10(%arg0: i32) -> (i32, i32) {
    %c0_i32 = arith.constant 0 : i32
    %c0_i32_0 = arith.constant 0 : i32
    return %arg0, %c0_i32 : i32, i32
  }
}

module attributes {stable_mosaic.version = 14 : i64} {
  func.func @_tc_pool_body(%arg0: i32, %arg1: memref<2000x128xf32, #tpu.memory_space<vmem>>, %arg2: memref<2000x128xf32, #tpu.memory_space<vmem>>, %arg3: memref<2000x128xf32, #tpu.memory_space<vmem>>, %arg4: memref<2000x128xf32, #tpu.memory_space<vmem>>, %arg5: memref<2000x128xf32, #tpu.memory_space<vmem>>, %arg6: memref<2000x1xf32, #tpu.memory_space<vmem>>, %arg7: memref<128x128xf32, #tpu.memory_space<vmem>>, %arg8: memref<1x128xf32, #tpu.memory_space<vmem>>, %arg9: memref<128x128xf32, #tpu.memory_space<vmem>>, %arg10: memref<1x128xf32, #tpu.memory_space<vmem>>, %arg11: memref<1x128xf32, #tpu.memory_space<vmem>>, %arg12: memref<1x128xf32, #tpu.memory_space<vmem>>, %arg13: memref<2000x1xi32, #tpu.memory_space<vmem>>, %arg14: memref<128x128xf32, #tpu.memory_space<vmem>>, %arg15: memref<1x128xf32, #tpu.memory_space<vmem>>, %arg16: memref<128x128xf32, #tpu.memory_space<vmem>>, %arg17: memref<1x128xf32, #tpu.memory_space<vmem>>, %arg18: memref<128x128xf32, #tpu.memory_space<vmem>>, %arg19: memref<1x128xf32, #tpu.memory_space<vmem>>, %arg20: memref<128x128xf32, #tpu.memory_space<vmem>>, %arg21: memref<1x128xf32, #tpu.memory_space<vmem>>, %arg22: memref<2000x128xf32, #tpu.memory_space<vmem>>, %arg23: memref<128x128xf32, #tpu.memory_space<vmem>>, %arg24: memref<128x128xf32, #tpu.memory_space<vmem>>, %arg25: memref<128x128xf32, #tpu.memory_space<vmem>>, %arg26: memref<128x128xf32, #tpu.memory_space<vmem>>, %arg27: memref<128x128xf32, #tpu.memory_space<vmem>>, %arg28: memref<128x1xf32, #tpu.memory_space<vmem>>) attributes {dimension_semantics = [#tpu.dimension_semantics<arbitrary>], iteration_bounds = array<i64: 5>, scalar_prefetch = 0 : i64, scratch_operands = 5 : i64, tpu.core_type = #tpu.core_type<tc>, window_params = [{transform_indices = @transform_0, window_bounds = array<i64: 2000, 128>}, {transform_indices = @transform_1, window_bounds = array<i64: 2000, 128>}, {transform_indices = @transform_2, window_bounds = array<i64: 2000, 128>}, {transform_indices = @transform_3, window_bounds = array<i64: 2000, 128>}, {transform_indices = @transform_4, window_bounds = array<i64: 2000, 128>}, {transform_indices = @transform_5, window_bounds = array<i64: 2000, 1>}, {pipeline_mode = #tpu.pipeline_mode<synchronous>, transform_indices = @transform_6, window_bounds = array<i64: 128, 128>}, {pipeline_mode = #tpu.pipeline_mode<synchronous>, transform_indices = @transform_7, window_bounds = array<i64: 1, 128>}, {pipeline_mode = #tpu.pipeline_mode<synchronous>, transform_indices = @transform_8, window_bounds = array<i64: 128, 128>}, {pipeline_mode = #tpu.pipeline_mode<synchronous>, transform_indices = @transform_9, window_bounds = array<i64: 1, 128>}, {pipeline_mode = #tpu.pipeline_mode<synchronous>, transform_indices = @transform_10, window_bounds = array<i64: 1, 128>}, {pipeline_mode = #tpu.pipeline_mode<synchronous>, transform_indices = @transform_11, window_bounds = array<i64: 1, 128>}, {transform_indices = @transform_12, window_bounds = array<i64: 2000, 1>}, {pipeline_mode = #tpu.pipeline_mode<synchronous>, transform_indices = @transform_13, window_bounds = array<i64: 128, 128>}, {pipeline_mode = #tpu.pipeline_mode<synchronous>, transform_indices = @transform_14, window_bounds = array<i64: 1, 128>}, {pipeline_mode = #tpu.pipeline_mode<synchronous>, transform_indices = @transform_15, window_bounds = array<i64: 128, 128>}, {pipeline_mode = #tpu.pipeline_mode<synchronous>, transform_indices = @transform_16, window_bounds = array<i64: 1, 128>}, {pipeline_mode = #tpu.pipeline_mode<synchronous>, transform_indices = @transform_17, window_bounds = array<i64: 128, 128>}, {pipeline_mode = #tpu.pipeline_mode<synchronous>, transform_indices = @transform_18, window_bounds = array<i64: 1, 128>}, {pipeline_mode = #tpu.pipeline_mode<synchronous>, transform_indices = @transform_19, window_bounds = array<i64: 128, 128>}, {pipeline_mode = #tpu.pipeline_mode<synchronous>, transform_indices = @transform_20, window_bounds = array<i64: 1, 128>}, {transform_indices = @transform_21, window_bounds = array<i64: 2000, 128>}, {pipeline_mode = #tpu.pipeline_mode<synchronous>, transform_indices = @transform_22, window_bounds = array<i64: 128, 128>}]} {
    %get3A = arith.constant 0 : index
    %get3A_0 = arith.constant 0 : index
    %get3A_1 = vector.load %arg6[%get3A, %get3A_0] : memref<2000x1xf32, #tpu.memory_space<vmem>>, vector<2000x1xf32>
    %max3A = arith.constant 1.000000e+00 : f32
    %max3A_2 = vector.broadcast %max3A : f32 to vector<2000x1xf32>
    %max3A_3 = arith.maximumf %get3A_1, %max3A_2 : vector<2000x1xf32>
    %div3A = arith.constant 1.000000e+00 : f32
    %div3A_4 = vector.broadcast %div3A : f32 to vector<2000x1xf32>
    %div3A_5 = arith.divf %div3A_4, %max3A_3 : vector<2000x1xf32>
    %get3A_6 = arith.constant 0 : index
    %get3A_7 = arith.constant 0 : index
    %get3A_8 = vector.load %arg3[%get3A_6, %get3A_7] : memref<2000x128xf32, #tpu.memory_space<vmem>>, vector<2000x128xf32>
    %get3A_9 = arith.constant 0 : index
    %get3A_10 = arith.constant 0 : index
    %get3A_11 = vector.load %arg4[%get3A_9, %get3A_10] : memref<2000x128xf32, #tpu.memory_space<vmem>>, vector<2000x128xf32>
    %get3A_12 = arith.constant 0 : index
    %get3A_13 = arith.constant 0 : index
    %get3A_14 = vector.load %arg5[%get3A_12, %get3A_13] : memref<2000x128xf32, #tpu.memory_space<vmem>>, vector<2000x128xf32>
    %add3A = arith.addf %get3A_11, %get3A_14 : vector<2000x128xf32>
    %mul3A = vector.broadcast %div3A_5 : vector<2000x1xf32> to vector<2000x128xf32>
    %mul3A_15 = arith.mulf %add3A, %mul3A : vector<2000x128xf32>
    %add3A_16 = arith.addf %get3A_8, %mul3A_15 : vector<2000x128xf32>
    %get3A_17 = arith.constant 0 : index
    %get3A_18 = arith.constant 0 : index
    %get3A_19 = vector.load %arg7[%get3A_17, %get3A_18] : memref<128x128xf32, #tpu.memory_space<vmem>>, vector<128x128xf32>
    %dot_general3A = arith.constant dense<0.000000e+00> : vector<2000x128xf32>
    %dot_general3A_20 = tpu.matmul %add3A_16, %get3A_19, %dot_general3A {dimension_numbers = #tpu.dot_dimension_numbers<[1], [0], [0], [1], [0, 0, 1, 1], [], []>, transpose_lhs_hint = false} : vector<2000x128xf32>, vector<128x128xf32>, vector<2000x128xf32> -> vector<2000x128xf32>
    %get3A_21 = arith.constant 0 : index
    %get3A_22 = arith.constant 0 : index
    %get3A_23 = vector.load %arg8[%get3A_21, %get3A_22] : memref<1x128xf32, #tpu.memory_space<vmem>>, vector<1x128xf32>
    %add3A_24 = vector.broadcast %get3A_23 : vector<1x128xf32> to vector<2000x128xf32>
    %add3A_25 = arith.addf %dot_general3A_20, %add3A_24 : vector<2000x128xf32>
    %max3A_26 = arith.constant 0.000000e+00 : f32
    %max3A_27 = vector.broadcast %max3A_26 : f32 to vector<2000x128xf32>
    %max3A_28 = arith.maximumf %add3A_25, %max3A_27 : vector<2000x128xf32>
    %get3A_29 = arith.constant 0 : index
    %get3A_30 = arith.constant 0 : index
    %get3A_31 = vector.load %arg9[%get3A_29, %get3A_30] : memref<128x128xf32, #tpu.memory_space<vmem>>, vector<128x128xf32>
    %dot_general3A_32 = arith.constant dense<0.000000e+00> : vector<2000x128xf32>
    %dot_general3A_33 = tpu.matmul %max3A_28, %get3A_31, %dot_general3A_32 {dimension_numbers = #tpu.dot_dimension_numbers<[1], [0], [0], [1], [0, 0, 1, 1], [], []>, transpose_lhs_hint = false} : vector<2000x128xf32>, vector<128x128xf32>, vector<2000x128xf32> -> vector<2000x128xf32>
    %get3A_34 = arith.constant 0 : index
    %get3A_35 = arith.constant 0 : index
    %get3A_36 = vector.load %arg10[%get3A_34, %get3A_35] : memref<1x128xf32, #tpu.memory_space<vmem>>, vector<1x128xf32>
    %add3A_37 = vector.broadcast %get3A_36 : vector<1x128xf32> to vector<2000x128xf32>
    %add3A_38 = arith.addf %dot_general3A_33, %add3A_37 : vector<2000x128xf32>
    %get3A_39 = arith.constant 0 : index
    %get3A_40 = arith.constant 0 : index
    %get3A_41 = vector.load %arg11[%get3A_39, %get3A_40] : memref<1x128xf32, #tpu.memory_space<vmem>>, vector<1x128xf32>
    %mul3A_42 = vector.broadcast %get3A_41 : vector<1x128xf32> to vector<2000x128xf32>
    %mul3A_43 = arith.mulf %add3A_38, %mul3A_42 : vector<2000x128xf32>
    %get3A_44 = arith.constant 0 : index
    %get3A_45 = arith.constant 0 : index
    %get3A_46 = vector.load %arg12[%get3A_44, %get3A_45] : memref<1x128xf32, #tpu.memory_space<vmem>>, vector<1x128xf32>
    %add3A_47 = vector.broadcast %get3A_46 : vector<1x128xf32> to vector<2000x128xf32>
    %add3A_48 = arith.addf %mul3A_43, %add3A_47 : vector<2000x128xf32>
    %max3A_49 = arith.constant 0.000000e+00 : f32
    %max3A_50 = vector.broadcast %max3A_49 : f32 to vector<2000x128xf32>
    %max3A_51 = arith.maximumf %add3A_48, %max3A_50 : vector<2000x128xf32>
    %eq3A = arith.constant 0 : i32
    %eq3A_52 = arith.cmpi eq, %arg0, %eq3A : i32
    %convert_element_type3A = arith.extui %eq3A_52 : i1 to i32
    %cond3A = arith.constant 0 : i32
    %cond3A_53 = arith.cmpi ne, %convert_element_type3A, %cond3A : i32
    scf.if %cond3A_53 {
      %broadcast_in_dim3A_131 = arith.constant 0.000000e+00 : f32
      %broadcast_in_dim3A_132 = vector.broadcast %broadcast_in_dim3A_131 : f32 to vector<128x128xf32>
      %swap3A_133 = arith.constant 0 : index
      %swap3A_134 = arith.constant 0 : index
      %swap3A_135 = vector.load %arg24[%swap3A_133, %swap3A_134] : memref<128x128xf32, #tpu.memory_space<vmem>>, vector<128x128xf32>
      tpu.vector_store %arg24[%swap3A_133, %swap3A_134], %broadcast_in_dim3A_132 {strides = array<i32>} : memref<128x128xf32, #tpu.memory_space<vmem>>, vector<128x128xf32>,
      %broadcast_in_dim3A_136 = arith.constant 0.000000e+00 : f32
      %broadcast_in_dim3A_137 = vector.broadcast %broadcast_in_dim3A_136 : f32 to vector<128x128xf32>
      %swap3A_138 = arith.constant 0 : index
      %swap3A_139 = arith.constant 0 : index
      %swap3A_140 = vector.load %arg25[%swap3A_138, %swap3A_139] : memref<128x128xf32, #tpu.memory_space<vmem>>, vector<128x128xf32>
      tpu.vector_store %arg25[%swap3A_138, %swap3A_139], %broadcast_in_dim3A_137 {strides = array<i32>} : memref<128x128xf32, #tpu.memory_space<vmem>>, vector<128x128xf32>,
      %broadcast_in_dim3A_141 = arith.constant 0.000000e+00 : f32
      %broadcast_in_dim3A_142 = vector.broadcast %broadcast_in_dim3A_141 : f32 to vector<128x128xf32>
      %swap3A_143 = arith.constant 0 : index
      %swap3A_144 = arith.constant 0 : index
      %swap3A_145 = vector.load %arg26[%swap3A_143, %swap3A_144] : memref<128x128xf32, #tpu.memory_space<vmem>>, vector<128x128xf32>
      tpu.vector_store %arg26[%swap3A_143, %swap3A_144], %broadcast_in_dim3A_142 {strides = array<i32>} : memref<128x128xf32, #tpu.memory_space<vmem>>, vector<128x128xf32>,
      %broadcast_in_dim3A_146 = arith.constant 0.000000e+00 : f32
      %broadcast_in_dim3A_147 = vector.broadcast %broadcast_in_dim3A_146 : f32 to vector<128x128xf32>
      %swap3A_148 = arith.constant 0 : index
      %swap3A_149 = arith.constant 0 : index
      %swap3A_150 = vector.load %arg27[%swap3A_148, %swap3A_149] : memref<128x128xf32, #tpu.memory_space<vmem>>, vector<128x128xf32>
      tpu.vector_store %arg27[%swap3A_148, %swap3A_149], %broadcast_in_dim3A_147 {strides = array<i32>} : memref<128x128xf32, #tpu.memory_space<vmem>>, vector<128x128xf32>,
      %broadcast_in_dim3A_151 = arith.constant 0.000000e+00 : f32
      %broadcast_in_dim3A_152 = vector.broadcast %broadcast_in_dim3A_151 : f32 to vector<128x1xf32>
      %swap3A_153 = arith.constant 0 : index
      %swap3A_154 = arith.constant 0 : index
      %swap3A_155 = vector.load %arg28[%swap3A_153, %swap3A_154] : memref<128x1xf32, #tpu.memory_space<vmem>>, vector<128x1xf32>
      tpu.vector_store %arg28[%swap3A_153, %swap3A_154], %broadcast_in_dim3A_152 {strides = array<i32>} : memref<128x1xf32, #tpu.memory_space<vmem>>, vector<128x1xf32>,
    } else {
    }
    %get3A_54 = arith.constant 0 : index
    %get3A_55 = arith.constant 0 : index
    %get3A_56 = vector.load %arg13[%get3A_54, %get3A_55] : memref<2000x1xi32, #tpu.memory_space<vmem>>, vector<2000x1xi32>
    %iota3A = tpu.iota {dimensions = array<i32: 1>} : vector<2000x128xi32>
    %eq3A_57 = vector.broadcast %get3A_56 : vector<2000x1xi32> to vector<2000x128xi32>
    %eq3A_58 = arith.cmpi eq, %eq3A_57, %iota3A : vector<2000x128xi32>
    %convert_element_type3A_59 = arith.extui %eq3A_58 : vector<2000x128xi1> to vector<2000x128xi32>
    %convert_element_type3A_60 = arith.sitofp %convert_element_type3A_59 : vector<2000x128xi32> to vector<2000x128xf32>
    %get3A_61 = arith.constant 0 : index
    %get3A_62 = arith.constant 0 : index
    %get3A_63 = vector.load %arg24[%get3A_61, %get3A_62] : memref<128x128xf32, #tpu.memory_space<vmem>>, vector<128x128xf32>
    %get3A_64 = arith.constant 0 : index
    %get3A_65 = arith.constant 0 : index
    %get3A_66 = vector.load %arg1[%get3A_64, %get3A_65] : memref<2000x128xf32, #tpu.memory_space<vmem>>, vector<2000x128xf32>
    %dot_general3A_67 = arith.constant dense<0.000000e+00> : vector<128x128xf32>
    %dot_general3A_68 = tpu.matmul %convert_element_type3A_60, %get3A_66, %dot_general3A_67 {dimension_numbers = #tpu.dot_dimension_numbers<[0], [0], [1], [1], [0, 1, 1, 1], [], []>, transpose_lhs_hint = false} : vector<2000x128xf32>, vector<2000x128xf32>, vector<128x128xf32> -> vector<128x128xf32>
    %add3A_69 = arith.addf %get3A_63, %dot_general3A_68 : vector<128x128xf32>
    %swap3A = arith.constant 0 : index
    %swap3A_70 = arith.constant 0 : index
    %swap3A_71 = vector.load %arg24[%swap3A, %swap3A_70] : memref<128x128xf32, #tpu.memory_space<vmem>>, vector<128x128xf32>
    tpu.vector_store %arg24[%swap3A, %swap3A_70], %add3A_69 {strides = array<i32>} : memref<128x128xf32, #tpu.memory_space<vmem>>, vector<128x128xf32>,
    %get3A_72 = arith.constant 0 : index
    %get3A_73 = arith.constant 0 : index
    %get3A_74 = vector.load %arg25[%get3A_72, %get3A_73] : memref<128x128xf32, #tpu.memory_space<vmem>>, vector<128x128xf32>
    %get3A_75 = arith.constant 0 : index
    %get3A_76 = arith.constant 0 : index
    %get3A_77 = vector.load %arg2[%get3A_75, %get3A_76] : memref<2000x128xf32, #tpu.memory_space<vmem>>, vector<2000x128xf32>
    %dot_general3A_78 = arith.constant dense<0.000000e+00> : vector<128x128xf32>
    %dot_general3A_79 = tpu.matmul %convert_element_type3A_60, %get3A_77, %dot_general3A_78 {dimension_numbers = #tpu.dot_dimension_numbers<[0], [0], [1], [1], [0, 1, 1, 1], [], []>, transpose_lhs_hint = false} : vector<2000x128xf32>, vector<2000x128xf32>, vector<128x128xf32> -> vector<128x128xf32>
    %add3A_80 = arith.addf %get3A_74, %dot_general3A_79 : vector<128x128xf32>
    %swap3A_81 = arith.constant 0 : index
    %swap3A_82 = arith.constant 0 : index
    %swap3A_83 = vector.load %arg25[%swap3A_81, %swap3A_82] : memref<128x128xf32, #tpu.memory_space<vmem>>, vector<128x128xf32>
    tpu.vector_store %arg25[%swap3A_81, %swap3A_82], %add3A_80 {strides = array<i32>} : memref<128x128xf32, #tpu.memory_space<vmem>>, vector<128x128xf32>,
    %get3A_84 = arith.constant 0 : index
    %get3A_85 = arith.constant 0 : index
    %get3A_86 = vector.load %arg26[%get3A_84, %get3A_85] : memref<128x128xf32, #tpu.memory_space<vmem>>, vector<128x128xf32>
    %get3A_87 = arith.constant 0 : index
    %get3A_88 = arith.constant 0 : index
    %get3A_89 = vector.load %arg3[%get3A_87, %get3A_88] : memref<2000x128xf32, #tpu.memory_space<vmem>>, vector<2000x128xf32>
    %dot_general3A_90 = arith.constant dense<0.000000e+00> : vector<128x128xf32>
    %dot_general3A_91 = tpu.matmul %convert_element_type3A_60, %get3A_89, %dot_general3A_90 {dimension_numbers = #tpu.dot_dimension_numbers<[0], [0], [1], [1], [0, 1, 1, 1], [], []>, transpose_lhs_hint = false} : vector<2000x128xf32>, vector<2000x128xf32>, vector<128x128xf32> -> vector<128x128xf32>
    %add3A_92 = arith.addf %get3A_86, %dot_general3A_91 : vector<128x128xf32>
    %swap3A_93 = arith.constant 0 : index
    %swap3A_94 = arith.constant 0 : index
    %swap3A_95 = vector.load %arg26[%swap3A_93, %swap3A_94] : memref<128x128xf32, #tpu.memory_space<vmem>>, vector<128x128xf32>
    tpu.vector_store %arg26[%swap3A_93, %swap3A_94], %add3A_92 {strides = array<i32>} : memref<128x128xf32, #tpu.memory_space<vmem>>, vector<128x128xf32>,
    %get3A_96 = arith.constant 0 : index
    %get3A_97 = arith.constant 0 : index
    %get3A_98 = vector.load %arg27[%get3A_96, %get3A_97] : memref<128x128xf32, #tpu.memory_space<vmem>>, vector<128x128xf32>
    %dot_general3A_99 = arith.constant dense<0.000000e+00> : vector<128x128xf32>
    %dot_general3A_100 = tpu.matmul %convert_element_type3A_60, %max3A_51, %dot_general3A_99 {dimension_numbers = #tpu.dot_dimension_numbers<[0], [0], [1], [1], [0, 1, 1, 1], [], []>, transpose_lhs_hint = false} : vector<2000x128xf32>, vector<2000x128xf32>, vector<128x128xf32> -> vector<128x128xf32>
    %add3A_101 = arith.addf %get3A_98, %dot_general3A_100 : vector<128x128xf32>
    %swap3A_102 = arith.constant 0 : index
    %swap3A_103 = arith.constant 0 : index
    %swap3A_104 = vector.load %arg27[%swap3A_102, %swap3A_103] : memref<128x128xf32, #tpu.memory_space<vmem>>, vector<128x128xf32>
    tpu.vector_store %arg27[%swap3A_102, %swap3A_103], %add3A_101 {strides = array<i32>} : memref<128x128xf32, #tpu.memory_space<vmem>>, vector<128x128xf32>,
    %get3A_105 = arith.constant 0 : index
    %get3A_106 = arith.constant 0 : index
    %get3A_107 = vector.load %arg28[%get3A_105, %get3A_106] : memref<128x1xf32, #tpu.memory_space<vmem>>, vector<128x1xf32>
    %broadcast_in_dim3A = arith.constant 1.000000e+00 : f32
    %broadcast_in_dim3A_108 = vector.broadcast %broadcast_in_dim3A : f32 to vector<2000x1xf32>
    %dot_general3A_109 = arith.constant dense<0.000000e+00> : vector<128x1xf32>
    %dot_general3A_110 = tpu.matmul %convert_element_type3A_60, %broadcast_in_dim3A_108, %dot_general3A_109 {dimension_numbers = #tpu.dot_dimension_numbers<[0], [0], [1], [1], [0, 1, 1, 1], [], []>, transpose_lhs_hint = false} : vector<2000x128xf32>, vector<2000x1xf32>, vector<128x1xf32> -> vector<128x1xf32>
    %add3A_111 = arith.addf %get3A_107, %dot_general3A_110 : vector<128x1xf32>
    %swap3A_112 = arith.constant 0 : index
    %swap3A_113 = arith.constant 0 : index
    %swap3A_114 = vector.load %arg28[%swap3A_112, %swap3A_113] : memref<128x1xf32, #tpu.memory_space<vmem>>, vector<128x1xf32>
    tpu.vector_store %arg28[%swap3A_112, %swap3A_113], %add3A_111 {strides = array<i32>} : memref<128x1xf32, #tpu.memory_space<vmem>>, vector<128x1xf32>,
    %get3A_115 = arith.constant 0 : index
    %get3A_116 = arith.constant 0 : index
    %get3A_117 = vector.load %arg2[%get3A_115, %get3A_116] : memref<2000x128xf32, #tpu.memory_space<vmem>>, vector<2000x128xf32>
    %get3A_118 = arith.constant 0 : index
    %get3A_119 = arith.constant 0 : index
    %get3A_120 = vector.load %arg3[%get3A_118, %get3A_119] : memref<2000x128xf32, #tpu.memory_space<vmem>>, vector<2000x128xf32>
    %add3A_121 = arith.addf %get3A_117, %get3A_120 : vector<2000x128xf32>
    %add3A_122 = arith.addf %add3A_121, %max3A_51 : vector<2000x128xf32>
    %swap3A_123 = arith.constant 0 : index
    %swap3A_124 = arith.constant 0 : index
    %swap3A_125 = vector.load %arg22[%swap3A_123, %swap3A_124] : memref<2000x128xf32, #tpu.memory_space<vmem>>, vector<2000x128xf32>
    tpu.vector_store %arg22[%swap3A_123, %swap3A_124], %add3A_122 {strides = array<i32>} : memref<2000x128xf32, #tpu.memory_space<vmem>>, vector<2000x128xf32>,
    %eq3A_126 = arith.constant 4 : i32
    %eq3A_127 = arith.cmpi eq, %arg0, %eq3A_126 : i32
    %convert_element_type3A_128 = arith.extui %eq3A_127 : i1 to i32
    %cond3A_129 = arith.constant 0 : i32
    %cond3A_130 = arith.cmpi ne, %convert_element_type3A_128, %cond3A_129 : i32
    scf.if %cond3A_130 {
      %get3A_131 = arith.constant 0 : index
      %get3A_132 = arith.constant 0 : index
      %get3A_133 = vector.load %arg28[%get3A_131, %get3A_132] : memref<128x1xf32, #tpu.memory_space<vmem>>, vector<128x1xf32>
      %max3A_134 = arith.constant 1.000000e+00 : f32
      %max3A_135 = vector.broadcast %max3A_134 : f32 to vector<128x1xf32>
      %max3A_136 = arith.maximumf %get3A_133, %max3A_135 : vector<128x1xf32>
      %div3A_137 = arith.constant 1.000000e+00 : f32
      %div3A_138 = vector.broadcast %div3A_137 : f32 to vector<128x1xf32>
      %div3A_139 = arith.divf %div3A_138, %max3A_136 : vector<128x1xf32>
      %get3A_140 = arith.constant 0 : index
      %get3A_141 = arith.constant 0 : index
      %get3A_142 = vector.load %arg24[%get3A_140, %get3A_141] : memref<128x128xf32, #tpu.memory_space<vmem>>, vector<128x128xf32>
      %mul3A_143 = vector.broadcast %div3A_139 : vector<128x1xf32> to vector<128x128xf32>
      %mul3A_144 = arith.mulf %get3A_142, %mul3A_143 : vector<128x128xf32>
      %get3A_145 = arith.constant 0 : index
      %get3A_146 = arith.constant 0 : index
      %get3A_147 = vector.load %arg14[%get3A_145, %get3A_146] : memref<128x128xf32, #tpu.memory_space<vmem>>, vector<128x128xf32>
      %dot_general3A_148 = arith.constant dense<0.000000e+00> : vector<128x128xf32>
      %dot_general3A_149 = tpu.matmul %mul3A_144, %get3A_147, %dot_general3A_148 {dimension_numbers = #tpu.dot_dimension_numbers<[1], [0], [0], [1], [0, 0, 1, 1], [], []>, transpose_lhs_hint = false} : vector<128x128xf32>, vector<128x128xf32>, vector<128x128xf32> -> vector<128x128xf32>
      %get3A_150 = arith.constant 0 : index
      %get3A_151 = arith.constant 0 : index
      %get3A_152 = vector.load %arg15[%get3A_150, %get3A_151] : memref<1x128xf32, #tpu.memory_space<vmem>>, vector<1x128xf32>
      %add3A_153 = vector.broadcast %get3A_152 : vector<1x128xf32> to vector<128x128xf32>
      %add3A_154 = arith.addf %dot_general3A_149, %add3A_153 : vector<128x128xf32>
      %get3A_155 = arith.constant 0 : index
      %get3A_156 = arith.constant 0 : index
      %get3A_157 = vector.load %arg25[%get3A_155, %get3A_156] : memref<128x128xf32, #tpu.memory_space<vmem>>, vector<128x128xf32>
      %mul3A_158 = vector.broadcast %div3A_139 : vector<128x1xf32> to vector<128x128xf32>
      %mul3A_159 = arith.mulf %get3A_157, %mul3A_158 : vector<128x128xf32>
      %get3A_160 = arith.constant 0 : index
      %get3A_161 = arith.constant 0 : index
      %get3A_162 = vector.load %arg16[%get3A_160, %get3A_161] : memref<128x128xf32, #tpu.memory_space<vmem>>, vector<128x128xf32>
      %dot_general3A_163 = arith.constant dense<0.000000e+00> : vector<128x128xf32>
      %dot_general3A_164 = tpu.matmul %mul3A_159, %get3A_162, %dot_general3A_163 {dimension_numbers = #tpu.dot_dimension_numbers<[1], [0], [0], [1], [0, 0, 1, 1], [], []>, transpose_lhs_hint = false} : vector<128x128xf32>, vector<128x128xf32>, vector<128x128xf32> -> vector<128x128xf32>
      %get3A_165 = arith.constant 0 : index
      %get3A_166 = arith.constant 0 : index
      %get3A_167 = vector.load %arg17[%get3A_165, %get3A_166] : memref<1x128xf32, #tpu.memory_space<vmem>>, vector<1x128xf32>
      %add3A_168 = vector.broadcast %get3A_167 : vector<1x128xf32> to vector<128x128xf32>
      %add3A_169 = arith.addf %dot_general3A_164, %add3A_168 : vector<128x128xf32>
      %add3A_170 = arith.addf %add3A_154, %add3A_169 : vector<128x128xf32>
      %get3A_171 = arith.constant 0 : index
      %get3A_172 = arith.constant 0 : index
      %get3A_173 = vector.load %arg26[%get3A_171, %get3A_172] : memref<128x128xf32, #tpu.memory_space<vmem>>, vector<128x128xf32>
      %mul3A_174 = vector.broadcast %div3A_139 : vector<128x1xf32> to vector<128x128xf32>
      %mul3A_175 = arith.mulf %get3A_173, %mul3A_174 : vector<128x128xf32>
      %get3A_176 = arith.constant 0 : index
      %get3A_177 = arith.constant 0 : index
      %get3A_178 = vector.load %arg18[%get3A_176, %get3A_177] : memref<128x128xf32, #tpu.memory_space<vmem>>, vector<128x128xf32>
      %dot_general3A_179 = arith.constant dense<0.000000e+00> : vector<128x128xf32>
      %dot_general3A_180 = tpu.matmul %mul3A_175, %get3A_178, %dot_general3A_179 {dimension_numbers = #tpu.dot_dimension_numbers<[1], [0], [0], [1], [0, 0, 1, 1], [], []>, transpose_lhs_hint = false} : vector<128x128xf32>, vector<128x128xf32>, vector<128x128xf32> -> vector<128x128xf32>
      %get3A_181 = arith.constant 0 : index
      %get3A_182 = arith.constant 0 : index
      %get3A_183 = vector.load %arg19[%get3A_181, %get3A_182] : memref<1x128xf32, #tpu.memory_space<vmem>>, vector<1x128xf32>
      %add3A_184 = vector.broadcast %get3A_183 : vector<1x128xf32> to vector<128x128xf32>
      %add3A_185 = arith.addf %dot_general3A_180, %add3A_184 : vector<128x128xf32>
      %add3A_186 = arith.addf %add3A_170, %add3A_185 : vector<128x128xf32>
      %get3A_187 = arith.constant 0 : index
      %get3A_188 = arith.constant 0 : index
      %get3A_189 = vector.load %arg27[%get3A_187, %get3A_188] : memref<128x128xf32, #tpu.memory_space<vmem>>, vector<128x128xf32>
      %mul3A_190 = vector.broadcast %div3A_139 : vector<128x1xf32> to vector<128x128xf32>
      %mul3A_191 = arith.mulf %get3A_189, %mul3A_190 : vector<128x128xf32>
      %get3A_192 = arith.constant 0 : index
      %get3A_193 = arith.constant 0 : index
      %get3A_194 = vector.load %arg20[%get3A_192, %get3A_193] : memref<128x128xf32, #tpu.memory_space<vmem>>, vector<128x128xf32>
      %dot_general3A_195 = arith.constant dense<0.000000e+00> : vector<128x128xf32>
      %dot_general3A_196 = tpu.matmul %mul3A_191, %get3A_194, %dot_general3A_195 {dimension_numbers = #tpu.dot_dimension_numbers<[1], [0], [0], [1], [0, 0, 1, 1], [], []>, transpose_lhs_hint = false} : vector<128x128xf32>, vector<128x128xf32>, vector<128x128xf32> -> vector<128x128xf32>
      %get3A_197 = arith.constant 0 : index
      %get3A_198 = arith.constant 0 : index
      %get3A_199 = vector.load %arg21[%get3A_197, %get3A_198] : memref<1x128xf32, #tpu.memory_space<vmem>>, vector<1x128xf32>
      %add3A_200 = vector.broadcast %get3A_199 : vector<1x128xf32> to vector<128x128xf32>
      %add3A_201 = arith.addf %dot_general3A_196, %add3A_200 : vector<128x128xf32>
      %add3A_202 = arith.addf %add3A_186, %add3A_201 : vector<128x128xf32>
      %swap3A_203 = arith.constant 0 : index
      %swap3A_204 = arith.constant 0 : index
      %swap3A_205 = vector.load %arg23[%swap3A_203, %swap3A_204] : memref<128x128xf32, #tpu.memory_space<vmem>>, vector<128x128xf32>
      tpu.vector_store %arg23[%swap3A_203, %swap3A_204], %add3A_202 {strides = array<i32>} : memref<128x128xf32, #tpu.memory_space<vmem>>, vector<128x128xf32>,
    } else {
    }
    return
  }
  func.func @transform_0(%arg0: i32) -> (i32, i32) {
    %c0_i32 = arith.constant 0 : i32
    %c0_i32_0 = arith.constant 0 : i32
    return %arg0, %c0_i32 : i32, i32
  }
  func.func @transform_1(%arg0: i32) -> (i32, i32) {
    %c0_i32 = arith.constant 0 : i32
    %c0_i32_0 = arith.constant 0 : i32
    return %arg0, %c0_i32 : i32, i32
  }
  func.func @transform_2(%arg0: i32) -> (i32, i32) {
    %c0_i32 = arith.constant 0 : i32
    %c0_i32_0 = arith.constant 0 : i32
    return %arg0, %c0_i32 : i32, i32
  }
  func.func @transform_3(%arg0: i32) -> (i32, i32) {
    %c0_i32 = arith.constant 0 : i32
    %c0_i32_0 = arith.constant 0 : i32
    return %arg0, %c0_i32 : i32, i32
  }
  func.func @transform_4(%arg0: i32) -> (i32, i32) {
    %c0_i32 = arith.constant 0 : i32
    %c0_i32_0 = arith.constant 0 : i32
    return %arg0, %c0_i32 : i32, i32
  }
  func.func @transform_5(%arg0: i32) -> (i32, i32) {
    %c0_i32 = arith.constant 0 : i32
    %c0_i32_0 = arith.constant 0 : i32
    return %arg0, %c0_i32 : i32, i32
  }
  func.func @transform_6(%arg0: i32) -> (i32, i32) {
    %c0_i32 = arith.constant 0 : i32
    %c0_i32_0 = arith.constant 0 : i32
    %c0_i32_1 = arith.constant 0 : i32
    return %c0_i32, %c0_i32_0 : i32, i32
  }
  func.func @transform_7(%arg0: i32) -> (i32, i32) {
    %c0_i32 = arith.constant 0 : i32
    %c0_i32_0 = arith.constant 0 : i32
    %c0_i32_1 = arith.constant 0 : i32
    return %c0_i32, %c0_i32_0 : i32, i32
  }
  func.func @transform_8(%arg0: i32) -> (i32, i32) {
    %c0_i32 = arith.constant 0 : i32
    %c0_i32_0 = arith.constant 0 : i32
    %c0_i32_1 = arith.constant 0 : i32
    return %c0_i32, %c0_i32_0 : i32, i32
  }
  func.func @transform_9(%arg0: i32) -> (i32, i32) {
    %c0_i32 = arith.constant 0 : i32
    %c0_i32_0 = arith.constant 0 : i32
    %c0_i32_1 = arith.constant 0 : i32
    return %c0_i32, %c0_i32_0 : i32, i32
  }
  func.func @transform_10(%arg0: i32) -> (i32, i32) {
    %c0_i32 = arith.constant 0 : i32
    %c0_i32_0 = arith.constant 0 : i32
    %c0_i32_1 = arith.constant 0 : i32
    return %c0_i32, %c0_i32_0 : i32, i32
  }
  func.func @transform_11(%arg0: i32) -> (i32, i32) {
    %c0_i32 = arith.constant 0 : i32
    %c0_i32_0 = arith.constant 0 : i32
    %c0_i32_1 = arith.constant 0 : i32
    return %c0_i32, %c0_i32_0 : i32, i32
  }
  func.func @transform_12(%arg0: i32) -> (i32, i32) {
    %c0_i32 = arith.constant 0 : i32
    %c0_i32_0 = arith.constant 0 : i32
    return %arg0, %c0_i32 : i32, i32
  }
  func.func @transform_13(%arg0: i32) -> (i32, i32) {
    %c0_i32 = arith.constant 0 : i32
    %c0_i32_0 = arith.constant 0 : i32
    %c0_i32_1 = arith.constant 0 : i32
    return %c0_i32, %c0_i32_0 : i32, i32
  }
  func.func @transform_14(%arg0: i32) -> (i32, i32) {
    %c0_i32 = arith.constant 0 : i32
    %c0_i32_0 = arith.constant 0 : i32
    %c0_i32_1 = arith.constant 0 : i32
    return %c0_i32, %c0_i32_0 : i32, i32
  }
  func.func @transform_15(%arg0: i32) -> (i32, i32) {
    %c0_i32 = arith.constant 0 : i32
    %c0_i32_0 = arith.constant 0 : i32
    %c0_i32_1 = arith.constant 0 : i32
    return %c0_i32, %c0_i32_0 : i32, i32
  }
  func.func @transform_16(%arg0: i32) -> (i32, i32) {
    %c0_i32 = arith.constant 0 : i32
    %c0_i32_0 = arith.constant 0 : i32
    %c0_i32_1 = arith.constant 0 : i32
    return %c0_i32, %c0_i32_0 : i32, i32
  }
  func.func @transform_17(%arg0: i32) -> (i32, i32) {
    %c0_i32 = arith.constant 0 : i32
    %c0_i32_0 = arith.constant 0 : i32
    %c0_i32_1 = arith.constant 0 : i32
    return %c0_i32, %c0_i32_0 : i32, i32
  }
  func.func @transform_18(%arg0: i32) -> (i32, i32) {
    %c0_i32 = arith.constant 0 : i32
    %c0_i32_0 = arith.constant 0 : i32
    %c0_i32_1 = arith.constant 0 : i32
    return %c0_i32, %c0_i32_0 : i32, i32
  }
  func.func @transform_19(%arg0: i32) -> (i32, i32) {
    %c0_i32 = arith.constant 0 : i32
    %c0_i32_0 = arith.constant 0 : i32
    %c0_i32_1 = arith.constant 0 : i32
    return %c0_i32, %c0_i32_0 : i32, i32
  }
  func.func @transform_20(%arg0: i32) -> (i32, i32) {
    %c0_i32 = arith.constant 0 : i32
    %c0_i32_0 = arith.constant 0 : i32
    %c0_i32_1 = arith.constant 0 : i32
    return %c0_i32, %c0_i32_0 : i32, i32
  }
  func.func @transform_21(%arg0: i32) -> (i32, i32) {
    %c0_i32 = arith.constant 0 : i32
    %c0_i32_0 = arith.constant 0 : i32
    return %arg0, %c0_i32 : i32, i32
  }
  func.func @transform_22(%arg0: i32) -> (i32, i32) {
    %c0_i32 = arith.constant 0 : i32
    %c0_i32_0 = arith.constant 0 : i32
    %c0_i32_1 = arith.constant 0 : i32
    return %c0_i32, %c0_i32_0 : i32, i32
  }
}

</mosaic_0001>

<sc_bundles>
// kernel: kernel.10.cloned.1.call-start
scs
__scs_entry_jumppad:
0x0: {  	(pc) =	sbr.rel $0x88, $3  }
0x1: {  	(tag) =	ssettag $0x0;
	lr =	simm.s32 $0x1  }
0x2: {  	[smem:$0x3F7E] =	sst lr;
	_ =	strace $0xD0000000  }
0x3: {  	_ = 	snop  }
0x4: {  	_ = 	snop  }
0x5: {  	_ = 	snop  }
0x6: {  	_ = 	snop  }
0x7: {  	_ = 	snop  }
__scs_overlays_trampoline_lowered:
0x8: {  	[smem:$0x3F8D] =	sst s0  }
0x9: {  	[smem:$0x3F8E] =	sst s1  }
0xa: {  	[smem:$0x3F8F] =	sst s2  }
0xb: {  	[smem:$0x3F90] =	sst s3  }
0xc: {  	[smem:$0x3F91] =	sst s4  }
0xd: {  	[smem:$0x3F92] =	sst s5  }
0xe: {  	[smem:$0x3F93] =	sst s6  }
0xf: {  	[smem:$0x3F94] =	sst s7  }
0x10: {  	[smem:$0x3F95] =	sst s8  }
0x11: {  	[smem:$0x3F96] =	sst s9;
	s0 =	simm.s32 @!p0 $0x0  }
0x12: {  	s1 =	sld [smem:$0x3F7C];
	s0 =	simm.s32 @p0 $0x1  }
0x13: {  	[smem:$0x3F97] =	sst s0;
	s0 =	simm.s32 @!p1 $0x0  }
0x14: {  	s2 =	sld [smem:$0x3F7B];
	s0 =	simm.s32 @p1 $0x1  }
0x15: {  	[smem:$0x3F98] =	sst s0;
	s0 =	simm.s32 @!p2 $0x0  }
0x16: {  	s3 =	sld [smem:$0x3FDB];
	s0 =	simm.s32 @p2 $0x1  }
0x17: {  	s4 =	simm.s32 $0x1BF5;
	[smem:$0x3F9A] =	sst s0  }
0x18: {  	s0 =	sld [smem:$0x3F7D];
	_ =	swait.ge [sflag:s4], $0x0  }
0x19: {  	s7 =	sld [smem:$0x3F7E]  }
0x1a: {  	s8 =	sadd.s32 $0xFFFFE003, lr  }
0x1b: {  	s9 =	sadd.s32 $0xFFFFFEF7, lr;
	s5 =	simm.s32 $0xFFFFFFFF;
	p2 =	slt.u32 s8, $0xFFFFF086  }
0x1c: {  	p1 =	slt.u32 s9, $0xF7A;
	s5 =	simm.s32 @!p2 $0x0  }
0x1d: {  	s5 =	simm.s32 @p1 $0x1;
	p0 =	seq.s32 s7, s2  }
0x1e: {  	s7 =	smul.u32 @!p0 $0xF7A, s2;
	p2 =	seq.s32 @!p0 s5, $0x0  }
0x1f: {  	s9 =	smul.u32 $0xF7A, s1;
	s8 =	simm.s32 @!p0 $0x1BF5;
	p2 =	por !p2, p0  }
0x20: {  	[sflag:s8] =	ssyncset.s32 @!p0 $0xFFFFF086;
	s6 =	sadd.s32 @!p0 s3, s7;
	s7 =	simm.s32 @!p0 $0x108  }
0x21: {  	s3 =	sadd.s32 s3, s9;
	s6 =	sadd.s32 @!p0 $0x88, s6;
	s7 =	simm.s32 @p2 $0x1082  }
0x22: {  	[simem:s7], [sflag:s8] =	dma.local @!p0 [hbm:s6], $0xF7A  }
0x23: {  	s9 =	sor.u32 $0xD0000000, s2;
	s6 =	simm.s32 $0x108;
	_ =	swait.ge @!p0 [sflag:s8], $0x0  }
0x24: {  	s3 =	sadd.s32 $0x88, s3;
	s6 =	simm.s32 @!p1 $0x1082;
	[sflag:s4] =	ssyncset.s32 $0xFFFFF086  }
0x25: {  	[simem:s6], [sflag:s4] =	dma.local [hbm:s3], $0xF7A  }
0x26: {  	[smem:$0x3F7E] =	sst s1;
	(tag) =	ssettag s2;
	_ =	strace s9  }
0x27: {  	s1 =	sld [smem:$0x3F8E]  }
0x28: {  	s2 =	sld [smem:$0x3F8F]  }
0x29: {  	s4 =	sld [smem:$0x3F91]  }
0x2a: {  	p0 =	seq.s32 s5, $0x0;
	s5 =	sld [smem:$0x3F92]  }
0x2b: {  	s6 =	sld [smem:$0x3F93]  }
0x2c: {  	s7 =	sld [smem:$0x3F94]  }
0x2d: {  	s3 =	simm.s32 $0x108;
	s8 =	sld [smem:$0x3F95]  }
0x2e: {  	s3 =	simm.s32 @!p0 $0x1082;
	s9 =	sld [smem:$0x3F96]  }
0x2f: {  	lr =	sadd.s32 s0, s3;
	s0 =	sld [smem:$0x3F8D]  }
0x30: {  	s3 =	sld [smem:$0x3F90]  }
0x31: {  	[smem:$0x3F99] =	sst s10  }
0x32: {  	s10 =	sld [smem:$0x3F97];
	_ =	sdelay $0x3  }
0x33: {  	p0 =	seq.s32 s10, $0x1;
	s10 =	sld [smem:$0x3F99];
	_ =	sdelay $0x3  }
0x34: {  	[smem:$0x3F99] =	sst s10  }
0x35: {  	s10 =	sld [smem:$0x3F98];
	_ =	sdelay $0x3  }
0x36: {  	p1 =	seq.s32 s10, $0x1;
	s10 =	sld [smem:$0x3F99];
	_ =	sdelay $0x3  }
0x37: {  	[smem:$0x3F99] =	sst s10  }
0x38: {  	s10 =	sld [smem:$0x3F9A]  }
0x39: {  	_ = 	snop;
	(pc) =	sbr.ind lr, $3  }
0x3a: {  	_ = 	snop  }
0x3b: {  	_ = 	snop  }
0x3c: {  	p2 =	seq.s32 s10, $0x1;
	s10 =	sld [smem:$0x3F99]  }
0x3d: {  	_ =	shalt  }
0x3e: {  	_ =	shalt  }
0x3f: {  	_ =	shalt  }
0x40: {  	_ =	shalt  }
0x41: {  	_ =	shalt  }
0x42: {  	_ =	shalt  }
0x43: {  	_ =	shalt  }
0x44: {  	_ =	shalt  }
0x45: {  	_ =	shalt  }
0x46: {  	_ =	shalt  }
0x47: {  	_ =	shalt  }
0x48: {  	_ =	shalt  }
0x49: {  	_ =	shalt  }
0x4a: {  	_ =	shalt  }
0x4b: {  	_ =	shalt  }
0x4c: {  	_ =	shalt  }
0x4d: {  	_ =	shalt  }
0x4e: {  	_ =	shalt  }
0x4f: {  	_ =	shalt  }
0x50: {  	_ =	shalt  }
0x51: {  	_ =	shalt  }
0x52: {  	_ =	shalt  }
0x53: {  	_ =	shalt  }
0x54: {  	_ =	shalt  }
0x55: {  	_ =	shalt  }
0x56: {  	_ =	shalt  }
0x57: {  	_ =	shalt  }
0x58: {  	_ =	shalt  }
0x59: {  	_ =	shalt  }
0x5a: {  	_ =	shalt  }
0x5b: {  	_ =	shalt  }
0x5c: {  	_ =	shalt  }
0x5d: {  	_ =	shalt  }
0x5e: {  	_ =	shalt  }
0x5f: {  	_ =	shalt  }
0x60: {  	_ =	shalt  }
0x61: {  	_ =	shalt  }
0x62: {  	_ =	shalt  }
0x63: {  	_ =	shalt  }
0x64: {  	_ =	shalt  }
0x65: {  	_ =	shalt  }
0x66: {  	_ =	shalt  }
0x67: {  	_ =	shalt  }
0x68: {  	_ =	shalt  }
0x69: {  	_ =	shalt  }
0x6a: {  	_ =	shalt  }
0x6b: {  	_ =	shalt  }
0x6c: {  	_ =	shalt  }
0x6d: {  	_ =	shalt  }
0x6e: {  	_ =	shalt  }
0x6f: {  	_ =	shalt  }
0x70: {  	_ =	shalt  }
0x71: {  	_ =	shalt  }
0x72: {  	_ =	shalt  }
0x73: {  	_ =	shalt  }
0x74: {  	_ =	shalt  }
0x75: {  	_ =	shalt  }
0x76: {  	_ =	shalt  }
0x77: {  	_ =	shalt  }
0x78: {  	_ =	shalt  }
0x79: {  	_ =	shalt  }
0x7a: {  	_ =	shalt  }
0x7b: {  	_ =	shalt  }
0x7c: {  	_ =	shalt  }
0x7d: {  	_ =	shalt  }
0x7e: {  	_ =	shalt  }
0x7f: {  	_ =	shalt  }
0x80: {  	_ =	shalt  }
0x81: {  	_ =	shalt  }
0x82: {  	_ =	shalt  }
0x83: {  	_ =	shalt  }
0x84: {  	_ =	shalt  }
0x85: {  	_ =	shalt  }
0x86: {  	_ =	shalt  }
0x87: {  	_ =	shalt  }
.Lfunc_end0:
.L_simem_size_0:
called_computation_lowered:
.L_overlay_start_0:
0x88: {  	s2 =	sld [smem:$0x3FD9]  }
0x89: {  	s3 =	sld [smem:$0x3FFE];
	_ =	sdelay $0x1  }
0x8a: {  	s1 =	srdreg.scid  }
0x8b: {  	s0 =	sand.u32 $0x1, s1  }
0x8c: {  	s14 =	sshll.u32 s0, $0xA;
	s2 =	sadd.s32 s3, s2  }
0x8d: {  	s2 =	sadd.s32 s2, s14  }
0x8e: {  	[smem:$0x3FA5] =	sst s2  }
0x8f: {  	_ = 	snop  }
0x90: {  	s2 =	sld [smem:$0x3FD0];
	_ =	sdelay $0x2  }
0x91: {  	s15 =	simm.s32 $0xA;
	s4 =	simm.s32 $0x10  }
0x92: {  	[smem:s4], [sflag:s15] =	dma.local [hbm:s2], $0x1  }
0x93: {  	_ =	swait.eq [sflag:s15], $0x1  }
0x94: {  	[sflag:s15] =	ssyncset.done $0x0  }
0x95: {  	[sflag:s15] =	ssyncadd.s32 $0xFFFFFFFF  }
0x96: {  	s16 =	sld [smem:$0x10];
	(tm) =	ssettm $0x1  }
0x97: {  	s17 =	sld [smem:$0x3FFB];
	_ =	sdelay $0x3  }
0x98: {  	_ =	strace s17  }
0x99: {  	s3 =	sld [smem:$0x3FFC];
	_ =	sdelay $0x3  }
0x9a: {  	_ =	strace s3  }
0x9b: {  	s3 =	sld [smem:$0x3FFD];
	_ =	sdelay $0x3  }
0x9c: {  	_ =	strace s3  }
0x9d: {  	_ =	strace $0x8FFFFFFF  }
0x9e: {  	s18 =	sld [smem:$0x3FDB];
	_ =	sdelay $0x1  }
0x9f: {  	s19 =	simm.s32 $_scs_section_size  }
0xa0: {  	s5 =	simm.s32 $_size__tile_overlayer_lowered;
	s6 =	simm.s32 $_tile_overlayer_lowered  }
0xa1: {  	s22 =	simm.s32 $0x1BFF;
	s21 =	sshll.u32 s6, $0x1;
	s3 =	sadd.s32 s19, s18  }
0xa2: {  	s7 =	simm.s32 $0x0;
	s20 =	sshll.u32 s5, $0x1;
	s5 =	sadd.s32 s21, s3  }
0xa3: {  	[timem:s7], [sflag:s22] =	dma.local [hbm:s5], s20  }
0xa4: {  	_ =	swait.ge [sflag:s22], s20  }
0xa5: {  	s4 =	ssub.s32 $0x0, s20;
	[sflag:s22] =	ssyncset.done $0x0  }
0xa6: {  	[sflag:s22] =	ssyncadd.s32 s4;
	_ =	sdelay $0x1  }
0xa7: {  	s23 =	simm.s32 $0x1B8B  }
0xa8: {  	_ =	swait.ge [sflag:s23], $0x1  }
0xa9: {  	[sflag:s23] =	ssyncset.done $0x0  }
0xaa: {  	s25 =	simm.s32 $0x1B8E;
	s24 =	sld [smem:$0x3FFE];
	[sflag:s23] =	ssyncadd.s32 $0xFFFFFFFF  }
0xab: {  	s26 =	simm.s32 $execute0_lowered;
	[smem:$0x3FD2] =	sst s25  }
0xac: {  	s5 =	sshll.u32 s26, $0x1;
	_ =	strace $0x80000046;
	[dreg:$0x1] =	wrdreg $0xFFFFFFFF  }
0xad: {  	s28 =	simm.s32 $_size_execute0_lowered;
	s3 =	sadd.s32 s3, s5;
	[dreg:$0x0] =	wrdreg $0x0  }
0xae: {  	s5 =	sshll.u32 s28, $0x1;
	[dreg:$0x2] =	wrdreg s3  }
0xaf: {  	[dreg:$0x3] =	wrdreg s5  }
0xb0: {  	[dreg:$0x4] =	wrdreg $0xC0  }
0xb1: {  	_ =	task [dreg:s7], $0x5FFFF  }
0xb2: {  	[dreg:$0x1] =	wrdreg $0xFFFFFFFF  }
0xb3: {  	[dreg:$0x0] =	wrdreg $0x60  }
0xb4: {  	[dreg:$0x2] =	wrdreg s16  }
0xb5: {  	[dreg:$0x3] =	wrdreg s24  }
0xb6: {  	[dreg:$0x4] =	wrdreg $0xB0000  }
0xb7: {  	[dreg:$0x5] =	wrdreg $0x9  }
0xb8: {  	_ =	task.clear_ibuf [dreg:s7], $0x6FFFF;
	_ =	strace $0x90000046  }
0xb9: {  	s29 =	simm.s32 $0x9;
	_ =	strace $0x80000048  }
0xba: {  	_ =	swait.ge [sflag:s29], $0x1  }
0xbb: {  	[sflag:s29] =	ssyncadd.s32 $0xFFFFFFFF  }
0xbc: {  	_ =	strace $0x90000048  }
0xbd: {  	_ =	sfence  }
0xbe: {  	s30 =	sld [smem:$0x0];
	_ =	sdelay $0x2  }
0xbf: {  	s31 =	sshll.u32 s1, $0xD;
	s1 =	sshrl.u32 s1, $0x2  }
0xc0: {  	s3 =	sand.u32 $0x4000, s31;
	s1 =	sadd.s32 s1, s30  }
0xc1: {  	s0 =	sor.u32 s3, s0;
	s1 =	sshll.u32 s1, $0x11  }
0xc2: {  	s0 =	sor.u32 s1, s0  }
0xc3: {  	s0 =	sadd.s32 $0x8F2B, s0  }
0xc4: {  	[sflag:s0] =	ssyncadd.remote.s32 $0x1  }
0xc5: {  	_ =	sfence.sel $0xFFFF  }
0xc6: {  	[dreg:$0x0] =	wrdreg $0xFFFFFFFF;
	(pc) =	sbr.abs _section_cstart, $3  }
0xc7: {  	[dreg:$0x1] =	wrdreg $0xFFFFFFFF  }
0xc8: {  	_ =	task.clear_ibuf [dreg:s7], $0x2FFFF;
	_ =	strace $0x9FFFFFFF  }
0xc9: {  	(tm) =	ssettm $0x7FFFFFFF  }
tec
execute0_lowered:
.L_overlay_start_1:
0x0: {  	(tag) =	ssettag $0x1  }
0x1: {  	s1 =	rddreg [dreg:$0x0]  }
0x2: {  	s0 =	rddreg [dreg:$0x1]  }
0x3: {  	s2 =	rddreg [dreg:$0x2];
	s3 =	simm.s32 $0x0  }
0x4: {  	s6 =	srdreg.scid;
	s4 =	stileid.u32;
	s28 =	simm.s32 $0x3  }
0x5: {  	s29 =	simm.s32 $0x100;
	s30 =	simm.s32 $0x1900;
	s31 =	simm.s32 $0x4  }
0x6: {  	[smem:$0x7FF] =	sst s3;
	s8 =	sadd.s32 $0x11400, s0;
	s19 =	smul.u32 $0x4F000, s4  }
0x7: {  	s9 =	sadd.s32 $0x7400, s0;
	s5 =	sadd.s32 $0x1B400, s0;
	s11 =	smul.u32 $0x900, s4  }
0x8: {  	s10 =	sand.u32 $0x1, s6;
	s0 =	sadd.s32 $0x1DC00, s0;
	s13 =	smul.u32 $0x4800, s4  }
0x9: {  	s22 =	smul.u32 $0x13C00, s4;
	s24 =	sshll.u32 s4, $0x8;
	p1 =	seq.s32 s4, $0xF  }
0xa: {  	_ =	strace $0x80000047;
	s7 =	ssub.s32 $0x2, s10;
	p0 =	seq.s32 s10, $0x1  }
0xb: {  	s10 =	smul.u32 $0x138800, s10;
	s12 =	sshrl.u32 s7, $0x1;
	s6 =	sshrl.u32 s19, $0x2  }
0xc: {  	s14 =	sadd.s32 s8, s11;
	s13 =	sshrl.u32 s13, $0x3;
	s11 =	sadd.s32 s9, s11  }
0xd: {  	s19 =	simm.s32 $0x5;
	s12 =	ssub.s32 s7, s12;
	[dreg:$0x4] =	wrdreg s14  }
0xe: {  	s6 =	sadd.s32 s6, s2;
	s7 =	sadd.s32 $0x128400, s2;
	[dreg:$0x5] =	wrdreg s11  }
0xf: {  	s20 =	sadd.s32 $0x300, s13;
	s13 =	sadd.s32 $0x600, s13;
	s25 =	sadd.s32 s22, s10  }
0x10: {  	s10 =	sshrl.u32 s10, $0x3;
	s22 =	simm.s32 $0x3000;
	s21 =	sadd.s32 s8, s20  }
0x11: {  	s11 =	sadd.s32 s9, s20;
	s23 =	sadd.s32 s8, s13;
	[dreg:$0x6] =	wrdreg s21  }
0x12: {  	s13 =	sadd.s32 s9, s13;
	s26 =	sshrl.u32 s25, $0x3;
	[dreg:$0x7] =	wrdreg s11  }
0x13: {  	s18 =	smax.u32 s12, $0x1;
	s20 =	simm.s32 $0x1800;
	[dreg:$0x8] =	wrdreg s23  }
0x14: {  	s25 =	simm.s32 $0x2;
	[dreg:$0x9] =	wrdreg s13;
	s11 =	sor.u32 $0x9000, s24  }
.Ltmp0:
0x15: {  	s16 =	sadd.s32 s0, s26;
	s0 =	sadd.s32 s0, s10;
	(pc) =	sbr.rel .LBB2_1-.Ltmp0, $4  }
0x16: {  	s21 =	simm.s32 $0x80;
	s23 =	simm.s32 $0x1;
	s24 =	simm.s32 $0x7000  }
0x17: {  	s26 =	simm.s32 $0x1880;
	s8 =	sadd.s32 s8, s11;
	s9 =	sadd.s32 s9, s11  }
0x18: {  	s17 =	sadd.s32 $0x25080, s0;
	s0 =	simm.s32 $0x180;
	[dreg:$0xa] =	wrdreg s8  }
0x19: {  	[dreg:$0xb] =	wrdreg s9;
	s8 =	simm.s32 $0x1980;
	s9 =	simm.s32 $0x0  }
.LBB2_9:
0x1a: {  	s13 =	rddreg [dreg:$0xa]  }
0x1b: {  	[tilespmem:s3], [sflag:$0x5] =	stream.linear.gather [hbm4b:s13+s3], $0x800, $0x38;
	[tilespmem:$0x1E8C0] =	vst v63  }
0x1c: {  	_ =	swait.ge [sflag:s19], $0x800  }
0x1d: {  	[sflag:s19] =	ssyncset.done $0x0  }
0x1e: {  	s15 =	rddreg [dreg:$0xb];
	[sflag:s19] =	ssyncadd.s32 $0xFFFFF800  }
0x1f: {  	[tilespmem:s20], [sflag:$0x5] =	stream.linear.gather [hbm4b:s15+s3], $0x800, $0x38;
	[tilespmem:$0x1E8C0] =	vst v63  }
0x20: {  	_ =	swait.ge [sflag:s19], $0x800  }
0x21: {  	[sflag:s19] =	ssyncset.done $0x0  }
0x22: {  	[sflag:s19] =	ssyncadd.s32 $0xFFFFF800  }
0x23: {  	[tilespmem:s22], [sflag:$0x1] =	stream.indirect.gather [hbm4b:s1+s21], $0x80, s3, s21, $0xb8;
	[tilespmem:$0x1E8C0] =	vst v63  }
0x24: {  	_ =	swait.ge [sflag:s23], $0x4000  }
0x25: {  	[sflag:s23] =	ssyncset.done $0x0  }
0x26: {  	[sflag:s23] =	ssyncadd.s32 $0xFFFFC000  }
0x27: {  	[spmem:s2] =	stream.indirect.scatter.add.f32 [tilespmem:s22], [sflag:$0x3], $0x80, s20, s21, $0xb8;
	[tilespmem:$0x1E8C0] =	vst v63  }
0x28: {  	_ = 	snop  }
0x29: {  	[tilespmem:s24], [sflag:$0x2] =	stream.indirect.gather [hbm4b:s1+s21], $0x80, s21, s21, $0xb8;
	[tilespmem:$0x1E8C0] =	vst v63  }
0x2a: {  	_ =	swait.ge [sflag:s25], $0x4000  }
0x2b: {  	[sflag:s25] =	ssyncset.done $0x0  }
0x2c: {  	[sflag:s25] =	ssyncadd.s32 $0xFFFFC000  }
0x2d: {  	[spmem:s2] =	stream.indirect.scatter.add.f32 [tilespmem:s24], [sflag:$0x4], $0x80, s26, s21, $0xb8;
	[tilespmem:$0x1E8C0] =	vst v63  }
0x2e: {  	_ =	swait.ge [sflag:s28], $0x4000  }
0x2f: {  	[sflag:s28] =	ssyncset.done $0x0  }
0x30: {  	[sflag:s28] =	ssyncadd.s32 $0xFFFFC000  }
0x31: {  	[tilespmem:s22], [sflag:$0x1] =	stream.indirect.gather [hbm4b:s1+s21], $0x80, s29, s21, $0xb8;
	[tilespmem:$0x1E8C0] =	vst v63  }
0x32: {  	_ =	swait.ge [sflag:s23], $0x4000  }
0x33: {  	[sflag:s23] =	ssyncset.done $0x0  }
0x34: {  	[sflag:s23] =	ssyncadd.s32 $0xFFFFC000  }
0x35: {  	[spmem:s2] =	stream.indirect.scatter.add.f32 [tilespmem:s22], [sflag:$0x3], $0x80, s30, s21, $0xb8;
	[tilespmem:$0x1E8C0] =	vst v63  }
0x36: {  	_ =	swait.ge [sflag:s31], $0x4000  }
0x37: {  	[sflag:s31] =	ssyncset.done $0x0  }
0x38: {  	[sflag:s31] =	ssyncadd.s32 $0xFFFFC000  }
0x39: {  	[tilespmem:s24], [sflag:$0x2] =	stream.indirect.gather [hbm4b:s1+s21], $0x80, s0, s21, $0xb8;
	[tilespmem:$0x1E8C0] =	vst v63  }
0x3a: {  	_ =	swait.ge [sflag:s25], $0x4000  }
0x3b: {  	[sflag:s25] =	ssyncset.done $0x0  }
0x3c: {  	[sflag:s25] =	ssyncadd.s32 $0xFFFFC000  }
0x3d: {  	[spmem:s2] =	stream.indirect.scatter.add.f32 [tilespmem:s24], [sflag:$0x4], $0x80, s8, s21, $0xb8;
	[tilespmem:$0x1E8C0] =	vst v63  }
0x3e: {  	_ =	swait.ge [sflag:s28], $0x4000  }
0x3f: {  	[sflag:s28] =	ssyncset.done $0x0  }
0x40: {  	s14 =	simm.s32 $0x200;
	[sflag:s28] =	ssyncadd.s32 $0xFFFFC000  }
0x41: {  	[tilespmem:s22], [sflag:$0x1] =	stream.indirect.gather [hbm4b:s1+s21], $0x80, s14, s21, $0xb8;
	[tilespmem:$0x1E8C0] =	vst v63  }
0x42: {  	_ =	swait.ge [sflag:s23], $0x4000  }
0x43: {  	[sflag:s23] =	ssyncset.done $0x0  }
0x44: {  	s15 =	simm.s32 $0x1A00;
	[sflag:s23] =	ssyncadd.s32 $0xFFFFC000  }
0x45: {  	[spmem:s2] =	stream.indirect.scatter.add.f32 [tilespmem:s22], [sflag:$0x3], $0x80, s15, s21, $0xb8;
	[tilespmem:$0x1E8C0] =	vst v63  }
0x46: {  	_ =	swait.ge [sflag:s31], $0x4000  }
0x47: {  	[sflag:s31] =	ssyncset.done $0x0  }
0x48: {  	s14 =	simm.s32 $0x280;
	[sflag:s31] =	ssyncadd.s32 $0xFFFFC000  }
0x49: {  	[tilespmem:s24], [sflag:$0x2] =	stream.indirect.gather [hbm4b:s1+s21], $0x80, s14, s21, $0xb8;
	[tilespmem:$0x1E8C0] =	vst v63  }
0x4a: {  	_ =	swait.ge [sflag:s25], $0x4000  }
0x4b: {  	[sflag:s25] =	ssyncset.done $0x0  }
0x4c: {  	s15 =	simm.s32 $0x1A80;
	[sflag:s25] =	ssyncadd.s32 $0xFFFFC000  }
0x4d: {  	[spmem:s2] =	stream.indirect.scatter.add.f32 [tilespmem:s24], [sflag:$0x4], $0x80, s15, s21, $0xb8;
	[tilespmem:$0x1E8C0] =	vst v63  }
0x4e: {  	_ =	swait.ge [sflag:s28], $0x4000  }
0x4f: {  	[sflag:s28] =	ssyncset.done $0x0  }
0x50: {  	s14 =	simm.s32 $0x300;
	[sflag:s28] =	ssyncadd.s32 $0xFFFFC000  }
0x51: {  	[tilespmem:s22], [sflag:$0x1] =	stream.indirect.gather [hbm4b:s1+s21], $0x80, s14, s21, $0xb8;
	[tilespmem:$0x1E8C0] =	vst v63  }
0x52: {  	_ =	swait.ge [sflag:s23], $0x4000  }
0x53: {  	[sflag:s23] =	ssyncset.done $0x0  }
0x54: {  	s15 =	simm.s32 $0x1B00;
	[sflag:s23] =	ssyncadd.s32 $0xFFFFC000  }
0x55: {  	[spmem:s2] =	stream.indirect.scatter.add.f32 [tilespmem:s22], [sflag:$0x3], $0x80, s15, s21, $0xb8;
	[tilespmem:$0x1E8C0] =	vst v63  }
0x56: {  	_ =	swait.ge [sflag:s31], $0x4000  }
0x57: {  	[sflag:s31] =	ssyncset.done $0x0  }
0x58: {  	s14 =	simm.s32 $0x380;
	[sflag:s31] =	ssyncadd.s32 $0xFFFFC000  }
0x59: {  	[tilespmem:s24], [sflag:$0x2] =	stream.indirect.gather [hbm4b:s1+s21], $0x80, s14, s21, $0xb8;
	[tilespmem:$0x1E8C0] =	vst v63  }
0x5a: {  	_ =	swait.ge [sflag:s25], $0x4000  }
0x5b: {  	[sflag:s25] =	ssyncset.done $0x0  }
0x5c: {  	s15 =	simm.s32 $0x1B80;
	[sflag:s25] =	ssyncadd.s32 $0xFFFFC000  }
0x5d: {  	[spmem:s2] =	stream.indirect.scatter.add.f32 [tilespmem:s24], [sflag:$0x4], $0x80, s15, s21, $0xb8;
	[tilespmem:$0x1E8C0] =	vst v63  }
0x5e: {  	_ =	swait.ge [sflag:s28], $0x4000  }
0x5f: {  	[sflag:s28] =	ssyncset.done $0x0  }
0x60: {  	s14 =	simm.s32 $0x400;
	[sflag:s28] =	ssyncadd.s32 $0xFFFFC000  }
0x61: {  	[tilespmem:s22], [sflag:$0x1] =	stream.indirect.gather [hbm4b:s1+s21], $0x80, s14, s21, $0xb8;
	[tilespmem:$0x1E8C0] =	vst v63  }
0x62: {  	_ =	swait.ge [sflag:s23], $0x4000  }
0x63: {  	[sflag:s23] =	ssyncset.done $0x0  }
0x64: {  	s15 =	simm.s32 $0x1C00;
	[sflag:s23] =	ssyncadd.s32 $0xFFFFC000  }
0x65: {  	[spmem:s2] =	stream.indirect.scatter.add.f32 [tilespmem:s22], [sflag:$0x3], $0x80, s15, s21, $0xb8;
	[tilespmem:$0x1E8C0] =	vst v63  }
0x66: {  	_ =	swait.ge [sflag:s31], $0x4000  }
0x67: {  	[sflag:s31] =	ssyncset.done $0x0  }
0x68: {  	s14 =	simm.s32 $0x480;
	[sflag:s31] =	ssyncadd.s32 $0xFFFFC000  }
0x69: {  	[tilespmem:s24], [sflag:$0x2] =	stream.indirect.gather [hbm4b:s1+s21], $0x80, s14, s21, $0xb8;
	[tilespmem:$0x1E8C0] =	vst v63  }
0x6a: {  	_ =	swait.ge [sflag:s25], $0x4000  }
0x6b: {  	[sflag:s25] =	ssyncset.done $0x0  }
0x6c: {  	s15 =	simm.s32 $0x1C80;
	[sflag:s25] =	ssyncadd.s32 $0xFFFFC000  }
0x6d: {  	[spmem:s2] =	stream.indirect.scatter.add.f32 [tilespmem:s24], [sflag:$0x4], $0x80, s15, s21, $0xb8;
	[tilespmem:$0x1E8C0] =	vst v63  }
0x6e: {  	_ =	swait.ge [sflag:s28], $0x4000  }
0x6f: {  	[sflag:s28] =	ssyncset.done $0x0  }
0x70: {  	s14 =	simm.s32 $0x500;
	[sflag:s28] =	ssyncadd.s32 $0xFFFFC000  }
0x71: {  	[tilespmem:s22], [sflag:$0x1] =	stream.indirect.gather [hbm4b:s1+s21], $0x80, s14, s21, $0xb8;
	[tilespmem:$0x1E8C0] =	vst v63  }
0x72: {  	_ =	swait.ge [sflag:s23], $0x4000  }
0x73: {  	[sflag:s23] =	ssyncset.done $0x0  }
0x74: {  	s15 =	simm.s32 $0x1D00;
	[sflag:s23] =	ssyncadd.s32 $0xFFFFC000  }
0x75: {  	[spmem:s2] =	stream.indirect.scatter.add.f32 [tilespmem:s22], [sflag:$0x3], $0x80, s15, s21, $0xb8;
	[tilespmem:$0x1E8C0] =	vst v63  }
0x76: {  	_ =	swait.ge [sflag:s31], $0x4000  }
0x77: {  	[sflag:s31] =	ssyncset.done $0x0  }
0x78: {  	s14 =	simm.s32 $0x580;
	[sflag:s31] =	ssyncadd.s32 $0xFFFFC000  }
0x79: {  	[tilespmem:s24], [sflag:$0x2] =	stream.indirect.gather [hbm4b:s1+s21], $0x80, s14, s21, $0xb8;
	[tilespmem:$0x1E8C0] =	vst v63  }
0x7a: {  	_ =	swait.ge [sflag:s25], $0x4000  }
0x7b: {  	[sflag:s25] =	ssyncset.done $0x0  }
0x7c: {  	s15 =	simm.s32 $0x1D80;
	[sflag:s25] =	ssyncadd.s32 $0xFFFFC000  }
0x7d: {  	[spmem:s2] =	stream.indirect.scatter.add.f32 [tilespmem:s24], [sflag:$0x4], $0x80, s15, s21, $0xb8;
	[tilespmem:$0x1E8C0] =	vst v63  }
0x7e: {  	_ =	swait.ge [sflag:s28], $0x4000  }
0x7f: {  	[sflag:s28] =	ssyncset.done $0x0  }
0x80: {  	s14 =	simm.s32 $0x600;
	[sflag:s28] =	ssyncadd.s32 $0xFFFFC000  }
0x81: {  	[tilespmem:s22], [sflag:$0x1] =	stream.indirect.gather [hbm4b:s1+s21], $0x80, s14, s21, $0xb8;
	[tilespmem:$0x1E8C0] =	vst v63  }
0x82: {  	_ =	swait.ge [sflag:s23], $0x4000  }
0x83: {  	[sflag:s23] =	ssyncset.done $0x0  }
0x84: {  	s15 =	simm.s32 $0x1E00;
	[sflag:s23] =	ssyncadd.s32 $0xFFFFC000  }
0x85: {  	[spmem:s2] =	stream.indirect.scatter.add.f32 [tilespmem:s22], [sflag:$0x3], $0x80, s15, s21, $0xb8;
	[tilespmem:$0x1E8C0] =	vst v63  }
0x86: {  	_ =	swait.ge [sflag:s31], $0x4000  }
0x87: {  	[sflag:s31] =	ssyncset.done $0x0  }
0x88: {  	s14 =	simm.s32 $0x680;
	[sflag:s31] =	ssyncadd.s32 $0xFFFFC000  }
0x89: {  	[tilespmem:s24], [sflag:$0x2] =	stream.indirect.gather [hbm4b:s1+s21], $0x80, s14, s21, $0xb8;
	[tilespmem:$0x1E8C0] =	vst v63  }
0x8a: {  	_ =	swait.ge [sflag:s25], $0x4000  }
0x8b: {  	[sflag:s25] =	ssyncset.done $0x0  }
0x8c: {  	s15 =	simm.s32 $0x1E80;
	[sflag:s25] =	ssyncadd.s32 $0xFFFFC000  }
0x8d: {  	[spmem:s2] =	stream.indirect.scatter.add.f32 [tilespmem:s24], [sflag:$0x4], $0x80, s15, s21, $0xb8;
	[tilespmem:$0x1E8C0] =	vst v63  }
0x8e: {  	_ =	swait.ge [sflag:s28], $0x4000  }
0x8f: {  	[sflag:s28] =	ssyncset.done $0x0  }
0x90: {  	s14 =	simm.s32 $0x700;
	[sflag:s28] =	ssyncadd.s32 $0xFFFFC000  }
0x91: {  	[tilespmem:s22], [sflag:$0x1] =	stream.indirect.gather [hbm4b:s1+s21], $0x80, s14, s21, $0xb8;
	[tilespmem:$0x1E8C0] =	vst v63  }
0x92: {  	_ =	swait.ge [sflag:s23], $0x4000  }
0x93: {  	[sflag:s23] =	ssyncset.done $0x0  }
0x94: {  	s15 =	simm.s32 $0x1F00;
	[sflag:s23] =	ssyncadd.s32 $0xFFFFC000  }
0x95: {  	[spmem:s2] =	stream.indirect.scatter.add.f32 [tilespmem:s22], [sflag:$0x3], $0x80, s15, s21, $0xb8;
	[tilespmem:$0x1E8C0] =	vst v63  }
0x96: {  	_ =	swait.ge [sflag:s31], $0x4000  }
0x97: {  	[sflag:s31] =	ssyncset.done $0x0  }
0x98: {  	s14 =	simm.s32 $0x780;
	[sflag:s31] =	ssyncadd.s32 $0xFFFFC000  }
0x99: {  	[tilespmem:s24], [sflag:$0x2] =	stream.indirect.gather [hbm4b:s1+s21], $0x80, s14, s21, $0xb8;
	[tilespmem:$0x1E8C0] =	vst v63  }
0x9a: {  	_ =	swait.ge [sflag:s25], $0x4000  }
0x9b: {  	[sflag:s25] =	ssyncset.done $0x0  }
0x9c: {  	s15 =	simm.s32 $0x1F80;
	[sflag:s25] =	ssyncadd.s32 $0xFFFFC000  }
0x9d: {  	[spmem:s2] =	stream.indirect.scatter.add.f32 [tilespmem:s24], [sflag:$0x4], $0x80, s15, s21, $0xb8;
	[tilespmem:$0x1E8C0] =	vst v63  }
.LBB2_10:
0x9e: {  	_ =	swait.ge [sflag:s31], $0x4000  }
0x9f: {  	[sflag:s31] =	ssyncset.done $0x0  }
0xa0: {  	[sflag:s31] =	ssyncadd.s32 $0xFFFFC000  }
0xa1: {  	s13 =	simm.s32 @p1 $0x1FC5;
	[bflag:$0x0] =	sbarrier.arrive $0xFFFF  }
0xa2: {  	[hbm:s17], [sflag:s13] =	dma.local @p1 [spmem:s10], $0x2080  }
0xa3: {  	s10 =	simm.s32 @p1 $0x5  }
0xa4: {  	s9 =	sadd.s32 $0x1, s9;
	_ =	swait.ge @p1 [sflag:s10], $0x2080  }
0xa5: {  	p2 =	sne.s32 s9, s18;
	[sflag:s10] =	ssyncset.done @p1 $0x0  }
.Ltmp1:
0xa6: {  	[sflag:s10] =	ssyncadd.s32 @p1 $0xFFFFDF80;
	s10 =	simm.s32 @!p1 $0x5;
	(pc) =	sbr.rel @!p2 .LBB2_11-.Ltmp1, $4  }
0xa7: {  	[hbm:s16], [sflag:s11] =	dma.local @!p1 [spmem:s12], $0x2780  }
0xa8: {  	_ =	swait.ge @!p1 [sflag:s10], $0x2780  }
0xa9: {  	[sflag:s10] =	ssyncset.done @!p1 $0x0  }
0xaa: {  	[sflag:s10] =	ssyncadd.s32 @!p1 $0xFFFFD880  }
.LBB2_1:
0xab: {  	s10 =	sshrl.u32 @p1 s7, $0x3;
	s11 =	simm.s32 @p1 $0x1FC5  }
0xac: {  	[spmem:s10], [sflag:s11] =	dma.local @p1 [hbm:s5], $0x2080  }
0xad: {  	s11 =	simm.s32 @p1 $0x5  }
0xae: {  	_ =	swait.ge @p1 [sflag:s11], $0x2080  }
0xaf: {  	s12 =	sshll.u32 @!p1 s4, $0x6;
	s13 =	simm.s32 @!p1 $0x5;
	[sflag:s11] =	ssyncset.done @p1 $0x0  }
0xb0: {  	[sflag:s11] =	ssyncadd.s32 @p1 $0xFFFFDF80;
	s11 =	sor.u32 @!p1 $0x1C05, s12;
	s12 =	sshrl.u32 @!p1 s6, $0x3  }
0xb1: {  	[spmem:s12], [sflag:s11] =	dma.local @!p1 [hbm:s5], $0x2780  }
.Ltmp2:
0xb2: {  	_ =	swait.ge @!p1 [sflag:s13], $0x2780;
	(pc) =	sbr.rel @p0 .LBB2_9-.Ltmp2, $3  }
0xb3: {  	[sflag:s13] =	ssyncset.done @!p1 $0x0  }
0xb4: {  	[sflag:s13] =	ssyncadd.s32 @!p1 $0xFFFFD880  }
0xb5: {  	[bflag:$0x0] =	sbarrier.arrive $0xFFFF;
	_ =	sdelay $0x1  }
0xb6: {  	s13 =	rddreg [dreg:$0x4]  }
0xb7: {  	[tilespmem:s3], [sflag:$0x5] =	stream.linear.gather [hbm4b:s13+s3], $0x1800, $0x38;
	[tilespmem:$0x1E8C0] =	vst v63  }
0xb8: {  	_ =	swait.ge [sflag:s19], $0x1800  }
0xb9: {  	[sflag:s19] =	ssyncset.done $0x0  }
0xba: {  	s14 =	rddreg [dreg:$0x5];
	[sflag:s19] =	ssyncadd.s32 $0xFFFFE800  }
0xbb: {  	[tilespmem:s20], [sflag:$0x5] =	stream.linear.gather [hbm4b:s14+s3], $0x1800, $0x38;
	[tilespmem:$0x1E8C0] =	vst v63  }
0xbc: {  	_ =	swait.ge [sflag:s19], $0x1800  }
0xbd: {  	[sflag:s19] =	ssyncset.done $0x0  }
0xbe: {  	[sflag:s19] =	ssyncadd.s32 $0xFFFFE800  }
0xbf: {  	[tilespmem:s22], [sflag:$0x1] =	stream.indirect.gather [hbm4b:s1+s21], $0x80, s3, s21, $0xb8;
	[tilespmem:$0x1E8C0] =	vst v63  }
0xc0: {  	_ =	swait.ge [sflag:s23], $0x4000  }
0xc1: {  	[sflag:s23] =	ssyncset.done $0x0  }
0xc2: {  	[sflag:s23] =	ssyncadd.s32 $0xFFFFC000  }
0xc3: {  	[spmem:s2] =	stream.indirect.scatter.add.f32 [tilespmem:s22], [sflag:$0x3], $0x80, s20, s21, $0xb8;
	[tilespmem:$0x1E8C0] =	vst v63  }
0xc4: {  	_ = 	snop  }
0xc5: {  	[tilespmem:s24], [sflag:$0x2] =	stream.indirect.gather [hbm4b:s1+s21], $0x80, s21, s21, $0xb8;
	[tilespmem:$0x1E8C0] =	vst v63  }
0xc6: {  	_ =	swait.ge [sflag:s25], $0x4000  }
0xc7: {  	[sflag:s25] =	ssyncset.done $0x0  }
0xc8: {  	[sflag:s25] =	ssyncadd.s32 $0xFFFFC000  }
0xc9: {  	[spmem:s2] =	stream.indirect.scatter.add.f32 [tilespmem:s24], [sflag:$0x4], $0x80, s26, s21, $0xb8;
	[tilespmem:$0x1E8C0] =	vst v63  }
0xca: {  	_ =	swait.ge [sflag:s28], $0x4000  }
0xcb: {  	[sflag:s28] =	ssyncset.done $0x0  }
0xcc: {  	[sflag:s28] =	ssyncadd.s32 $0xFFFFC000  }
0xcd: {  	[tilespmem:s22], [sflag:$0x1] =	stream.indirect.gather [hbm4b:s1+s21], $0x80, s29, s21, $0xb8;
	[tilespmem:$0x1E8C0] =	vst v63  }
0xce: {  	_ =	swait.ge [sflag:s23], $0x4000  }
0xcf: {  	[sflag:s23] =	ssyncset.done $0x0  }
0xd0: {  	[sflag:s23] =	ssyncadd.s32 $0xFFFFC000  }
0xd1: {  	[spmem:s2] =	stream.indirect.scatter.add.f32 [tilespmem:s22], [sflag:$0x3], $0x80, s30, s21, $0xb8;
	[tilespmem:$0x1E8C0] =	vst v63  }
0xd2: {  	_ =	swait.ge [sflag:s31], $0x4000  }
0xd3: {  	[sflag:s31] =	ssyncset.done $0x0  }
0xd4: {  	[sflag:s31] =	ssyncadd.s32 $0xFFFFC000  }
0xd5: {  	[tilespmem:s24], [sflag:$0x2] =	stream.indirect.gather [hbm4b:s1+s21], $0x80, s0, s21, $0xb8;
	[tilespmem:$0x1E8C0] =	vst v63  }
0xd6: {  	_ =	swait.ge [sflag:s25], $0x4000  }
0xd7: {  	[sflag:s25] =	ssyncset.done $0x0  }
0xd8: {  	[sflag:s25] =	ssyncadd.s32 $0xFFFFC000  }
0xd9: {  	[spmem:s2] =	stream.indirect.scatter.add.f32 [tilespmem:s24], [sflag:$0x4], $0x80, s8, s21, $0xb8;
	[tilespmem:$0x1E8C0] =	vst v63  }
0xda: {  	_ =	swait.ge [sflag:s28], $0x4000  }
0xdb: {  	[sflag:s28] =	ssyncset.done $0x0  }
0xdc: {  	s15 =	simm.s32 $0x200;
	[sflag:s28] =	ssyncadd.s32 $0xFFFFC000  }
0xdd: {  	[tilespmem:s22], [sflag:$0x1] =	stream.indirect.gather [hbm4b:s1+s21], $0x80, s15, s21, $0xb8;
	[tilespmem:$0x1E8C0] =	vst v63  }
0xde: {  	_ =	swait.ge [sflag:s23], $0x4000  }
0xdf: {  	[sflag:s23] =	ssyncset.done $0x0  }
0xe0: {  	s14 =	simm.s32 $0x1A00;
	[sflag:s23] =	ssyncadd.s32 $0xFFFFC000  }
0xe1: {  	[spmem:s2] =	stream.indirect.scatter.add.f32 [tilespmem:s22], [sflag:$0x3], $0x80, s14, s21, $0xb8;
	[tilespmem:$0x1E8C0] =	vst v63  }
0xe2: {  	_ =	swait.ge [sflag:s31], $0x4000  }
0xe3: {  	[sflag:s31] =	ssyncset.done $0x0  }
0xe4: {  	s15 =	simm.s32 $0x280;
	[sflag:s31] =	ssyncadd.s32 $0xFFFFC000  }
0xe5: {  	[tilespmem:s24], [sflag:$0x2] =	stream.indirect.gather [hbm4b:s1+s21], $0x80, s15, s21, $0xb8;
	[tilespmem:$0x1E8C0] =	vst v63  }
0xe6: {  	_ =	swait.ge [sflag:s25], $0x4000  }
0xe7: {  	[sflag:s25] =	ssyncset.done $0x0  }
0xe8: {  	s13 =	simm.s32 $0xFFFFAC00;
	s14 =	simm.s32 $0x1A80;
	[sflag:s25] =	ssyncadd.s32 $0xFFFFC000  }
.LBB2_3:
0xe9: {  	[spmem:s2] =	stream.indirect.scatter.add.f32 [tilespmem:s24], [sflag:$0x4], $0x80, s14, s21, $0xb8;
	[tilespmem:$0x1E8C0] =	vst v63  }
0xea: {  	s14 =	smov.u32 s13  }
0xeb: {  	p2 =	sne.s32 s13, $0xFFFFFC00;
	s13 =	sadd.s32 $0x400, s13;
	_ =	swait.ge [sflag:s28], $0x4000  }
0xec: {  	s14 =	sshra.s32 s14, $0x2;
	[sflag:s28] =	ssyncset.done $0x0  }
0xed: {  	s15 =	sadd.s32 $0x1800, s14;
	[sflag:s28] =	ssyncadd.s32 $0xFFFFC000  }
0xee: {  	[tilespmem:s22], [sflag:$0x1] =	stream.indirect.gather [hbm4b:s1+s21], $0x80, s15, s21, $0xb8;
	[tilespmem:$0x1E8C0] =	vst v63  }
0xef: {  	_ =	swait.ge [sflag:s23], $0x4000  }
0xf0: {  	[sflag:s23] =	ssyncset.done $0x0  }
0xf1: {  	s15 =	sadd.s32 $0x3000, s14;
	[sflag:s23] =	ssyncadd.s32 $0xFFFFC000  }
0xf2: {  	[spmem:s2] =	stream.indirect.scatter.add.f32 [tilespmem:s22], [sflag:$0x3], $0x80, s15, s21, $0xb8;
	[tilespmem:$0x1E8C0] =	vst v63  }
0xf3: {  	_ =	swait.ge [sflag:s31], $0x4000  }
0xf4: {  	[sflag:s31] =	ssyncset.done $0x0  }
.Ltmp3:
0xf5: {  	s15 =	sadd.s32 $0x1880, s14;
	[sflag:s31] =	ssyncadd.s32 $0xFFFFC000;
	(pc) =	sbr.rel @p2 .LBB2_3-.Ltmp3, $4  }
0xf6: {  	[tilespmem:s24], [sflag:$0x2] =	stream.indirect.gather [hbm4b:s1+s21], $0x80, s15, s21, $0xb8;
	[tilespmem:$0x1E8C0] =	vst v63  }
0xf7: {  	_ =	swait.ge [sflag:s25], $0x4000  }
0xf8: {  	[sflag:s25] =	ssyncset.done $0x0  }
0xf9: {  	s14 =	sadd.s32 $0x3080, s14;
	[sflag:s25] =	ssyncadd.s32 $0xFFFFC000  }
0xfa: {  	[spmem:s2] =	stream.indirect.scatter.add.f32 [tilespmem:s24], [sflag:$0x4], $0x80, s14, s21, $0xb8;
	[tilespmem:$0x1E8C0] =	vst v63  }
0xfb: {  	_ =	swait.ge [sflag:s31], $0x4000  }
0xfc: {  	[sflag:s31] =	ssyncset.done $0x0  }
0xfd: {  	s13 =	rddreg [dreg:$0x6];
	[sflag:s31] =	ssyncadd.s32 $0xFFFFC000  }
0xfe: {  	[tilespmem:s3], [sflag:$0x5] =	stream.linear.gather [hbm4b:s13+s3], $0x1800, $0x38;
	[tilespmem:$0x1E8C0] =	vst v63  }
0xff: {  	_ =	swait.ge [sflag:s19], $0x1800  }
0x100: {  	[sflag:s19] =	ssyncset.done $0x0  }
0x101: {  	s14 =	rddreg [dreg:$0x7];
	[sflag:s19] =	ssyncadd.s32 $0xFFFFE800  }
0x102: {  	[tilespmem:s20], [sflag:$0x5] =	stream.linear.gather [hbm4b:s14+s3], $0x1800, $0x38;
	[tilespmem:$0x1E8C0] =	vst v63  }
0x103: {  	_ =	swait.ge [sflag:s19], $0x1800  }
0x104: {  	[sflag:s19] =	ssyncset.done $0x0  }
0x105: {  	[sflag:s19] =	ssyncadd.s32 $0xFFFFE800  }
0x106: {  	[tilespmem:s22], [sflag:$0x1] =	stream.indirect.gather [hbm4b:s1+s21], $0x80, s3, s21, $0xb8;
	[tilespmem:$0x1E8C0] =	vst v63  }
0x107: {  	_ =	swait.ge [sflag:s23], $0x4000  }
0x108: {  	[sflag:s23] =	ssyncset.done $0x0  }
0x109: {  	[sflag:s23] =	ssyncadd.s32 $0xFFFFC000  }
0x10a: {  	[spmem:s2] =	stream.indirect.scatter.add.f32 [tilespmem:s22], [sflag:$0x3], $0x80, s20, s21, $0xb8;
	[tilespmem:$0x1E8C0] =	vst v63  }
0x10b: {  	_ = 	snop  }
0x10c: {  	[tilespmem:s24], [sflag:$0x2] =	stream.indirect.gather [hbm4b:s1+s21], $0x80, s21, s21, $0xb8;
	[tilespmem:$0x1E8C0] =	vst v63  }
0x10d: {  	_ =	swait.ge [sflag:s25], $0x4000  }
0x10e: {  	[sflag:s25] =	ssyncset.done $0x0  }
0x10f: {  	[sflag:s25] =	ssyncadd.s32 $0xFFFFC000  }
0x110: {  	[spmem:s2] =	stream.indirect.scatter.add.f32 [tilespmem:s24], [sflag:$0x4], $0x80, s26, s21, $0xb8;
	[tilespmem:$0x1E8C0] =	vst v63  }
0x111: {  	_ =	swait.ge [sflag:s28], $0x4000  }
0x112: {  	[sflag:s28] =	ssyncset.done $0x0  }
0x113: {  	[sflag:s28] =	ssyncadd.s32 $0xFFFFC000  }
0x114: {  	[tilespmem:s22], [sflag:$0x1] =	stream.indirect.gather [hbm4b:s1+s21], $0x80, s29, s21, $0xb8;
	[tilespmem:$0x1E8C0] =	vst v63  }
0x115: {  	_ =	swait.ge [sflag:s23], $0x4000  }
0x116: {  	[sflag:s23] =	ssyncset.done $0x0  }
0x117: {  	[sflag:s23] =	ssyncadd.s32 $0xFFFFC000  }
0x118: {  	[spmem:s2] =	stream.indirect.scatter.add.f32 [tilespmem:s22], [sflag:$0x3], $0x80, s30, s21, $0xb8;
	[tilespmem:$0x1E8C0] =	vst v63  }
0x119: {  	_ =	swait.ge [sflag:s31], $0x4000  }
0x11a: {  	[sflag:s31] =	ssyncset.done $0x0  }
0x11b: {  	[sflag:s31] =	ssyncadd.s32 $0xFFFFC000  }
0x11c: {  	[tilespmem:s24], [sflag:$0x2] =	stream.indirect.gather [hbm4b:s1+s21], $0x80, s0, s21, $0xb8;
	[tilespmem:$0x1E8C0] =	vst v63  }
0x11d: {  	_ =	swait.ge [sflag:s25], $0x4000  }
0x11e: {  	[sflag:s25] =	ssyncset.done $0x0  }
0x11f: {  	[sflag:s25] =	ssyncadd.s32 $0xFFFFC000  }
0x120: {  	[spmem:s2] =	stream.indirect.scatter.add.f32 [tilespmem:s24], [sflag:$0x4], $0x80, s8, s21, $0xb8;
	[tilespmem:$0x1E8C0] =	vst v63  }
0x121: {  	_ =	swait.ge [sflag:s28], $0x4000  }
0x122: {  	[sflag:s28] =	ssyncset.done $0x0  }
0x123: {  	s15 =	simm.s32 $0x200;
	[sflag:s28] =	ssyncadd.s32 $0xFFFFC000  }
0x124: {  	[tilespmem:s22], [sflag:$0x1] =	stream.indirect.gather [hbm4b:s1+s21], $0x80, s15, s21, $0xb8;
	[tilespmem:$0x1E8C0] =	vst v63  }
0x125: {  	_ =	swait.ge [sflag:s23], $0x4000  }
0x126: {  	[sflag:s23] =	ssyncset.done $0x0  }
0x127: {  	s14 =	simm.s32 $0x1A00;
	[sflag:s23] =	ssyncadd.s32 $0xFFFFC000  }
0x128: {  	[spmem:s2] =	stream.indirect.scatter.add.f32 [tilespmem:s22], [sflag:$0x3], $0x80, s14, s21, $0xb8;
	[tilespmem:$0x1E8C0] =	vst v63  }
0x129: {  	_ =	swait.ge [sflag:s31], $0x4000  }
0x12a: {  	[sflag:s31] =	ssyncset.done $0x0  }
0x12b: {  	s15 =	simm.s32 $0x280;
	[sflag:s31] =	ssyncadd.s32 $0xFFFFC000  }
0x12c: {  	[tilespmem:s24], [sflag:$0x2] =	stream.indirect.gather [hbm4b:s1+s21], $0x80, s15, s21, $0xb8;
	[tilespmem:$0x1E8C0] =	vst v63  }
0x12d: {  	_ =	swait.ge [sflag:s25], $0x4000  }
0x12e: {  	[sflag:s25] =	ssyncset.done $0x0  }
0x12f: {  	s13 =	simm.s32 $0xFFFFAC00;
	s14 =	simm.s32 $0x1A80;
	[sflag:s25] =	ssyncadd.s32 $0xFFFFC000  }
.LBB2_5:
0x130: {  	[spmem:s2] =	stream.indirect.scatter.add.f32 [tilespmem:s24], [sflag:$0x4], $0x80, s14, s21, $0xb8;
	[tilespmem:$0x1E8C0] =	vst v63  }
0x131: {  	s14 =	smov.u32 s13  }
0x132: {  	p2 =	sne.s32 s13, $0xFFFFFC00;
	s13 =	sadd.s32 $0x400, s13;
	_ =	swait.ge [sflag:s28], $0x4000  }
0x133: {  	s14 =	sshra.s32 s14, $0x2;
	[sflag:s28] =	ssyncset.done $0x0  }
0x134: {  	s15 =	sadd.s32 $0x1800, s14;
	[sflag:s28] =	ssyncadd.s32 $0xFFFFC000  }
0x135: {  	[tilespmem:s22], [sflag:$0x1] =	stream.indirect.gather [hbm4b:s1+s21], $0x80, s15, s21, $0xb8;
	[tilespmem:$0x1E8C0] =	vst v63  }
0x136: {  	_ =	swait.ge [sflag:s23], $0x4000  }
0x137: {  	[sflag:s23] =	ssyncset.done $0x0  }
0x138: {  	s15 =	sadd.s32 $0x3000, s14;
	[sflag:s23] =	ssyncadd.s32 $0xFFFFC000  }
0x139: {  	[spmem:s2] =	stream.indirect.scatter.add.f32 [tilespmem:s22], [sflag:$0x3], $0x80, s15, s21, $0xb8;
	[tilespmem:$0x1E8C0] =	vst v63  }
0x13a: {  	_ =	swait.ge [sflag:s31], $0x4000  }
0x13b: {  	[sflag:s31] =	ssyncset.done $0x0  }
.Ltmp4:
0x13c: {  	s15 =	sadd.s32 $0x1880, s14;
	[sflag:s31] =	ssyncadd.s32 $0xFFFFC000;
	(pc) =	sbr.rel @p2 .LBB2_5-.Ltmp4, $4  }
0x13d: {  	[tilespmem:s24], [sflag:$0x2] =	stream.indirect.gather [hbm4b:s1+s21], $0x80, s15, s21, $0xb8;
	[tilespmem:$0x1E8C0] =	vst v63  }
0x13e: {  	_ =	swait.ge [sflag:s25], $0x4000  }
0x13f: {  	[sflag:s25] =	ssyncset.done $0x0  }
0x140: {  	s14 =	sadd.s32 $0x3080, s14;
	[sflag:s25] =	ssyncadd.s32 $0xFFFFC000  }
0x141: {  	[spmem:s2] =	stream.indirect.scatter.add.f32 [tilespmem:s24], [sflag:$0x4], $0x80, s14, s21, $0xb8;
	[tilespmem:$0x1E8C0] =	vst v63  }
0x142: {  	_ =	swait.ge [sflag:s31], $0x4000  }
0x143: {  	[sflag:s31] =	ssyncset.done $0x0  }
0x144: {  	s13 =	rddreg [dreg:$0x8];
	[sflag:s31] =	ssyncadd.s32 $0xFFFFC000  }
0x145: {  	[tilespmem:s3], [sflag:$0x5] =	stream.linear.gather [hbm4b:s13+s3], $0x1800, $0x38;
	[tilespmem:$0x1E8C0] =	vst v63  }
0x146: {  	_ =	swait.ge [sflag:s19], $0x1800  }
0x147: {  	[sflag:s19] =	ssyncset.done $0x0  }
0x148: {  	s14 =	rddreg [dreg:$0x9];
	[sflag:s19] =	ssyncadd.s32 $0xFFFFE800  }
0x149: {  	[tilespmem:s20], [sflag:$0x5] =	stream.linear.gather [hbm4b:s14+s3], $0x1800, $0x38;
	[tilespmem:$0x1E8C0] =	vst v63  }
0x14a: {  	_ =	swait.ge [sflag:s19], $0x1800  }
0x14b: {  	[sflag:s19] =	ssyncset.done $0x0  }
0x14c: {  	[sflag:s19] =	ssyncadd.s32 $0xFFFFE800  }
0x14d: {  	[tilespmem:s22], [sflag:$0x1] =	stream.indirect.gather [hbm4b:s1+s21], $0x80, s3, s21, $0xb8;
	[tilespmem:$0x1E8C0] =	vst v63  }
0x14e: {  	_ =	swait.ge [sflag:s23], $0x4000  }
0x14f: {  	[sflag:s23] =	ssyncset.done $0x0  }
0x150: {  	[sflag:s23] =	ssyncadd.s32 $0xFFFFC000  }
0x151: {  	[spmem:s2] =	stream.indirect.scatter.add.f32 [tilespmem:s22], [sflag:$0x3], $0x80, s20, s21, $0xb8;
	[tilespmem:$0x1E8C0] =	vst v63  }
0x152: {  	_ = 	snop  }
0x153: {  	[tilespmem:s24], [sflag:$0x2] =	stream.indirect.gather [hbm4b:s1+s21], $0x80, s21, s21, $0xb8;
	[tilespmem:$0x1E8C0] =	vst v63  }
0x154: {  	_ =	swait.ge [sflag:s25], $0x4000  }
0x155: {  	[sflag:s25] =	ssyncset.done $0x0  }
0x156: {  	[sflag:s25] =	ssyncadd.s32 $0xFFFFC000  }
0x157: {  	[spmem:s2] =	stream.indirect.scatter.add.f32 [tilespmem:s24], [sflag:$0x4], $0x80, s26, s21, $0xb8;
	[tilespmem:$0x1E8C0] =	vst v63  }
0x158: {  	_ =	swait.ge [sflag:s28], $0x4000  }
0x159: {  	[sflag:s28] =	ssyncset.done $0x0  }
0x15a: {  	[sflag:s28] =	ssyncadd.s32 $0xFFFFC000  }
0x15b: {  	[tilespmem:s22], [sflag:$0x1] =	stream.indirect.gather [hbm4b:s1+s21], $0x80, s29, s21, $0xb8;
	[tilespmem:$0x1E8C0] =	vst v63  }
0x15c: {  	_ =	swait.ge [sflag:s23], $0x4000  }
0x15d: {  	[sflag:s23] =	ssyncset.done $0x0  }
0x15e: {  	[sflag:s23] =	ssyncadd.s32 $0xFFFFC000  }
0x15f: {  	[spmem:s2] =	stream.indirect.scatter.add.f32 [tilespmem:s22], [sflag:$0x3], $0x80, s30, s21, $0xb8;
	[tilespmem:$0x1E8C0] =	vst v63  }
0x160: {  	_ =	swait.ge [sflag:s31], $0x4000  }
0x161: {  	[sflag:s31] =	ssyncset.done $0x0  }
0x162: {  	[sflag:s31] =	ssyncadd.s32 $0xFFFFC000  }
0x163: {  	[tilespmem:s24], [sflag:$0x2] =	stream.indirect.gather [hbm4b:s1+s21], $0x80, s0, s21, $0xb8;
	[tilespmem:$0x1E8C0] =	vst v63  }
0x164: {  	_ =	swait.ge [sflag:s25], $0x4000  }
0x165: {  	[sflag:s25] =	ssyncset.done $0x0  }
0x166: {  	[sflag:s25] =	ssyncadd.s32 $0xFFFFC000  }
0x167: {  	[spmem:s2] =	stream.indirect.scatter.add.f32 [tilespmem:s24], [sflag:$0x4], $0x80, s8, s21, $0xb8;
	[tilespmem:$0x1E8C0] =	vst v63  }
0x168: {  	_ =	swait.ge [sflag:s28], $0x4000  }
0x169: {  	[sflag:s28] =	ssyncset.done $0x0  }
0x16a: {  	s15 =	simm.s32 $0x200;
	[sflag:s28] =	ssyncadd.s32 $0xFFFFC000  }
0x16b: {  	[tilespmem:s22], [sflag:$0x1] =	stream.indirect.gather [hbm4b:s1+s21], $0x80, s15, s21, $0xb8;
	[tilespmem:$0x1E8C0] =	vst v63  }
0x16c: {  	_ =	swait.ge [sflag:s23], $0x4000  }
0x16d: {  	[sflag:s23] =	ssyncset.done $0x0  }
0x16e: {  	s14 =	simm.s32 $0x1A00;
	[sflag:s23] =	ssyncadd.s32 $0xFFFFC000  }
0x16f: {  	[spmem:s2] =	stream.indirect.scatter.add.f32 [tilespmem:s22], [sflag:$0x3], $0x80, s14, s21, $0xb8;
	[tilespmem:$0x1E8C0] =	vst v63  }
0x170: {  	_ =	swait.ge [sflag:s31], $0x4000  }
0x171: {  	[sflag:s31] =	ssyncset.done $0x0  }
0x172: {  	s15 =	simm.s32 $0x280;
	[sflag:s31] =	ssyncadd.s32 $0xFFFFC000  }
0x173: {  	[tilespmem:s24], [sflag:$0x2] =	stream.indirect.gather [hbm4b:s1+s21], $0x80, s15, s21, $0xb8;
	[tilespmem:$0x1E8C0] =	vst v63  }
0x174: {  	_ =	swait.ge [sflag:s25], $0x4000  }
0x175: {  	[sflag:s25] =	ssyncset.done $0x0  }
0x176: {  	s13 =	simm.s32 $0xFFFFAC00;
	s14 =	simm.s32 $0x1A80;
	[sflag:s25] =	ssyncadd.s32 $0xFFFFC000  }
.LBB2_7:
0x177: {  	[spmem:s2] =	stream.indirect.scatter.add.f32 [tilespmem:s24], [sflag:$0x4], $0x80, s14, s21, $0xb8;
	[tilespmem:$0x1E8C0] =	vst v63  }
0x178: {  	s14 =	smov.u32 s13  }
0x179: {  	p2 =	seq.s32 s13, $0xFFFFFC00;
	s13 =	sadd.s32 $0x400, s13;
	_ =	swait.ge [sflag:s28], $0x4000  }
0x17a: {  	s14 =	sshra.s32 s14, $0x2;
	[sflag:s28] =	ssyncset.done $0x0  }
0x17b: {  	s15 =	sadd.s32 $0x1800, s14;
	[sflag:s28] =	ssyncadd.s32 $0xFFFFC000  }
0x17c: {  	[tilespmem:s22], [sflag:$0x1] =	stream.indirect.gather [hbm4b:s1+s21], $0x80, s15, s21, $0xb8;
	[tilespmem:$0x1E8C0] =	vst v63  }
0x17d: {  	_ =	swait.ge [sflag:s23], $0x4000  }
0x17e: {  	[sflag:s23] =	ssyncset.done $0x0  }
0x17f: {  	s15 =	sadd.s32 $0x3000, s14;
	[sflag:s23] =	ssyncadd.s32 $0xFFFFC000  }
0x180: {  	[spmem:s2] =	stream.indirect.scatter.add.f32 [tilespmem:s22], [sflag:$0x3], $0x80, s15, s21, $0xb8;
	[tilespmem:$0x1E8C0] =	vst v63  }
0x181: {  	_ =	swait.ge [sflag:s31], $0x4000  }
0x182: {  	[sflag:s31] =	ssyncset.done $0x0  }
.Ltmp5:
0x183: {  	s15 =	sadd.s32 $0x1880, s14;
	[sflag:s31] =	ssyncadd.s32 $0xFFFFC000;
	(pc) =	sbr.rel @!p2 .LBB2_7-.Ltmp5, $4  }
0x184: {  	[tilespmem:s24], [sflag:$0x2] =	stream.indirect.gather [hbm4b:s1+s21], $0x80, s15, s21, $0xb8;
	[tilespmem:$0x1E8C0] =	vst v63  }
0x185: {  	_ =	swait.ge [sflag:s25], $0x4000  }
0x186: {  	[sflag:s25] =	ssyncset.done $0x0  }
0x187: {  	s14 =	sadd.s32 $0x3080, s14;
	[sflag:s25] =	ssyncadd.s32 $0xFFFFC000  }
.Ltmp6:
0x188: {  	(pc) =	sbr.rel .LBB2_10-.Ltmp6, $2  }
0x189: {  	_ =	sdelay $0x2  }
0x18a: {  	[spmem:s2] =	stream.indirect.scatter.add.f32 [tilespmem:s24], [sflag:$0x4], $0x80, s14, s21, $0xb8;
	[tilespmem:$0x1E8C0] =	vst v63  }
.LBB2_11:
0x18b: {  	_ =	sfence.sel $0x180000  }
0x18c: {  	[bflag:$0x0] =	sbarrier.arrive $0xFFFF  }
0x18d: {  	_ =	strace $0x90000047  }
0x18e: {  	[bflag:$0x2] =	sbarrier.arrive $0xFFFF  }
0x18f: {  	p0 =	sne.s32 s4, $0x0;
	s0 =	rddreg [dreg:$0x3]  }
0x190: {  	s0 =	sadd.s32 @!p0 $0x100000, s0  }
0x191: {  	[sflag:s0] =	ssyncadd.tile.s32 @!p0 $0x1;
	_ =	shalt  }
.Lfunc_end2:
_tile_overlayer_lowered:
.L_overlay_start_2:
0x192: {  	(tag) =	ssettag $0x2  }
0x193: {  	s0 =	rddreg [dreg:$0x0];
	s2 =	stileid.u32  }
0x194: {  	s1 =	rddreg [dreg:$0x1];
	p0 =	sne.s32 s2, $0x0  }
0x195: {  	s3 =	rddreg [dreg:$0x2];
	[bflag:$0x3] =	sbarrier.arrive $0xFFFF;
	s2 =	simm.s32 @!p0 $0x1C05  }
0x196: {  	[timem:s3], [sflag:s2] =	dma.local @!p0 [hbm:s0], s1  }
0x197: {  	s0 =	simm.s32 @!p0 $0x5  }
0x198: {  	_ =	swait.ge @!p0 [sflag:s0], s1  }
0x199: {  	s1 =	ssub.s32 @!p0 $0x0, s1;
	[sflag:s0] =	ssyncset.done @!p0 $0x0  }
0x19a: {  	[sflag:s0] =	ssyncadd.s32 @!p0 s1  }
0x19b: {  	[bflag:$0x3] =	sbarrier.arrive $0xFFFF  }
0x19c: {  	_ =	shalt  }

// kernel: kernel.13.cloned.1.call-start
scs
__scs_entry_jumppad:
0x0: {  	(pc) =	sbr.rel $0x88, $3  }
0x1: {  	(tag) =	ssettag $0x0;
	lr =	simm.s32 $0x1  }
0x2: {  	[smem:$0x3F7E] =	sst lr;
	_ =	strace $0xD0000000  }
0x3: {  	_ = 	snop  }
0x4: {  	_ = 	snop  }
0x5: {  	_ = 	snop  }
0x6: {  	_ = 	snop  }
0x7: {  	_ = 	snop  }
__scs_overlays_trampoline_lowered:
0x8: {  	[smem:$0x3F8D] =	sst s0  }
0x9: {  	[smem:$0x3F8E] =	sst s1  }
0xa: {  	[smem:$0x3F8F] =	sst s2  }
0xb: {  	[smem:$0x3F90] =	sst s3  }
0xc: {  	[smem:$0x3F91] =	sst s4  }
0xd: {  	[smem:$0x3F92] =	sst s5  }
0xe: {  	[smem:$0x3F93] =	sst s6  }
0xf: {  	[smem:$0x3F94] =	sst s7  }
0x10: {  	[smem:$0x3F95] =	sst s8  }
0x11: {  	[smem:$0x3F96] =	sst s9;
	s0 =	simm.s32 @!p0 $0x0  }
0x12: {  	s1 =	sld [smem:$0x3F7C];
	s0 =	simm.s32 @p0 $0x1  }
0x13: {  	[smem:$0x3F97] =	sst s0;
	s0 =	simm.s32 @!p1 $0x0  }
0x14: {  	s2 =	sld [smem:$0x3F7B];
	s0 =	simm.s32 @p1 $0x1  }
0x15: {  	[smem:$0x3F98] =	sst s0;
	s0 =	simm.s32 @!p2 $0x0  }
0x16: {  	s3 =	sld [smem:$0x3FDB];
	s0 =	simm.s32 @p2 $0x1  }
0x17: {  	s4 =	simm.s32 $0x1BF5;
	[smem:$0x3F9A] =	sst s0  }
0x18: {  	s0 =	sld [smem:$0x3F7D];
	_ =	swait.ge [sflag:s4], $0x0  }
0x19: {  	s7 =	sld [smem:$0x3F7E]  }
0x1a: {  	s8 =	sadd.s32 $0xFFFFE003, lr  }
0x1b: {  	s9 =	sadd.s32 $0xFFFFFEF7, lr;
	s5 =	simm.s32 $0xFFFFFFFF;
	p2 =	slt.u32 s8, $0xFFFFF086  }
0x1c: {  	p1 =	slt.u32 s9, $0xF7A;
	s5 =	simm.s32 @!p2 $0x0  }
0x1d: {  	s5 =	simm.s32 @p1 $0x1;
	p0 =	seq.s32 s7, s2  }
0x1e: {  	s7 =	smul.u32 @!p0 $0xF7A, s2;
	p2 =	seq.s32 @!p0 s5, $0x0  }
0x1f: {  	s9 =	smul.u32 $0xF7A, s1;
	s8 =	simm.s32 @!p0 $0x1BF5;
	p2 =	por !p2, p0  }
0x20: {  	[sflag:s8] =	ssyncset.s32 @!p0 $0xFFFFF086;
	s6 =	sadd.s32 @!p0 s3, s7;
	s7 =	simm.s32 @!p0 $0x108  }
0x21: {  	s3 =	sadd.s32 s3, s9;
	s6 =	sadd.s32 @!p0 $0x88, s6;
	s7 =	simm.s32 @p2 $0x1082  }
0x22: {  	[simem:s7], [sflag:s8] =	dma.local @!p0 [hbm:s6], $0xF7A  }
0x23: {  	s9 =	sor.u32 $0xD0000000, s2;
	s6 =	simm.s32 $0x108;
	_ =	swait.ge @!p0 [sflag:s8], $0x0  }
0x24: {  	s3 =	sadd.s32 $0x88, s3;
	s6 =	simm.s32 @!p1 $0x1082;
	[sflag:s4] =	ssyncset.s32 $0xFFFFF086  }
0x25: {  	[simem:s6], [sflag:s4] =	dma.local [hbm:s3], $0xF7A  }
0x26: {  	[smem:$0x3F7E] =	sst s1;
	(tag) =	ssettag s2;
	_ =	strace s9  }
0x27: {  	s1 =	sld [smem:$0x3F8E]  }
0x28: {  	s2 =	sld [smem:$0x3F8F]  }
0x29: {  	s4 =	sld [smem:$0x3F91]  }
0x2a: {  	p0 =	seq.s32 s5, $0x0;
	s5 =	sld [smem:$0x3F92]  }
0x2b: {  	s6 =	sld [smem:$0x3F93]  }
0x2c: {  	s7 =	sld [smem:$0x3F94]  }
0x2d: {  	s3 =	simm.s32 $0x108;
	s8 =	sld [smem:$0x3F95]  }
0x2e: {  	s3 =	simm.s32 @!p0 $0x1082;
	s9 =	sld [smem:$0x3F96]  }
0x2f: {  	lr =	sadd.s32 s0, s3;
	s0 =	sld [smem:$0x3F8D]  }
0x30: {  	s3 =	sld [smem:$0x3F90]  }
0x31: {  	[smem:$0x3F99] =	sst s10  }
0x32: {  	s10 =	sld [smem:$0x3F97];
	_ =	sdelay $0x3  }
0x33: {  	p0 =	seq.s32 s10, $0x1;
	s10 =	sld [smem:$0x3F99];
	_ =	sdelay $0x3  }
0x34: {  	[smem:$0x3F99] =	sst s10  }
0x35: {  	s10 =	sld [smem:$0x3F98];
	_ =	sdelay $0x3  }
0x36: {  	p1 =	seq.s32 s10, $0x1;
	s10 =	sld [smem:$0x3F99];
	_ =	sdelay $0x3  }
0x37: {  	[smem:$0x3F99] =	sst s10  }
0x38: {  	s10 =	sld [smem:$0x3F9A]  }
0x39: {  	_ = 	snop;
	(pc) =	sbr.ind lr, $3  }
0x3a: {  	_ = 	snop  }
0x3b: {  	_ = 	snop  }
0x3c: {  	p2 =	seq.s32 s10, $0x1;
	s10 =	sld [smem:$0x3F99]  }
0x3d: {  	_ =	shalt  }
0x3e: {  	_ =	shalt  }
0x3f: {  	_ =	shalt  }
0x40: {  	_ =	shalt  }
0x41: {  	_ =	shalt  }
0x42: {  	_ =	shalt  }
0x43: {  	_ =	shalt  }
0x44: {  	_ =	shalt  }
0x45: {  	_ =	shalt  }
0x46: {  	_ =	shalt  }
0x47: {  	_ =	shalt  }
0x48: {  	_ =	shalt  }
0x49: {  	_ =	shalt  }
0x4a: {  	_ =	shalt  }
0x4b: {  	_ =	shalt  }
0x4c: {  	_ =	shalt  }
0x4d: {  	_ =	shalt  }
0x4e: {  	_ =	shalt  }
0x4f: {  	_ =	shalt  }
0x50: {  	_ =	shalt  }
0x51: {  	_ =	shalt  }
0x52: {  	_ =	shalt  }
0x53: {  	_ =	shalt  }
0x54: {  	_ =	shalt  }
0x55: {  	_ =	shalt  }
0x56: {  	_ =	shalt  }
0x57: {  	_ =	shalt  }
0x58: {  	_ =	shalt  }
0x59: {  	_ =	shalt  }
0x5a: {  	_ =	shalt  }
0x5b: {  	_ =	shalt  }
0x5c: {  	_ =	shalt  }
0x5d: {  	_ =	shalt  }
0x5e: {  	_ =	shalt  }
0x5f: {  	_ =	shalt  }
0x60: {  	_ =	shalt  }
0x61: {  	_ =	shalt  }
0x62: {  	_ =	shalt  }
0x63: {  	_ =	shalt  }
0x64: {  	_ =	shalt  }
0x65: {  	_ =	shalt  }
0x66: {  	_ =	shalt  }
0x67: {  	_ =	shalt  }
0x68: {  	_ =	shalt  }
0x69: {  	_ =	shalt  }
0x6a: {  	_ =	shalt  }
0x6b: {  	_ =	shalt  }
0x6c: {  	_ =	shalt  }
0x6d: {  	_ =	shalt  }
0x6e: {  	_ =	shalt  }
0x6f: {  	_ =	shalt  }
0x70: {  	_ =	shalt  }
0x71: {  	_ =	shalt  }
0x72: {  	_ =	shalt  }
0x73: {  	_ =	shalt  }
0x74: {  	_ =	shalt  }
0x75: {  	_ =	shalt  }
0x76: {  	_ =	shalt  }
0x77: {  	_ =	shalt  }
0x78: {  	_ =	shalt  }
0x79: {  	_ =	shalt  }
0x7a: {  	_ =	shalt  }
0x7b: {  	_ =	shalt  }
0x7c: {  	_ =	shalt  }
0x7d: {  	_ =	shalt  }
0x7e: {  	_ =	shalt  }
0x7f: {  	_ =	shalt  }
0x80: {  	_ =	shalt  }
0x81: {  	_ =	shalt  }
0x82: {  	_ =	shalt  }
0x83: {  	_ =	shalt  }
0x84: {  	_ =	shalt  }
0x85: {  	_ =	shalt  }
0x86: {  	_ =	shalt  }
0x87: {  	_ =	shalt  }
.Lfunc_end0:
.L_simem_size_0:
called_computation.1_lowered:
.L_overlay_start_0:
0x88: {  	s2 =	sld [smem:$0x3FD9]  }
0x89: {  	s3 =	sld [smem:$0x3FFE];
	_ =	sdelay $0x1  }
0x8a: {  	s1 =	srdreg.scid  }
0x8b: {  	s0 =	sand.u32 $0x1, s1  }
0x8c: {  	s14 =	sshll.u32 s0, $0xA;
	s2 =	sadd.s32 s3, s2  }
0x8d: {  	s2 =	sadd.s32 s2, s14  }
0x8e: {  	[smem:$0x3FA5] =	sst s2  }
0x8f: {  	_ = 	snop  }
0x90: {  	s2 =	sld [smem:$0x3FD0];
	_ =	sdelay $0x2  }
0x91: {  	s15 =	simm.s32 $0xA;
	s4 =	simm.s32 $0x10  }
0x92: {  	[smem:s4], [sflag:s15] =	dma.local [hbm:s2], $0x1  }
0x93: {  	_ =	swait.eq [sflag:s15], $0x1  }
0x94: {  	[sflag:s15] =	ssyncset.done $0x0  }
0x95: {  	[sflag:s15] =	ssyncadd.s32 $0xFFFFFFFF  }
0x96: {  	s16 =	sld [smem:$0x10];
	(tm) =	ssettm $0x1  }
0x97: {  	s17 =	sld [smem:$0x3FFB];
	_ =	sdelay $0x3  }
0x98: {  	_ =	strace s17  }
0x99: {  	s3 =	sld [smem:$0x3FFC];
	_ =	sdelay $0x3  }
0x9a: {  	_ =	strace s3  }
0x9b: {  	s3 =	sld [smem:$0x3FFD];
	_ =	sdelay $0x3  }
0x9c: {  	_ =	strace s3  }
0x9d: {  	_ =	strace $0x8FFFFFFF  }
0x9e: {  	s18 =	sld [smem:$0x3FDB];
	_ =	sdelay $0x1  }
0x9f: {  	s19 =	simm.s32 $_scs_section_size  }
0xa0: {  	s5 =	simm.s32 $_size__tile_overlayer_lowered;
	s6 =	simm.s32 $_tile_overlayer_lowered  }
0xa1: {  	s22 =	simm.s32 $0x1BFF;
	s21 =	sshll.u32 s6, $0x1;
	s3 =	sadd.s32 s19, s18  }
0xa2: {  	s7 =	simm.s32 $0x0;
	s20 =	sshll.u32 s5, $0x1;
	s5 =	sadd.s32 s21, s3  }
0xa3: {  	[timem:s7], [sflag:s22] =	dma.local [hbm:s5], s20  }
0xa4: {  	_ =	swait.ge [sflag:s22], s20  }
0xa5: {  	s4 =	ssub.s32 $0x0, s20;
	[sflag:s22] =	ssyncset.done $0x0  }
0xa6: {  	[sflag:s22] =	ssyncadd.s32 s4;
	_ =	sdelay $0x1  }
0xa7: {  	s23 =	simm.s32 $0x1B8B  }
0xa8: {  	_ =	swait.ge [sflag:s23], $0x1  }
0xa9: {  	[sflag:s23] =	ssyncset.done $0x0  }
0xaa: {  	s25 =	simm.s32 $0x1B8E;
	s24 =	sld [smem:$0x3FFE];
	[sflag:s23] =	ssyncadd.s32 $0xFFFFFFFF  }
0xab: {  	s26 =	simm.s32 $execute0_lowered;
	[smem:$0x3FD2] =	sst s25  }
0xac: {  	s5 =	sshll.u32 s26, $0x1;
	_ =	strace $0x80000049;
	[dreg:$0x1] =	wrdreg $0xFFFFFFFF  }
0xad: {  	s28 =	simm.s32 $_size_execute0_lowered;
	s3 =	sadd.s32 s3, s5;
	[dreg:$0x0] =	wrdreg $0x0  }
0xae: {  	s5 =	sshll.u32 s28, $0x1;
	[dreg:$0x2] =	wrdreg s3  }
0xaf: {  	[dreg:$0x3] =	wrdreg s5  }
0xb0: {  	[dreg:$0x4] =	wrdreg $0xC0  }
0xb1: {  	_ =	task [dreg:s7], $0x5FFFF  }
0xb2: {  	[dreg:$0x1] =	wrdreg $0xFFFFFFFF  }
0xb3: {  	[dreg:$0x0] =	wrdreg $0x60  }
0xb4: {  	[dreg:$0x2] =	wrdreg s16  }
0xb5: {  	[dreg:$0x3] =	wrdreg s24  }
0xb6: {  	[dreg:$0x4] =	wrdreg $0xB0000  }
0xb7: {  	[dreg:$0x5] =	wrdreg $0x9  }
0xb8: {  	_ =	task.clear_ibuf [dreg:s7], $0x6FFFF;
	_ =	strace $0x90000049  }
0xb9: {  	s29 =	simm.s32 $0x9;
	_ =	strace $0x8000004B  }
0xba: {  	_ =	swait.ge [sflag:s29], $0x1  }
0xbb: {  	[sflag:s29] =	ssyncadd.s32 $0xFFFFFFFF  }
0xbc: {  	_ =	strace $0x9000004B  }
0xbd: {  	_ =	sfence  }
0xbe: {  	s30 =	sld [smem:$0x0];
	_ =	sdelay $0x2  }
0xbf: {  	s31 =	sshll.u32 s1, $0xD;
	s1 =	sshrl.u32 s1, $0x2  }
0xc0: {  	s3 =	sand.u32 $0x4000, s31;
	s1 =	sadd.s32 s1, s30  }
0xc1: {  	s0 =	sor.u32 s3, s0;
	s1 =	sshll.u32 s1, $0x11  }
0xc2: {  	s0 =	sor.u32 s1, s0  }
0xc3: {  	s0 =	sadd.s32 $0x8F2B, s0  }
0xc4: {  	[sflag:s0] =	ssyncadd.remote.s32 $0x1  }
0xc5: {  	_ =	sfence.sel $0xFFFF  }
0xc6: {  	[dreg:$0x0] =	wrdreg $0xFFFFFFFF;
	(pc) =	sbr.abs _section_cstart, $3  }
0xc7: {  	[dreg:$0x1] =	wrdreg $0xFFFFFFFF  }
0xc8: {  	_ =	task.clear_ibuf [dreg:s7], $0x2FFFF;
	_ =	strace $0x9FFFFFFF  }
0xc9: {  	(tm) =	ssettm $0x7FFFFFFF  }
tec
execute0_lowered:
.L_overlay_start_1:
0x0: {  	(tag) =	ssettag $0x1  }
0x1: {  	s1 =	rddreg [dreg:$0x0]  }
0x2: {  	s0 =	rddreg [dreg:$0x1]  }
0x3: {  	s2 =	rddreg [dreg:$0x2];
	s3 =	simm.s32 $0x0  }
0x4: {  	s6 =	srdreg.scid;
	s4 =	stileid.u32;
	s28 =	simm.s32 $0x3  }
0x5: {  	s29 =	simm.s32 $0x100;
	s30 =	simm.s32 $0x1900;
	s31 =	simm.s32 $0x4  }
0x6: {  	[smem:$0x7FF] =	sst s3;
	s8 =	sadd.s32 $0x11400, s0;
	s19 =	smul.u32 $0x4F000, s4  }
0x7: {  	s9 =	sadd.s32 $0x7400, s0;
	s5 =	sadd.s32 $0x1B400, s0;
	s11 =	smul.u32 $0x900, s4  }
0x8: {  	s10 =	sand.u32 $0x1, s6;
	s0 =	sadd.s32 $0x1DC00, s0;
	s13 =	smul.u32 $0x4800, s4  }
0x9: {  	s22 =	smul.u32 $0x13C00, s4;
	s24 =	sshll.u32 s4, $0x8;
	p1 =	seq.s32 s4, $0xF  }
0xa: {  	_ =	strace $0x8000004A;
	s7 =	ssub.s32 $0x2, s10;
	p0 =	seq.s32 s10, $0x1  }
0xb: {  	s10 =	smul.u32 $0x138800, s10;
	s12 =	sshrl.u32 s7, $0x1;
	s6 =	sshrl.u32 s19, $0x2  }
0xc: {  	s14 =	sadd.s32 s8, s11;
	s13 =	sshrl.u32 s13, $0x3;
	s11 =	sadd.s32 s9, s11  }
0xd: {  	s19 =	simm.s32 $0x5;
	s12 =	ssub.s32 s7, s12;
	[dreg:$0x4] =	wrdreg s14  }
0xe: {  	s6 =	sadd.s32 s6, s2;
	s7 =	sadd.s32 $0x128400, s2;
	[dreg:$0x5] =	wrdreg s11  }
0xf: {  	s20 =	sadd.s32 $0x300, s13;
	s13 =	sadd.s32 $0x600, s13;
	s25 =	sadd.s32 s22, s10  }
0x10: {  	s10 =	sshrl.u32 s10, $0x3;
	s22 =	simm.s32 $0x3000;
	s21 =	sadd.s32 s8, s20  }
0x11: {  	s11 =	sadd.s32 s9, s20;
	s23 =	sadd.s32 s8, s13;
	[dreg:$0x6] =	wrdreg s21  }
0x12: {  	s13 =	sadd.s32 s9, s13;
	s26 =	sshrl.u32 s25, $0x3;
	[dreg:$0x7] =	wrdreg s11  }
0x13: {  	s18 =	smax.u32 s12, $0x1;
	s20 =	simm.s32 $0x1800;
	[dreg:$0x8] =	wrdreg s23  }
0x14: {  	s25 =	simm.s32 $0x2;
	[dreg:$0x9] =	wrdreg s13;
	s11 =	sor.u32 $0x9000, s24  }
.Ltmp0:
0x15: {  	s16 =	sadd.s32 s0, s26;
	s0 =	sadd.s32 s0, s10;
	(pc) =	sbr.rel .LBB2_1-.Ltmp0, $4  }
0x16: {  	s21 =	simm.s32 $0x80;
	s23 =	simm.s32 $0x1;
	s24 =	simm.s32 $0x7000  }
0x17: {  	s26 =	simm.s32 $0x1880;
	s8 =	sadd.s32 s8, s11;
	s9 =	sadd.s32 s9, s11  }
0x18: {  	s17 =	sadd.s32 $0x25080, s0;
	s0 =	simm.s32 $0x180;
	[dreg:$0xa] =	wrdreg s8  }
0x19: {  	[dreg:$0xb] =	wrdreg s9;
	s8 =	simm.s32 $0x1980;
	s9 =	simm.s32 $0x0  }
.LBB2_9:
0x1a: {  	s13 =	rddreg [dreg:$0xa]  }
0x1b: {  	[tilespmem:s3], [sflag:$0x5] =	stream.linear.gather [hbm4b:s13+s3], $0x800, $0x38;
	[tilespmem:$0x1E8C0] =	vst v63  }
0x1c: {  	_ =	swait.ge [sflag:s19], $0x800  }
0x1d: {  	[sflag:s19] =	ssyncset.done $0x0  }
0x1e: {  	s15 =	rddreg [dreg:$0xb];
	[sflag:s19] =	ssyncadd.s32 $0xFFFFF800  }
0x1f: {  	[tilespmem:s20], [sflag:$0x5] =	stream.linear.gather [hbm4b:s15+s3], $0x800, $0x38;
	[tilespmem:$0x1E8C0] =	vst v63  }
0x20: {  	_ =	swait.ge [sflag:s19], $0x800  }
0x21: {  	[sflag:s19] =	ssyncset.done $0x0  }
0x22: {  	[sflag:s19] =	ssyncadd.s32 $0xFFFFF800  }
0x23: {  	[tilespmem:s22], [sflag:$0x1] =	stream.indirect.gather [hbm4b:s1+s21], $0x80, s3, s21, $0xb8;
	[tilespmem:$0x1E8C0] =	vst v63  }
0x24: {  	_ =	swait.ge [sflag:s23], $0x4000  }
0x25: {  	[sflag:s23] =	ssyncset.done $0x0  }
0x26: {  	[sflag:s23] =	ssyncadd.s32 $0xFFFFC000  }
0x27: {  	[spmem:s2] =	stream.indirect.scatter.add.f32 [tilespmem:s22], [sflag:$0x3], $0x80, s20, s21, $0xb8;
	[tilespmem:$0x1E8C0] =	vst v63  }
0x28: {  	_ = 	snop  }
0x29: {  	[tilespmem:s24], [sflag:$0x2] =	stream.indirect.gather [hbm4b:s1+s21], $0x80, s21, s21, $0xb8;
	[tilespmem:$0x1E8C0] =	vst v63  }
0x2a: {  	_ =	swait.ge [sflag:s25], $0x4000  }
0x2b: {  	[sflag:s25] =	ssyncset.done $0x0  }
0x2c: {  	[sflag:s25] =	ssyncadd.s32 $0xFFFFC000  }
0x2d: {  	[spmem:s2] =	stream.indirect.scatter.add.f32 [tilespmem:s24], [sflag:$0x4], $0x80, s26, s21, $0xb8;
	[tilespmem:$0x1E8C0] =	vst v63  }
0x2e: {  	_ =	swait.ge [sflag:s28], $0x4000  }
0x2f: {  	[sflag:s28] =	ssyncset.done $0x0  }
0x30: {  	[sflag:s28] =	ssyncadd.s32 $0xFFFFC000  }
0x31: {  	[tilespmem:s22], [sflag:$0x1] =	stream.indirect.gather [hbm4b:s1+s21], $0x80, s29, s21, $0xb8;
	[tilespmem:$0x1E8C0] =	vst v63  }
0x32: {  	_ =	swait.ge [sflag:s23], $0x4000  }
0x33: {  	[sflag:s23] =	ssyncset.done $0x0  }
0x34: {  	[sflag:s23] =	ssyncadd.s32 $0xFFFFC000  }
0x35: {  	[spmem:s2] =	stream.indirect.scatter.add.f32 [tilespmem:s22], [sflag:$0x3], $0x80, s30, s21, $0xb8;
	[tilespmem:$0x1E8C0] =	vst v63  }
0x36: {  	_ =	swait.ge [sflag:s31], $0x4000  }
0x37: {  	[sflag:s31] =	ssyncset.done $0x0  }
0x38: {  	[sflag:s31] =	ssyncadd.s32 $0xFFFFC000  }
0x39: {  	[tilespmem:s24], [sflag:$0x2] =	stream.indirect.gather [hbm4b:s1+s21], $0x80, s0, s21, $0xb8;
	[tilespmem:$0x1E8C0] =	vst v63  }
0x3a: {  	_ =	swait.ge [sflag:s25], $0x4000  }
0x3b: {  	[sflag:s25] =	ssyncset.done $0x0  }
0x3c: {  	[sflag:s25] =	ssyncadd.s32 $0xFFFFC000  }
0x3d: {  	[spmem:s2] =	stream.indirect.scatter.add.f32 [tilespmem:s24], [sflag:$0x4], $0x80, s8, s21, $0xb8;
	[tilespmem:$0x1E8C0] =	vst v63  }
0x3e: {  	_ =	swait.ge [sflag:s28], $0x4000  }
0x3f: {  	[sflag:s28] =	ssyncset.done $0x0  }
0x40: {  	s14 =	simm.s32 $0x200;
	[sflag:s28] =	ssyncadd.s32 $0xFFFFC000  }
0x41: {  	[tilespmem:s22], [sflag:$0x1] =	stream.indirect.gather [hbm4b:s1+s21], $0x80, s14, s21, $0xb8;
	[tilespmem:$0x1E8C0] =	vst v63  }
0x42: {  	_ =	swait.ge [sflag:s23], $0x4000  }
0x43: {  	[sflag:s23] =	ssyncset.done $0x0  }
0x44: {  	s15 =	simm.s32 $0x1A00;
	[sflag:s23] =	ssyncadd.s32 $0xFFFFC000  }
0x45: {  	[spmem:s2] =	stream.indirect.scatter.add.f32 [tilespmem:s22], [sflag:$0x3], $0x80, s15, s21, $0xb8;
	[tilespmem:$0x1E8C0] =	vst v63  }
0x46: {  	_ =	swait.ge [sflag:s31], $0x4000  }
0x47: {  	[sflag:s31] =	ssyncset.done $0x0  }
0x48: {  	s14 =	simm.s32 $0x280;
	[sflag:s31] =	ssyncadd.s32 $0xFFFFC000  }
0x49: {  	[tilespmem:s24], [sflag:$0x2] =	stream.indirect.gather [hbm4b:s1+s21], $0x80, s14, s21, $0xb8;
	[tilespmem:$0x1E8C0] =	vst v63  }
0x4a: {  	_ =	swait.ge [sflag:s25], $0x4000  }
0x4b: {  	[sflag:s25] =	ssyncset.done $0x0  }
0x4c: {  	s15 =	simm.s32 $0x1A80;
	[sflag:s25] =	ssyncadd.s32 $0xFFFFC000  }
0x4d: {  	[spmem:s2] =	stream.indirect.scatter.add.f32 [tilespmem:s24], [sflag:$0x4], $0x80, s15, s21, $0xb8;
	[tilespmem:$0x1E8C0] =	vst v63  }
0x4e: {  	_ =	swait.ge [sflag:s28], $0x4000  }
0x4f: {  	[sflag:s28] =	ssyncset.done $0x0  }
0x50: {  	s14 =	simm.s32 $0x300;
	[sflag:s28] =	ssyncadd.s32 $0xFFFFC000  }
0x51: {  	[tilespmem:s22], [sflag:$0x1] =	stream.indirect.gather [hbm4b:s1+s21], $0x80, s14, s21, $0xb8;
	[tilespmem:$0x1E8C0] =	vst v63  }
0x52: {  	_ =	swait.ge [sflag:s23], $0x4000  }
0x53: {  	[sflag:s23] =	ssyncset.done $0x0  }
0x54: {  	s15 =	simm.s32 $0x1B00;
	[sflag:s23] =	ssyncadd.s32 $0xFFFFC000  }
0x55: {  	[spmem:s2] =	stream.indirect.scatter.add.f32 [tilespmem:s22], [sflag:$0x3], $0x80, s15, s21, $0xb8;
	[tilespmem:$0x1E8C0] =	vst v63  }
0x56: {  	_ =	swait.ge [sflag:s31], $0x4000  }
0x57: {  	[sflag:s31] =	ssyncset.done $0x0  }
0x58: {  	s14 =	simm.s32 $0x380;
	[sflag:s31] =	ssyncadd.s32 $0xFFFFC000  }
0x59: {  	[tilespmem:s24], [sflag:$0x2] =	stream.indirect.gather [hbm4b:s1+s21], $0x80, s14, s21, $0xb8;
	[tilespmem:$0x1E8C0] =	vst v63  }
0x5a: {  	_ =	swait.ge [sflag:s25], $0x4000  }
0x5b: {  	[sflag:s25] =	ssyncset.done $0x0  }
0x5c: {  	s15 =	simm.s32 $0x1B80;
	[sflag:s25] =	ssyncadd.s32 $0xFFFFC000  }
0x5d: {  	[spmem:s2] =	stream.indirect.scatter.add.f32 [tilespmem:s24], [sflag:$0x4], $0x80, s15, s21, $0xb8;
	[tilespmem:$0x1E8C0] =	vst v63  }
0x5e: {  	_ =	swait.ge [sflag:s28], $0x4000  }
0x5f: {  	[sflag:s28] =	ssyncset.done $0x0  }
0x60: {  	s14 =	simm.s32 $0x400;
	[sflag:s28] =	ssyncadd.s32 $0xFFFFC000  }
0x61: {  	[tilespmem:s22], [sflag:$0x1] =	stream.indirect.gather [hbm4b:s1+s21], $0x80, s14, s21, $0xb8;
	[tilespmem:$0x1E8C0] =	vst v63  }
0x62: {  	_ =	swait.ge [sflag:s23], $0x4000  }
0x63: {  	[sflag:s23] =	ssyncset.done $0x0  }
0x64: {  	s15 =	simm.s32 $0x1C00;
	[sflag:s23] =	ssyncadd.s32 $0xFFFFC000  }
0x65: {  	[spmem:s2] =	stream.indirect.scatter.add.f32 [tilespmem:s22], [sflag:$0x3], $0x80, s15, s21, $0xb8;
	[tilespmem:$0x1E8C0] =	vst v63  }
0x66: {  	_ =	swait.ge [sflag:s31], $0x4000  }
0x67: {  	[sflag:s31] =	ssyncset.done $0x0  }
0x68: {  	s14 =	simm.s32 $0x480;
	[sflag:s31] =	ssyncadd.s32 $0xFFFFC000  }
0x69: {  	[tilespmem:s24], [sflag:$0x2] =	stream.indirect.gather [hbm4b:s1+s21], $0x80, s14, s21, $0xb8;
	[tilespmem:$0x1E8C0] =	vst v63  }
0x6a: {  	_ =	swait.ge [sflag:s25], $0x4000  }
0x6b: {  	[sflag:s25] =	ssyncset.done $0x0  }
0x6c: {  	s15 =	simm.s32 $0x1C80;
	[sflag:s25] =	ssyncadd.s32 $0xFFFFC000  }
0x6d: {  	[spmem:s2] =	stream.indirect.scatter.add.f32 [tilespmem:s24], [sflag:$0x4], $0x80, s15, s21, $0xb8;
	[tilespmem:$0x1E8C0] =	vst v63  }
0x6e: {  	_ =	swait.ge [sflag:s28], $0x4000  }
0x6f: {  	[sflag:s28] =	ssyncset.done $0x0  }
0x70: {  	s14 =	simm.s32 $0x500;
	[sflag:s28] =	ssyncadd.s32 $0xFFFFC000  }
0x71: {  	[tilespmem:s22], [sflag:$0x1] =	stream.indirect.gather [hbm4b:s1+s21], $0x80, s14, s21, $0xb8;
	[tilespmem:$0x1E8C0] =	vst v63  }
0x72: {  	_ =	swait.ge [sflag:s23], $0x4000  }
0x73: {  	[sflag:s23] =	ssyncset.done $0x0  }
0x74: {  	s15 =	simm.s32 $0x1D00;
	[sflag:s23] =	ssyncadd.s32 $0xFFFFC000  }
0x75: {  	[spmem:s2] =	stream.indirect.scatter.add.f32 [tilespmem:s22], [sflag:$0x3], $0x80, s15, s21, $0xb8;
	[tilespmem:$0x1E8C0] =	vst v63  }
0x76: {  	_ =	swait.ge [sflag:s31], $0x4000  }
0x77: {  	[sflag:s31] =	ssyncset.done $0x0  }
0x78: {  	s14 =	simm.s32 $0x580;
	[sflag:s31] =	ssyncadd.s32 $0xFFFFC000  }
0x79: {  	[tilespmem:s24], [sflag:$0x2] =	stream.indirect.gather [hbm4b:s1+s21], $0x80, s14, s21, $0xb8;
	[tilespmem:$0x1E8C0] =	vst v63  }
0x7a: {  	_ =	swait.ge [sflag:s25], $0x4000  }
0x7b: {  	[sflag:s25] =	ssyncset.done $0x0  }
0x7c: {  	s15 =	simm.s32 $0x1D80;
	[sflag:s25] =	ssyncadd.s32 $0xFFFFC000  }
0x7d: {  	[spmem:s2] =	stream.indirect.scatter.add.f32 [tilespmem:s24], [sflag:$0x4], $0x80, s15, s21, $0xb8;
	[tilespmem:$0x1E8C0] =	vst v63  }
0x7e: {  	_ =	swait.ge [sflag:s28], $0x4000  }
0x7f: {  	[sflag:s28] =	ssyncset.done $0x0  }
0x80: {  	s14 =	simm.s32 $0x600;
	[sflag:s28] =	ssyncadd.s32 $0xFFFFC000  }
0x81: {  	[tilespmem:s22], [sflag:$0x1] =	stream.indirect.gather [hbm4b:s1+s21], $0x80, s14, s21, $0xb8;
	[tilespmem:$0x1E8C0] =	vst v63  }
0x82: {  	_ =	swait.ge [sflag:s23], $0x4000  }
0x83: {  	[sflag:s23] =	ssyncset.done $0x0  }
0x84: {  	s15 =	simm.s32 $0x1E00;
	[sflag:s23] =	ssyncadd.s32 $0xFFFFC000  }
0x85: {  	[spmem:s2] =	stream.indirect.scatter.add.f32 [tilespmem:s22], [sflag:$0x3], $0x80, s15, s21, $0xb8;
	[tilespmem:$0x1E8C0] =	vst v63  }
0x86: {  	_ =	swait.ge [sflag:s31], $0x4000  }
0x87: {  	[sflag:s31] =	ssyncset.done $0x0  }
0x88: {  	s14 =	simm.s32 $0x680;
	[sflag:s31] =	ssyncadd.s32 $0xFFFFC000  }
0x89: {  	[tilespmem:s24], [sflag:$0x2] =	stream.indirect.gather [hbm4b:s1+s21], $0x80, s14, s21, $0xb8;
	[tilespmem:$0x1E8C0] =	vst v63  }
0x8a: {  	_ =	swait.ge [sflag:s25], $0x4000  }
0x8b: {  	[sflag:s25] =	ssyncset.done $0x0  }
0x8c: {  	s15 =	simm.s32 $0x1E80;
	[sflag:s25] =	ssyncadd.s32 $0xFFFFC000  }
0x8d: {  	[spmem:s2] =	stream.indirect.scatter.add.f32 [tilespmem:s24], [sflag:$0x4], $0x80, s15, s21, $0xb8;
	[tilespmem:$0x1E8C0] =	vst v63  }
0x8e: {  	_ =	swait.ge [sflag:s28], $0x4000  }
0x8f: {  	[sflag:s28] =	ssyncset.done $0x0  }
0x90: {  	s14 =	simm.s32 $0x700;
	[sflag:s28] =	ssyncadd.s32 $0xFFFFC000  }
0x91: {  	[tilespmem:s22], [sflag:$0x1] =	stream.indirect.gather [hbm4b:s1+s21], $0x80, s14, s21, $0xb8;
	[tilespmem:$0x1E8C0] =	vst v63  }
0x92: {  	_ =	swait.ge [sflag:s23], $0x4000  }
0x93: {  	[sflag:s23] =	ssyncset.done $0x0  }
0x94: {  	s15 =	simm.s32 $0x1F00;
	[sflag:s23] =	ssyncadd.s32 $0xFFFFC000  }
0x95: {  	[spmem:s2] =	stream.indirect.scatter.add.f32 [tilespmem:s22], [sflag:$0x3], $0x80, s15, s21, $0xb8;
	[tilespmem:$0x1E8C0] =	vst v63  }
0x96: {  	_ =	swait.ge [sflag:s31], $0x4000  }
0x97: {  	[sflag:s31] =	ssyncset.done $0x0  }
0x98: {  	s14 =	simm.s32 $0x780;
	[sflag:s31] =	ssyncadd.s32 $0xFFFFC000  }
0x99: {  	[tilespmem:s24], [sflag:$0x2] =	stream.indirect.gather [hbm4b:s1+s21], $0x80, s14, s21, $0xb8;
	[tilespmem:$0x1E8C0] =	vst v63  }
0x9a: {  	_ =	swait.ge [sflag:s25], $0x4000  }
0x9b: {  	[sflag:s25] =	ssyncset.done $0x0  }
0x9c: {  	s15 =	simm.s32 $0x1F80;
	[sflag:s25] =	ssyncadd.s32 $0xFFFFC000  }
0x9d: {  	[spmem:s2] =	stream.indirect.scatter.add.f32 [tilespmem:s24], [sflag:$0x4], $0x80, s15, s21, $0xb8;
	[tilespmem:$0x1E8C0] =	vst v63  }
.LBB2_10:
0x9e: {  	_ =	swait.ge [sflag:s31], $0x4000  }
0x9f: {  	[sflag:s31] =	ssyncset.done $0x0  }
0xa0: {  	[sflag:s31] =	ssyncadd.s32 $0xFFFFC000  }
0xa1: {  	s13 =	simm.s32 @p1 $0x1FC5;
	[bflag:$0x0] =	sbarrier.arrive $0xFFFF  }
0xa2: {  	[hbm:s17], [sflag:s13] =	dma.local @p1 [spmem:s10], $0x2080  }
0xa3: {  	s10 =	simm.s32 @p1 $0x5  }
0xa4: {  	s9 =	sadd.s32 $0x1, s9;
	_ =	swait.ge @p1 [sflag:s10], $0x2080  }
0xa5: {  	p2 =	sne.s32 s9, s18;
	[sflag:s10] =	ssyncset.done @p1 $0x0  }
.Ltmp1:
0xa6: {  	[sflag:s10] =	ssyncadd.s32 @p1 $0xFFFFDF80;
	s10 =	simm.s32 @!p1 $0x5;
	(pc) =	sbr.rel @!p2 .LBB2_11-.Ltmp1, $4  }
0xa7: {  	[hbm:s16], [sflag:s11] =	dma.local @!p1 [spmem:s12], $0x2780  }
0xa8: {  	_ =	swait.ge @!p1 [sflag:s10], $0x2780  }
0xa9: {  	[sflag:s10] =	ssyncset.done @!p1 $0x0  }
0xaa: {  	[sflag:s10] =	ssyncadd.s32 @!p1 $0xFFFFD880  }
.LBB2_1:
0xab: {  	s10 =	sshrl.u32 @p1 s7, $0x3;
	s11 =	simm.s32 @p1 $0x1FC5  }
0xac: {  	[spmem:s10], [sflag:s11] =	dma.local @p1 [hbm:s5], $0x2080  }
0xad: {  	s11 =	simm.s32 @p1 $0x5  }
0xae: {  	_ =	swait.ge @p1 [sflag:s11], $0x2080  }
0xaf: {  	s12 =	sshll.u32 @!p1 s4, $0x6;
	s13 =	simm.s32 @!p1 $0x5;
	[sflag:s11] =	ssyncset.done @p1 $0x0  }
0xb0: {  	[sflag:s11] =	ssyncadd.s32 @p1 $0xFFFFDF80;
	s11 =	sor.u32 @!p1 $0x1C05, s12;
	s12 =	sshrl.u32 @!p1 s6, $0x3  }
0xb1: {  	[spmem:s12], [sflag:s11] =	dma.local @!p1 [hbm:s5], $0x2780  }
.Ltmp2:
0xb2: {  	_ =	swait.ge @!p1 [sflag:s13], $0x2780;
	(pc) =	sbr.rel @p0 .LBB2_9-.Ltmp2, $3  }
0xb3: {  	[sflag:s13] =	ssyncset.done @!p1 $0x0  }
0xb4: {  	[sflag:s13] =	ssyncadd.s32 @!p1 $0xFFFFD880  }
0xb5: {  	[bflag:$0x0] =	sbarrier.arrive $0xFFFF;
	_ =	sdelay $0x1  }
0xb6: {  	s13 =	rddreg [dreg:$0x4]  }
0xb7: {  	[tilespmem:s3], [sflag:$0x5] =	stream.linear.gather [hbm4b:s13+s3], $0x1800, $0x38;
	[tilespmem:$0x1E8C0] =	vst v63  }
0xb8: {  	_ =	swait.ge [sflag:s19], $0x1800  }
0xb9: {  	[sflag:s19] =	ssyncset.done $0x0  }
0xba: {  	s14 =	rddreg [dreg:$0x5];
	[sflag:s19] =	ssyncadd.s32 $0xFFFFE800  }
0xbb: {  	[tilespmem:s20], [sflag:$0x5] =	stream.linear.gather [hbm4b:s14+s3], $0x1800, $0x38;
	[tilespmem:$0x1E8C0] =	vst v63  }
0xbc: {  	_ =	swait.ge [sflag:s19], $0x1800  }
0xbd: {  	[sflag:s19] =	ssyncset.done $0x0  }
0xbe: {  	[sflag:s19] =	ssyncadd.s32 $0xFFFFE800  }
0xbf: {  	[tilespmem:s22], [sflag:$0x1] =	stream.indirect.gather [hbm4b:s1+s21], $0x80, s3, s21, $0xb8;
	[tilespmem:$0x1E8C0] =	vst v63  }
0xc0: {  	_ =	swait.ge [sflag:s23], $0x4000  }
0xc1: {  	[sflag:s23] =	ssyncset.done $0x0  }
0xc2: {  	[sflag:s23] =	ssyncadd.s32 $0xFFFFC000  }
0xc3: {  	[spmem:s2] =	stream.indirect.scatter.add.f32 [tilespmem:s22], [sflag:$0x3], $0x80, s20, s21, $0xb8;
	[tilespmem:$0x1E8C0] =	vst v63  }
0xc4: {  	_ = 	snop  }
0xc5: {  	[tilespmem:s24], [sflag:$0x2] =	stream.indirect.gather [hbm4b:s1+s21], $0x80, s21, s21, $0xb8;
	[tilespmem:$0x1E8C0] =	vst v63  }
0xc6: {  	_ =	swait.ge [sflag:s25], $0x4000  }
0xc7: {  	[sflag:s25] =	ssyncset.done $0x0  }
0xc8: {  	[sflag:s25] =	ssyncadd.s32 $0xFFFFC000  }
0xc9: {  	[spmem:s2] =	stream.indirect.scatter.add.f32 [tilespmem:s24], [sflag:$0x4], $0x80, s26, s21, $0xb8;
	[tilespmem:$0x1E8C0] =	vst v63  }
0xca: {  	_ =	swait.ge [sflag:s28], $0x4000  }
0xcb: {  	[sflag:s28] =	ssyncset.done $0x0  }
0xcc: {  	[sflag:s28] =	ssyncadd.s32 $0xFFFFC000  }
0xcd: {  	[tilespmem:s22], [sflag:$0x1] =	stream.indirect.gather [hbm4b:s1+s21], $0x80, s29, s21, $0xb8;
	[tilespmem:$0x1E8C0] =	vst v63  }
0xce: {  	_ =	swait.ge [sflag:s23], $0x4000  }
0xcf: {  	[sflag:s23] =	ssyncset.done $0x0  }
0xd0: {  	[sflag:s23] =	ssyncadd.s32 $0xFFFFC000  }
0xd1: {  	[spmem:s2] =	stream.indirect.scatter.add.f32 [tilespmem:s22], [sflag:$0x3], $0x80, s30, s21, $0xb8;
	[tilespmem:$0x1E8C0] =	vst v63  }
0xd2: {  	_ =	swait.ge [sflag:s31], $0x4000  }
0xd3: {  	[sflag:s31] =	ssyncset.done $0x0  }
0xd4: {  	[sflag:s31] =	ssyncadd.s32 $0xFFFFC000  }
0xd5: {  	[tilespmem:s24], [sflag:$0x2] =	stream.indirect.gather [hbm4b:s1+s21], $0x80, s0, s21, $0xb8;
	[tilespmem:$0x1E8C0] =	vst v63  }
0xd6: {  	_ =	swait.ge [sflag:s25], $0x4000  }
0xd7: {  	[sflag:s25] =	ssyncset.done $0x0  }
0xd8: {  	[sflag:s25] =	ssyncadd.s32 $0xFFFFC000  }
0xd9: {  	[spmem:s2] =	stream.indirect.scatter.add.f32 [tilespmem:s24], [sflag:$0x4], $0x80, s8, s21, $0xb8;
	[tilespmem:$0x1E8C0] =	vst v63  }
0xda: {  	_ =	swait.ge [sflag:s28], $0x4000  }
0xdb: {  	[sflag:s28] =	ssyncset.done $0x0  }
0xdc: {  	s15 =	simm.s32 $0x200;
	[sflag:s28] =	ssyncadd.s32 $0xFFFFC000  }
0xdd: {  	[tilespmem:s22], [sflag:$0x1] =	stream.indirect.gather [hbm4b:s1+s21], $0x80, s15, s21, $0xb8;
	[tilespmem:$0x1E8C0] =	vst v63  }
0xde: {  	_ =	swait.ge [sflag:s23], $0x4000  }
0xdf: {  	[sflag:s23] =	ssyncset.done $0x0  }
0xe0: {  	s14 =	simm.s32 $0x1A00;
	[sflag:s23] =	ssyncadd.s32 $0xFFFFC000  }
0xe1: {  	[spmem:s2] =	stream.indirect.scatter.add.f32 [tilespmem:s22], [sflag:$0x3], $0x80, s14, s21, $0xb8;
	[tilespmem:$0x1E8C0] =	vst v63  }
0xe2: {  	_ =	swait.ge [sflag:s31], $0x4000  }
0xe3: {  	[sflag:s31] =	ssyncset.done $0x0  }
0xe4: {  	s15 =	simm.s32 $0x280;
	[sflag:s31] =	ssyncadd.s32 $0xFFFFC000  }
0xe5: {  	[tilespmem:s24], [sflag:$0x2] =	stream.indirect.gather [hbm4b:s1+s21], $0x80, s15, s21, $0xb8;
	[tilespmem:$0x1E8C0] =	vst v63  }
0xe6: {  	_ =	swait.ge [sflag:s25], $0x4000  }
0xe7: {  	[sflag:s25] =	ssyncset.done $0x0  }
0xe8: {  	s13 =	simm.s32 $0xFFFFAC00;
	s14 =	simm.s32 $0x1A80;
	[sflag:s25] =	ssyncadd.s32 $0xFFFFC000  }
.LBB2_3:
0xe9: {  	[spmem:s2] =	stream.indirect.scatter.add.f32 [tilespmem:s24], [sflag:$0x4], $0x80, s14, s21, $0xb8;
	[tilespmem:$0x1E8C0] =	vst v63  }
0xea: {  	s14 =	smov.u32 s13  }
0xeb: {  	p2 =	sne.s32 s13, $0xFFFFFC00;
	s13 =	sadd.s32 $0x400, s13;
	_ =	swait.ge [sflag:s28], $0x4000  }
0xec: {  	s14 =	sshra.s32 s14, $0x2;
	[sflag:s28] =	ssyncset.done $0x0  }
0xed: {  	s15 =	sadd.s32 $0x1800, s14;
	[sflag:s28] =	ssyncadd.s32 $0xFFFFC000  }
0xee: {  	[tilespmem:s22], [sflag:$0x1] =	stream.indirect.gather [hbm4b:s1+s21], $0x80, s15, s21, $0xb8;
	[tilespmem:$0x1E8C0] =	vst v63  }
0xef: {  	_ =	swait.ge [sflag:s23], $0x4000  }
0xf0: {  	[sflag:s23] =	ssyncset.done $0x0  }
0xf1: {  	s15 =	sadd.s32 $0x3000, s14;
	[sflag:s23] =	ssyncadd.s32 $0xFFFFC000  }
0xf2: {  	[spmem:s2] =	stream.indirect.scatter.add.f32 [tilespmem:s22], [sflag:$0x3], $0x80, s15, s21, $0xb8;
	[tilespmem:$0x1E8C0] =	vst v63  }
0xf3: {  	_ =	swait.ge [sflag:s31], $0x4000  }
0xf4: {  	[sflag:s31] =	ssyncset.done $0x0  }
.Ltmp3:
0xf5: {  	s15 =	sadd.s32 $0x1880, s14;
	[sflag:s31] =	ssyncadd.s32 $0xFFFFC000;
	(pc) =	sbr.rel @p2 .LBB2_3-.Ltmp3, $4  }
0xf6: {  	[tilespmem:s24], [sflag:$0x2] =	stream.indirect.gather [hbm4b:s1+s21], $0x80, s15, s21, $0xb8;
	[tilespmem:$0x1E8C0] =	vst v63  }
0xf7: {  	_ =	swait.ge [sflag:s25], $0x4000  }
0xf8: {  	[sflag:s25] =	ssyncset.done $0x0  }
0xf9: {  	s14 =	sadd.s32 $0x3080, s14;
	[sflag:s25] =	ssyncadd.s32 $0xFFFFC000  }
0xfa: {  	[spmem:s2] =	stream.indirect.scatter.add.f32 [tilespmem:s24], [sflag:$0x4], $0x80, s14, s21, $0xb8;
	[tilespmem:$0x1E8C0] =	vst v63  }
0xfb: {  	_ =	swait.ge [sflag:s31], $0x4000  }
0xfc: {  	[sflag:s31] =	ssyncset.done $0x0  }
0xfd: {  	s13 =	rddreg [dreg:$0x6];
	[sflag:s31] =	ssyncadd.s32 $0xFFFFC000  }
0xfe: {  	[tilespmem:s3], [sflag:$0x5] =	stream.linear.gather [hbm4b:s13+s3], $0x1800, $0x38;
	[tilespmem:$0x1E8C0] =	vst v63  }
0xff: {  	_ =	swait.ge [sflag:s19], $0x1800  }
0x100: {  	[sflag:s19] =	ssyncset.done $0x0  }
0x101: {  	s14 =	rddreg [dreg:$0x7];
	[sflag:s19] =	ssyncadd.s32 $0xFFFFE800  }
0x102: {  	[tilespmem:s20], [sflag:$0x5] =	stream.linear.gather [hbm4b:s14+s3], $0x1800, $0x38;
	[tilespmem:$0x1E8C0] =	vst v63  }
0x103: {  	_ =	swait.ge [sflag:s19], $0x1800  }
0x104: {  	[sflag:s19] =	ssyncset.done $0x0  }
0x105: {  	[sflag:s19] =	ssyncadd.s32 $0xFFFFE800  }
0x106: {  	[tilespmem:s22], [sflag:$0x1] =	stream.indirect.gather [hbm4b:s1+s21], $0x80, s3, s21, $0xb8;
	[tilespmem:$0x1E8C0] =	vst v63  }
0x107: {  	_ =	swait.ge [sflag:s23], $0x4000  }
0x108: {  	[sflag:s23] =	ssyncset.done $0x0  }
0x109: {  	[sflag:s23] =	ssyncadd.s32 $0xFFFFC000  }
0x10a: {  	[spmem:s2] =	stream.indirect.scatter.add.f32 [tilespmem:s22], [sflag:$0x3], $0x80, s20, s21, $0xb8;
	[tilespmem:$0x1E8C0] =	vst v63  }
0x10b: {  	_ = 	snop  }
0x10c: {  	[tilespmem:s24], [sflag:$0x2] =	stream.indirect.gather [hbm4b:s1+s21], $0x80, s21, s21, $0xb8;
	[tilespmem:$0x1E8C0] =	vst v63  }
0x10d: {  	_ =	swait.ge [sflag:s25], $0x4000  }
0x10e: {  	[sflag:s25] =	ssyncset.done $0x0  }
0x10f: {  	[sflag:s25] =	ssyncadd.s32 $0xFFFFC000  }
0x110: {  	[spmem:s2] =	stream.indirect.scatter.add.f32 [tilespmem:s24], [sflag:$0x4], $0x80, s26, s21, $0xb8;
	[tilespmem:$0x1E8C0] =	vst v63  }
0x111: {  	_ =	swait.ge [sflag:s28], $0x4000  }
0x112: {  	[sflag:s28] =	ssyncset.done $0x0  }
0x113: {  	[sflag:s28] =	ssyncadd.s32 $0xFFFFC000  }
0x114: {  	[tilespmem:s22], [sflag:$0x1] =	stream.indirect.gather [hbm4b:s1+s21], $0x80, s29, s21, $0xb8;
	[tilespmem:$0x1E8C0] =	vst v63  }
0x115: {  	_ =	swait.ge [sflag:s23], $0x4000  }
0x116: {  	[sflag:s23] =	ssyncset.done $0x0  }
0x117: {  	[sflag:s23] =	ssyncadd.s32 $0xFFFFC000  }
0x118: {  	[spmem:s2] =	stream.indirect.scatter.add.f32 [tilespmem:s22], [sflag:$0x3], $0x80, s30, s21, $0xb8;
	[tilespmem:$0x1E8C0] =	vst v63  }
0x119: {  	_ =	swait.ge [sflag:s31], $0x4000  }
0x11a: {  	[sflag:s31] =	ssyncset.done $0x0  }
0x11b: {  	[sflag:s31] =	ssyncadd.s32 $0xFFFFC000  }
0x11c: {  	[tilespmem:s24], [sflag:$0x2] =	stream.indirect.gather [hbm4b:s1+s21], $0x80, s0, s21, $0xb8;
	[tilespmem:$0x1E8C0] =	vst v63  }
0x11d: {  	_ =	swait.ge [sflag:s25], $0x4000  }
0x11e: {  	[sflag:s25] =	ssyncset.done $0x0  }
0x11f: {  	[sflag:s25] =	ssyncadd.s32 $0xFFFFC000  }
0x120: {  	[spmem:s2] =	stream.indirect.scatter.add.f32 [tilespmem:s24], [sflag:$0x4], $0x80, s8, s21, $0xb8;
	[tilespmem:$0x1E8C0] =	vst v63  }
0x121: {  	_ =	swait.ge [sflag:s28], $0x4000  }
0x122: {  	[sflag:s28] =	ssyncset.done $0x0  }
0x123: {  	s15 =	simm.s32 $0x200;
	[sflag:s28] =	ssyncadd.s32 $0xFFFFC000  }
0x124: {  	[tilespmem:s22], [sflag:$0x1] =	stream.indirect.gather [hbm4b:s1+s21], $0x80, s15, s21, $0xb8;
	[tilespmem:$0x1E8C0] =	vst v63  }
0x125: {  	_ =	swait.ge [sflag:s23], $0x4000  }
0x126: {  	[sflag:s23] =	ssyncset.done $0x0  }
0x127: {  	s14 =	simm.s32 $0x1A00;
	[sflag:s23] =	ssyncadd.s32 $0xFFFFC000  }
0x128: {  	[spmem:s2] =	stream.indirect.scatter.add.f32 [tilespmem:s22], [sflag:$0x3], $0x80, s14, s21, $0xb8;
	[tilespmem:$0x1E8C0] =	vst v63  }
0x129: {  	_ =	swait.ge [sflag:s31], $0x4000  }
0x12a: {  	[sflag:s31] =	ssyncset.done $0x0  }
0x12b: {  	s15 =	simm.s32 $0x280;
	[sflag:s31] =	ssyncadd.s32 $0xFFFFC000  }
0x12c: {  	[tilespmem:s24], [sflag:$0x2] =	stream.indirect.gather [hbm4b:s1+s21], $0x80, s15, s21, $0xb8;
	[tilespmem:$0x1E8C0] =	vst v63  }
0x12d: {  	_ =	swait.ge [sflag:s25], $0x4000  }
0x12e: {  	[sflag:s25] =	ssyncset.done $0x0  }
0x12f: {  	s13 =	simm.s32 $0xFFFFAC00;
	s14 =	simm.s32 $0x1A80;
	[sflag:s25] =	ssyncadd.s32 $0xFFFFC000  }
.LBB2_5:
0x130: {  	[spmem:s2] =	stream.indirect.scatter.add.f32 [tilespmem:s24], [sflag:$0x4], $0x80, s14, s21, $0xb8;
	[tilespmem:$0x1E8C0] =	vst v63  }
0x131: {  	s14 =	smov.u32 s13  }
0x132: {  	p2 =	sne.s32 s13, $0xFFFFFC00;
	s13 =	sadd.s32 $0x400, s13;
	_ =	swait.ge [sflag:s28], $0x4000  }
0x133: {  	s14 =	sshra.s32 s14, $0x2;
	[sflag:s28] =	ssyncset.done $0x0  }
0x134: {  	s15 =	sadd.s32 $0x1800, s14;
	[sflag:s28] =	ssyncadd.s32 $0xFFFFC000  }
0x135: {  	[tilespmem:s22], [sflag:$0x1] =	stream.indirect.gather [hbm4b:s1+s21], $0x80, s15, s21, $0xb8;
	[tilespmem:$0x1E8C0] =	vst v63  }
0x136: {  	_ =	swait.ge [sflag:s23], $0x4000  }
0x137: {  	[sflag:s23] =	ssyncset.done $0x0  }
0x138: {  	s15 =	sadd.s32 $0x3000, s14;
	[sflag:s23] =	ssyncadd.s32 $0xFFFFC000  }
0x139: {  	[spmem:s2] =	stream.indirect.scatter.add.f32 [tilespmem:s22], [sflag:$0x3], $0x80, s15, s21, $0xb8;
	[tilespmem:$0x1E8C0] =	vst v63  }
0x13a: {  	_ =	swait.ge [sflag:s31], $0x4000  }
0x13b: {  	[sflag:s31] =	ssyncset.done $0x0  }
.Ltmp4:
0x13c: {  	s15 =	sadd.s32 $0x1880, s14;
	[sflag:s31] =	ssyncadd.s32 $0xFFFFC000;
	(pc) =	sbr.rel @p2 .LBB2_5-.Ltmp4, $4  }
0x13d: {  	[tilespmem:s24], [sflag:$0x2] =	stream.indirect.gather [hbm4b:s1+s21], $0x80, s15, s21, $0xb8;
	[tilespmem:$0x1E8C0] =	vst v63  }
0x13e: {  	_ =	swait.ge [sflag:s25], $0x4000  }
0x13f: {  	[sflag:s25] =	ssyncset.done $0x0  }
0x140: {  	s14 =	sadd.s32 $0x3080, s14;
	[sflag:s25] =	ssyncadd.s32 $0xFFFFC000  }
0x141: {  	[spmem:s2] =	stream.indirect.scatter.add.f32 [tilespmem:s24], [sflag:$0x4], $0x80, s14, s21, $0xb8;
	[tilespmem:$0x1E8C0] =	vst v63  }
0x142: {  	_ =	swait.ge [sflag:s31], $0x4000  }
0x143: {  	[sflag:s31] =	ssyncset.done $0x0  }
0x144: {  	s13 =	rddreg [dreg:$0x8];
	[sflag:s31] =	ssyncadd.s32 $0xFFFFC000  }
0x145: {  	[tilespmem:s3], [sflag:$0x5] =	stream.linear.gather [hbm4b:s13+s3], $0x1800, $0x38;
	[tilespmem:$0x1E8C0] =	vst v63  }
0x146: {  	_ =	swait.ge [sflag:s19], $0x1800  }
0x147: {  	[sflag:s19] =	ssyncset.done $0x0  }
0x148: {  	s14 =	rddreg [dreg:$0x9];
	[sflag:s19] =	ssyncadd.s32 $0xFFFFE800  }
0x149: {  	[tilespmem:s20], [sflag:$0x5] =	stream.linear.gather [hbm4b:s14+s3], $0x1800, $0x38;
	[tilespmem:$0x1E8C0] =	vst v63  }
0x14a: {  	_ =	swait.ge [sflag:s19], $0x1800  }
0x14b: {  	[sflag:s19] =	ssyncset.done $0x0  }
0x14c: {  	[sflag:s19] =	ssyncadd.s32 $0xFFFFE800  }
0x14d: {  	[tilespmem:s22], [sflag:$0x1] =	stream.indirect.gather [hbm4b:s1+s21], $0x80, s3, s21, $0xb8;
	[tilespmem:$0x1E8C0] =	vst v63  }
0x14e: {  	_ =	swait.ge [sflag:s23], $0x4000  }
0x14f: {  	[sflag:s23] =	ssyncset.done $0x0  }
0x150: {  	[sflag:s23] =	ssyncadd.s32 $0xFFFFC000  }
0x151: {  	[spmem:s2] =	stream.indirect.scatter.add.f32 [tilespmem:s22], [sflag:$0x3], $0x80, s20, s21, $0xb8;
	[tilespmem:$0x1E8C0] =	vst v63  }
0x152: {  	_ = 	snop  }
0x153: {  	[tilespmem:s24], [sflag:$0x2] =	stream.indirect.gather [hbm4b:s1+s21], $0x80, s21, s21, $0xb8;
	[tilespmem:$0x1E8C0] =	vst v63  }
0x154: {  	_ =	swait.ge [sflag:s25], $0x4000  }
0x155: {  	[sflag:s25] =	ssyncset.done $0x0  }
0x156: {  	[sflag:s25] =	ssyncadd.s32 $0xFFFFC000  }
0x157: {  	[spmem:s2] =	stream.indirect.scatter.add.f32 [tilespmem:s24], [sflag:$0x4], $0x80, s26, s21, $0xb8;
	[tilespmem:$0x1E8C0] =	vst v63  }
0x158: {  	_ =	swait.ge [sflag:s28], $0x4000  }
0x159: {  	[sflag:s28] =	ssyncset.done $0x0  }
0x15a: {  	[sflag:s28] =	ssyncadd.s32 $0xFFFFC000  }
0x15b: {  	[tilespmem:s22], [sflag:$0x1] =	stream.indirect.gather [hbm4b:s1+s21], $0x80, s29, s21, $0xb8;
	[tilespmem:$0x1E8C0] =	vst v63  }
0x15c: {  	_ =	swait.ge [sflag:s23], $0x4000  }
0x15d: {  	[sflag:s23] =	ssyncset.done $0x0  }
0x15e: {  	[sflag:s23] =	ssyncadd.s32 $0xFFFFC000  }
0x15f: {  	[spmem:s2] =	stream.indirect.scatter.add.f32 [tilespmem:s22], [sflag:$0x3], $0x80, s30, s21, $0xb8;
	[tilespmem:$0x1E8C0] =	vst v63  }
0x160: {  	_ =	swait.ge [sflag:s31], $0x4000  }
0x161: {  	[sflag:s31] =	ssyncset.done $0x0  }
0x162: {  	[sflag:s31] =	ssyncadd.s32 $0xFFFFC000  }
0x163: {  	[tilespmem:s24], [sflag:$0x2] =	stream.indirect.gather [hbm4b:s1+s21], $0x80, s0, s21, $0xb8;
	[tilespmem:$0x1E8C0] =	vst v63  }
0x164: {  	_ =	swait.ge [sflag:s25], $0x4000  }
0x165: {  	[sflag:s25] =	ssyncset.done $0x0  }
0x166: {  	[sflag:s25] =	ssyncadd.s32 $0xFFFFC000  }
0x167: {  	[spmem:s2] =	stream.indirect.scatter.add.f32 [tilespmem:s24], [sflag:$0x4], $0x80, s8, s21, $0xb8;
	[tilespmem:$0x1E8C0] =	vst v63  }
0x168: {  	_ =	swait.ge [sflag:s28], $0x4000  }
0x169: {  	[sflag:s28] =	ssyncset.done $0x0  }
0x16a: {  	s15 =	simm.s32 $0x200;
	[sflag:s28] =	ssyncadd.s32 $0xFFFFC000  }
0x16b: {  	[tilespmem:s22], [sflag:$0x1] =	stream.indirect.gather [hbm4b:s1+s21], $0x80, s15, s21, $0xb8;
	[tilespmem:$0x1E8C0] =	vst v63  }
0x16c: {  	_ =	swait.ge [sflag:s23], $0x4000  }
0x16d: {  	[sflag:s23] =	ssyncset.done $0x0  }
0x16e: {  	s14 =	simm.s32 $0x1A00;
	[sflag:s23] =	ssyncadd.s32 $0xFFFFC000  }
0x16f: {  	[spmem:s2] =	stream.indirect.scatter.add.f32 [tilespmem:s22], [sflag:$0x3], $0x80, s14, s21, $0xb8;
	[tilespmem:$0x1E8C0] =	vst v63  }
0x170: {  	_ =	swait.ge [sflag:s31], $0x4000  }
0x171: {  	[sflag:s31] =	ssyncset.done $0x0  }
0x172: {  	s15 =	simm.s32 $0x280;
	[sflag:s31] =	ssyncadd.s32 $0xFFFFC000  }
0x173: {  	[tilespmem:s24], [sflag:$0x2] =	stream.indirect.gather [hbm4b:s1+s21], $0x80, s15, s21, $0xb8;
	[tilespmem:$0x1E8C0] =	vst v63  }
0x174: {  	_ =	swait.ge [sflag:s25], $0x4000  }
0x175: {  	[sflag:s25] =	ssyncset.done $0x0  }
0x176: {  	s13 =	simm.s32 $0xFFFFAC00;
	s14 =	simm.s32 $0x1A80;
	[sflag:s25] =	ssyncadd.s32 $0xFFFFC000  }
.LBB2_7:
0x177: {  	[spmem:s2] =	stream.indirect.scatter.add.f32 [tilespmem:s24], [sflag:$0x4], $0x80, s14, s21, $0xb8;
	[tilespmem:$0x1E8C0] =	vst v63  }
0x178: {  	s14 =	smov.u32 s13  }
0x179: {  	p2 =	seq.s32 s13, $0xFFFFFC00;
	s13 =	sadd.s32 $0x400, s13;
	_ =	swait.ge [sflag:s28], $0x4000  }
0x17a: {  	s14 =	sshra.s32 s14, $0x2;
	[sflag:s28] =	ssyncset.done $0x0  }
0x17b: {  	s15 =	sadd.s32 $0x1800, s14;
	[sflag:s28] =	ssyncadd.s32 $0xFFFFC000  }
0x17c: {  	[tilespmem:s22], [sflag:$0x1] =	stream.indirect.gather [hbm4b:s1+s21], $0x80, s15, s21, $0xb8;
	[tilespmem:$0x1E8C0] =	vst v63  }
0x17d: {  	_ =	swait.ge [sflag:s23], $0x4000  }
0x17e: {  	[sflag:s23] =	ssyncset.done $0x0  }
0x17f: {  	s15 =	sadd.s32 $0x3000, s14;
	[sflag:s23] =	ssyncadd.s32 $0xFFFFC000  }
0x180: {  	[spmem:s2] =	stream.indirect.scatter.add.f32 [tilespmem:s22], [sflag:$0x3], $0x80, s15, s21, $0xb8;
	[tilespmem:$0x1E8C0] =	vst v63  }
0x181: {  	_ =	swait.ge [sflag:s31], $0x4000  }
0x182: {  	[sflag:s31] =	ssyncset.done $0x0  }
.Ltmp5:
0x183: {  	s15 =	sadd.s32 $0x1880, s14;
	[sflag:s31] =	ssyncadd.s32 $0xFFFFC000;
	(pc) =	sbr.rel @!p2 .LBB2_7-.Ltmp5, $4  }
0x184: {  	[tilespmem:s24], [sflag:$0x2] =	stream.indirect.gather [hbm4b:s1+s21], $0x80, s15, s21, $0xb8;
	[tilespmem:$0x1E8C0] =	vst v63  }
0x185: {  	_ =	swait.ge [sflag:s25], $0x4000  }
0x186: {  	[sflag:s25] =	ssyncset.done $0x0  }
0x187: {  	s14 =	sadd.s32 $0x3080, s14;
	[sflag:s25] =	ssyncadd.s32 $0xFFFFC000  }
.Ltmp6:
0x188: {  	(pc) =	sbr.rel .LBB2_10-.Ltmp6, $2  }
0x189: {  	_ =	sdelay $0x2  }
0x18a: {  	[spmem:s2] =	stream.indirect.scatter.add.f32 [tilespmem:s24], [sflag:$0x4], $0x80, s14, s21, $0xb8;
	[tilespmem:$0x1E8C0] =	vst v63  }
.LBB2_11:
0x18b: {  	_ =	sfence.sel $0x180000  }
0x18c: {  	[bflag:$0x0] =	sbarrier.arrive $0xFFFF  }
0x18d: {  	_ =	strace $0x9000004A  }
0x18e: {  	[bflag:$0x2] =	sbarrier.arrive $0xFFFF  }
0x18f: {  	p0 =	sne.s32 s4, $0x0;
	s0 =	rddreg [dreg:$0x3]  }
0x190: {  	s0 =	sadd.s32 @!p0 $0x100000, s0  }
0x191: {  	[sflag:s0] =	ssyncadd.tile.s32 @!p0 $0x1;
	_ =	shalt  }
.Lfunc_end2:
_tile_overlayer_lowered:
.L_overlay_start_2:
0x192: {  	(tag) =	ssettag $0x2  }
0x193: {  	s0 =	rddreg [dreg:$0x0];
	s2 =	stileid.u32  }
0x194: {  	s1 =	rddreg [dreg:$0x1];
	p0 =	sne.s32 s2, $0x0  }
0x195: {  	s3 =	rddreg [dreg:$0x2];
	[bflag:$0x3] =	sbarrier.arrive $0xFFFF;
	s2 =	simm.s32 @!p0 $0x1C05  }
0x196: {  	[timem:s3], [sflag:s2] =	dma.local @!p0 [hbm:s0], s1  }
0x197: {  	s0 =	simm.s32 @!p0 $0x5  }
0x198: {  	_ =	swait.ge @!p0 [sflag:s0], s1  }
0x199: {  	s1 =	ssub.s32 @!p0 $0x0, s1;
	[sflag:s0] =	ssyncset.done @!p0 $0x0  }
0x19a: {  	[sflag:s0] =	ssyncadd.s32 @!p0 s1  }
0x19b: {  	[bflag:$0x3] =	sbarrier.arrive $0xFFFF  }
0x19c: {  	_ =	shalt  }

// kernel: kernel.16.cloned.1.call-start
scs
__scs_entry_jumppad:
0x0: {  	(pc) =	sbr.rel $0x88, $3  }
0x1: {  	(tag) =	ssettag $0x0;
	lr =	simm.s32 $0x1  }
0x2: {  	[smem:$0x3F7E] =	sst lr;
	_ =	strace $0xD0000000  }
0x3: {  	_ = 	snop  }
0x4: {  	_ = 	snop  }
0x5: {  	_ = 	snop  }
0x6: {  	_ = 	snop  }
0x7: {  	_ = 	snop  }
__scs_overlays_trampoline_lowered:
0x8: {  	[smem:$0x3F8D] =	sst s0  }
0x9: {  	[smem:$0x3F8E] =	sst s1  }
0xa: {  	[smem:$0x3F8F] =	sst s2  }
0xb: {  	[smem:$0x3F90] =	sst s3  }
0xc: {  	[smem:$0x3F91] =	sst s4  }
0xd: {  	[smem:$0x3F92] =	sst s5  }
0xe: {  	[smem:$0x3F93] =	sst s6  }
0xf: {  	[smem:$0x3F94] =	sst s7  }
0x10: {  	[smem:$0x3F95] =	sst s8  }
0x11: {  	[smem:$0x3F96] =	sst s9;
	s0 =	simm.s32 @!p0 $0x0  }
0x12: {  	s1 =	sld [smem:$0x3F7C];
	s0 =	simm.s32 @p0 $0x1  }
0x13: {  	[smem:$0x3F97] =	sst s0;
	s0 =	simm.s32 @!p1 $0x0  }
0x14: {  	s2 =	sld [smem:$0x3F7B];
	s0 =	simm.s32 @p1 $0x1  }
0x15: {  	[smem:$0x3F98] =	sst s0;
	s0 =	simm.s32 @!p2 $0x0  }
0x16: {  	s3 =	sld [smem:$0x3FDB];
	s0 =	simm.s32 @p2 $0x1  }
0x17: {  	s4 =	simm.s32 $0x1BF5;
	[smem:$0x3F9A] =	sst s0  }
0x18: {  	s0 =	sld [smem:$0x3F7D];
	_ =	swait.ge [sflag:s4], $0x0  }
0x19: {  	s7 =	sld [smem:$0x3F7E]  }
0x1a: {  	s8 =	sadd.s32 $0xFFFFE003, lr  }
0x1b: {  	s9 =	sadd.s32 $0xFFFFFEF7, lr;
	s5 =	simm.s32 $0xFFFFFFFF;
	p2 =	slt.u32 s8, $0xFFFFF086  }
0x1c: {  	p1 =	slt.u32 s9, $0xF7A;
	s5 =	simm.s32 @!p2 $0x0  }
0x1d: {  	s5 =	simm.s32 @p1 $0x1;
	p0 =	seq.s32 s7, s2  }
0x1e: {  	s7 =	smul.u32 @!p0 $0xF7A, s2;
	p2 =	seq.s32 @!p0 s5, $0x0  }
0x1f: {  	s9 =	smul.u32 $0xF7A, s1;
	s8 =	simm.s32 @!p0 $0x1BF5;
	p2 =	por !p2, p0  }
0x20: {  	[sflag:s8] =	ssyncset.s32 @!p0 $0xFFFFF086;
	s6 =	sadd.s32 @!p0 s3, s7;
	s7 =	simm.s32 @!p0 $0x108  }
0x21: {  	s3 =	sadd.s32 s3, s9;
	s6 =	sadd.s32 @!p0 $0x88, s6;
	s7 =	simm.s32 @p2 $0x1082  }
0x22: {  	[simem:s7], [sflag:s8] =	dma.local @!p0 [hbm:s6], $0xF7A  }
0x23: {  	s9 =	sor.u32 $0xD0000000, s2;
	s6 =	simm.s32 $0x108;
	_ =	swait.ge @!p0 [sflag:s8], $0x0  }
0x24: {  	s3 =	sadd.s32 $0x88, s3;
	s6 =	simm.s32 @!p1 $0x1082;
	[sflag:s4] =	ssyncset.s32 $0xFFFFF086  }
0x25: {  	[simem:s6], [sflag:s4] =	dma.local [hbm:s3], $0xF7A  }
0x26: {  	[smem:$0x3F7E] =	sst s1;
	(tag) =	ssettag s2;
	_ =	strace s9  }
0x27: {  	s1 =	sld [smem:$0x3F8E]  }
0x28: {  	s2 =	sld [smem:$0x3F8F]  }
0x29: {  	s4 =	sld [smem:$0x3F91]  }
0x2a: {  	p0 =	seq.s32 s5, $0x0;
	s5 =	sld [smem:$0x3F92]  }
0x2b: {  	s6 =	sld [smem:$0x3F93]  }
0x2c: {  	s7 =	sld [smem:$0x3F94]  }
0x2d: {  	s3 =	simm.s32 $0x108;
	s8 =	sld [smem:$0x3F95]  }
0x2e: {  	s3 =	simm.s32 @!p0 $0x1082;
	s9 =	sld [smem:$0x3F96]  }
0x2f: {  	lr =	sadd.s32 s0, s3;
	s0 =	sld [smem:$0x3F8D]  }
0x30: {  	s3 =	sld [smem:$0x3F90]  }
0x31: {  	[smem:$0x3F99] =	sst s10  }
0x32: {  	s10 =	sld [smem:$0x3F97];
	_ =	sdelay $0x3  }
0x33: {  	p0 =	seq.s32 s10, $0x1;
	s10 =	sld [smem:$0x3F99];
	_ =	sdelay $0x3  }
0x34: {  	[smem:$0x3F99] =	sst s10  }
0x35: {  	s10 =	sld [smem:$0x3F98];
	_ =	sdelay $0x3  }
0x36: {  	p1 =	seq.s32 s10, $0x1;
	s10 =	sld [smem:$0x3F99];
	_ =	sdelay $0x3  }
0x37: {  	[smem:$0x3F99] =	sst s10  }
0x38: {  	s10 =	sld [smem:$0x3F9A]  }
0x39: {  	_ = 	snop;
	(pc) =	sbr.ind lr, $3  }
0x3a: {  	_ = 	snop  }
0x3b: {  	_ = 	snop  }
0x3c: {  	p2 =	seq.s32 s10, $0x1;
	s10 =	sld [smem:$0x3F99]  }
0x3d: {  	_ =	shalt  }
0x3e: {  	_ =	shalt  }
0x3f: {  	_ =	shalt  }
0x40: {  	_ =	shalt  }
0x41: {  	_ =	shalt  }
0x42: {  	_ =	shalt  }
0x43: {  	_ =	shalt  }
0x44: {  	_ =	shalt  }
0x45: {  	_ =	shalt  }
0x46: {  	_ =	shalt  }
0x47: {  	_ =	shalt  }
0x48: {  	_ =	shalt  }
0x49: {  	_ =	shalt  }
0x4a: {  	_ =	shalt  }
0x4b: {  	_ =	shalt  }
0x4c: {  	_ =	shalt  }
0x4d: {  	_ =	shalt  }
0x4e: {  	_ =	shalt  }
0x4f: {  	_ =	shalt  }
0x50: {  	_ =	shalt  }
0x51: {  	_ =	shalt  }
0x52: {  	_ =	shalt  }
0x53: {  	_ =	shalt  }
0x54: {  	_ =	shalt  }
0x55: {  	_ =	shalt  }
0x56: {  	_ =	shalt  }
0x57: {  	_ =	shalt  }
0x58: {  	_ =	shalt  }
0x59: {  	_ =	shalt  }
0x5a: {  	_ =	shalt  }
0x5b: {  	_ =	shalt  }
0x5c: {  	_ =	shalt  }
0x5d: {  	_ =	shalt  }
0x5e: {  	_ =	shalt  }
0x5f: {  	_ =	shalt  }
0x60: {  	_ =	shalt  }
0x61: {  	_ =	shalt  }
0x62: {  	_ =	shalt  }
0x63: {  	_ =	shalt  }
0x64: {  	_ =	shalt  }
0x65: {  	_ =	shalt  }
0x66: {  	_ =	shalt  }
0x67: {  	_ =	shalt  }
0x68: {  	_ =	shalt  }
0x69: {  	_ =	shalt  }
0x6a: {  	_ =	shalt  }
0x6b: {  	_ =	shalt  }
0x6c: {  	_ =	shalt  }
0x6d: {  	_ =	shalt  }
0x6e: {  	_ =	shalt  }
0x6f: {  	_ =	shalt  }
0x70: {  	_ =	shalt  }
0x71: {  	_ =	shalt  }
0x72: {  	_ =	shalt  }
0x73: {  	_ =	shalt  }
0x74: {  	_ =	shalt  }
0x75: {  	_ =	shalt  }
0x76: {  	_ =	shalt  }
0x77: {  	_ =	shalt  }
0x78: {  	_ =	shalt  }
0x79: {  	_ =	shalt  }
0x7a: {  	_ =	shalt  }
0x7b: {  	_ =	shalt  }
0x7c: {  	_ =	shalt  }
0x7d: {  	_ =	shalt  }
0x7e: {  	_ =	shalt  }
0x7f: {  	_ =	shalt  }
0x80: {  	_ =	shalt  }
0x81: {  	_ =	shalt  }
0x82: {  	_ =	shalt  }
0x83: {  	_ =	shalt  }
0x84: {  	_ =	shalt  }
0x85: {  	_ =	shalt  }
0x86: {  	_ =	shalt  }
0x87: {  	_ =	shalt  }
.Lfunc_end0:
.L_simem_size_0:
called_computation.2_lowered:
.L_overlay_start_0:
0x88: {  	s2 =	sld [smem:$0x3FD9]  }
0x89: {  	s3 =	sld [smem:$0x3FFE];
	_ =	sdelay $0x1  }
0x8a: {  	s1 =	srdreg.scid  }
0x8b: {  	s0 =	sand.u32 $0x1, s1  }
0x8c: {  	s14 =	sshll.u32 s0, $0xA;
	s2 =	sadd.s32 s3, s2  }
0x8d: {  	s2 =	sadd.s32 s2, s14  }
0x8e: {  	[smem:$0x3FA5] =	sst s2  }
0x8f: {  	_ = 	snop  }
0x90: {  	s2 =	sld [smem:$0x3FD0];
	_ =	sdelay $0x2  }
0x91: {  	s15 =	simm.s32 $0xA;
	s4 =	simm.s32 $0x10  }
0x92: {  	[smem:s4], [sflag:s15] =	dma.local [hbm:s2], $0x1  }
0x93: {  	_ =	swait.eq [sflag:s15], $0x1  }
0x94: {  	[sflag:s15] =	ssyncset.done $0x0  }
0x95: {  	[sflag:s15] =	ssyncadd.s32 $0xFFFFFFFF  }
0x96: {  	s16 =	sld [smem:$0x10];
	(tm) =	ssettm $0x1  }
0x97: {  	s17 =	sld [smem:$0x3FFB];
	_ =	sdelay $0x3  }
0x98: {  	_ =	strace s17  }
0x99: {  	s3 =	sld [smem:$0x3FFC];
	_ =	sdelay $0x3  }
0x9a: {  	_ =	strace s3  }
0x9b: {  	s3 =	sld [smem:$0x3FFD];
	_ =	sdelay $0x3  }
0x9c: {  	_ =	strace s3  }
0x9d: {  	_ =	strace $0x8FFFFFFF  }
0x9e: {  	s18 =	sld [smem:$0x3FDB];
	_ =	sdelay $0x1  }
0x9f: {  	s19 =	simm.s32 $_scs_section_size  }
0xa0: {  	s5 =	simm.s32 $_size__tile_overlayer_lowered;
	s6 =	simm.s32 $_tile_overlayer_lowered  }
0xa1: {  	s22 =	simm.s32 $0x1BFF;
	s21 =	sshll.u32 s6, $0x1;
	s3 =	sadd.s32 s19, s18  }
0xa2: {  	s7 =	simm.s32 $0x0;
	s20 =	sshll.u32 s5, $0x1;
	s5 =	sadd.s32 s21, s3  }
0xa3: {  	[timem:s7], [sflag:s22] =	dma.local [hbm:s5], s20  }
0xa4: {  	_ =	swait.ge [sflag:s22], s20  }
0xa5: {  	s4 =	ssub.s32 $0x0, s20;
	[sflag:s22] =	ssyncset.done $0x0  }
0xa6: {  	[sflag:s22] =	ssyncadd.s32 s4;
	_ =	sdelay $0x1  }
0xa7: {  	s23 =	simm.s32 $0x1B8B  }
0xa8: {  	_ =	swait.ge [sflag:s23], $0x1  }
0xa9: {  	[sflag:s23] =	ssyncset.done $0x0  }
0xaa: {  	s25 =	simm.s32 $0x1B8E;
	s24 =	sld [smem:$0x3FFE];
	[sflag:s23] =	ssyncadd.s32 $0xFFFFFFFF  }
0xab: {  	s26 =	simm.s32 $execute0_lowered;
	[smem:$0x3FD2] =	sst s25  }
0xac: {  	s5 =	sshll.u32 s26, $0x1;
	_ =	strace $0x8000004C;
	[dreg:$0x1] =	wrdreg $0xFFFFFFFF  }
0xad: {  	s28 =	simm.s32 $_size_execute0_lowered;
	s3 =	sadd.s32 s3, s5;
	[dreg:$0x0] =	wrdreg $0x0  }
0xae: {  	s5 =	sshll.u32 s28, $0x1;
	[dreg:$0x2] =	wrdreg s3  }
0xaf: {  	[dreg:$0x3] =	wrdreg s5  }
0xb0: {  	[dreg:$0x4] =	wrdreg $0xC0  }
0xb1: {  	_ =	task [dreg:s7], $0x5FFFF  }
0xb2: {  	[dreg:$0x1] =	wrdreg $0xFFFFFFFF  }
0xb3: {  	[dreg:$0x0] =	wrdreg $0x60  }
0xb4: {  	[dreg:$0x2] =	wrdreg s16  }
0xb5: {  	[dreg:$0x3] =	wrdreg s24  }
0xb6: {  	[dreg:$0x4] =	wrdreg $0xB0000  }
0xb7: {  	[dreg:$0x5] =	wrdreg $0x9  }
0xb8: {  	_ =	task.clear_ibuf [dreg:s7], $0x6FFFF;
	_ =	strace $0x9000004C  }
0xb9: {  	s29 =	simm.s32 $0x9;
	_ =	strace $0x8000004E  }
0xba: {  	_ =	swait.ge [sflag:s29], $0x1  }
0xbb: {  	[sflag:s29] =	ssyncadd.s32 $0xFFFFFFFF  }
0xbc: {  	_ =	strace $0x9000004E  }
0xbd: {  	_ =	sfence  }
0xbe: {  	s30 =	sld [smem:$0x0];
	_ =	sdelay $0x2  }
0xbf: {  	s31 =	sshll.u32 s1, $0xD;
	s1 =	sshrl.u32 s1, $0x2  }
0xc0: {  	s3 =	sand.u32 $0x4000, s31;
	s1 =	sadd.s32 s1, s30  }
0xc1: {  	s0 =	sor.u32 s3, s0;
	s1 =	sshll.u32 s1, $0x11  }
0xc2: {  	s0 =	sor.u32 s1, s0  }
0xc3: {  	s0 =	sadd.s32 $0x8F2B, s0  }
0xc4: {  	[sflag:s0] =	ssyncadd.remote.s32 $0x1  }
0xc5: {  	_ =	sfence.sel $0xFFFF  }
0xc6: {  	[dreg:$0x0] =	wrdreg $0xFFFFFFFF;
	(pc) =	sbr.abs _section_cstart, $3  }
0xc7: {  	[dreg:$0x1] =	wrdreg $0xFFFFFFFF  }
0xc8: {  	_ =	task.clear_ibuf [dreg:s7], $0x2FFFF;
	_ =	strace $0x9FFFFFFF  }
0xc9: {  	(tm) =	ssettm $0x7FFFFFFF  }
tec
execute0_lowered:
.L_overlay_start_1:
0x0: {  	(tag) =	ssettag $0x1  }
0x1: {  	s1 =	rddreg [dreg:$0x0]  }
0x2: {  	s0 =	rddreg [dreg:$0x1]  }
0x3: {  	s2 =	rddreg [dreg:$0x2];
	s3 =	simm.s32 $0x0  }
0x4: {  	s6 =	srdreg.scid;
	s4 =	stileid.u32;
	s28 =	simm.s32 $0x3  }
0x5: {  	s29 =	simm.s32 $0x100;
	s30 =	simm.s32 $0x1900;
	s31 =	simm.s32 $0x4  }
0x6: {  	[smem:$0x7FF] =	sst s3;
	s8 =	sadd.s32 $0x11400, s0;
	s19 =	smul.u32 $0x4F000, s4  }
0x7: {  	s9 =	sadd.s32 $0x7400, s0;
	s5 =	sadd.s32 $0x1B400, s0;
	s11 =	smul.u32 $0x900, s4  }
0x8: {  	s10 =	sand.u32 $0x1, s6;
	s0 =	sadd.s32 $0x1DC00, s0;
	s13 =	smul.u32 $0x4800, s4  }
0x9: {  	s22 =	smul.u32 $0x13C00, s4;
	s24 =	sshll.u32 s4, $0x8;
	p1 =	seq.s32 s4, $0xF  }
0xa: {  	_ =	strace $0x8000004D;
	s7 =	ssub.s32 $0x2, s10;
	p0 =	seq.s32 s10, $0x1  }
0xb: {  	s10 =	smul.u32 $0x138800, s10;
	s12 =	sshrl.u32 s7, $0x1;
	s6 =	sshrl.u32 s19, $0x2  }
0xc: {  	s14 =	sadd.s32 s8, s11;
	s13 =	sshrl.u32 s13, $0x3;
	s11 =	sadd.s32 s9, s11  }
0xd: {  	s19 =	simm.s32 $0x5;
	s12 =	ssub.s32 s7, s12;
	[dreg:$0x4] =	wrdreg s14  }
0xe: {  	s6 =	sadd.s32 s6, s2;
	s7 =	sadd.s32 $0x128400, s2;
	[dreg:$0x5] =	wrdreg s11  }
0xf: {  	s20 =	sadd.s32 $0x300, s13;
	s13 =	sadd.s32 $0x600, s13;
	s25 =	sadd.s32 s22, s10  }
0x10: {  	s10 =	sshrl.u32 s10, $0x3;
	s22 =	simm.s32 $0x3000;
	s21 =	sadd.s32 s8, s20  }
0x11: {  	s11 =	sadd.s32 s9, s20;
	s23 =	sadd.s32 s8, s13;
	[dreg:$0x6] =	wrdreg s21  }
0x12: {  	s13 =	sadd.s32 s9, s13;
	s26 =	sshrl.u32 s25, $0x3;
	[dreg:$0x7] =	wrdreg s11  }
0x13: {  	s18 =	smax.u32 s12, $0x1;
	s20 =	simm.s32 $0x1800;
	[dreg:$0x8] =	wrdreg s23  }
0x14: {  	s25 =	simm.s32 $0x2;
	[dreg:$0x9] =	wrdreg s13;
	s11 =	sor.u32 $0x9000, s24  }
.Ltmp0:
0x15: {  	s16 =	sadd.s32 s0, s26;
	s0 =	sadd.s32 s0, s10;
	(pc) =	sbr.rel .LBB2_1-.Ltmp0, $4  }
0x16: {  	s21 =	simm.s32 $0x80;
	s23 =	simm.s32 $0x1;
	s24 =	simm.s32 $0x7000  }
0x17: {  	s26 =	simm.s32 $0x1880;
	s8 =	sadd.s32 s8, s11;
	s9 =	sadd.s32 s9, s11  }
0x18: {  	s17 =	sadd.s32 $0x25080, s0;
	s0 =	simm.s32 $0x180;
	[dreg:$0xa] =	wrdreg s8  }
0x19: {  	[dreg:$0xb] =	wrdreg s9;
	s8 =	simm.s32 $0x1980;
	s9 =	simm.s32 $0x0  }
.LBB2_9:
0x1a: {  	s13 =	rddreg [dreg:$0xa]  }
0x1b: {  	[tilespmem:s3], [sflag:$0x5] =	stream.linear.gather [hbm4b:s13+s3], $0x800, $0x38;
	[tilespmem:$0x1E8C0] =	vst v63  }
0x1c: {  	_ =	swait.ge [sflag:s19], $0x800  }
0x1d: {  	[sflag:s19] =	ssyncset.done $0x0  }
0x1e: {  	s15 =	rddreg [dreg:$0xb];
	[sflag:s19] =	ssyncadd.s32 $0xFFFFF800  }
0x1f: {  	[tilespmem:s20], [sflag:$0x5] =	stream.linear.gather [hbm4b:s15+s3], $0x800, $0x38;
	[tilespmem:$0x1E8C0] =	vst v63  }
0x20: {  	_ =	swait.ge [sflag:s19], $0x800  }
0x21: {  	[sflag:s19] =	ssyncset.done $0x0  }
0x22: {  	[sflag:s19] =	ssyncadd.s32 $0xFFFFF800  }
0x23: {  	[tilespmem:s22], [sflag:$0x1] =	stream.indirect.gather [hbm4b:s1+s21], $0x80, s3, s21, $0xb8;
	[tilespmem:$0x1E8C0] =	vst v63  }
0x24: {  	_ =	swait.ge [sflag:s23], $0x4000  }
0x25: {  	[sflag:s23] =	ssyncset.done $0x0  }
0x26: {  	[sflag:s23] =	ssyncadd.s32 $0xFFFFC000  }
0x27: {  	[spmem:s2] =	stream.indirect.scatter.add.f32 [tilespmem:s22], [sflag:$0x3], $0x80, s20, s21, $0xb8;
	[tilespmem:$0x1E8C0] =	vst v63  }
0x28: {  	_ = 	snop  }
0x29: {  	[tilespmem:s24], [sflag:$0x2] =	stream.indirect.gather [hbm4b:s1+s21], $0x80, s21, s21, $0xb8;
	[tilespmem:$0x1E8C0] =	vst v63  }
0x2a: {  	_ =	swait.ge [sflag:s25], $0x4000  }
0x2b: {  	[sflag:s25] =	ssyncset.done $0x0  }
0x2c: {  	[sflag:s25] =	ssyncadd.s32 $0xFFFFC000  }
0x2d: {  	[spmem:s2] =	stream.indirect.scatter.add.f32 [tilespmem:s24], [sflag:$0x4], $0x80, s26, s21, $0xb8;
	[tilespmem:$0x1E8C0] =	vst v63  }
0x2e: {  	_ =	swait.ge [sflag:s28], $0x4000  }
0x2f: {  	[sflag:s28] =	ssyncset.done $0x0  }
0x30: {  	[sflag:s28] =	ssyncadd.s32 $0xFFFFC000  }
0x31: {  	[tilespmem:s22], [sflag:$0x1] =	stream.indirect.gather [hbm4b:s1+s21], $0x80, s29, s21, $0xb8;
	[tilespmem:$0x1E8C0] =	vst v63  }
0x32: {  	_ =	swait.ge [sflag:s23], $0x4000  }
0x33: {  	[sflag:s23] =	ssyncset.done $0x0  }
0x34: {  	[sflag:s23] =	ssyncadd.s32 $0xFFFFC000  }
0x35: {  	[spmem:s2] =	stream.indirect.scatter.add.f32 [tilespmem:s22], [sflag:$0x3], $0x80, s30, s21, $0xb8;
	[tilespmem:$0x1E8C0] =	vst v63  }
0x36: {  	_ =	swait.ge [sflag:s31], $0x4000  }
0x37: {  	[sflag:s31] =	ssyncset.done $0x0  }
0x38: {  	[sflag:s31] =	ssyncadd.s32 $0xFFFFC000  }
0x39: {  	[tilespmem:s24], [sflag:$0x2] =	stream.indirect.gather [hbm4b:s1+s21], $0x80, s0, s21, $0xb8;
	[tilespmem:$0x1E8C0] =	vst v63  }
0x3a: {  	_ =	swait.ge [sflag:s25], $0x4000  }
0x3b: {  	[sflag:s25] =	ssyncset.done $0x0  }
0x3c: {  	[sflag:s25] =	ssyncadd.s32 $0xFFFFC000  }
0x3d: {  	[spmem:s2] =	stream.indirect.scatter.add.f32 [tilespmem:s24], [sflag:$0x4], $0x80, s8, s21, $0xb8;
	[tilespmem:$0x1E8C0] =	vst v63  }
0x3e: {  	_ =	swait.ge [sflag:s28], $0x4000  }
0x3f: {  	[sflag:s28] =	ssyncset.done $0x0  }
0x40: {  	s14 =	simm.s32 $0x200;
	[sflag:s28] =	ssyncadd.s32 $0xFFFFC000  }
0x41: {  	[tilespmem:s22], [sflag:$0x1] =	stream.indirect.gather [hbm4b:s1+s21], $0x80, s14, s21, $0xb8;
	[tilespmem:$0x1E8C0] =	vst v63  }
0x42: {  	_ =	swait.ge [sflag:s23], $0x4000  }
0x43: {  	[sflag:s23] =	ssyncset.done $0x0  }
0x44: {  	s15 =	simm.s32 $0x1A00;
	[sflag:s23] =	ssyncadd.s32 $0xFFFFC000  }
0x45: {  	[spmem:s2] =	stream.indirect.scatter.add.f32 [tilespmem:s22], [sflag:$0x3], $0x80, s15, s21, $0xb8;
	[tilespmem:$0x1E8C0] =	vst v63  }
0x46: {  	_ =	swait.ge [sflag:s31], $0x4000  }
0x47: {  	[sflag:s31] =	ssyncset.done $0x0  }
0x48: {  	s14 =	simm.s32 $0x280;
	[sflag:s31] =	ssyncadd.s32 $0xFFFFC000  }
0x49: {  	[tilespmem:s24], [sflag:$0x2] =	stream.indirect.gather [hbm4b:s1+s21], $0x80, s14, s21, $0xb8;
	[tilespmem:$0x1E8C0] =	vst v63  }
0x4a: {  	_ =	swait.ge [sflag:s25], $0x4000  }
0x4b: {  	[sflag:s25] =	ssyncset.done $0x0  }
0x4c: {  	s15 =	simm.s32 $0x1A80;
	[sflag:s25] =	ssyncadd.s32 $0xFFFFC000  }
0x4d: {  	[spmem:s2] =	stream.indirect.scatter.add.f32 [tilespmem:s24], [sflag:$0x4], $0x80, s15, s21, $0xb8;
	[tilespmem:$0x1E8C0] =	vst v63  }
0x4e: {  	_ =	swait.ge [sflag:s28], $0x4000  }
0x4f: {  	[sflag:s28] =	ssyncset.done $0x0  }
0x50: {  	s14 =	simm.s32 $0x300;
	[sflag:s28] =	ssyncadd.s32 $0xFFFFC000  }
0x51: {  	[tilespmem:s22], [sflag:$0x1] =	stream.indirect.gather [hbm4b:s1+s21], $0x80, s14, s21, $0xb8;
	[tilespmem:$0x1E8C0] =	vst v63  }
0x52: {  	_ =	swait.ge [sflag:s23], $0x4000  }
0x53: {  	[sflag:s23] =	ssyncset.done $0x0  }
0x54: {  	s15 =	simm.s32 $0x1B00;
	[sflag:s23] =	ssyncadd.s32 $0xFFFFC000  }
0x55: {  	[spmem:s2] =	stream.indirect.scatter.add.f32 [tilespmem:s22], [sflag:$0x3], $0x80, s15, s21, $0xb8;
	[tilespmem:$0x1E8C0] =	vst v63  }
0x56: {  	_ =	swait.ge [sflag:s31], $0x4000  }
0x57: {  	[sflag:s31] =	ssyncset.done $0x0  }
0x58: {  	s14 =	simm.s32 $0x380;
	[sflag:s31] =	ssyncadd.s32 $0xFFFFC000  }
0x59: {  	[tilespmem:s24], [sflag:$0x2] =	stream.indirect.gather [hbm4b:s1+s21], $0x80, s14, s21, $0xb8;
	[tilespmem:$0x1E8C0] =	vst v63  }
0x5a: {  	_ =	swait.ge [sflag:s25], $0x4000  }
0x5b: {  	[sflag:s25] =	ssyncset.done $0x0  }
0x5c: {  	s15 =	simm.s32 $0x1B80;
	[sflag:s25] =	ssyncadd.s32 $0xFFFFC000  }
0x5d: {  	[spmem:s2] =	stream.indirect.scatter.add.f32 [tilespmem:s24], [sflag:$0x4], $0x80, s15, s21, $0xb8;
	[tilespmem:$0x1E8C0] =	vst v63  }
0x5e: {  	_ =	swait.ge [sflag:s28], $0x4000  }
0x5f: {  	[sflag:s28] =	ssyncset.done $0x0  }
0x60: {  	s14 =	simm.s32 $0x400;
	[sflag:s28] =	ssyncadd.s32 $0xFFFFC000  }
0x61: {  	[tilespmem:s22], [sflag:$0x1] =	stream.indirect.gather [hbm4b:s1+s21], $0x80, s14, s21, $0xb8;
	[tilespmem:$0x1E8C0] =	vst v63  }
0x62: {  	_ =	swait.ge [sflag:s23], $0x4000  }
0x63: {  	[sflag:s23] =	ssyncset.done $0x0  }
0x64: {  	s15 =	simm.s32 $0x1C00;
	[sflag:s23] =	ssyncadd.s32 $0xFFFFC000  }
0x65: {  	[spmem:s2] =	stream.indirect.scatter.add.f32 [tilespmem:s22], [sflag:$0x3], $0x80, s15, s21, $0xb8;
	[tilespmem:$0x1E8C0] =	vst v63  }
0x66: {  	_ =	swait.ge [sflag:s31], $0x4000  }
0x67: {  	[sflag:s31] =	ssyncset.done $0x0  }
0x68: {  	s14 =	simm.s32 $0x480;
	[sflag:s31] =	ssyncadd.s32 $0xFFFFC000  }
0x69: {  	[tilespmem:s24], [sflag:$0x2] =	stream.indirect.gather [hbm4b:s1+s21], $0x80, s14, s21, $0xb8;
	[tilespmem:$0x1E8C0] =	vst v63  }
0x6a: {  	_ =	swait.ge [sflag:s25], $0x4000  }
0x6b: {  	[sflag:s25] =	ssyncset.done $0x0  }
0x6c: {  	s15 =	simm.s32 $0x1C80;
	[sflag:s25] =	ssyncadd.s32 $0xFFFFC000  }
0x6d: {  	[spmem:s2] =	stream.indirect.scatter.add.f32 [tilespmem:s24], [sflag:$0x4], $0x80, s15, s21, $0xb8;
	[tilespmem:$0x1E8C0] =	vst v63  }
0x6e: {  	_ =	swait.ge [sflag:s28], $0x4000  }
0x6f: {  	[sflag:s28] =	ssyncset.done $0x0  }
0x70: {  	s14 =	simm.s32 $0x500;
	[sflag:s28] =	ssyncadd.s32 $0xFFFFC000  }
0x71: {  	[tilespmem:s22], [sflag:$0x1] =	stream.indirect.gather [hbm4b:s1+s21], $0x80, s14, s21, $0xb8;
	[tilespmem:$0x1E8C0] =	vst v63  }
0x72: {  	_ =	swait.ge [sflag:s23], $0x4000  }
0x73: {  	[sflag:s23] =	ssyncset.done $0x0  }
0x74: {  	s15 =	simm.s32 $0x1D00;
	[sflag:s23] =	ssyncadd.s32 $0xFFFFC000  }
0x75: {  	[spmem:s2] =	stream.indirect.scatter.add.f32 [tilespmem:s22], [sflag:$0x3], $0x80, s15, s21, $0xb8;
	[tilespmem:$0x1E8C0] =	vst v63  }
0x76: {  	_ =	swait.ge [sflag:s31], $0x4000  }
0x77: {  	[sflag:s31] =	ssyncset.done $0x0  }
0x78: {  	s14 =	simm.s32 $0x580;
	[sflag:s31] =	ssyncadd.s32 $0xFFFFC000  }
0x79: {  	[tilespmem:s24], [sflag:$0x2] =	stream.indirect.gather [hbm4b:s1+s21], $0x80, s14, s21, $0xb8;
	[tilespmem:$0x1E8C0] =	vst v63  }
0x7a: {  	_ =	swait.ge [sflag:s25], $0x4000  }
0x7b: {  	[sflag:s25] =	ssyncset.done $0x0  }
0x7c: {  	s15 =	simm.s32 $0x1D80;
	[sflag:s25] =	ssyncadd.s32 $0xFFFFC000  }
0x7d: {  	[spmem:s2] =	stream.indirect.scatter.add.f32 [tilespmem:s24], [sflag:$0x4], $0x80, s15, s21, $0xb8;
	[tilespmem:$0x1E8C0] =	vst v63  }
0x7e: {  	_ =	swait.ge [sflag:s28], $0x4000  }
0x7f: {  	[sflag:s28] =	ssyncset.done $0x0  }
0x80: {  	s14 =	simm.s32 $0x600;
	[sflag:s28] =	ssyncadd.s32 $0xFFFFC000  }
0x81: {  	[tilespmem:s22], [sflag:$0x1] =	stream.indirect.gather [hbm4b:s1+s21], $0x80, s14, s21, $0xb8;
	[tilespmem:$0x1E8C0] =	vst v63  }
0x82: {  	_ =	swait.ge [sflag:s23], $0x4000  }
0x83: {  	[sflag:s23] =	ssyncset.done $0x0  }
0x84: {  	s15 =	simm.s32 $0x1E00;
	[sflag:s23] =	ssyncadd.s32 $0xFFFFC000  }
0x85: {  	[spmem:s2] =	stream.indirect.scatter.add.f32 [tilespmem:s22], [sflag:$0x3], $0x80, s15, s21, $0xb8;
	[tilespmem:$0x1E8C0] =	vst v63  }
0x86: {  	_ =	swait.ge [sflag:s31], $0x4000  }
0x87: {  	[sflag:s31] =	ssyncset.done $0x0  }
0x88: {  	s14 =	simm.s32 $0x680;
	[sflag:s31] =	ssyncadd.s32 $0xFFFFC000  }
0x89: {  	[tilespmem:s24], [sflag:$0x2] =	stream.indirect.gather [hbm4b:s1+s21], $0x80, s14, s21, $0xb8;
	[tilespmem:$0x1E8C0] =	vst v63  }
0x8a: {  	_ =	swait.ge [sflag:s25], $0x4000  }
0x8b: {  	[sflag:s25] =	ssyncset.done $0x0  }
0x8c: {  	s15 =	simm.s32 $0x1E80;
	[sflag:s25] =	ssyncadd.s32 $0xFFFFC000  }
0x8d: {  	[spmem:s2] =	stream.indirect.scatter.add.f32 [tilespmem:s24], [sflag:$0x4], $0x80, s15, s21, $0xb8;
	[tilespmem:$0x1E8C0] =	vst v63  }
0x8e: {  	_ =	swait.ge [sflag:s28], $0x4000  }
0x8f: {  	[sflag:s28] =	ssyncset.done $0x0  }
0x90: {  	s14 =	simm.s32 $0x700;
	[sflag:s28] =	ssyncadd.s32 $0xFFFFC000  }
0x91: {  	[tilespmem:s22], [sflag:$0x1] =	stream.indirect.gather [hbm4b:s1+s21], $0x80, s14, s21, $0xb8;
	[tilespmem:$0x1E8C0] =	vst v63  }
0x92: {  	_ =	swait.ge [sflag:s23], $0x4000  }
0x93: {  	[sflag:s23] =	ssyncset.done $0x0  }
0x94: {  	s15 =	simm.s32 $0x1F00;
	[sflag:s23] =	ssyncadd.s32 $0xFFFFC000  }
0x95: {  	[spmem:s2] =	stream.indirect.scatter.add.f32 [tilespmem:s22], [sflag:$0x3], $0x80, s15, s21, $0xb8;
	[tilespmem:$0x1E8C0] =	vst v63  }
0x96: {  	_ =	swait.ge [sflag:s31], $0x4000  }
0x97: {  	[sflag:s31] =	ssyncset.done $0x0  }
0x98: {  	s14 =	simm.s32 $0x780;
	[sflag:s31] =	ssyncadd.s32 $0xFFFFC000  }
0x99: {  	[tilespmem:s24], [sflag:$0x2] =	stream.indirect.gather [hbm4b:s1+s21], $0x80, s14, s21, $0xb8;
	[tilespmem:$0x1E8C0] =	vst v63  }
0x9a: {  	_ =	swait.ge [sflag:s25], $0x4000  }
0x9b: {  	[sflag:s25] =	ssyncset.done $0x0  }
0x9c: {  	s15 =	simm.s32 $0x1F80;
	[sflag:s25] =	ssyncadd.s32 $0xFFFFC000  }
0x9d: {  	[spmem:s2] =	stream.indirect.scatter.add.f32 [tilespmem:s24], [sflag:$0x4], $0x80, s15, s21, $0xb8;
	[tilespmem:$0x1E8C0] =	vst v63  }
.LBB2_10:
0x9e: {  	_ =	swait.ge [sflag:s31], $0x4000  }
0x9f: {  	[sflag:s31] =	ssyncset.done $0x0  }
0xa0: {  	[sflag:s31] =	ssyncadd.s32 $0xFFFFC000  }
0xa1: {  	s13 =	simm.s32 @p1 $0x1FC5;
	[bflag:$0x0] =	sbarrier.arrive $0xFFFF  }
0xa2: {  	[hbm:s17], [sflag:s13] =	dma.local @p1 [spmem:s10], $0x2080  }
0xa3: {  	s10 =	simm.s32 @p1 $0x5  }
0xa4: {  	s9 =	sadd.s32 $0x1, s9;
	_ =	swait.ge @p1 [sflag:s10], $0x2080  }
0xa5: {  	p2 =	sne.s32 s9, s18;
	[sflag:s10] =	ssyncset.done @p1 $0x0  }
.Ltmp1:
0xa6: {  	[sflag:s10] =	ssyncadd.s32 @p1 $0xFFFFDF80;
	s10 =	simm.s32 @!p1 $0x5;
	(pc) =	sbr.rel @!p2 .LBB2_11-.Ltmp1, $4  }
0xa7: {  	[hbm:s16], [sflag:s11] =	dma.local @!p1 [spmem:s12], $0x2780  }
0xa8: {  	_ =	swait.ge @!p1 [sflag:s10], $0x2780  }
0xa9: {  	[sflag:s10] =	ssyncset.done @!p1 $0x0  }
0xaa: {  	[sflag:s10] =	ssyncadd.s32 @!p1 $0xFFFFD880  }
.LBB2_1:
0xab: {  	s10 =	sshrl.u32 @p1 s7, $0x3;
	s11 =	simm.s32 @p1 $0x1FC5  }
0xac: {  	[spmem:s10], [sflag:s11] =	dma.local @p1 [hbm:s5], $0x2080  }
0xad: {  	s11 =	simm.s32 @p1 $0x5  }
0xae: {  	_ =	swait.ge @p1 [sflag:s11], $0x2080  }
0xaf: {  	s12 =	sshll.u32 @!p1 s4, $0x6;
	s13 =	simm.s32 @!p1 $0x5;
	[sflag:s11] =	ssyncset.done @p1 $0x0  }
0xb0: {  	[sflag:s11] =	ssyncadd.s32 @p1 $0xFFFFDF80;
	s11 =	sor.u32 @!p1 $0x1C05, s12;
	s12 =	sshrl.u32 @!p1 s6, $0x3  }
0xb1: {  	[spmem:s12], [sflag:s11] =	dma.local @!p1 [hbm:s5], $0x2780  }
.Ltmp2:
0xb2: {  	_ =	swait.ge @!p1 [sflag:s13], $0x2780;
	(pc) =	sbr.rel @p0 .LBB2_9-.Ltmp2, $3  }
0xb3: {  	[sflag:s13] =	ssyncset.done @!p1 $0x0  }
0xb4: {  	[sflag:s13] =	ssyncadd.s32 @!p1 $0xFFFFD880  }
0xb5: {  	[bflag:$0x0] =	sbarrier.arrive $0xFFFF;
	_ =	sdelay $0x1  }
0xb6: {  	s13 =	rddreg [dreg:$0x4]  }
0xb7: {  	[tilespmem:s3], [sflag:$0x5] =	stream.linear.gather [hbm4b:s13+s3], $0x1800, $0x38;
	[tilespmem:$0x1E8C0] =	vst v63  }
0xb8: {  	_ =	swait.ge [sflag:s19], $0x1800  }
0xb9: {  	[sflag:s19] =	ssyncset.done $0x0  }
0xba: {  	s14 =	rddreg [dreg:$0x5];
	[sflag:s19] =	ssyncadd.s32 $0xFFFFE800  }
0xbb: {  	[tilespmem:s20], [sflag:$0x5] =	stream.linear.gather [hbm4b:s14+s3], $0x1800, $0x38;
	[tilespmem:$0x1E8C0] =	vst v63  }
0xbc: {  	_ =	swait.ge [sflag:s19], $0x1800  }
0xbd: {  	[sflag:s19] =	ssyncset.done $0x0  }
0xbe: {  	[sflag:s19] =	ssyncadd.s32 $0xFFFFE800  }
0xbf: {  	[tilespmem:s22], [sflag:$0x1] =	stream.indirect.gather [hbm4b:s1+s21], $0x80, s3, s21, $0xb8;
	[tilespmem:$0x1E8C0] =	vst v63  }
0xc0: {  	_ =	swait.ge [sflag:s23], $0x4000  }
0xc1: {  	[sflag:s23] =	ssyncset.done $0x0  }
0xc2: {  	[sflag:s23] =	ssyncadd.s32 $0xFFFFC000  }
0xc3: {  	[spmem:s2] =	stream.indirect.scatter.add.f32 [tilespmem:s22], [sflag:$0x3], $0x80, s20, s21, $0xb8;
	[tilespmem:$0x1E8C0] =	vst v63  }
0xc4: {  	_ = 	snop  }
0xc5: {  	[tilespmem:s24], [sflag:$0x2] =	stream.indirect.gather [hbm4b:s1+s21], $0x80, s21, s21, $0xb8;
	[tilespmem:$0x1E8C0] =	vst v63  }
0xc6: {  	_ =	swait.ge [sflag:s25], $0x4000  }
0xc7: {  	[sflag:s25] =	ssyncset.done $0x0  }
0xc8: {  	[sflag:s25] =	ssyncadd.s32 $0xFFFFC000  }
0xc9: {  	[spmem:s2] =	stream.indirect.scatter.add.f32 [tilespmem:s24], [sflag:$0x4], $0x80, s26, s21, $0xb8;
	[tilespmem:$0x1E8C0] =	vst v63  }
0xca: {  	_ =	swait.ge [sflag:s28], $0x4000  }
0xcb: {  	[sflag:s28] =	ssyncset.done $0x0  }
0xcc: {  	[sflag:s28] =	ssyncadd.s32 $0xFFFFC000  }
0xcd: {  	[tilespmem:s22], [sflag:$0x1] =	stream.indirect.gather [hbm4b:s1+s21], $0x80, s29, s21, $0xb8;
	[tilespmem:$0x1E8C0] =	vst v63  }
0xce: {  	_ =	swait.ge [sflag:s23], $0x4000  }
0xcf: {  	[sflag:s23] =	ssyncset.done $0x0  }
0xd0: {  	[sflag:s23] =	ssyncadd.s32 $0xFFFFC000  }
0xd1: {  	[spmem:s2] =	stream.indirect.scatter.add.f32 [tilespmem:s22], [sflag:$0x3], $0x80, s30, s21, $0xb8;
	[tilespmem:$0x1E8C0] =	vst v63  }
0xd2: {  	_ =	swait.ge [sflag:s31], $0x4000  }
0xd3: {  	[sflag:s31] =	ssyncset.done $0x0  }
0xd4: {  	[sflag:s31] =	ssyncadd.s32 $0xFFFFC000  }
0xd5: {  	[tilespmem:s24], [sflag:$0x2] =	stream.indirect.gather [hbm4b:s1+s21], $0x80, s0, s21, $0xb8;
	[tilespmem:$0x1E8C0] =	vst v63  }
0xd6: {  	_ =	swait.ge [sflag:s25], $0x4000  }
0xd7: {  	[sflag:s25] =	ssyncset.done $0x0  }
0xd8: {  	[sflag:s25] =	ssyncadd.s32 $0xFFFFC000  }
0xd9: {  	[spmem:s2] =	stream.indirect.scatter.add.f32 [tilespmem:s24], [sflag:$0x4], $0x80, s8, s21, $0xb8;
	[tilespmem:$0x1E8C0] =	vst v63  }
0xda: {  	_ =	swait.ge [sflag:s28], $0x4000  }
0xdb: {  	[sflag:s28] =	ssyncset.done $0x0  }
0xdc: {  	s15 =	simm.s32 $0x200;
	[sflag:s28] =	ssyncadd.s32 $0xFFFFC000  }
0xdd: {  	[tilespmem:s22], [sflag:$0x1] =	stream.indirect.gather [hbm4b:s1+s21], $0x80, s15, s21, $0xb8;
	[tilespmem:$0x1E8C0] =	vst v63  }
0xde: {  	_ =	swait.ge [sflag:s23], $0x4000  }
0xdf: {  	[sflag:s23] =	ssyncset.done $0x0  }
0xe0: {  	s14 =	simm.s32 $0x1A00;
	[sflag:s23] =	ssyncadd.s32 $0xFFFFC000  }
0xe1: {  	[spmem:s2] =	stream.indirect.scatter.add.f32 [tilespmem:s22], [sflag:$0x3], $0x80, s14, s21, $0xb8;
	[tilespmem:$0x1E8C0] =	vst v63  }
0xe2: {  	_ =	swait.ge [sflag:s31], $0x4000  }
0xe3: {  	[sflag:s31] =	ssyncset.done $0x0  }
0xe4: {  	s15 =	simm.s32 $0x280;
	[sflag:s31] =	ssyncadd.s32 $0xFFFFC000  }
0xe5: {  	[tilespmem:s24], [sflag:$0x2] =	stream.indirect.gather [hbm4b:s1+s21], $0x80, s15, s21, $0xb8;
	[tilespmem:$0x1E8C0] =	vst v63  }
0xe6: {  	_ =	swait.ge [sflag:s25], $0x4000  }
0xe7: {  	[sflag:s25] =	ssyncset.done $0x0  }
0xe8: {  	s13 =	simm.s32 $0xFFFFAC00;
	s14 =	simm.s32 $0x1A80;
	[sflag:s25] =	ssyncadd.s32 $0xFFFFC000  }
.LBB2_3:
0xe9: {  	[spmem:s2] =	stream.indirect.scatter.add.f32 [tilespmem:s24], [sflag:$0x4], $0x80, s14, s21, $0xb8;
	[tilespmem:$0x1E8C0] =	vst v63  }
0xea: {  	s14 =	smov.u32 s13  }
0xeb: {  	p2 =	sne.s32 s13, $0xFFFFFC00;
	s13 =	sadd.s32 $0x400, s13;
	_ =	swait.ge [sflag:s28], $0x4000  }
0xec: {  	s14 =	sshra.s32 s14, $0x2;
	[sflag:s28] =	ssyncset.done $0x0  }
0xed: {  	s15 =	sadd.s32 $0x1800, s14;
	[sflag:s28] =	ssyncadd.s32 $0xFFFFC000  }
0xee: {  	[tilespmem:s22], [sflag:$0x1] =	stream.indirect.gather [hbm4b:s1+s21], $0x80, s15, s21, $0xb8;
	[tilespmem:$0x1E8C0] =	vst v63  }
0xef: {  	_ =	swait.ge [sflag:s23], $0x4000  }
0xf0: {  	[sflag:s23] =	ssyncset.done $0x0  }
0xf1: {  	s15 =	sadd.s32 $0x3000, s14;
	[sflag:s23] =	ssyncadd.s32 $0xFFFFC000  }
0xf2: {  	[spmem:s2] =	stream.indirect.scatter.add.f32 [tilespmem:s22], [sflag:$0x3], $0x80, s15, s21, $0xb8;
	[tilespmem:$0x1E8C0] =	vst v63  }
0xf3: {  	_ =	swait.ge [sflag:s31], $0x4000  }
0xf4: {  	[sflag:s31] =	ssyncset.done $0x0  }
.Ltmp3:
0xf5: {  	s15 =	sadd.s32 $0x1880, s14;
	[sflag:s31] =	ssyncadd.s32 $0xFFFFC000;
	(pc) =	sbr.rel @p2 .LBB2_3-.Ltmp3, $4  }
0xf6: {  	[tilespmem:s24], [sflag:$0x2] =	stream.indirect.gather [hbm4b:s1+s21], $0x80, s15, s21, $0xb8;
	[tilespmem:$0x1E8C0] =	vst v63  }
0xf7: {  	_ =	swait.ge [sflag:s25], $0x4000  }
0xf8: {  	[sflag:s25] =	ssyncset.done $0x0  }
0xf9: {  	s14 =	sadd.s32 $0x3080, s14;
	[sflag:s25] =	ssyncadd.s32 $0xFFFFC000  }
0xfa: {  	[spmem:s2] =	stream.indirect.scatter.add.f32 [tilespmem:s24], [sflag:$0x4], $0x80, s14, s21, $0xb8;
	[tilespmem:$0x1E8C0] =	vst v63  }
0xfb: {  	_ =	swait.ge [sflag:s31], $0x4000  }
0xfc: {  	[sflag:s31] =	ssyncset.done $0x0  }
0xfd: {  	s13 =	rddreg [dreg:$0x6];
	[sflag:s31] =	ssyncadd.s32 $0xFFFFC000  }
0xfe: {  	[tilespmem:s3], [sflag:$0x5] =	stream.linear.gather [hbm4b:s13+s3], $0x1800, $0x38;
	[tilespmem:$0x1E8C0] =	vst v63  }
0xff: {  	_ =	swait.ge [sflag:s19], $0x1800  }
0x100: {  	[sflag:s19] =	ssyncset.done $0x0  }
0x101: {  	s14 =	rddreg [dreg:$0x7];
	[sflag:s19] =	ssyncadd.s32 $0xFFFFE800  }
0x102: {  	[tilespmem:s20], [sflag:$0x5] =	stream.linear.gather [hbm4b:s14+s3], $0x1800, $0x38;
	[tilespmem:$0x1E8C0] =	vst v63  }
0x103: {  	_ =	swait.ge [sflag:s19], $0x1800  }
0x104: {  	[sflag:s19] =	ssyncset.done $0x0  }
0x105: {  	[sflag:s19] =	ssyncadd.s32 $0xFFFFE800  }
0x106: {  	[tilespmem:s22], [sflag:$0x1] =	stream.indirect.gather [hbm4b:s1+s21], $0x80, s3, s21, $0xb8;
	[tilespmem:$0x1E8C0] =	vst v63  }
0x107: {  	_ =	swait.ge [sflag:s23], $0x4000  }
0x108: {  	[sflag:s23] =	ssyncset.done $0x0  }
0x109: {  	[sflag:s23] =	ssyncadd.s32 $0xFFFFC000  }
0x10a: {  	[spmem:s2] =	stream.indirect.scatter.add.f32 [tilespmem:s22], [sflag:$0x3], $0x80, s20, s21, $0xb8;
	[tilespmem:$0x1E8C0] =	vst v63  }
0x10b: {  	_ = 	snop  }
0x10c: {  	[tilespmem:s24], [sflag:$0x2] =	stream.indirect.gather [hbm4b:s1+s21], $0x80, s21, s21, $0xb8;
	[tilespmem:$0x1E8C0] =	vst v63  }
0x10d: {  	_ =	swait.ge [sflag:s25], $0x4000  }
0x10e: {  	[sflag:s25] =	ssyncset.done $0x0  }
0x10f: {  	[sflag:s25] =	ssyncadd.s32 $0xFFFFC000  }
0x110: {  	[spmem:s2] =	stream.indirect.scatter.add.f32 [tilespmem:s24], [sflag:$0x4], $0x80, s26, s21, $0xb8;
	[tilespmem:$0x1E8C0] =	vst v63  }
0x111: {  	_ =	swait.ge [sflag:s28], $0x4000  }
0x112: {  	[sflag:s28] =	ssyncset.done $0x0  }
0x113: {  	[sflag:s28] =	ssyncadd.s32 $0xFFFFC000  }
0x114: {  	[tilespmem:s22], [sflag:$0x1] =	stream.indirect.gather [hbm4b:s1+s21], $0x80, s29, s21, $0xb8;
	[tilespmem:$0x1E8C0] =	vst v63  }
0x115: {  	_ =	swait.ge [sflag:s23], $0x4000  }
0x116: {  	[sflag:s23] =	ssyncset.done $0x0  }
0x117: {  	[sflag:s23] =	ssyncadd.s32 $0xFFFFC000  }
0x118: {  	[spmem:s2] =	stream.indirect.scatter.add.f32 [tilespmem:s22], [sflag:$0x3], $0x80, s30, s21, $0xb8;
	[tilespmem:$0x1E8C0] =	vst v63  }
0x119: {  	_ =	swait.ge [sflag:s31], $0x4000  }
0x11a: {  	[sflag:s31] =	ssyncset.done $0x0  }
0x11b: {  	[sflag:s31] =	ssyncadd.s32 $0xFFFFC000  }
0x11c: {  	[tilespmem:s24], [sflag:$0x2] =	stream.indirect.gather [hbm4b:s1+s21], $0x80, s0, s21, $0xb8;
	[tilespmem:$0x1E8C0] =	vst v63  }
0x11d: {  	_ =	swait.ge [sflag:s25], $0x4000  }
0x11e: {  	[sflag:s25] =	ssyncset.done $0x0  }
0x11f: {  	[sflag:s25] =	ssyncadd.s32 $0xFFFFC000  }
0x120: {  	[spmem:s2] =	stream.indirect.scatter.add.f32 [tilespmem:s24], [sflag:$0x4], $0x80, s8, s21, $0xb8;
	[tilespmem:$0x1E8C0] =	vst v63  }
0x121: {  	_ =	swait.ge [sflag:s28], $0x4000  }
0x122: {  	[sflag:s28] =	ssyncset.done $0x0  }
0x123: {  	s15 =	simm.s32 $0x200;
	[sflag:s28] =	ssyncadd.s32 $0xFFFFC000  }
0x124: {  	[tilespmem:s22], [sflag:$0x1] =	stream.indirect.gather [hbm4b:s1+s21], $0x80, s15, s21, $0xb8;
	[tilespmem:$0x1E8C0] =	vst v63  }
0x125: {  	_ =	swait.ge [sflag:s23], $0x4000  }
0x126: {  	[sflag:s23] =	ssyncset.done $0x0  }
0x127: {  	s14 =	simm.s32 $0x1A00;
	[sflag:s23] =	ssyncadd.s32 $0xFFFFC000  }
0x128: {  	[spmem:s2] =	stream.indirect.scatter.add.f32 [tilespmem:s22], [sflag:$0x3], $0x80, s14, s21, $0xb8;
	[tilespmem:$0x1E8C0] =	vst v63  }
0x129: {  	_ =	swait.ge [sflag:s31], $0x4000  }
0x12a: {  	[sflag:s31] =	ssyncset.done $0x0  }
0x12b: {  	s15 =	simm.s32 $0x280;
	[sflag:s31] =	ssyncadd.s32 $0xFFFFC000  }
0x12c: {  	[tilespmem:s24], [sflag:$0x2] =	stream.indirect.gather [hbm4b:s1+s21], $0x80, s15, s21, $0xb8;
	[tilespmem:$0x1E8C0] =	vst v63  }
0x12d: {  	_ =	swait.ge [sflag:s25], $0x4000  }
0x12e: {  	[sflag:s25] =	ssyncset.done $0x0  }
0x12f: {  	s13 =	simm.s32 $0xFFFFAC00;
	s14 =	simm.s32 $0x1A80;
	[sflag:s25] =	ssyncadd.s32 $0xFFFFC000  }
.LBB2_5:
0x130: {  	[spmem:s2] =	stream.indirect.scatter.add.f32 [tilespmem:s24], [sflag:$0x4], $0x80, s14, s21, $0xb8;
	[tilespmem:$0x1E8C0] =	vst v63  }
0x131: {  	s14 =	smov.u32 s13  }
0x132: {  	p2 =	sne.s32 s13, $0xFFFFFC00;
	s13 =	sadd.s32 $0x400, s13;
	_ =	swait.ge [sflag:s28], $0x4000  }
0x133: {  	s14 =	sshra.s32 s14, $0x2;
	[sflag:s28] =	ssyncset.done $0x0  }
0x134: {  	s15 =	sadd.s32 $0x1800, s14;
	[sflag:s28] =	ssyncadd.s32 $0xFFFFC000  }
0x135: {  	[tilespmem:s22], [sflag:$0x1] =	stream.indirect.gather [hbm4b:s1+s21], $0x80, s15, s21, $0xb8;
	[tilespmem:$0x1E8C0] =	vst v63  }
0x136: {  	_ =	swait.ge [sflag:s23], $0x4000  }
0x137: {  	[sflag:s23] =	ssyncset.done $0x0  }
0x138: {  	s15 =	sadd.s32 $0x3000, s14;
	[sflag:s23] =	ssyncadd.s32 $0xFFFFC000  }
0x139: {  	[spmem:s2] =	stream.indirect.scatter.add.f32 [tilespmem:s22], [sflag:$0x3], $0x80, s15, s21, $0xb8;
	[tilespmem:$0x1E8C0] =	vst v63  }
0x13a: {  	_ =	swait.ge [sflag:s31], $0x4000  }
0x13b: {  	[sflag:s31] =	ssyncset.done $0x0  }
.Ltmp4:
0x13c: {  	s15 =	sadd.s32 $0x1880, s14;
	[sflag:s31] =	ssyncadd.s32 $0xFFFFC000;
	(pc) =	sbr.rel @p2 .LBB2_5-.Ltmp4, $4  }
0x13d: {  	[tilespmem:s24], [sflag:$0x2] =	stream.indirect.gather [hbm4b:s1+s21], $0x80, s15, s21, $0xb8;
	[tilespmem:$0x1E8C0] =	vst v63  }
0x13e: {  	_ =	swait.ge [sflag:s25], $0x4000  }
0x13f: {  	[sflag:s25] =	ssyncset.done $0x0  }
0x140: {  	s14 =	sadd.s32 $0x3080, s14;
	[sflag:s25] =	ssyncadd.s32 $0xFFFFC000  }
0x141: {  	[spmem:s2] =	stream.indirect.scatter.add.f32 [tilespmem:s24], [sflag:$0x4], $0x80, s14, s21, $0xb8;
	[tilespmem:$0x1E8C0] =	vst v63  }
0x142: {  	_ =	swait.ge [sflag:s31], $0x4000  }
0x143: {  	[sflag:s31] =	ssyncset.done $0x0  }
0x144: {  	s13 =	rddreg [dreg:$0x8];
	[sflag:s31] =	ssyncadd.s32 $0xFFFFC000  }
0x145: {  	[tilespmem:s3], [sflag:$0x5] =	stream.linear.gather [hbm4b:s13+s3], $0x1800, $0x38;
	[tilespmem:$0x1E8C0] =	vst v63  }
0x146: {  	_ =	swait.ge [sflag:s19], $0x1800  }
0x147: {  	[sflag:s19] =	ssyncset.done $0x0  }
0x148: {  	s14 =	rddreg [dreg:$0x9];
	[sflag:s19] =	ssyncadd.s32 $0xFFFFE800  }
0x149: {  	[tilespmem:s20], [sflag:$0x5] =	stream.linear.gather [hbm4b:s14+s3], $0x1800, $0x38;
	[tilespmem:$0x1E8C0] =	vst v63  }
0x14a: {  	_ =	swait.ge [sflag:s19], $0x1800  }
0x14b: {  	[sflag:s19] =	ssyncset.done $0x0  }
0x14c: {  	[sflag:s19] =	ssyncadd.s32 $0xFFFFE800  }
0x14d: {  	[tilespmem:s22], [sflag:$0x1] =	stream.indirect.gather [hbm4b:s1+s21], $0x80, s3, s21, $0xb8;
	[tilespmem:$0x1E8C0] =	vst v63  }
0x14e: {  	_ =	swait.ge [sflag:s23], $0x4000  }
0x14f: {  	[sflag:s23] =	ssyncset.done $0x0  }
0x150: {  	[sflag:s23] =	ssyncadd.s32 $0xFFFFC000  }
0x151: {  	[spmem:s2] =	stream.indirect.scatter.add.f32 [tilespmem:s22], [sflag:$0x3], $0x80, s20, s21, $0xb8;
	[tilespmem:$0x1E8C0] =	vst v63  }
0x152: {  	_ = 	snop  }
0x153: {  	[tilespmem:s24], [sflag:$0x2] =	stream.indirect.gather [hbm4b:s1+s21], $0x80, s21, s21, $0xb8;
	[tilespmem:$0x1E8C0] =	vst v63  }
0x154: {  	_ =	swait.ge [sflag:s25], $0x4000  }
0x155: {  	[sflag:s25] =	ssyncset.done $0x0  }
0x156: {  	[sflag:s25] =	ssyncadd.s32 $0xFFFFC000  }
0x157: {  	[spmem:s2] =	stream.indirect.scatter.add.f32 [tilespmem:s24], [sflag:$0x4], $0x80, s26, s21, $0xb8;
	[tilespmem:$0x1E8C0] =	vst v63  }
0x158: {  	_ =	swait.ge [sflag:s28], $0x4000  }
0x159: {  	[sflag:s28] =	ssyncset.done $0x0  }
0x15a: {  	[sflag:s28] =	ssyncadd.s32 $0xFFFFC000  }
0x15b: {  	[tilespmem:s22], [sflag:$0x1] =	stream.indirect.gather [hbm4b:s1+s21], $0x80, s29, s21, $0xb8;
	[tilespmem:$0x1E8C0] =	vst v63  }
0x15c: {  	_ =	swait.ge [sflag:s23], $0x4000  }
0x15d: {  	[sflag:s23] =	ssyncset.done $0x0  }
0x15e: {  	[sflag:s23] =	ssyncadd.s32 $0xFFFFC000  }
0x15f: {  	[spmem:s2] =	stream.indirect.scatter.add.f32 [tilespmem:s22], [sflag:$0x3], $0x80, s30, s21, $0xb8;
	[tilespmem:$0x1E8C0] =	vst v63  }
0x160: {  	_ =	swait.ge [sflag:s31], $0x4000  }
0x161: {  	[sflag:s31] =	ssyncset.done $0x0  }
0x162: {  	[sflag:s31] =	ssyncadd.s32 $0xFFFFC000  }
0x163: {  	[tilespmem:s24], [sflag:$0x2] =	stream.indirect.gather [hbm4b:s1+s21], $0x80, s0, s21, $0xb8;
	[tilespmem:$0x1E8C0] =	vst v63  }
0x164: {  	_ =	swait.ge [sflag:s25], $0x4000  }
0x165: {  	[sflag:s25] =	ssyncset.done $0x0  }
0x166: {  	[sflag:s25] =	ssyncadd.s32 $0xFFFFC000  }
0x167: {  	[spmem:s2] =	stream.indirect.scatter.add.f32 [tilespmem:s24], [sflag:$0x4], $0x80, s8, s21, $0xb8;
	[tilespmem:$0x1E8C0] =	vst v63  }
0x168: {  	_ =	swait.ge [sflag:s28], $0x4000  }
0x169: {  	[sflag:s28] =	ssyncset.done $0x0  }
0x16a: {  	s15 =	simm.s32 $0x200;
	[sflag:s28] =	ssyncadd.s32 $0xFFFFC000  }
0x16b: {  	[tilespmem:s22], [sflag:$0x1] =	stream.indirect.gather [hbm4b:s1+s21], $0x80, s15, s21, $0xb8;
	[tilespmem:$0x1E8C0] =	vst v63  }
0x16c: {  	_ =	swait.ge [sflag:s23], $0x4000  }
0x16d: {  	[sflag:s23] =	ssyncset.done $0x0  }
0x16e: {  	s14 =	simm.s32 $0x1A00;
	[sflag:s23] =	ssyncadd.s32 $0xFFFFC000  }
0x16f: {  	[spmem:s2] =	stream.indirect.scatter.add.f32 [tilespmem:s22], [sflag:$0x3], $0x80, s14, s21, $0xb8;
	[tilespmem:$0x1E8C0] =	vst v63  }
0x170: {  	_ =	swait.ge [sflag:s31], $0x4000  }
0x171: {  	[sflag:s31] =	ssyncset.done $0x0  }
0x172: {  	s15 =	simm.s32 $0x280;
	[sflag:s31] =	ssyncadd.s32 $0xFFFFC000  }
0x173: {  	[tilespmem:s24], [sflag:$0x2] =	stream.indirect.gather [hbm4b:s1+s21], $0x80, s15, s21, $0xb8;
	[tilespmem:$0x1E8C0] =	vst v63  }
0x174: {  	_ =	swait.ge [sflag:s25], $0x4000  }
0x175: {  	[sflag:s25] =	ssyncset.done $0x0  }
0x176: {  	s13 =	simm.s32 $0xFFFFAC00;
	s14 =	simm.s32 $0x1A80;
	[sflag:s25] =	ssyncadd.s32 $0xFFFFC000  }
.LBB2_7:
0x177: {  	[spmem:s2] =	stream.indirect.scatter.add.f32 [tilespmem:s24], [sflag:$0x4], $0x80, s14, s21, $0xb8;
	[tilespmem:$0x1E8C0] =	vst v63  }
0x178: {  	s14 =	smov.u32 s13  }
0x179: {  	p2 =	seq.s32 s13, $0xFFFFFC00;
	s13 =	sadd.s32 $0x400, s13;
	_ =	swait.ge [sflag:s28], $0x4000  }
0x17a: {  	s14 =	sshra.s32 s14, $0x2;
	[sflag:s28] =	ssyncset.done $0x0  }
0x17b: {  	s15 =	sadd.s32 $0x1800, s14;
	[sflag:s28] =	ssyncadd.s32 $0xFFFFC000  }
0x17c: {  	[tilespmem:s22], [sflag:$0x1] =	stream.indirect.gather [hbm4b:s1+s21], $0x80, s15, s21, $0xb8;
	[tilespmem:$0x1E8C0] =	vst v63  }
0x17d: {  	_ =	swait.ge [sflag:s23], $0x4000  }
0x17e: {  	[sflag:s23] =	ssyncset.done $0x0  }
0x17f: {  	s15 =	sadd.s32 $0x3000, s14;
	[sflag:s23] =	ssyncadd.s32 $0xFFFFC000  }
0x180: {  	[spmem:s2] =	stream.indirect.scatter.add.f32 [tilespmem:s22], [sflag:$0x3], $0x80, s15, s21, $0xb8;
	[tilespmem:$0x1E8C0] =	vst v63  }
0x181: {  	_ =	swait.ge [sflag:s31], $0x4000  }
0x182: {  	[sflag:s31] =	ssyncset.done $0x0  }
.Ltmp5:
0x183: {  	s15 =	sadd.s32 $0x1880, s14;
	[sflag:s31] =	ssyncadd.s32 $0xFFFFC000;
	(pc) =	sbr.rel @!p2 .LBB2_7-.Ltmp5, $4  }
0x184: {  	[tilespmem:s24], [sflag:$0x2] =	stream.indirect.gather [hbm4b:s1+s21], $0x80, s15, s21, $0xb8;
	[tilespmem:$0x1E8C0] =	vst v63  }
0x185: {  	_ =	swait.ge [sflag:s25], $0x4000  }
0x186: {  	[sflag:s25] =	ssyncset.done $0x0  }
0x187: {  	s14 =	sadd.s32 $0x3080, s14;
	[sflag:s25] =	ssyncadd.s32 $0xFFFFC000  }
.Ltmp6:
0x188: {  	(pc) =	sbr.rel .LBB2_10-.Ltmp6, $2  }
0x189: {  	_ =	sdelay $0x2  }
0x18a: {  	[spmem:s2] =	stream.indirect.scatter.add.f32 [tilespmem:s24], [sflag:$0x4], $0x80, s14, s21, $0xb8;
	[tilespmem:$0x1E8C0] =	vst v63  }
.LBB2_11:
0x18b: {  	_ =	sfence.sel $0x180000  }
0x18c: {  	[bflag:$0x0] =	sbarrier.arrive $0xFFFF  }
0x18d: {  	_ =	strace $0x9000004D  }
0x18e: {  	[bflag:$0x2] =	sbarrier.arrive $0xFFFF  }
0x18f: {  	p0 =	sne.s32 s4, $0x0;
	s0 =	rddreg [dreg:$0x3]  }
0x190: {  	s0 =	sadd.s32 @!p0 $0x100000, s0  }
0x191: {  	[sflag:s0] =	ssyncadd.tile.s32 @!p0 $0x1;
	_ =	shalt  }
.Lfunc_end2:
_tile_overlayer_lowered:
.L_overlay_start_2:
0x192: {  	(tag) =	ssettag $0x2  }
0x193: {  	s0 =	rddreg [dreg:$0x0];
	s2 =	stileid.u32  }
0x194: {  	s1 =	rddreg [dreg:$0x1];
	p0 =	sne.s32 s2, $0x0  }
0x195: {  	s3 =	rddreg [dreg:$0x2];
	[bflag:$0x3] =	sbarrier.arrive $0xFFFF;
	s2 =	simm.s32 @!p0 $0x1C05  }
0x196: {  	[timem:s3], [sflag:s2] =	dma.local @!p0 [hbm:s0], s1  }
0x197: {  	s0 =	simm.s32 @!p0 $0x5  }
0x198: {  	_ =	swait.ge @!p0 [sflag:s0], s1  }
0x199: {  	s1 =	ssub.s32 @!p0 $0x0, s1;
	[sflag:s0] =	ssyncset.done @!p0 $0x0  }
0x19a: {  	[sflag:s0] =	ssyncadd.s32 @!p0 s1  }
0x19b: {  	[bflag:$0x3] =	sbarrier.arrive $0xFFFF  }
0x19c: {  	_ =	shalt  }

</sc_bundles>
